<compile_context>
chip_gen: v7x
topology: tpu7x:2x2x1
jax: 0.10.2.dev20260603
libtpu: 0.0.44.dev20260713+nightly
codegen_flags: <defaults>
</compile_context>

<pallas_src>
import functools

import jax
import jax.numpy as jnp
from jax import lax
from jax.experimental import pallas as pl
from jax.experimental.pallas import tpu as pltpu
from jax.experimental.pallas import tpu_sc as plsc


def _sc_gather(table, idx):
    NQ, D = table.shape
    B = idx.shape[0]
    tableT = jnp.transpose(table)
    info = plsc.get_sparse_core_info()
    nc, ns, L = info.num_cores, info.num_subcores, info.num_lanes
    nw = nc * ns
    CW = 1024
    NCH = -(-NQ // CW)
    TAIL = NCH - 1
    TW = 640
    t0 = NQ - TW
    tailT = lax.slice(tableT, (0, t0), (D, NQ))
    CAP = 1024
    mesh = plsc.VectorSubcoreMesh(core_axis_name="c", subcore_axis_name="s")

    @functools.partial(
        pl.kernel,
        mesh=mesh,
        out_type=jax.ShapeDtypeStruct((B * D,), jnp.float32),
        scratch_types=[
            pltpu.VMEM((B,), jnp.int32),
            pltpu.VMEM((CAP,), jnp.int32),
            pltpu.VMEM((CAP,), jnp.int32),
            pltpu.VMEM((64,), jnp.int32),
            pltpu.VMEM((64,), jnp.int32),
            pltpu.VMEM((D, CW), jnp.float32),
            pltpu.VMEM((L, D), jnp.float32),
            pltpu.SemaphoreType.DMA,
            pltpu.SemaphoreType.DMA,
        ],
        compiler_params=pltpu.CompilerParams(needs_layout_passes=False),
    )
    def k(tab_hbm, tail_hbm, idx_hbm, out_hbm, idx_v, mq, mi, chq, chi,
          stage, rowbuf, sem, sem2):
        wid = lax.axis_index("s") * nc + lax.axis_index("c")
        pltpu.sync_copy(idx_hbm, idx_v)
        iota = lax.iota(jnp.int32, L)

        def scan(t, off):
            v = idx_v[pl.ds(t * L, L)]
            m = jnp.bitwise_and(jnp.right_shift(v, 10), nw - 1) == wid
            plsc.store_compressed(mq.at[pl.ds(off, L)], v, mask=m)
            plsc.store_compressed(mi.at[pl.ds(off, L)], iota + t * L, mask=m)
            return off + plsc.all_reduce_population_count(m)[0]

        total = lax.fori_loop(0, B // L, scan, 0)

        nmy = 30 + jnp.where(wid <= TAIL % nw, 1, 0)

        def chunk_loop(t, _):
            c_id = wid + nw * t
            base = c_id * CW

            @pl.when(c_id != TAIL)
            def _():
                pltpu.async_copy(tab_hbm.at[:, pl.ds(base, CW)], stage, sem)

            @pl.when(c_id == TAIL)
            def _():
                pltpu.async_copy(tail_hbm, stage.at[:, pl.ds(0, TW)], sem)

            qbase = jnp.where(c_id == TAIL, t0, base)

            def scan2(s, off2):
                v = mq[pl.ds(s * L, L)]
                pi = mi[pl.ds(s * L, L)]
                m2 = jnp.logical_and(jnp.right_shift(v, 10) == c_id,
                                     iota + s * L < total)
                plsc.store_compressed(chq.at[pl.ds(off2, L)], v, mask=m2)
                plsc.store_compressed(chi.at[pl.ds(off2, L)], pi, mask=m2)
                return off2 + plsc.all_reduce_population_count(m2)[0]

            cnt2 = lax.fori_loop(0, lax.div(total + L - 1, L), scan2, 0)

            @pl.when(c_id != TAIL)
            def _():
                pltpu.make_async_copy(tab_hbm.at[:, pl.ds(base, CW)], stage,
                                      sem).wait()

            @pl.when(c_id == TAIL)
            def _():
                pltpu.make_async_copy(tail_hbm, stage.at[:, pl.ds(0, TW)],
                                      sem).wait()

            def egroup(g, _):
                ql = jnp.bitwise_and(chq[pl.ds(g * L, L)] - qbase, CW - 1)
                pos = chi[pl.ds(g * L, L)]
                for kk in range(D):
                    kv = jnp.full((L,), kk, jnp.int32)
                    v = plsc.load_gather(stage, [kv, ql])
                    plsc.store_scatter(rowbuf, [iota, kv], v)
                nv = jnp.minimum(cnt2 - g * L, L)
                for j in range(L):
                    @pl.when(j < nv)
                    def _():
                        dst = pl.multiple_of(pos[j] * D, 8)
                        pltpu.async_copy(rowbuf.at[j],
                                         out_hbm.at[pl.ds(dst, D)], sem2)

                def dr(u, _):
                    pltpu.make_async_copy(rowbuf.at[0],
                                          out_hbm.at[pl.ds(0, D)],
                                          sem2).wait()
                    return 0

                lax.fori_loop(0, nv, dr, 0)
                return 0

            lax.fori_loop(0, (cnt2 + L - 1) // L, egroup, 0)
            return 0

        lax.fori_loop(0, nmy, chunk_loop, 0)

    return k(tableT, tailT, idx).reshape(B, D)


def _tc_a(t_ref, df_ref, S_ref, Wd_ref, bd_ref, W1m_ref, W1a_ref, w1p_ref,
          b1_ref, E1_ref, mu_ref, a_ref):
    mask = (t_ref[...] != 0).astype(jnp.float32)
    cnt = jnp.maximum(jnp.sum(mask, axis=1, keepdims=True), 1.0)
    mu = lax.dot_general(mask, S_ref[...], (((1,), (0,)), ((), ())),
                         preferred_element_type=jnp.float32) / cnt
    a = jnp.dot(df_ref[...], Wd_ref[...],
                preferred_element_type=jnp.float32) + bd_ref[...]
    p23 = jnp.sum(mu * a, axis=-1, keepdims=True)
    E1 = (jnp.dot(mu, W1m_ref[...], preferred_element_type=jnp.float32)
          + jnp.dot(a, W1a_ref[...], preferred_element_type=jnp.float32)
          + p23 * w1p_ref[2:3, :] + b1_ref[...])
    E1_ref[...] = E1
    mu_ref[...] = mu
    a_ref[...] = a


def _tc_b(q_ref, E1_ref, mu_ref, a_ref, W1q_ref, w1p_ref, W2_ref, b2_ref,
          e_ref, p_ref):
    q = q_ref[...]
    mu = mu_ref[...]
    a = a_ref[...]
    p12 = jnp.sum(q * mu, axis=-1, keepdims=True)
    p13 = jnp.sum(q * a, axis=-1, keepdims=True)
    z = (E1_ref[...] + jnp.dot(q, W1q_ref[...],
                               preferred_element_type=jnp.float32)
         + p12 * w1p_ref[0:1, :] + p13 * w1p_ref[1:2, :])
    e = jnp.maximum(z, 0.0)
    e_ref[...] = e
    p_ref[...] = jnp.dot(e, W2_ref[...],
                         preferred_element_type=jnp.float32) + b2_ref[...]


def kernel(questions, question_skill_targets, difficulty_feats, Q_table,
           S_table, W_diff, b_diff, W1, b1, W2, b2):
    B, NT = question_skill_targets.shape
    DF = difficulty_feats.shape[1]
    D = Q_table.shape[1]
    H = W1.shape[1]
    qi = questions.astype(jnp.int32)

    bB = 512
    grid = (B // bB,)
    W1q, W1m, W1a, w1p = W1[0:D], W1[D:2 * D], W1[2 * D:3 * D], W1[3 * D:]
    bd2 = b_diff.reshape(1, D)
    b12 = b1.reshape(1, H)
    b22 = b2.reshape(1, 1)

    full = lambda i: (0, 0)
    rows = lambda i: (i, 0)

    E1, mu, a = pl.pallas_call(
        _tc_a,
        grid=grid,
        in_specs=[
            pl.BlockSpec((bB, NT), rows),
            pl.BlockSpec((bB, DF), rows),
            pl.BlockSpec((NT, D), full),
            pl.BlockSpec((DF, D), full),
            pl.BlockSpec((1, D), full),
            pl.BlockSpec((D, H), full),
            pl.BlockSpec((D, H), full),
            pl.BlockSpec((3, H), full),
            pl.BlockSpec((1, H), full),
        ],
        out_specs=[
            pl.BlockSpec((bB, H), rows),
            pl.BlockSpec((bB, D), rows),
            pl.BlockSpec((bB, D), rows),
        ],
        out_shape=[
            jax.ShapeDtypeStruct((B, H), jnp.float32),
            jax.ShapeDtypeStruct((B, D), jnp.float32),
            jax.ShapeDtypeStruct((B, D), jnp.float32),
        ],
        compiler_params=pltpu.CompilerParams(
            dimension_semantics=("arbitrary",),
        ),
    )(question_skill_targets, difficulty_feats, S_table, W_diff, bd2,
      W1m, W1a, w1p, b12)

    q = _sc_gather(Q_table, qi)

    e, p = pl.pallas_call(
        _tc_b,
        grid=grid,
        in_specs=[
            pl.BlockSpec((bB, D), rows),
            pl.BlockSpec((bB, H), rows),
            pl.BlockSpec((bB, D), rows),
            pl.BlockSpec((bB, D), rows),
            pl.BlockSpec((D, H), full),
            pl.BlockSpec((3, H), full),
            pl.BlockSpec((H, 1), full),
            pl.BlockSpec((1, 1), full),
        ],
        out_specs=[
            pl.BlockSpec((bB, H), rows),
            pl.BlockSpec((bB, 1), rows),
        ],
        out_shape=[
            jax.ShapeDtypeStruct((B, H), jnp.float32),
            jax.ShapeDtypeStruct((B, 1), jnp.float32),
        ],
        compiler_params=pltpu.CompilerParams(
            dimension_semantics=("arbitrary",),
        ),
    )(q, E1, mu, a, W1q, w1p, W2, b22)
    return (e, p)

# --- scband reference (transcript-rebuilt; emitter-appended) ---
"""Pipeline reference for scband-pebg-38826504356124 (READ-ONLY COPY).

The authoritative reference and input builder live on the scoring server;
editing this copy changes nothing except your own understanding.
"""

import jax, jax.numpy as jnp
import numpy as np

B = 16384
NQ = 1000000
NT = 1000
DF = 16
D = 64
H = 128


def setup_inputs(seed: int = 0) -> dict:
    key = jax.random.key(seed)
    ks = jax.random.split(key, 10)
    questions = jax.random.randint(ks[0], (B,), 0, NQ, dtype=jnp.int64 if jax.config.jax_enable_x64 else jnp.int32)
    question_skill_targets = jax.random.randint(ks[1], (B, NT), 0, 2)
    difficulty_feats = jax.random.normal(ks[2], (B, DF), dtype=jnp.float32)
    Q_table = jax.random.normal(ks[3], (NQ, D), dtype=jnp.float32) * 0.02
    S_table = jax.random.normal(ks[4], (NT, D), dtype=jnp.float32) * 0.02
    W_diff = jax.random.normal(ks[5], (DF, D), dtype=jnp.float32) * (1.0 / np.sqrt(DF))
    b_diff = jnp.zeros((D,), jnp.float32)
    W1 = jax.random.normal(ks[6], (3 * D + 3, H), dtype=jnp.float32) * (1.0 / np.sqrt(3 * D + 3))
    b1 = jnp.zeros((H,), jnp.float32)
    W2 = jax.random.normal(ks[7], (H, 1), dtype=jnp.float32) * (1.0 / np.sqrt(H))
    b2 = jnp.zeros((1,), jnp.float32)
    return {
        'questions': questions,
        'question_skill_targets': question_skill_targets,
        'difficulty_feats': difficulty_feats,
        'Q_table': Q_table,
        'S_table': S_table,
        'W_diff': W_diff,
        'b_diff': b_diff,
        'W1': W1,
        'b1': b1,
        'W2': W2,
        'b2': b2,
    }


def reference(questions, question_skill_targets, difficulty_feats, Q_table, S_table, W_diff, b_diff, W1, b1, W2, b2):
    # mu_skill: mean of skill embeddings at nonzero positions of each target row.
    # Since targets are 0/1, this equals (mask @ S_table) / count(nonzero).
    mask = (question_skill_targets != 0).astype(jnp.float32)
    cnt = jnp.maximum(jnp.sum(mask, axis=1, keepdims=True), 1.0)
    mu_skill = (mask @ S_table) / cnt
    # question embedding lookup (sparse gather)
    q = jnp.take(Q_table, questions, axis=0)
    # difficulty linear projection
    a = difficulty_feats @ W_diff + b_diff
    # PNN product layer: pairwise inner products of the three feature vectors
    p12 = jnp.sum(q * mu_skill, axis=-1, keepdims=True)
    p13 = jnp.sum(q * a, axis=-1, keepdims=True)
    p23 = jnp.sum(mu_skill * a, axis=-1, keepdims=True)
    z = jnp.concatenate([q, mu_skill, a, p12, p13, p23], axis=-1)
    e = jax.nn.relu(z @ W1 + b1)
    p = e @ W2 + b2
    return (e, p)

if __name__ == "__main__":
    import jax
    _d = setup_inputs()
    print(jax.jit(kernel)(*tuple(_d.values())))

</pallas_src>

<mosaic_0001>
#map = affine_map<(d0, d1) -> (0, 0)>
#map1 = affine_map<(d0, d1) -> (0)>
module attributes {stable_mosaic.version = 14 : i64} {
  func.func @k(%arg0: i32, %arg1: i32, %arg2: memref<64x1000000xf32, #tpu.memory_space<hbm>>, %arg3: memref<64x640xf32, #tpu.memory_space<hbm>>, %arg4: memref<16384xi32, #tpu.memory_space<hbm>>, %arg5: memref<1048576xf32, #tpu.memory_space<hbm>>, %arg6: memref<16384xi32, #tpu.memory_space<vmem>>, %arg7: memref<1024xi32, #tpu.memory_space<vmem>>, %arg8: memref<1024xi32, #tpu.memory_space<vmem>>, %arg9: memref<64xi32, #tpu.memory_space<vmem>>, %arg10: memref<64xi32, #tpu.memory_space<vmem>>, %arg11: memref<64x1024xf32, #tpu.memory_space<vmem>>, %arg12: memref<16x64xf32, #tpu.memory_space<vmem>>, %arg13: memref<!tpu.dma_semaphore, #tpu.memory_space<semaphore_mem>>, %arg14: memref<!tpu.dma_semaphore, #tpu.memory_space<semaphore_mem>>) attributes {dimension_semantics = [#tpu.dimension_semantics<core_parallel>, #tpu.dimension_semantics<subcore_parallel>], iteration_bounds = array<i64: 2, 16>, scalar_prefetch = 0 : i64, scratch_operands = 9 : i64, tpu.core_type = #tpu.core_type<sc_vector_subcore>, window_params = [{transform_indices = #map}, {transform_indices = #map}, {transform_indices = #map1}, {transform_indices = #map1}]} {
    %mul3A = arith.constant 2 : i32
    %mul3A_0 = arith.muli %arg1, %mul3A : i32
    %add3A = arith.addi %mul3A_0, %arg0 : i32
    "tpu.region"() ({
      %run_scoped3A = tpu.sem_alloc : memref<!tpu.dma_semaphore, #tpu.memory_space<semaphore_mem>>
      tpu.enqueue_dma source(%arg4 : memref<16384xi32, #tpu.memory_space<hbm>>) target(%arg6 : memref<16384xi32, #tpu.memory_space<vmem>>) target_semaphore(%run_scoped3A : memref<!tpu.dma_semaphore, #tpu.memory_space<semaphore_mem>>)
      tpu.wait_dma2 semaphore(%run_scoped3A : memref<!tpu.dma_semaphore, #tpu.memory_space<semaphore_mem>>) src(%arg4 : memref<16384xi32, #tpu.memory_space<hbm>>) dst(%arg6 : memref<16384xi32, #tpu.memory_space<vmem>>)
      tpu.yield
    }) : () -> ()
    %iota3A = tpu.iota {dimensions = array<i32: 0>} : vector<16xi32>
    %scan3A = arith.constant 0 : i32
    %scan3A_1 = arith.constant 0 : i32
    %scan3A_2 = arith.constant 1024 : i32
    %scan3A_3 = arith.addi %scan3A_1, %scan3A_2 : i32
    %scan3A_4 = arith.constant 1 : i32
    %scan3A_5 = scf.for %scan3A_22 = %scan3A_1 to %scan3A_3 step %scan3A_4 iter_args(%scan3A_23 = %scan3A) -> (i32)  : i32 {
      %mul3A_24 = arith.constant 16 : i32
      %mul3A_25 = arith.muli %scan3A_22, %mul3A_24 : i32
      %get3A = arith.index_cast %mul3A_25 : i32 to index
      %get3A_26 = tpu.vector_load %arg6[%get3A] {strides = array<i32>} : memref<16384xi32, #tpu.memory_space<vmem>>, vector<16xi32>,
      %shift_right_arithmetic3A = arith.constant 10 : i32
      %shift_right_arithmetic3A_27 = vector.broadcast %shift_right_arithmetic3A : i32 to vector<16xi32>
      %shift_right_arithmetic3A_28 = arith.shrsi %get3A_26, %shift_right_arithmetic3A_27 : vector<16xi32>
      %and3A = arith.constant 31 : i32
      %and3A_29 = vector.broadcast %and3A : i32 to vector<16xi32>
      %and3A_30 = arith.andi %shift_right_arithmetic3A_28, %and3A_29 : vector<16xi32>
      %eq3A = vector.broadcast %add3A : i32 to vector<16xi32>
      %eq3A_31 = arith.cmpi eq, %and3A_30, %eq3A : vector<16xi32>
      %swap3A = arith.index_cast %scan3A_23 : i32 to index
      %swap3A_32 = tpu.vector_load %arg7[%swap3A] masked %eq3A_31 {strides = array<i32>} : memref<1024xi32, #tpu.memory_space<vmem>>, vector<16xi32>, vector<16xi1>
      tpu.vector_store %arg7[%swap3A], %get3A_26 masked %eq3A_31 {strides = array<i32>} : memref<1024xi32, #tpu.memory_space<vmem>>, vector<16xi32>, vector<16xi1>
      %mul3A_33 = arith.constant 16 : i32
      %mul3A_34 = arith.muli %scan3A_22, %mul3A_33 : i32
      %add3A_35 = vector.broadcast %mul3A_34 : i32 to vector<16xi32>
      %add3A_36 = arith.addi %iota3A, %add3A_35 : vector<16xi32>
      %swap3A_37 = arith.index_cast %scan3A_23 : i32 to index
      %swap3A_38 = tpu.vector_load %arg8[%swap3A_37] masked %eq3A_31 {strides = array<i32>} : memref<1024xi32, #tpu.memory_space<vmem>>, vector<16xi32>, vector<16xi1>
      tpu.vector_store %arg8[%swap3A_37], %add3A_36 masked %eq3A_31 {strides = array<i32>} : memref<1024xi32, #tpu.memory_space<vmem>>, vector<16xi32>, vector<16xi1>
      %all_reduce_population_count3A = tpu.all_reduce %eq3A_31 {dim = 0 : i64, kind = #tpu.reduction_kind<sum>} : vector<16xi1> -> vector<16xi32>
      %slice3A = vector.extract_strided_slice %all_reduce_population_count3A {offsets = [0], sizes = [1], strides = [1]} : vector<16xi32> to vector<1xi32>
      %squeeze3A = vector.extract %slice3A[0] : i32 from vector<1xi32>
      %add3A_39 = arith.addi %scan3A_23, %squeeze3A : i32
      scf.yield %add3A_39 : i32
    }
    %scan3A_6 = arith.constant 1024 : i32
    %le3A = arith.constant 16 : i32
    %le3A_7 = arith.cmpi sle, %add3A, %le3A : i32
    %jit3A = arith.constant 1 : i32
    %jit3A_8 = arith.constant 0 : i32
    %select_n3A = arith.select %le3A_7, %jit3A, %jit3A_8 : i32
    %add3A_9 = arith.constant 30 : i32
    %add3A_10 = arith.addi %add3A_9, %select_n3A : i32
    %while3A = arith.constant 0 : i32
    %while3A_11 = arith.constant 0 : i32
    %while3A_12 = arith.subi %add3A_10, %while3A : i32
    %while3A_13 = arith.addi %while3A, %while3A_12 : i32
    %while3A_14 = arith.constant 1 : i32
    %while3A_15 = arith.divsi %while3A_12, %while3A_14 : i32
    %while3A_16 = arith.muli %while3A_15, %while3A_14 : i32
    %while3A_17 = arith.addi %while3A, %while3A_16 : i32
    %while3A_18 = arith.constant 1 : i32
    %while3A_19 = scf.for %while3A_22 = %while3A to %while3A_17 step %while3A_18 iter_args(%while3A_23 = %while3A_11) -> (i32)  : i32 {
      %mul3A_24 = arith.constant 32 : i32
      %mul3A_25 = arith.muli %mul3A_24, %while3A_22 : i32
      %add3A_26 = arith.addi %add3A, %mul3A_25 : i32
      %mul3A_27 = arith.constant 1024 : i32
      %mul3A_28 = arith.muli %add3A_26, %mul3A_27 : i32
      %ne3A = arith.constant 976 : i32
      %ne3A_29 = arith.cmpi ne, %add3A_26, %ne3A : i32
      %convert_element_type3A = arith.extui %ne3A_29 : i1 to i32
      %cond3A = arith.constant 0 : i32
      %cond3A_30 = arith.cmpi ne, %convert_element_type3A, %cond3A : i32
      scf.if %cond3A_30 {
        %dma_start3A = arith.constant 0 : i32
        %dma_start3A_103 = tpu.memref_slice %arg2[%dma_start3A, %mul3A_28] : memref<64x1000000xf32, #tpu.memory_space<hbm>> -> memref<64x1024xf32, #tpu.memory_space<hbm>>
        %dma_start3A_104 = arith.constant 0 : i32
        %dma_start3A_105 = tpu.memref_slice %arg2[%dma_start3A_104, %mul3A_28] : memref<64x1000000xf32, #tpu.memory_space<hbm>> -> memref<64x1024xf32, #tpu.memory_space<hbm>>
        tpu.enqueue_dma source(%dma_start3A_105 : memref<64x1024xf32, #tpu.memory_space<hbm>>) target(%arg11 : memref<64x1024xf32, #tpu.memory_space<vmem>>) target_semaphore(%arg13 : memref<!tpu.dma_semaphore, #tpu.memory_space<semaphore_mem>>)
      } else {
      }
      %eq3A = arith.constant 976 : i32
      %eq3A_31 = arith.cmpi eq, %add3A_26, %eq3A : i32
      %convert_element_type3A_32 = arith.extui %eq3A_31 : i1 to i32
      %cond3A_33 = arith.constant 0 : i32
      %cond3A_34 = arith.cmpi ne, %convert_element_type3A_32, %cond3A_33 : i32
      scf.if %cond3A_34 {
        %dma_start3A = arith.constant 0 : i32
        %dma_start3A_103 = arith.constant 0 : i32
        %dma_start3A_104 = tpu.memref_slice %arg11[%dma_start3A, %dma_start3A_103] : memref<64x1024xf32, #tpu.memory_space<vmem>> -> memref<64x640xf32, #tpu.memory_space<vmem>>
        %dma_start3A_105 = arith.constant 0 : i32
        %dma_start3A_106 = arith.constant 0 : i32
        %dma_start3A_107 = tpu.memref_slice %arg11[%dma_start3A_105, %dma_start3A_106] : memref<64x1024xf32, #tpu.memory_space<vmem>> -> memref<64x640xf32, #tpu.memory_space<vmem>>
        tpu.enqueue_dma source(%arg3 : memref<64x640xf32, #tpu.memory_space<hbm>>) target(%dma_start3A_107 : memref<64x640xf32, #tpu.memory_space<vmem>>) target_semaphore(%arg13 : memref<!tpu.dma_semaphore, #tpu.memory_space<semaphore_mem>>)
      } else {
      }
      %eq3A_35 = arith.constant 976 : i32
      %eq3A_36 = arith.cmpi eq, %add3A_26, %eq3A_35 : i32
      %jit3A_37 = arith.constant 999360 : i32
      %select_n3A_38 = arith.select %eq3A_36, %jit3A_37, %mul3A_28 : i32
      %add3A_39 = arith.constant 16 : i32
      %add3A_40 = arith.addi %scan3A_5, %add3A_39 : i32
      %sub3A = arith.constant 1 : i32
      %sub3A_41 = arith.subi %add3A_40, %sub3A : i32
      %div3A = arith.constant 16 : i32
      %div3A_42 = arith.divsi %sub3A_41, %div3A : i32
      %while3A_43 = arith.constant 0 : i32
      %while3A_44 = arith.constant 0 : i32
      %while3A_45 = arith.subi %div3A_42, %while3A_43 : i32
      %while3A_46 = arith.addi %while3A_43, %while3A_45 : i32
      %while3A_47 = arith.constant 1 : i32
      %while3A_48 = arith.divsi %while3A_45, %while3A_47 : i32
      %while3A_49 = arith.muli %while3A_48, %while3A_47 : i32
      %while3A_50 = arith.addi %while3A_43, %while3A_49 : i32
      %while3A_51 = arith.constant 1 : i32
      %while3A_52 = scf.for %while3A_103 = %while3A_43 to %while3A_50 step %while3A_51 iter_args(%while3A_104 = %while3A_44) -> (i32)  : i32 {
        %mul3A_105 = arith.constant 16 : i32
        %mul3A_106 = arith.muli %while3A_103, %mul3A_105 : i32
        %get3A = arith.index_cast %mul3A_106 : i32 to index
        %get3A_107 = tpu.vector_load %arg7[%get3A] {strides = array<i32>} : memref<1024xi32, #tpu.memory_space<vmem>>, vector<16xi32>,
        %mul3A_108 = arith.constant 16 : i32
        %mul3A_109 = arith.muli %while3A_103, %mul3A_108 : i32
        %get3A_110 = arith.index_cast %mul3A_109 : i32 to index
        %get3A_111 = tpu.vector_load %arg8[%get3A_110] {strides = array<i32>} : memref<1024xi32, #tpu.memory_space<vmem>>, vector<16xi32>,
        %shift_right_arithmetic3A = arith.constant 10 : i32
        %shift_right_arithmetic3A_112 = vector.broadcast %shift_right_arithmetic3A : i32 to vector<16xi32>
        %shift_right_arithmetic3A_113 = arith.shrsi %get3A_107, %shift_right_arithmetic3A_112 : vector<16xi32>
        %eq3A_114 = vector.broadcast %add3A_26 : i32 to vector<16xi32>
        %eq3A_115 = arith.cmpi eq, %shift_right_arithmetic3A_113, %eq3A_114 : vector<16xi32>
        %mul3A_116 = arith.constant 16 : i32
        %mul3A_117 = arith.muli %while3A_103, %mul3A_116 : i32
        %add3A_118 = vector.broadcast %mul3A_117 : i32 to vector<16xi32>
        %add3A_119 = arith.addi %iota3A, %add3A_118 : vector<16xi32>
        %lt3A = vector.broadcast %scan3A_5 : i32 to vector<16xi32>
        %lt3A_120 = arith.cmpi slt, %add3A_119, %lt3A : vector<16xi32>
        %and3A_121 = arith.andi %eq3A_115, %lt3A_120 : vector<16xi1>
        %swap3A = arith.index_cast %while3A_104 : i32 to index
        %swap3A_122 = tpu.vector_load %arg9[%swap3A] masked %and3A_121 {strides = array<i32>} : memref<64xi32, #tpu.memory_space<vmem>>, vector<16xi32>, vector<16xi1>
        tpu.vector_store %arg9[%swap3A], %get3A_107 masked %and3A_121 {strides = array<i32>} : memref<64xi32, #tpu.memory_space<vmem>>, vector<16xi32>, vector<16xi1>
        %swap3A_123 = arith.index_cast %while3A_104 : i32 to index
        %swap3A_124 = tpu.vector_load %arg10[%swap3A_123] masked %and3A_121 {strides = array<i32>} : memref<64xi32, #tpu.memory_space<vmem>>, vector<16xi32>, vector<16xi1>
        tpu.vector_store %arg10[%swap3A_123], %get3A_111 masked %and3A_121 {strides = array<i32>} : memref<64xi32, #tpu.memory_space<vmem>>, vector<16xi32>, vector<16xi1>
        %all_reduce_population_count3A = tpu.all_reduce %and3A_121 {dim = 0 : i64, kind = #tpu.reduction_kind<sum>} : vector<16xi1> -> vector<16xi32>
        %slice3A = vector.extract_strided_slice %all_reduce_population_count3A {offsets = [0], sizes = [1], strides = [1]} : vector<16xi32> to vector<1xi32>
        %squeeze3A = vector.extract %slice3A[0] : i32 from vector<1xi32>
        %add3A_125 = arith.addi %while3A_104, %squeeze3A : i32
        scf.yield %add3A_125 : i32
      }
      %while3A_53 = arith.constant 1 : i32
      %while3A_54 = scf.for %while3A_103 = %while3A_50 to %while3A_46 step %while3A_53 iter_args(%while3A_104 = %while3A_52) -> (i32)  : i32 {
        %mul3A_105 = arith.constant 16 : i32
        %mul3A_106 = arith.muli %while3A_103, %mul3A_105 : i32
        %get3A = arith.index_cast %mul3A_106 : i32 to index
        %get3A_107 = tpu.vector_load %arg7[%get3A] {strides = array<i32>} : memref<1024xi32, #tpu.memory_space<vmem>>, vector<16xi32>,
        %mul3A_108 = arith.constant 16 : i32
        %mul3A_109 = arith.muli %while3A_103, %mul3A_108 : i32
        %get3A_110 = arith.index_cast %mul3A_109 : i32 to index
        %get3A_111 = tpu.vector_load %arg8[%get3A_110] {strides = array<i32>} : memref<1024xi32, #tpu.memory_space<vmem>>, vector<16xi32>,
        %shift_right_arithmetic3A = arith.constant 10 : i32
        %shift_right_arithmetic3A_112 = vector.broadcast %shift_right_arithmetic3A : i32 to vector<16xi32>
        %shift_right_arithmetic3A_113 = arith.shrsi %get3A_107, %shift_right_arithmetic3A_112 : vector<16xi32>
        %eq3A_114 = vector.broadcast %add3A_26 : i32 to vector<16xi32>
        %eq3A_115 = arith.cmpi eq, %shift_right_arithmetic3A_113, %eq3A_114 : vector<16xi32>
        %mul3A_116 = arith.constant 16 : i32
        %mul3A_117 = arith.muli %while3A_103, %mul3A_116 : i32
        %add3A_118 = vector.broadcast %mul3A_117 : i32 to vector<16xi32>
        %add3A_119 = arith.addi %iota3A, %add3A_118 : vector<16xi32>
        %lt3A = vector.broadcast %scan3A_5 : i32 to vector<16xi32>
        %lt3A_120 = arith.cmpi slt, %add3A_119, %lt3A : vector<16xi32>
        %and3A_121 = arith.andi %eq3A_115, %lt3A_120 : vector<16xi1>
        %swap3A = arith.index_cast %while3A_104 : i32 to index
        %swap3A_122 = tpu.vector_load %arg9[%swap3A] masked %and3A_121 {strides = array<i32>} : memref<64xi32, #tpu.memory_space<vmem>>, vector<16xi32>, vector<16xi1>
        tpu.vector_store %arg9[%swap3A], %get3A_107 masked %and3A_121 {strides = array<i32>} : memref<64xi32, #tpu.memory_space<vmem>>, vector<16xi32>, vector<16xi1>
        %swap3A_123 = arith.index_cast %while3A_104 : i32 to index
        %swap3A_124 = tpu.vector_load %arg10[%swap3A_123] masked %and3A_121 {strides = array<i32>} : memref<64xi32, #tpu.memory_space<vmem>>, vector<16xi32>, vector<16xi1>
        tpu.vector_store %arg10[%swap3A_123], %get3A_111 masked %and3A_121 {strides = array<i32>} : memref<64xi32, #tpu.memory_space<vmem>>, vector<16xi32>, vector<16xi1>
        %all_reduce_population_count3A = tpu.all_reduce %and3A_121 {dim = 0 : i64, kind = #tpu.reduction_kind<sum>} : vector<16xi1> -> vector<16xi32>
        %slice3A = vector.extract_strided_slice %all_reduce_population_count3A {offsets = [0], sizes = [1], strides = [1]} : vector<16xi32> to vector<1xi32>
        %squeeze3A = vector.extract %slice3A[0] : i32 from vector<1xi32>
        %add3A_125 = arith.addi %while3A_104, %squeeze3A : i32
        scf.yield %add3A_125 : i32
      }
      %ne3A_55 = arith.constant 976 : i32
      %ne3A_56 = arith.cmpi ne, %add3A_26, %ne3A_55 : i32
      %convert_element_type3A_57 = arith.extui %ne3A_56 : i1 to i32
      %cond3A_58 = arith.constant 0 : i32
      %cond3A_59 = arith.cmpi ne, %convert_element_type3A_57, %cond3A_58 : i32
      scf.if %cond3A_59 {
        %dma_wait3A = arith.constant 0 : i32
        %dma_wait3A_103 = tpu.memref_slice %arg2[%dma_wait3A, %mul3A_28] : memref<64x1000000xf32, #tpu.memory_space<hbm>> -> memref<64x1024xf32, #tpu.memory_space<hbm>>
        %dma_wait3A_104 = arith.constant 0 : i32
        %dma_wait3A_105 = tpu.memref_slice %arg2[%dma_wait3A_104, %mul3A_28] : memref<64x1000000xf32, #tpu.memory_space<hbm>> -> memref<64x1024xf32, #tpu.memory_space<hbm>>
        tpu.wait_dma2 semaphore(%arg13 : memref<!tpu.dma_semaphore, #tpu.memory_space<semaphore_mem>>) src(%dma_wait3A_105 : memref<64x1024xf32, #tpu.memory_space<hbm>>) dst(%arg11 : memref<64x1024xf32, #tpu.memory_space<vmem>>)
      } else {
      }
      %eq3A_60 = arith.constant 976 : i32
      %eq3A_61 = arith.cmpi eq, %add3A_26, %eq3A_60 : i32
      %convert_element_type3A_62 = arith.extui %eq3A_61 : i1 to i32
      %cond3A_63 = arith.constant 0 : i32
      %cond3A_64 = arith.cmpi ne, %convert_element_type3A_62, %cond3A_63 : i32
      scf.if %cond3A_64 {
        %dma_wait3A = arith.constant 0 : i32
        %dma_wait3A_103 = arith.constant 0 : i32
        %dma_wait3A_104 = tpu.memref_slice %arg11[%dma_wait3A, %dma_wait3A_103] : memref<64x1024xf32, #tpu.memory_space<vmem>> -> memref<64x640xf32, #tpu.memory_space<vmem>>
        %dma_wait3A_105 = arith.constant 0 : i32
        %dma_wait3A_106 = arith.constant 0 : i32
        %dma_wait3A_107 = tpu.memref_slice %arg11[%dma_wait3A_105, %dma_wait3A_106] : memref<64x1024xf32, #tpu.memory_space<vmem>> -> memref<64x640xf32, #tpu.memory_space<vmem>>
        tpu.wait_dma2 semaphore(%arg13 : memref<!tpu.dma_semaphore, #tpu.memory_space<semaphore_mem>>) src(%arg3 : memref<64x640xf32, #tpu.memory_space<hbm>>) dst(%dma_wait3A_107 : memref<64x640xf32, #tpu.memory_space<vmem>>)
      } else {
      }
      %add3A_65 = arith.constant 16 : i32
      %add3A_66 = arith.addi %while3A_54, %add3A_65 : i32
      %sub3A_67 = arith.constant 1 : i32
      %sub3A_68 = arith.subi %add3A_66, %sub3A_67 : i32
      %jit3A_69 = arith.constant 16 : i32
      %div3A_70 = arith.divsi %sub3A_68, %jit3A_69 : i32
      %sign3A = arith.constant 0 : i32
      %sign3A_71 = arith.cmpi sgt, %sub3A_68, %sign3A : i32
      %sign3A_72 = arith.extui %sign3A_71 : i1 to i32
      %sign3A_73 = arith.constant 0 : i32
      %sign3A_74 = arith.cmpi slt, %sub3A_68, %sign3A_73 : i32
      %sign3A_75 = arith.extui %sign3A_74 : i1 to i32
      %sign3A_76 = arith.subi %sign3A_72, %sign3A_75 : i32
      %sign3A_77 = arith.constant 0 : i32
      %sign3A_78 = arith.cmpi sgt, %jit3A_69, %sign3A_77 : i32
      %sign3A_79 = arith.extui %sign3A_78 : i1 to i32
      %sign3A_80 = arith.constant 0 : i32
      %sign3A_81 = arith.cmpi slt, %jit3A_69, %sign3A_80 : i32
      %sign3A_82 = arith.extui %sign3A_81 : i1 to i32
      %sign3A_83 = arith.subi %sign3A_79, %sign3A_82 : i32
      %ne3A_84 = arith.cmpi ne, %sign3A_76, %sign3A_83 : i32
      %rem3A = arith.remsi %sub3A_68, %jit3A_69 : i32
      %ne3A_85 = arith.constant 0 : i32
      %ne3A_86 = arith.cmpi ne, %rem3A, %ne3A_85 : i32
      %and3A = arith.andi %ne3A_84, %ne3A_86 : i1
      %sub3A_87 = arith.constant 1 : i32
      %sub3A_88 = arith.subi %div3A_70, %sub3A_87 : i32
      %select_n3A_89 = arith.select %and3A, %sub3A_88, %div3A_70 : i32
      %while3A_90 = arith.constant 0 : i32
      %while3A_91 = arith.constant 0 : i32
      %while3A_92 = arith.subi %select_n3A_89, %while3A_90 : i32
      %while3A_93 = arith.addi %while3A_90, %while3A_92 : i32
      %while3A_94 = arith.constant 1 : i32
      %while3A_95 = arith.divsi %while3A_92, %while3A_94 : i32
      %while3A_96 = arith.muli %while3A_95, %while3A_94 : i32
      %while3A_97 = arith.addi %while3A_90, %while3A_96 : i32
      %while3A_98 = arith.constant 1 : i32
      %while3A_99 = scf.for %while3A_103 = %while3A_90 to %while3A_97 step %while3A_98 iter_args(%while3A_104 = %while3A_91) -> (i32)  : i32 {
        %mul3A_105 = arith.constant 16 : i32
        %mul3A_106 = arith.muli %while3A_103, %mul3A_105 : i32
        %get3A = arith.index_cast %mul3A_106 : i32 to index
        %get3A_107 = tpu.vector_load %arg9[%get3A] {strides = array<i32>} : memref<64xi32, #tpu.memory_space<vmem>>, vector<16xi32>,
        %sub3A_108 = vector.broadcast %select_n3A_38 : i32 to vector<16xi32>
        %sub3A_109 = arith.subi %get3A_107, %sub3A_108 : vector<16xi32>
        %and3A_110 = arith.constant 1023 : i32
        %and3A_111 = vector.broadcast %and3A_110 : i32 to vector<16xi32>
        %and3A_112 = arith.andi %sub3A_109, %and3A_111 : vector<16xi32>
        %mul3A_113 = arith.constant 16 : i32
        %mul3A_114 = arith.muli %while3A_103, %mul3A_113 : i32
        %get3A_115 = arith.index_cast %mul3A_114 : i32 to index
        %get3A_116 = tpu.vector_load %arg10[%get3A_115] {strides = array<i32>} : memref<64xi32, #tpu.memory_space<vmem>>, vector<16xi32>,
        %broadcast_in_dim3A = arith.constant 0 : i32
        %broadcast_in_dim3A_117 = vector.broadcast %broadcast_in_dim3A : i32 to vector<16xi32>
        %gather3A = tpu.vector_load_idx %arg11[%broadcast_in_dim3A_117, %and3A_112] : memref<64x1024xf32, #tpu.memory_space<vmem>>[vector<16xi32>, vector<16xi32>], vector<16xf32>,
        tpu.vector_store_idx %arg12[%iota3A, %broadcast_in_dim3A_117], %gather3A : memref<16x64xf32, #tpu.memory_space<vmem>>[vector<16xi32>, vector<16xi32>], vector<16xf32>,
        %broadcast_in_dim3A_118 = arith.constant 1 : i32
        %broadcast_in_dim3A_119 = vector.broadcast %broadcast_in_dim3A_118 : i32 to vector<16xi32>
        %gather3A_120 = tpu.vector_load_idx %arg11[%broadcast_in_dim3A_119, %and3A_112] : memref<64x1024xf32, #tpu.memory_space<vmem>>[vector<16xi32>, vector<16xi32>], vector<16xf32>,
        tpu.vector_store_idx %arg12[%iota3A, %broadcast_in_dim3A_119], %gather3A_120 : memref<16x64xf32, #tpu.memory_space<vmem>>[vector<16xi32>, vector<16xi32>], vector<16xf32>,
        %broadcast_in_dim3A_121 = arith.constant 2 : i32
        %broadcast_in_dim3A_122 = vector.broadcast %broadcast_in_dim3A_121 : i32 to vector<16xi32>
        %gather3A_123 = tpu.vector_load_idx %arg11[%broadcast_in_dim3A_122, %and3A_112] : memref<64x1024xf32, #tpu.memory_space<vmem>>[vector<16xi32>, vector<16xi32>], vector<16xf32>,
        tpu.vector_store_idx %arg12[%iota3A, %broadcast_in_dim3A_122], %gather3A_123 : memref<16x64xf32, #tpu.memory_space<vmem>>[vector<16xi32>, vector<16xi32>], vector<16xf32>,
        %broadcast_in_dim3A_124 = arith.constant 3 : i32
        %broadcast_in_dim3A_125 = vector.broadcast %broadcast_in_dim3A_124 : i32 to vector<16xi32>
        %gather3A_126 = tpu.vector_load_idx %arg11[%broadcast_in_dim3A_125, %and3A_112] : memref<64x1024xf32, #tpu.memory_space<vmem>>[vector<16xi32>, vector<16xi32>], vector<16xf32>,
        tpu.vector_store_idx %arg12[%iota3A, %broadcast_in_dim3A_125], %gather3A_126 : memref<16x64xf32, #tpu.memory_space<vmem>>[vector<16xi32>, vector<16xi32>], vector<16xf32>,
        %broadcast_in_dim3A_127 = arith.constant 4 : i32
        %broadcast_in_dim3A_128 = vector.broadcast %broadcast_in_dim3A_127 : i32 to vector<16xi32>
        %gather3A_129 = tpu.vector_load_idx %arg11[%broadcast_in_dim3A_128, %and3A_112] : memref<64x1024xf32, #tpu.memory_space<vmem>>[vector<16xi32>, vector<16xi32>], vector<16xf32>,
        tpu.vector_store_idx %arg12[%iota3A, %broadcast_in_dim3A_128], %gather3A_129 : memref<16x64xf32, #tpu.memory_space<vmem>>[vector<16xi32>, vector<16xi32>], vector<16xf32>,
        %broadcast_in_dim3A_130 = arith.constant 5 : i32
        %broadcast_in_dim3A_131 = vector.broadcast %broadcast_in_dim3A_130 : i32 to vector<16xi32>
        %gather3A_132 = tpu.vector_load_idx %arg11[%broadcast_in_dim3A_131, %and3A_112] : memref<64x1024xf32, #tpu.memory_space<vmem>>[vector<16xi32>, vector<16xi32>], vector<16xf32>,
        tpu.vector_store_idx %arg12[%iota3A, %broadcast_in_dim3A_131], %gather3A_132 : memref<16x64xf32, #tpu.memory_space<vmem>>[vector<16xi32>, vector<16xi32>], vector<16xf32>,
        %broadcast_in_dim3A_133 = arith.constant 6 : i32
        %broadcast_in_dim3A_134 = vector.broadcast %broadcast_in_dim3A_133 : i32 to vector<16xi32>
        %gather3A_135 = tpu.vector_load_idx %arg11[%broadcast_in_dim3A_134, %and3A_112] : memref<64x1024xf32, #tpu.memory_space<vmem>>[vector<16xi32>, vector<16xi32>], vector<16xf32>,
        tpu.vector_store_idx %arg12[%iota3A, %broadcast_in_dim3A_134], %gather3A_135 : memref<16x64xf32, #tpu.memory_space<vmem>>[vector<16xi32>, vector<16xi32>], vector<16xf32>,
        %broadcast_in_dim3A_136 = arith.constant 7 : i32
        %broadcast_in_dim3A_137 = vector.broadcast %broadcast_in_dim3A_136 : i32 to vector<16xi32>
        %gather3A_138 = tpu.vector_load_idx %arg11[%broadcast_in_dim3A_137, %and3A_112] : memref<64x1024xf32, #tpu.memory_space<vmem>>[vector<16xi32>, vector<16xi32>], vector<16xf32>,
        tpu.vector_store_idx %arg12[%iota3A, %broadcast_in_dim3A_137], %gather3A_138 : memref<16x64xf32, #tpu.memory_space<vmem>>[vector<16xi32>, vector<16xi32>], vector<16xf32>,
        %broadcast_in_dim3A_139 = arith.constant 8 : i32
        %broadcast_in_dim3A_140 = vector.broadcast %broadcast_in_dim3A_139 : i32 to vector<16xi32>
        %gather3A_141 = tpu.vector_load_idx %arg11[%broadcast_in_dim3A_140, %and3A_112] : memref<64x1024xf32, #tpu.memory_space<vmem>>[vector<16xi32>, vector<16xi32>], vector<16xf32>,
        tpu.vector_store_idx %arg12[%iota3A, %broadcast_in_dim3A_140], %gather3A_141 : memref<16x64xf32, #tpu.memory_space<vmem>>[vector<16xi32>, vector<16xi32>], vector<16xf32>,
        %broadcast_in_dim3A_142 = arith.constant 9 : i32
        %broadcast_in_dim3A_143 = vector.broadcast %broadcast_in_dim3A_142 : i32 to vector<16xi32>
        %gather3A_144 = tpu.vector_load_idx %arg11[%broadcast_in_dim3A_143, %and3A_112] : memref<64x1024xf32, #tpu.memory_space<vmem>>[vector<16xi32>, vector<16xi32>], vector<16xf32>,
        tpu.vector_store_idx %arg12[%iota3A, %broadcast_in_dim3A_143], %gather3A_144 : memref<16x64xf32, #tpu.memory_space<vmem>>[vector<16xi32>, vector<16xi32>], vector<16xf32>,
        %broadcast_in_dim3A_145 = arith.constant 10 : i32
        %broadcast_in_dim3A_146 = vector.broadcast %broadcast_in_dim3A_145 : i32 to vector<16xi32>
        %gather3A_147 = tpu.vector_load_idx %arg11[%broadcast_in_dim3A_146, %and3A_112] : memref<64x1024xf32, #tpu.memory_space<vmem>>[vector<16xi32>, vector<16xi32>], vector<16xf32>,
        tpu.vector_store_idx %arg12[%iota3A, %broadcast_in_dim3A_146], %gather3A_147 : memref<16x64xf32, #tpu.memory_space<vmem>>[vector<16xi32>, vector<16xi32>], vector<16xf32>,
        %broadcast_in_dim3A_148 = arith.constant 11 : i32
        %broadcast_in_dim3A_149 = vector.broadcast %broadcast_in_dim3A_148 : i32 to vector<16xi32>
        %gather3A_150 = tpu.vector_load_idx %arg11[%broadcast_in_dim3A_149, %and3A_112] : memref<64x1024xf32, #tpu.memory_space<vmem>>[vector<16xi32>, vector<16xi32>], vector<16xf32>,
        tpu.vector_store_idx %arg12[%iota3A, %broadcast_in_dim3A_149], %gather3A_150 : memref<16x64xf32, #tpu.memory_space<vmem>>[vector<16xi32>, vector<16xi32>], vector<16xf32>,
        %broadcast_in_dim3A_151 = arith.constant 12 : i32
        %broadcast_in_dim3A_152 = vector.broadcast %broadcast_in_dim3A_151 : i32 to vector<16xi32>
        %gather3A_153 = tpu.vector_load_idx %arg11[%broadcast_in_dim3A_152, %and3A_112] : memref<64x1024xf32, #tpu.memory_space<vmem>>[vector<16xi32>, vector<16xi32>], vector<16xf32>,
        tpu.vector_store_idx %arg12[%iota3A, %broadcast_in_dim3A_152], %gather3A_153 : memref<16x64xf32, #tpu.memory_space<vmem>>[vector<16xi32>, vector<16xi32>], vector<16xf32>,
        %broadcast_in_dim3A_154 = arith.constant 13 : i32
        %broadcast_in_dim3A_155 = vector.broadcast %broadcast_in_dim3A_154 : i32 to vector<16xi32>
        %gather3A_156 = tpu.vector_load_idx %arg11[%broadcast_in_dim3A_155, %and3A_112] : memref<64x1024xf32, #tpu.memory_space<vmem>>[vector<16xi32>, vector<16xi32>], vector<16xf32>,
        tpu.vector_store_idx %arg12[%iota3A, %broadcast_in_dim3A_155], %gather3A_156 : memref<16x64xf32, #tpu.memory_space<vmem>>[vector<16xi32>, vector<16xi32>], vector<16xf32>,
        %broadcast_in_dim3A_157 = arith.constant 14 : i32
        %broadcast_in_dim3A_158 = vector.broadcast %broadcast_in_dim3A_157 : i32 to vector<16xi32>
        %gather3A_159 = tpu.vector_load_idx %arg11[%broadcast_in_dim3A_158, %and3A_112] : memref<64x1024xf32, #tpu.memory_space<vmem>>[vector<16xi32>, vector<16xi32>], vector<16xf32>,
        tpu.vector_store_idx %arg12[%iota3A, %broadcast_in_dim3A_158], %gather3A_159 : memref<16x64xf32, #tpu.memory_space<vmem>>[vector<16xi32>, vector<16xi32>], vector<16xf32>,
        %broadcast_in_dim3A_160 = arith.constant 15 : i32
        %broadcast_in_dim3A_161 = vector.broadcast %broadcast_in_dim3A_160 : i32 to vector<16xi32>
        %gather3A_162 = tpu.vector_load_idx %arg11[%broadcast_in_dim3A_161, %and3A_112] : memref<64x1024xf32, #tpu.memory_space<vmem>>[vector<16xi32>, vector<16xi32>], vector<16xf32>,
        tpu.vector_store_idx %arg12[%iota3A, %broadcast_in_dim3A_161], %gather3A_162 : memref<16x64xf32, #tpu.memory_space<vmem>>[vector<16xi32>, vector<16xi32>], vector<16xf32>,
        %broadcast_in_dim3A_163 = arith.constant 16 : i32
        %broadcast_in_dim3A_164 = vector.broadcast %broadcast_in_dim3A_163 : i32 to vector<16xi32>
        %gather3A_165 = tpu.vector_load_idx %arg11[%broadcast_in_dim3A_164, %and3A_112] : memref<64x1024xf32, #tpu.memory_space<vmem>>[vector<16xi32>, vector<16xi32>], vector<16xf32>,
        tpu.vector_store_idx %arg12[%iota3A, %broadcast_in_dim3A_164], %gather3A_165 : memref<16x64xf32, #tpu.memory_space<vmem>>[vector<16xi32>, vector<16xi32>], vector<16xf32>,
        %broadcast_in_dim3A_166 = arith.constant 17 : i32
        %broadcast_in_dim3A_167 = vector.broadcast %broadcast_in_dim3A_166 : i32 to vector<16xi32>
        %gather3A_168 = tpu.vector_load_idx %arg11[%broadcast_in_dim3A_167, %and3A_112] : memref<64x1024xf32, #tpu.memory_space<vmem>>[vector<16xi32>, vector<16xi32>], vector<16xf32>,
        tpu.vector_store_idx %arg12[%iota3A, %broadcast_in_dim3A_167], %gather3A_168 : memref<16x64xf32, #tpu.memory_space<vmem>>[vector<16xi32>, vector<16xi32>], vector<16xf32>,
        %broadcast_in_dim3A_169 = arith.constant 18 : i32
        %broadcast_in_dim3A_170 = vector.broadcast %broadcast_in_dim3A_169 : i32 to vector<16xi32>
        %gather3A_171 = tpu.vector_load_idx %arg11[%broadcast_in_dim3A_170, %and3A_112] : memref<64x1024xf32, #tpu.memory_space<vmem>>[vector<16xi32>, vector<16xi32>], vector<16xf32>,
        tpu.vector_store_idx %arg12[%iota3A, %broadcast_in_dim3A_170], %gather3A_171 : memref<16x64xf32, #tpu.memory_space<vmem>>[vector<16xi32>, vector<16xi32>], vector<16xf32>,
        %broadcast_in_dim3A_172 = arith.constant 19 : i32
        %broadcast_in_dim3A_173 = vector.broadcast %broadcast_in_dim3A_172 : i32 to vector<16xi32>
        %gather3A_174 = tpu.vector_load_idx %arg11[%broadcast_in_dim3A_173, %and3A_112] : memref<64x1024xf32, #tpu.memory_space<vmem>>[vector<16xi32>, vector<16xi32>], vector<16xf32>,
        tpu.vector_store_idx %arg12[%iota3A, %broadcast_in_dim3A_173], %gather3A_174 : memref<16x64xf32, #tpu.memory_space<vmem>>[vector<16xi32>, vector<16xi32>], vector<16xf32>,
        %broadcast_in_dim3A_175 = arith.constant 20 : i32
        %broadcast_in_dim3A_176 = vector.broadcast %broadcast_in_dim3A_175 : i32 to vector<16xi32>
        %gather3A_177 = tpu.vector_load_idx %arg11[%broadcast_in_dim3A_176, %and3A_112] : memref<64x1024xf32, #tpu.memory_space<vmem>>[vector<16xi32>, vector<16xi32>], vector<16xf32>,
        tpu.vector_store_idx %arg12[%iota3A, %broadcast_in_dim3A_176], %gather3A_177 : memref<16x64xf32, #tpu.memory_space<vmem>>[vector<16xi32>, vector<16xi32>], vector<16xf32>,
        %broadcast_in_dim3A_178 = arith.constant 21 : i32
        %broadcast_in_dim3A_179 = vector.broadcast %broadcast_in_dim3A_178 : i32 to vector<16xi32>
        %gather3A_180 = tpu.vector_load_idx %arg11[%broadcast_in_dim3A_179, %and3A_112] : memref<64x1024xf32, #tpu.memory_space<vmem>>[vector<16xi32>, vector<16xi32>], vector<16xf32>,
        tpu.vector_store_idx %arg12[%iota3A, %broadcast_in_dim3A_179], %gather3A_180 : memref<16x64xf32, #tpu.memory_space<vmem>>[vector<16xi32>, vector<16xi32>], vector<16xf32>,
        %broadcast_in_dim3A_181 = arith.constant 22 : i32
        %broadcast_in_dim3A_182 = vector.broadcast %broadcast_in_dim3A_181 : i32 to vector<16xi32>
        %gather3A_183 = tpu.vector_load_idx %arg11[%broadcast_in_dim3A_182, %and3A_112] : memref<64x1024xf32, #tpu.memory_space<vmem>>[vector<16xi32>, vector<16xi32>], vector<16xf32>,
        tpu.vector_store_idx %arg12[%iota3A, %broadcast_in_dim3A_182], %gather3A_183 : memref<16x64xf32, #tpu.memory_space<vmem>>[vector<16xi32>, vector<16xi32>], vector<16xf32>,
        %broadcast_in_dim3A_184 = arith.constant 23 : i32
        %broadcast_in_dim3A_185 = vector.broadcast %broadcast_in_dim3A_184 : i32 to vector<16xi32>
        %gather3A_186 = tpu.vector_load_idx %arg11[%broadcast_in_dim3A_185, %and3A_112] : memref<64x1024xf32, #tpu.memory_space<vmem>>[vector<16xi32>, vector<16xi32>], vector<16xf32>,
        tpu.vector_store_idx %arg12[%iota3A, %broadcast_in_dim3A_185], %gather3A_186 : memref<16x64xf32, #tpu.memory_space<vmem>>[vector<16xi32>, vector<16xi32>], vector<16xf32>,
        %broadcast_in_dim3A_187 = arith.constant 24 : i32
        %broadcast_in_dim3A_188 = vector.broadcast %broadcast_in_dim3A_187 : i32 to vector<16xi32>
        %gather3A_189 = tpu.vector_load_idx %arg11[%broadcast_in_dim3A_188, %and3A_112] : memref<64x1024xf32, #tpu.memory_space<vmem>>[vector<16xi32>, vector<16xi32>], vector<16xf32>,
        tpu.vector_store_idx %arg12[%iota3A, %broadcast_in_dim3A_188], %gather3A_189 : memref<16x64xf32, #tpu.memory_space<vmem>>[vector<16xi32>, vector<16xi32>], vector<16xf32>,
        %broadcast_in_dim3A_190 = arith.constant 25 : i32
        %broadcast_in_dim3A_191 = vector.broadcast %broadcast_in_dim3A_190 : i32 to vector<16xi32>
        %gather3A_192 = tpu.vector_load_idx %arg11[%broadcast_in_dim3A_191, %and3A_112] : memref<64x1024xf32, #tpu.memory_space<vmem>>[vector<16xi32>, vector<16xi32>], vector<16xf32>,
        tpu.vector_store_idx %arg12[%iota3A, %broadcast_in_dim3A_191], %gather3A_192 : memref<16x64xf32, #tpu.memory_space<vmem>>[vector<16xi32>, vector<16xi32>], vector<16xf32>,
        %broadcast_in_dim3A_193 = arith.constant 26 : i32
        %broadcast_in_dim3A_194 = vector.broadcast %broadcast_in_dim3A_193 : i32 to vector<16xi32>
        %gather3A_195 = tpu.vector_load_idx %arg11[%broadcast_in_dim3A_194, %and3A_112] : memref<64x1024xf32, #tpu.memory_space<vmem>>[vector<16xi32>, vector<16xi32>], vector<16xf32>,
        tpu.vector_store_idx %arg12[%iota3A, %broadcast_in_dim3A_194], %gather3A_195 : memref<16x64xf32, #tpu.memory_space<vmem>>[vector<16xi32>, vector<16xi32>], vector<16xf32>,
        %broadcast_in_dim3A_196 = arith.constant 27 : i32
        %broadcast_in_dim3A_197 = vector.broadcast %broadcast_in_dim3A_196 : i32 to vector<16xi32>
        %gather3A_198 = tpu.vector_load_idx %arg11[%broadcast_in_dim3A_197, %and3A_112] : memref<64x1024xf32, #tpu.memory_space<vmem>>[vector<16xi32>, vector<16xi32>], vector<16xf32>,
        tpu.vector_store_idx %arg12[%iota3A, %broadcast_in_dim3A_197], %gather3A_198 : memref<16x64xf32, #tpu.memory_space<vmem>>[vector<16xi32>, vector<16xi32>], vector<16xf32>,
        %broadcast_in_dim3A_199 = arith.constant 28 : i32
        %broadcast_in_dim3A_200 = vector.broadcast %broadcast_in_dim3A_199 : i32 to vector<16xi32>
        %gather3A_201 = tpu.vector_load_idx %arg11[%broadcast_in_dim3A_200, %and3A_112] : memref<64x1024xf32, #tpu.memory_space<vmem>>[vector<16xi32>, vector<16xi32>], vector<16xf32>,
        tpu.vector_store_idx %arg12[%iota3A, %broadcast_in_dim3A_200], %gather3A_201 : memref<16x64xf32, #tpu.memory_space<vmem>>[vector<16xi32>, vector<16xi32>], vector<16xf32>,
        %broadcast_in_dim3A_202 = arith.constant 29 : i32
        %broadcast_in_dim3A_203 = vector.broadcast %broadcast_in_dim3A_202 : i32 to vector<16xi32>
        %gather3A_204 = tpu.vector_load_idx %arg11[%broadcast_in_dim3A_203, %and3A_112] : memref<64x1024xf32, #tpu.memory_space<vmem>>[vector<16xi32>, vector<16xi32>], vector<16xf32>,
        tpu.vector_store_idx %arg12[%iota3A, %broadcast_in_dim3A_203], %gather3A_204 : memref<16x64xf32, #tpu.memory_space<vmem>>[vector<16xi32>, vector<16xi32>], vector<16xf32>,
        %broadcast_in_dim3A_205 = arith.constant 30 : i32
        %broadcast_in_dim3A_206 = vector.broadcast %broadcast_in_dim3A_205 : i32 to vector<16xi32>
        %gather3A_207 = tpu.vector_load_idx %arg11[%broadcast_in_dim3A_206, %and3A_112] : memref<64x1024xf32, #tpu.memory_space<vmem>>[vector<16xi32>, vector<16xi32>], vector<16xf32>,
        tpu.vector_store_idx %arg12[%iota3A, %broadcast_in_dim3A_206], %gather3A_207 : memref<16x64xf32, #tpu.memory_space<vmem>>[vector<16xi32>, vector<16xi32>], vector<16xf32>,
        %broadcast_in_dim3A_208 = arith.constant 31 : i32
        %broadcast_in_dim3A_209 = vector.broadcast %broadcast_in_dim3A_208 : i32 to vector<16xi32>
        %gather3A_210 = tpu.vector_load_idx %arg11[%broadcast_in_dim3A_209, %and3A_112] : memref<64x1024xf32, #tpu.memory_space<vmem>>[vector<16xi32>, vector<16xi32>], vector<16xf32>,
        tpu.vector_store_idx %arg12[%iota3A, %broadcast_in_dim3A_209], %gather3A_210 : memref<16x64xf32, #tpu.memory_space<vmem>>[vector<16xi32>, vector<16xi32>], vector<16xf32>,
        %broadcast_in_dim3A_211 = arith.constant 32 : i32
        %broadcast_in_dim3A_212 = vector.broadcast %broadcast_in_dim3A_211 : i32 to vector<16xi32>
        %gather3A_213 = tpu.vector_load_idx %arg11[%broadcast_in_dim3A_212, %and3A_112] : memref<64x1024xf32, #tpu.memory_space<vmem>>[vector<16xi32>, vector<16xi32>], vector<16xf32>,
        tpu.vector_store_idx %arg12[%iota3A, %broadcast_in_dim3A_212], %gather3A_213 : memref<16x64xf32, #tpu.memory_space<vmem>>[vector<16xi32>, vector<16xi32>], vector<16xf32>,
        %broadcast_in_dim3A_214 = arith.constant 33 : i32
        %broadcast_in_dim3A_215 = vector.broadcast %broadcast_in_dim3A_214 : i32 to vector<16xi32>
        %gather3A_216 = tpu.vector_load_idx %arg11[%broadcast_in_dim3A_215, %and3A_112] : memref<64x1024xf32, #tpu.memory_space<vmem>>[vector<16xi32>, vector<16xi32>], vector<16xf32>,
        tpu.vector_store_idx %arg12[%iota3A, %broadcast_in_dim3A_215], %gather3A_216 : memref<16x64xf32, #tpu.memory_space<vmem>>[vector<16xi32>, vector<16xi32>], vector<16xf32>,
        %broadcast_in_dim3A_217 = arith.constant 34 : i32
        %broadcast_in_dim3A_218 = vector.broadcast %broadcast_in_dim3A_217 : i32 to vector<16xi32>
        %gather3A_219 = tpu.vector_load_idx %arg11[%broadcast_in_dim3A_218, %and3A_112] : memref<64x1024xf32, #tpu.memory_space<vmem>>[vector<16xi32>, vector<16xi32>], vector<16xf32>,
        tpu.vector_store_idx %arg12[%iota3A, %broadcast_in_dim3A_218], %gather3A_219 : memref<16x64xf32, #tpu.memory_space<vmem>>[vector<16xi32>, vector<16xi32>], vector<16xf32>,
        %broadcast_in_dim3A_220 = arith.constant 35 : i32
        %broadcast_in_dim3A_221 = vector.broadcast %broadcast_in_dim3A_220 : i32 to vector<16xi32>
        %gather3A_222 = tpu.vector_load_idx %arg11[%broadcast_in_dim3A_221, %and3A_112] : memref<64x1024xf32, #tpu.memory_space<vmem>>[vector<16xi32>, vector<16xi32>], vector<16xf32>,
        tpu.vector_store_idx %arg12[%iota3A, %broadcast_in_dim3A_221], %gather3A_222 : memref<16x64xf32, #tpu.memory_space<vmem>>[vector<16xi32>, vector<16xi32>], vector<16xf32>,
        %broadcast_in_dim3A_223 = arith.constant 36 : i32
        %broadcast_in_dim3A_224 = vector.broadcast %broadcast_in_dim3A_223 : i32 to vector<16xi32>
        %gather3A_225 = tpu.vector_load_idx %arg11[%broadcast_in_dim3A_224, %and3A_112] : memref<64x1024xf32, #tpu.memory_space<vmem>>[vector<16xi32>, vector<16xi32>], vector<16xf32>,
        tpu.vector_store_idx %arg12[%iota3A, %broadcast_in_dim3A_224], %gather3A_225 : memref<16x64xf32, #tpu.memory_space<vmem>>[vector<16xi32>, vector<16xi32>], vector<16xf32>,
        %broadcast_in_dim3A_226 = arith.constant 37 : i32
        %broadcast_in_dim3A_227 = vector.broadcast %broadcast_in_dim3A_226 : i32 to vector<16xi32>
        %gather3A_228 = tpu.vector_load_idx %arg11[%broadcast_in_dim3A_227, %and3A_112] : memref<64x1024xf32, #tpu.memory_space<vmem>>[vector<16xi32>, vector<16xi32>], vector<16xf32>,
        tpu.vector_store_idx %arg12[%iota3A, %broadcast_in_dim3A_227], %gather3A_228 : memref<16x64xf32, #tpu.memory_space<vmem>>[vector<16xi32>, vector<16xi32>], vector<16xf32>,
        %broadcast_in_dim3A_229 = arith.constant 38 : i32
        %broadcast_in_dim3A_230 = vector.broadcast %broadcast_in_dim3A_229 : i32 to vector<16xi32>
        %gather3A_231 = tpu.vector_load_idx %arg11[%broadcast_in_dim3A_230, %and3A_112] : memref<64x1024xf32, #tpu.memory_space<vmem>>[vector<16xi32>, vector<16xi32>], vector<16xf32>,
        tpu.vector_store_idx %arg12[%iota3A, %broadcast_in_dim3A_230], %gather3A_231 : memref<16x64xf32, #tpu.memory_space<vmem>>[vector<16xi32>, vector<16xi32>], vector<16xf32>,
        %broadcast_in_dim3A_232 = arith.constant 39 : i32
        %broadcast_in_dim3A_233 = vector.broadcast %broadcast_in_dim3A_232 : i32 to vector<16xi32>
        %gather3A_234 = tpu.vector_load_idx %arg11[%broadcast_in_dim3A_233, %and3A_112] : memref<64x1024xf32, #tpu.memory_space<vmem>>[vector<16xi32>, vector<16xi32>], vector<16xf32>,
        tpu.vector_store_idx %arg12[%iota3A, %broadcast_in_dim3A_233], %gather3A_234 : memref<16x64xf32, #tpu.memory_space<vmem>>[vector<16xi32>, vector<16xi32>], vector<16xf32>,
        %broadcast_in_dim3A_235 = arith.constant 40 : i32
        %broadcast_in_dim3A_236 = vector.broadcast %broadcast_in_dim3A_235 : i32 to vector<16xi32>
        %gather3A_237 = tpu.vector_load_idx %arg11[%broadcast_in_dim3A_236, %and3A_112] : memref<64x1024xf32, #tpu.memory_space<vmem>>[vector<16xi32>, vector<16xi32>], vector<16xf32>,
        tpu.vector_store_idx %arg12[%iota3A, %broadcast_in_dim3A_236], %gather3A_237 : memref<16x64xf32, #tpu.memory_space<vmem>>[vector<16xi32>, vector<16xi32>], vector<16xf32>,
        %broadcast_in_dim3A_238 = arith.constant 41 : i32
        %broadcast_in_dim3A_239 = vector.broadcast %broadcast_in_dim3A_238 : i32 to vector<16xi32>
        %gather3A_240 = tpu.vector_load_idx %arg11[%broadcast_in_dim3A_239, %and3A_112] : memref<64x1024xf32, #tpu.memory_space<vmem>>[vector<16xi32>, vector<16xi32>], vector<16xf32>,
        tpu.vector_store_idx %arg12[%iota3A, %broadcast_in_dim3A_239], %gather3A_240 : memref<16x64xf32, #tpu.memory_space<vmem>>[vector<16xi32>, vector<16xi32>], vector<16xf32>,
        %broadcast_in_dim3A_241 = arith.constant 42 : i32
        %broadcast_in_dim3A_242 = vector.broadcast %broadcast_in_dim3A_241 : i32 to vector<16xi32>
        %gather3A_243 = tpu.vector_load_idx %arg11[%broadcast_in_dim3A_242, %and3A_112] : memref<64x1024xf32, #tpu.memory_space<vmem>>[vector<16xi32>, vector<16xi32>], vector<16xf32>,
        tpu.vector_store_idx %arg12[%iota3A, %broadcast_in_dim3A_242], %gather3A_243 : memref<16x64xf32, #tpu.memory_space<vmem>>[vector<16xi32>, vector<16xi32>], vector<16xf32>,
        %broadcast_in_dim3A_244 = arith.constant 43 : i32
        %broadcast_in_dim3A_245 = vector.broadcast %broadcast_in_dim3A_244 : i32 to vector<16xi32>
        %gather3A_246 = tpu.vector_load_idx %arg11[%broadcast_in_dim3A_245, %and3A_112] : memref<64x1024xf32, #tpu.memory_space<vmem>>[vector<16xi32>, vector<16xi32>], vector<16xf32>,
        tpu.vector_store_idx %arg12[%iota3A, %broadcast_in_dim3A_245], %gather3A_246 : memref<16x64xf32, #tpu.memory_space<vmem>>[vector<16xi32>, vector<16xi32>], vector<16xf32>,
        %broadcast_in_dim3A_247 = arith.constant 44 : i32
        %broadcast_in_dim3A_248 = vector.broadcast %broadcast_in_dim3A_247 : i32 to vector<16xi32>
        %gather3A_249 = tpu.vector_load_idx %arg11[%broadcast_in_dim3A_248, %and3A_112] : memref<64x1024xf32, #tpu.memory_space<vmem>>[vector<16xi32>, vector<16xi32>], vector<16xf32>,
        tpu.vector_store_idx %arg12[%iota3A, %broadcast_in_dim3A_248], %gather3A_249 : memref<16x64xf32, #tpu.memory_space<vmem>>[vector<16xi32>, vector<16xi32>], vector<16xf32>,
        %broadcast_in_dim3A_250 = arith.constant 45 : i32
        %broadcast_in_dim3A_251 = vector.broadcast %broadcast_in_dim3A_250 : i32 to vector<16xi32>
        %gather3A_252 = tpu.vector_load_idx %arg11[%broadcast_in_dim3A_251, %and3A_112] : memref<64x1024xf32, #tpu.memory_space<vmem>>[vector<16xi32>, vector<16xi32>], vector<16xf32>,
        tpu.vector_store_idx %arg12[%iota3A, %broadcast_in_dim3A_251], %gather3A_252 : memref<16x64xf32, #tpu.memory_space<vmem>>[vector<16xi32>, vector<16xi32>], vector<16xf32>,
        %broadcast_in_dim3A_253 = arith.constant 46 : i32
        %broadcast_in_dim3A_254 = vector.broadcast %broadcast_in_dim3A_253 : i32 to vector<16xi32>
        %gather3A_255 = tpu.vector_load_idx %arg11[%broadcast_in_dim3A_254, %and3A_112] : memref<64x1024xf32, #tpu.memory_space<vmem>>[vector<16xi32>, vector<16xi32>], vector<16xf32>,
        tpu.vector_store_idx %arg12[%iota3A, %broadcast_in_dim3A_254], %gather3A_255 : memref<16x64xf32, #tpu.memory_space<vmem>>[vector<16xi32>, vector<16xi32>], vector<16xf32>,
        %broadcast_in_dim3A_256 = arith.constant 47 : i32
        %broadcast_in_dim3A_257 = vector.broadcast %broadcast_in_dim3A_256 : i32 to vector<16xi32>
        %gather3A_258 = tpu.vector_load_idx %arg11[%broadcast_in_dim3A_257, %and3A_112] : memref<64x1024xf32, #tpu.memory_space<vmem>>[vector<16xi32>, vector<16xi32>], vector<16xf32>,
        tpu.vector_store_idx %arg12[%iota3A, %broadcast_in_dim3A_257], %gather3A_258 : memref<16x64xf32, #tpu.memory_space<vmem>>[vector<16xi32>, vector<16xi32>], vector<16xf32>,
        %broadcast_in_dim3A_259 = arith.constant 48 : i32
        %broadcast_in_dim3A_260 = vector.broadcast %broadcast_in_dim3A_259 : i32 to vector<16xi32>
        %gather3A_261 = tpu.vector_load_idx %arg11[%broadcast_in_dim3A_260, %and3A_112] : memref<64x1024xf32, #tpu.memory_space<vmem>>[vector<16xi32>, vector<16xi32>], vector<16xf32>,
        tpu.vector_store_idx %arg12[%iota3A, %broadcast_in_dim3A_260], %gather3A_261 : memref<16x64xf32, #tpu.memory_space<vmem>>[vector<16xi32>, vector<16xi32>], vector<16xf32>,
        %broadcast_in_dim3A_262 = arith.constant 49 : i32
        %broadcast_in_dim3A_263 = vector.broadcast %broadcast_in_dim3A_262 : i32 to vector<16xi32>
        %gather3A_264 = tpu.vector_load_idx %arg11[%broadcast_in_dim3A_263, %and3A_112] : memref<64x1024xf32, #tpu.memory_space<vmem>>[vector<16xi32>, vector<16xi32>], vector<16xf32>,
        tpu.vector_store_idx %arg12[%iota3A, %broadcast_in_dim3A_263], %gather3A_264 : memref<16x64xf32, #tpu.memory_space<vmem>>[vector<16xi32>, vector<16xi32>], vector<16xf32>,
        %broadcast_in_dim3A_265 = arith.constant 50 : i32
        %broadcast_in_dim3A_266 = vector.broadcast %broadcast_in_dim3A_265 : i32 to vector<16xi32>
        %gather3A_267 = tpu.vector_load_idx %arg11[%broadcast_in_dim3A_266, %and3A_112] : memref<64x1024xf32, #tpu.memory_space<vmem>>[vector<16xi32>, vector<16xi32>], vector<16xf32>,
        tpu.vector_store_idx %arg12[%iota3A, %broadcast_in_dim3A_266], %gather3A_267 : memref<16x64xf32, #tpu.memory_space<vmem>>[vector<16xi32>, vector<16xi32>], vector<16xf32>,
        %broadcast_in_dim3A_268 = arith.constant 51 : i32
        %broadcast_in_dim3A_269 = vector.broadcast %broadcast_in_dim3A_268 : i32 to vector<16xi32>
        %gather3A_270 = tpu.vector_load_idx %arg11[%broadcast_in_dim3A_269, %and3A_112] : memref<64x1024xf32, #tpu.memory_space<vmem>>[vector<16xi32>, vector<16xi32>], vector<16xf32>,
        tpu.vector_store_idx %arg12[%iota3A, %broadcast_in_dim3A_269], %gather3A_270 : memref<16x64xf32, #tpu.memory_space<vmem>>[vector<16xi32>, vector<16xi32>], vector<16xf32>,
        %broadcast_in_dim3A_271 = arith.constant 52 : i32
        %broadcast_in_dim3A_272 = vector.broadcast %broadcast_in_dim3A_271 : i32 to vector<16xi32>
        %gather3A_273 = tpu.vector_load_idx %arg11[%broadcast_in_dim3A_272, %and3A_112] : memref<64x1024xf32, #tpu.memory_space<vmem>>[vector<16xi32>, vector<16xi32>], vector<16xf32>,
        tpu.vector_store_idx %arg12[%iota3A, %broadcast_in_dim3A_272], %gather3A_273 : memref<16x64xf32, #tpu.memory_space<vmem>>[vector<16xi32>, vector<16xi32>], vector<16xf32>,
        %broadcast_in_dim3A_274 = arith.constant 53 : i32
        %broadcast_in_dim3A_275 = vector.broadcast %broadcast_in_dim3A_274 : i32 to vector<16xi32>
        %gather3A_276 = tpu.vector_load_idx %arg11[%broadcast_in_dim3A_275, %and3A_112] : memref<64x1024xf32, #tpu.memory_space<vmem>>[vector<16xi32>, vector<16xi32>], vector<16xf32>,
        tpu.vector_store_idx %arg12[%iota3A, %broadcast_in_dim3A_275], %gather3A_276 : memref<16x64xf32, #tpu.memory_space<vmem>>[vector<16xi32>, vector<16xi32>], vector<16xf32>,
        %broadcast_in_dim3A_277 = arith.constant 54 : i32
        %broadcast_in_dim3A_278 = vector.broadcast %broadcast_in_dim3A_277 : i32 to vector<16xi32>
        %gather3A_279 = tpu.vector_load_idx %arg11[%broadcast_in_dim3A_278, %and3A_112] : memref<64x1024xf32, #tpu.memory_space<vmem>>[vector<16xi32>, vector<16xi32>], vector<16xf32>,
        tpu.vector_store_idx %arg12[%iota3A, %broadcast_in_dim3A_278], %gather3A_279 : memref<16x64xf32, #tpu.memory_space<vmem>>[vector<16xi32>, vector<16xi32>], vector<16xf32>,
        %broadcast_in_dim3A_280 = arith.constant 55 : i32
        %broadcast_in_dim3A_281 = vector.broadcast %broadcast_in_dim3A_280 : i32 to vector<16xi32>
        %gather3A_282 = tpu.vector_load_idx %arg11[%broadcast_in_dim3A_281, %and3A_112] : memref<64x1024xf32, #tpu.memory_space<vmem>>[vector<16xi32>, vector<16xi32>], vector<16xf32>,
        tpu.vector_store_idx %arg12[%iota3A, %broadcast_in_dim3A_281], %gather3A_282 : memref<16x64xf32, #tpu.memory_space<vmem>>[vector<16xi32>, vector<16xi32>], vector<16xf32>,
        %broadcast_in_dim3A_283 = arith.constant 56 : i32
        %broadcast_in_dim3A_284 = vector.broadcast %broadcast_in_dim3A_283 : i32 to vector<16xi32>
        %gather3A_285 = tpu.vector_load_idx %arg11[%broadcast_in_dim3A_284, %and3A_112] : memref<64x1024xf32, #tpu.memory_space<vmem>>[vector<16xi32>, vector<16xi32>], vector<16xf32>,
        tpu.vector_store_idx %arg12[%iota3A, %broadcast_in_dim3A_284], %gather3A_285 : memref<16x64xf32, #tpu.memory_space<vmem>>[vector<16xi32>, vector<16xi32>], vector<16xf32>,
        %broadcast_in_dim3A_286 = arith.constant 57 : i32
        %broadcast_in_dim3A_287 = vector.broadcast %broadcast_in_dim3A_286 : i32 to vector<16xi32>
        %gather3A_288 = tpu.vector_load_idx %arg11[%broadcast_in_dim3A_287, %and3A_112] : memref<64x1024xf32, #tpu.memory_space<vmem>>[vector<16xi32>, vector<16xi32>], vector<16xf32>,
        tpu.vector_store_idx %arg12[%iota3A, %broadcast_in_dim3A_287], %gather3A_288 : memref<16x64xf32, #tpu.memory_space<vmem>>[vector<16xi32>, vector<16xi32>], vector<16xf32>,
        %broadcast_in_dim3A_289 = arith.constant 58 : i32
        %broadcast_in_dim3A_290 = vector.broadcast %broadcast_in_dim3A_289 : i32 to vector<16xi32>
        %gather3A_291 = tpu.vector_load_idx %arg11[%broadcast_in_dim3A_290, %and3A_112] : memref<64x1024xf32, #tpu.memory_space<vmem>>[vector<16xi32>, vector<16xi32>], vector<16xf32>,
        tpu.vector_store_idx %arg12[%iota3A, %broadcast_in_dim3A_290], %gather3A_291 : memref<16x64xf32, #tpu.memory_space<vmem>>[vector<16xi32>, vector<16xi32>], vector<16xf32>,
        %broadcast_in_dim3A_292 = arith.constant 59 : i32
        %broadcast_in_dim3A_293 = vector.broadcast %broadcast_in_dim3A_292 : i32 to vector<16xi32>
        %gather3A_294 = tpu.vector_load_idx %arg11[%broadcast_in_dim3A_293, %and3A_112] : memref<64x1024xf32, #tpu.memory_space<vmem>>[vector<16xi32>, vector<16xi32>], vector<16xf32>,
        tpu.vector_store_idx %arg12[%iota3A, %broadcast_in_dim3A_293], %gather3A_294 : memref<16x64xf32, #tpu.memory_space<vmem>>[vector<16xi32>, vector<16xi32>], vector<16xf32>,
        %broadcast_in_dim3A_295 = arith.constant 60 : i32
        %broadcast_in_dim3A_296 = vector.broadcast %broadcast_in_dim3A_295 : i32 to vector<16xi32>
        %gather3A_297 = tpu.vector_load_idx %arg11[%broadcast_in_dim3A_296, %and3A_112] : memref<64x1024xf32, #tpu.memory_space<vmem>>[vector<16xi32>, vector<16xi32>], vector<16xf32>,
        tpu.vector_store_idx %arg12[%iota3A, %broadcast_in_dim3A_296], %gather3A_297 : memref<16x64xf32, #tpu.memory_space<vmem>>[vector<16xi32>, vector<16xi32>], vector<16xf32>,
        %broadcast_in_dim3A_298 = arith.constant 61 : i32
        %broadcast_in_dim3A_299 = vector.broadcast %broadcast_in_dim3A_298 : i32 to vector<16xi32>
        %gather3A_300 = tpu.vector_load_idx %arg11[%broadcast_in_dim3A_299, %and3A_112] : memref<64x1024xf32, #tpu.memory_space<vmem>>[vector<16xi32>, vector<16xi32>], vector<16xf32>,
        tpu.vector_store_idx %arg12[%iota3A, %broadcast_in_dim3A_299], %gather3A_300 : memref<16x64xf32, #tpu.memory_space<vmem>>[vector<16xi32>, vector<16xi32>], vector<16xf32>,
        %broadcast_in_dim3A_301 = arith.constant 62 : i32
        %broadcast_in_dim3A_302 = vector.broadcast %broadcast_in_dim3A_301 : i32 to vector<16xi32>
        %gather3A_303 = tpu.vector_load_idx %arg11[%broadcast_in_dim3A_302, %and3A_112] : memref<64x1024xf32, #tpu.memory_space<vmem>>[vector<16xi32>, vector<16xi32>], vector<16xf32>,
        tpu.vector_store_idx %arg12[%iota3A, %broadcast_in_dim3A_302], %gather3A_303 : memref<16x64xf32, #tpu.memory_space<vmem>>[vector<16xi32>, vector<16xi32>], vector<16xf32>,
        %broadcast_in_dim3A_304 = arith.constant 63 : i32
        %broadcast_in_dim3A_305 = vector.broadcast %broadcast_in_dim3A_304 : i32 to vector<16xi32>
        %gather3A_306 = tpu.vector_load_idx %arg11[%broadcast_in_dim3A_305, %and3A_112] : memref<64x1024xf32, #tpu.memory_space<vmem>>[vector<16xi32>, vector<16xi32>], vector<16xf32>,
        tpu.vector_store_idx %arg12[%iota3A, %broadcast_in_dim3A_305], %gather3A_306 : memref<16x64xf32, #tpu.memory_space<vmem>>[vector<16xi32>, vector<16xi32>], vector<16xf32>,
        %mul3A_307 = arith.constant 16 : i32
        %mul3A_308 = arith.muli %while3A_103, %mul3A_307 : i32
        %sub3A_309 = arith.subi %while3A_54, %mul3A_308 : i32
        %min3A = arith.constant 16 : i32
        %min3A_310 = arith.minsi %sub3A_309, %min3A : i32
        %gt3A = arith.constant 0 : i32
        %gt3A_311 = arith.cmpi sgt, %min3A_310, %gt3A : i32
        %convert_element_type3A_312 = arith.extui %gt3A_311 : i1 to i32
        %cond3A_313 = arith.constant 0 : i32
        %cond3A_314 = arith.cmpi ne, %convert_element_type3A_312, %cond3A_313 : i32
        scf.if %cond3A_314 {
          %slice3A = vector.extract_strided_slice %get3A_116 {offsets = [0], sizes = [1], strides = [1]} : vector<16xi32> to vector<1xi32>
          %squeeze3A = vector.extract %slice3A[0] : i32 from vector<1xi32>
          %mul3A_403 = arith.constant 64 : i32
          %mul3A_404 = arith.muli %squeeze3A, %mul3A_403 : i32
          %multiple_of3A = tpu.assume_multiple %mul3A_404, 8 : i32
          %dma_start3A = arith.constant 0 : i32
          %dma_start3A_405 = arith.constant 0 : i32
          %dma_start3A_406 = tpu.memref_slice %arg12[%dma_start3A, %dma_start3A_405] : memref<16x64xf32, #tpu.memory_space<vmem>> -> memref<1x64xf32, #tpu.memory_space<vmem>>
          %dma_start3A_407 = tpu.memref_squeeze %dma_start3A_406 : memref<1x64xf32, #tpu.memory_space<vmem>> -> memref<64xf32, #tpu.memory_space<vmem>>
          %dma_start3A_408 = tpu.memref_slice %arg5[%multiple_of3A] : memref<1048576xf32, #tpu.memory_space<hbm>> -> memref<64xf32, #tpu.memory_space<hbm>>
          %dma_start3A_409 = tpu.memref_slice %arg5[%multiple_of3A] : memref<1048576xf32, #tpu.memory_space<hbm>> -> memref<64xf32, #tpu.memory_space<hbm>>
          %dma_start3A_410 = arith.constant 0 : i32
          %dma_start3A_411 = tpu.memref_slice %arg12[%dma_start3A, %dma_start3A_410] : memref<16x64xf32, #tpu.memory_space<vmem>> -> memref<1x64xf32, #tpu.memory_space<vmem>>
          %dma_start3A_412 = tpu.memref_squeeze %dma_start3A_411 : memref<1x64xf32, #tpu.memory_space<vmem>> -> memref<64xf32, #tpu.memory_space<vmem>>
          tpu.enqueue_dma source(%dma_start3A_412 : memref<64xf32, #tpu.memory_space<vmem>>) target(%dma_start3A_409 : memref<64xf32, #tpu.memory_space<hbm>>) target_semaphore(%arg14 : memref<!tpu.dma_semaphore, #tpu.memory_space<semaphore_mem>>)
        } else {
        }
        %gt3A_315 = arith.constant 1 : i32
        %gt3A_316 = arith.cmpi sgt, %min3A_310, %gt3A_315 : i32
        %convert_element_type3A_317 = arith.extui %gt3A_316 : i1 to i32
        %cond3A_318 = arith.constant 0 : i32
        %cond3A_319 = arith.cmpi ne, %convert_element_type3A_317, %cond3A_318 : i32
        scf.if %cond3A_319 {
          %slice3A = vector.extract_strided_slice %get3A_116 {offsets = [1], sizes = [1], strides = [1]} : vector<16xi32> to vector<1xi32>
          %squeeze3A = vector.extract %slice3A[0] : i32 from vector<1xi32>
          %mul3A_403 = arith.constant 64 : i32
          %mul3A_404 = arith.muli %squeeze3A, %mul3A_403 : i32
          %multiple_of3A = tpu.assume_multiple %mul3A_404, 8 : i32
          %dma_start3A = arith.constant 1 : i32
          %dma_start3A_405 = arith.constant 0 : i32
          %dma_start3A_406 = tpu.memref_slice %arg12[%dma_start3A, %dma_start3A_405] : memref<16x64xf32, #tpu.memory_space<vmem>> -> memref<1x64xf32, #tpu.memory_space<vmem>>
          %dma_start3A_407 = tpu.memref_squeeze %dma_start3A_406 : memref<1x64xf32, #tpu.memory_space<vmem>> -> memref<64xf32, #tpu.memory_space<vmem>>
          %dma_start3A_408 = tpu.memref_slice %arg5[%multiple_of3A] : memref<1048576xf32, #tpu.memory_space<hbm>> -> memref<64xf32, #tpu.memory_space<hbm>>
          %dma_start3A_409 = tpu.memref_slice %arg5[%multiple_of3A] : memref<1048576xf32, #tpu.memory_space<hbm>> -> memref<64xf32, #tpu.memory_space<hbm>>
          %dma_start3A_410 = arith.constant 0 : i32
          %dma_start3A_411 = tpu.memref_slice %arg12[%dma_start3A, %dma_start3A_410] : memref<16x64xf32, #tpu.memory_space<vmem>> -> memref<1x64xf32, #tpu.memory_space<vmem>>
          %dma_start3A_412 = tpu.memref_squeeze %dma_start3A_411 : memref<1x64xf32, #tpu.memory_space<vmem>> -> memref<64xf32, #tpu.memory_space<vmem>>
          tpu.enqueue_dma source(%dma_start3A_412 : memref<64xf32, #tpu.memory_space<vmem>>) target(%dma_start3A_409 : memref<64xf32, #tpu.memory_space<hbm>>) target_semaphore(%arg14 : memref<!tpu.dma_semaphore, #tpu.memory_space<semaphore_mem>>)
        } else {
        }
        %gt3A_320 = arith.constant 2 : i32
        %gt3A_321 = arith.cmpi sgt, %min3A_310, %gt3A_320 : i32
        %convert_element_type3A_322 = arith.extui %gt3A_321 : i1 to i32
        %cond3A_323 = arith.constant 0 : i32
        %cond3A_324 = arith.cmpi ne, %convert_element_type3A_322, %cond3A_323 : i32
        scf.if %cond3A_324 {
          %slice3A = vector.extract_strided_slice %get3A_116 {offsets = [2], sizes = [1], strides = [1]} : vector<16xi32> to vector<1xi32>
          %squeeze3A = vector.extract %slice3A[0] : i32 from vector<1xi32>
          %mul3A_403 = arith.constant 64 : i32
          %mul3A_404 = arith.muli %squeeze3A, %mul3A_403 : i32
          %multiple_of3A = tpu.assume_multiple %mul3A_404, 8 : i32
          %dma_start3A = arith.constant 2 : i32
          %dma_start3A_405 = arith.constant 0 : i32
          %dma_start3A_406 = tpu.memref_slice %arg12[%dma_start3A, %dma_start3A_405] : memref<16x64xf32, #tpu.memory_space<vmem>> -> memref<1x64xf32, #tpu.memory_space<vmem>>
          %dma_start3A_407 = tpu.memref_squeeze %dma_start3A_406 : memref<1x64xf32, #tpu.memory_space<vmem>> -> memref<64xf32, #tpu.memory_space<vmem>>
          %dma_start3A_408 = tpu.memref_slice %arg5[%multiple_of3A] : memref<1048576xf32, #tpu.memory_space<hbm>> -> memref<64xf32, #tpu.memory_space<hbm>>
          %dma_start3A_409 = tpu.memref_slice %arg5[%multiple_of3A] : memref<1048576xf32, #tpu.memory_space<hbm>> -> memref<64xf32, #tpu.memory_space<hbm>>
          %dma_start3A_410 = arith.constant 0 : i32
          %dma_start3A_411 = tpu.memref_slice %arg12[%dma_start3A, %dma_start3A_410] : memref<16x64xf32, #tpu.memory_space<vmem>> -> memref<1x64xf32, #tpu.memory_space<vmem>>
          %dma_start3A_412 = tpu.memref_squeeze %dma_start3A_411 : memref<1x64xf32, #tpu.memory_space<vmem>> -> memref<64xf32, #tpu.memory_space<vmem>>
          tpu.enqueue_dma source(%dma_start3A_412 : memref<64xf32, #tpu.memory_space<vmem>>) target(%dma_start3A_409 : memref<64xf32, #tpu.memory_space<hbm>>) target_semaphore(%arg14 : memref<!tpu.dma_semaphore, #tpu.memory_space<semaphore_mem>>)
        } else {
        }
        %gt3A_325 = arith.constant 3 : i32
        %gt3A_326 = arith.cmpi sgt, %min3A_310, %gt3A_325 : i32
        %convert_element_type3A_327 = arith.extui %gt3A_326 : i1 to i32
        %cond3A_328 = arith.constant 0 : i32
        %cond3A_329 = arith.cmpi ne, %convert_element_type3A_327, %cond3A_328 : i32
        scf.if %cond3A_329 {
          %slice3A = vector.extract_strided_slice %get3A_116 {offsets = [3], sizes = [1], strides = [1]} : vector<16xi32> to vector<1xi32>
          %squeeze3A = vector.extract %slice3A[0] : i32 from vector<1xi32>
          %mul3A_403 = arith.constant 64 : i32
          %mul3A_404 = arith.muli %squeeze3A, %mul3A_403 : i32
          %multiple_of3A = tpu.assume_multiple %mul3A_404, 8 : i32
          %dma_start3A = arith.constant 3 : i32
          %dma_start3A_405 = arith.constant 0 : i32
          %dma_start3A_406 = tpu.memref_slice %arg12[%dma_start3A, %dma_start3A_405] : memref<16x64xf32, #tpu.memory_space<vmem>> -> memref<1x64xf32, #tpu.memory_space<vmem>>
          %dma_start3A_407 = tpu.memref_squeeze %dma_start3A_406 : memref<1x64xf32, #tpu.memory_space<vmem>> -> memref<64xf32, #tpu.memory_space<vmem>>
          %dma_start3A_408 = tpu.memref_slice %arg5[%multiple_of3A] : memref<1048576xf32, #tpu.memory_space<hbm>> -> memref<64xf32, #tpu.memory_space<hbm>>
          %dma_start3A_409 = tpu.memref_slice %arg5[%multiple_of3A] : memref<1048576xf32, #tpu.memory_space<hbm>> -> memref<64xf32, #tpu.memory_space<hbm>>
          %dma_start3A_410 = arith.constant 0 : i32
          %dma_start3A_411 = tpu.memref_slice %arg12[%dma_start3A, %dma_start3A_410] : memref<16x64xf32, #tpu.memory_space<vmem>> -> memref<1x64xf32, #tpu.memory_space<vmem>>
          %dma_start3A_412 = tpu.memref_squeeze %dma_start3A_411 : memref<1x64xf32, #tpu.memory_space<vmem>> -> memref<64xf32, #tpu.memory_space<vmem>>
          tpu.enqueue_dma source(%dma_start3A_412 : memref<64xf32, #tpu.memory_space<vmem>>) target(%dma_start3A_409 : memref<64xf32, #tpu.memory_space<hbm>>) target_semaphore(%arg14 : memref<!tpu.dma_semaphore, #tpu.memory_space<semaphore_mem>>)
        } else {
        }
        %gt3A_330 = arith.constant 4 : i32
        %gt3A_331 = arith.cmpi sgt, %min3A_310, %gt3A_330 : i32
        %convert_element_type3A_332 = arith.extui %gt3A_331 : i1 to i32
        %cond3A_333 = arith.constant 0 : i32
        %cond3A_334 = arith.cmpi ne, %convert_element_type3A_332, %cond3A_333 : i32
        scf.if %cond3A_334 {
          %slice3A = vector.extract_strided_slice %get3A_116 {offsets = [4], sizes = [1], strides = [1]} : vector<16xi32> to vector<1xi32>
          %squeeze3A = vector.extract %slice3A[0] : i32 from vector<1xi32>
          %mul3A_403 = arith.constant 64 : i32
          %mul3A_404 = arith.muli %squeeze3A, %mul3A_403 : i32
          %multiple_of3A = tpu.assume_multiple %mul3A_404, 8 : i32
          %dma_start3A = arith.constant 4 : i32
          %dma_start3A_405 = arith.constant 0 : i32
          %dma_start3A_406 = tpu.memref_slice %arg12[%dma_start3A, %dma_start3A_405] : memref<16x64xf32, #tpu.memory_space<vmem>> -> memref<1x64xf32, #tpu.memory_space<vmem>>
          %dma_start3A_407 = tpu.memref_squeeze %dma_start3A_406 : memref<1x64xf32, #tpu.memory_space<vmem>> -> memref<64xf32, #tpu.memory_space<vmem>>
          %dma_start3A_408 = tpu.memref_slice %arg5[%multiple_of3A] : memref<1048576xf32, #tpu.memory_space<hbm>> -> memref<64xf32, #tpu.memory_space<hbm>>
          %dma_start3A_409 = tpu.memref_slice %arg5[%multiple_of3A] : memref<1048576xf32, #tpu.memory_space<hbm>> -> memref<64xf32, #tpu.memory_space<hbm>>
          %dma_start3A_410 = arith.constant 0 : i32
          %dma_start3A_411 = tpu.memref_slice %arg12[%dma_start3A, %dma_start3A_410] : memref<16x64xf32, #tpu.memory_space<vmem>> -> memref<1x64xf32, #tpu.memory_space<vmem>>
          %dma_start3A_412 = tpu.memref_squeeze %dma_start3A_411 : memref<1x64xf32, #tpu.memory_space<vmem>> -> memref<64xf32, #tpu.memory_space<vmem>>
          tpu.enqueue_dma source(%dma_start3A_412 : memref<64xf32, #tpu.memory_space<vmem>>) target(%dma_start3A_409 : memref<64xf32, #tpu.memory_space<hbm>>) target_semaphore(%arg14 : memref<!tpu.dma_semaphore, #tpu.memory_space<semaphore_mem>>)
        } else {
        }
        %gt3A_335 = arith.constant 5 : i32
        %gt3A_336 = arith.cmpi sgt, %min3A_310, %gt3A_335 : i32
        %convert_element_type3A_337 = arith.extui %gt3A_336 : i1 to i32
        %cond3A_338 = arith.constant 0 : i32
        %cond3A_339 = arith.cmpi ne, %convert_element_type3A_337, %cond3A_338 : i32
        scf.if %cond3A_339 {
          %slice3A = vector.extract_strided_slice %get3A_116 {offsets = [5], sizes = [1], strides = [1]} : vector<16xi32> to vector<1xi32>
          %squeeze3A = vector.extract %slice3A[0] : i32 from vector<1xi32>
          %mul3A_403 = arith.constant 64 : i32
          %mul3A_404 = arith.muli %squeeze3A, %mul3A_403 : i32
          %multiple_of3A = tpu.assume_multiple %mul3A_404, 8 : i32
          %dma_start3A = arith.constant 5 : i32
          %dma_start3A_405 = arith.constant 0 : i32
          %dma_start3A_406 = tpu.memref_slice %arg12[%dma_start3A, %dma_start3A_405] : memref<16x64xf32, #tpu.memory_space<vmem>> -> memref<1x64xf32, #tpu.memory_space<vmem>>
          %dma_start3A_407 = tpu.memref_squeeze %dma_start3A_406 : memref<1x64xf32, #tpu.memory_space<vmem>> -> memref<64xf32, #tpu.memory_space<vmem>>
          %dma_start3A_408 = tpu.memref_slice %arg5[%multiple_of3A] : memref<1048576xf32, #tpu.memory_space<hbm>> -> memref<64xf32, #tpu.memory_space<hbm>>
          %dma_start3A_409 = tpu.memref_slice %arg5[%multiple_of3A] : memref<1048576xf32, #tpu.memory_space<hbm>> -> memref<64xf32, #tpu.memory_space<hbm>>
          %dma_start3A_410 = arith.constant 0 : i32
          %dma_start3A_411 = tpu.memref_slice %arg12[%dma_start3A, %dma_start3A_410] : memref<16x64xf32, #tpu.memory_space<vmem>> -> memref<1x64xf32, #tpu.memory_space<vmem>>
          %dma_start3A_412 = tpu.memref_squeeze %dma_start3A_411 : memref<1x64xf32, #tpu.memory_space<vmem>> -> memref<64xf32, #tpu.memory_space<vmem>>
          tpu.enqueue_dma source(%dma_start3A_412 : memref<64xf32, #tpu.memory_space<vmem>>) target(%dma_start3A_409 : memref<64xf32, #tpu.memory_space<hbm>>) target_semaphore(%arg14 : memref<!tpu.dma_semaphore, #tpu.memory_space<semaphore_mem>>)
        } else {
        }
        %gt3A_340 = arith.constant 6 : i32
        %gt3A_341 = arith.cmpi sgt, %min3A_310, %gt3A_340 : i32
        %convert_element_type3A_342 = arith.extui %gt3A_341 : i1 to i32
        %cond3A_343 = arith.constant 0 : i32
        %cond3A_344 = arith.cmpi ne, %convert_element_type3A_342, %cond3A_343 : i32
        scf.if %cond3A_344 {
          %slice3A = vector.extract_strided_slice %get3A_116 {offsets = [6], sizes = [1], strides = [1]} : vector<16xi32> to vector<1xi32>
          %squeeze3A = vector.extract %slice3A[0] : i32 from vector<1xi32>
          %mul3A_403 = arith.constant 64 : i32
          %mul3A_404 = arith.muli %squeeze3A, %mul3A_403 : i32
          %multiple_of3A = tpu.assume_multiple %mul3A_404, 8 : i32
          %dma_start3A = arith.constant 6 : i32
          %dma_start3A_405 = arith.constant 0 : i32
          %dma_start3A_406 = tpu.memref_slice %arg12[%dma_start3A, %dma_start3A_405] : memref<16x64xf32, #tpu.memory_space<vmem>> -> memref<1x64xf32, #tpu.memory_space<vmem>>
          %dma_start3A_407 = tpu.memref_squeeze %dma_start3A_406 : memref<1x64xf32, #tpu.memory_space<vmem>> -> memref<64xf32, #tpu.memory_space<vmem>>
          %dma_start3A_408 = tpu.memref_slice %arg5[%multiple_of3A] : memref<1048576xf32, #tpu.memory_space<hbm>> -> memref<64xf32, #tpu.memory_space<hbm>>
          %dma_start3A_409 = tpu.memref_slice %arg5[%multiple_of3A] : memref<1048576xf32, #tpu.memory_space<hbm>> -> memref<64xf32, #tpu.memory_space<hbm>>
          %dma_start3A_410 = arith.constant 0 : i32
          %dma_start3A_411 = tpu.memref_slice %arg12[%dma_start3A, %dma_start3A_410] : memref<16x64xf32, #tpu.memory_space<vmem>> -> memref<1x64xf32, #tpu.memory_space<vmem>>
          %dma_start3A_412 = tpu.memref_squeeze %dma_start3A_411 : memref<1x64xf32, #tpu.memory_space<vmem>> -> memref<64xf32, #tpu.memory_space<vmem>>
          tpu.enqueue_dma source(%dma_start3A_412 : memref<64xf32, #tpu.memory_space<vmem>>) target(%dma_start3A_409 : memref<64xf32, #tpu.memory_space<hbm>>) target_semaphore(%arg14 : memref<!tpu.dma_semaphore, #tpu.memory_space<semaphore_mem>>)
        } else {
        }
        %gt3A_345 = arith.constant 7 : i32
        %gt3A_346 = arith.cmpi sgt, %min3A_310, %gt3A_345 : i32
        %convert_element_type3A_347 = arith.extui %gt3A_346 : i1 to i32
        %cond3A_348 = arith.constant 0 : i32
        %cond3A_349 = arith.cmpi ne, %convert_element_type3A_347, %cond3A_348 : i32
        scf.if %cond3A_349 {
          %slice3A = vector.extract_strided_slice %get3A_116 {offsets = [7], sizes = [1], strides = [1]} : vector<16xi32> to vector<1xi32>
          %squeeze3A = vector.extract %slice3A[0] : i32 from vector<1xi32>
          %mul3A_403 = arith.constant 64 : i32
          %mul3A_404 = arith.muli %squeeze3A, %mul3A_403 : i32
          %multiple_of3A = tpu.assume_multiple %mul3A_404, 8 : i32
          %dma_start3A = arith.constant 7 : i32
          %dma_start3A_405 = arith.constant 0 : i32
          %dma_start3A_406 = tpu.memref_slice %arg12[%dma_start3A, %dma_start3A_405] : memref<16x64xf32, #tpu.memory_space<vmem>> -> memref<1x64xf32, #tpu.memory_space<vmem>>
          %dma_start3A_407 = tpu.memref_squeeze %dma_start3A_406 : memref<1x64xf32, #tpu.memory_space<vmem>> -> memref<64xf32, #tpu.memory_space<vmem>>
          %dma_start3A_408 = tpu.memref_slice %arg5[%multiple_of3A] : memref<1048576xf32, #tpu.memory_space<hbm>> -> memref<64xf32, #tpu.memory_space<hbm>>
          %dma_start3A_409 = tpu.memref_slice %arg5[%multiple_of3A] : memref<1048576xf32, #tpu.memory_space<hbm>> -> memref<64xf32, #tpu.memory_space<hbm>>
          %dma_start3A_410 = arith.constant 0 : i32
          %dma_start3A_411 = tpu.memref_slice %arg12[%dma_start3A, %dma_start3A_410] : memref<16x64xf32, #tpu.memory_space<vmem>> -> memref<1x64xf32, #tpu.memory_space<vmem>>
          %dma_start3A_412 = tpu.memref_squeeze %dma_start3A_411 : memref<1x64xf32, #tpu.memory_space<vmem>> -> memref<64xf32, #tpu.memory_space<vmem>>
          tpu.enqueue_dma source(%dma_start3A_412 : memref<64xf32, #tpu.memory_space<vmem>>) target(%dma_start3A_409 : memref<64xf32, #tpu.memory_space<hbm>>) target_semaphore(%arg14 : memref<!tpu.dma_semaphore, #tpu.memory_space<semaphore_mem>>)
        } else {
        }
        %gt3A_350 = arith.constant 8 : i32
        %gt3A_351 = arith.cmpi sgt, %min3A_310, %gt3A_350 : i32
        %convert_element_type3A_352 = arith.extui %gt3A_351 : i1 to i32
        %cond3A_353 = arith.constant 0 : i32
        %cond3A_354 = arith.cmpi ne, %convert_element_type3A_352, %cond3A_353 : i32
        scf.if %cond3A_354 {
          %slice3A = vector.extract_strided_slice %get3A_116 {offsets = [8], sizes = [1], strides = [1]} : vector<16xi32> to vector<1xi32>
          %squeeze3A = vector.extract %slice3A[0] : i32 from vector<1xi32>
          %mul3A_403 = arith.constant 64 : i32
          %mul3A_404 = arith.muli %squeeze3A, %mul3A_403 : i32
          %multiple_of3A = tpu.assume_multiple %mul3A_404, 8 : i32
          %dma_start3A = arith.constant 8 : i32
          %dma_start3A_405 = arith.constant 0 : i32
          %dma_start3A_406 = tpu.memref_slice %arg12[%dma_start3A, %dma_start3A_405] : memref<16x64xf32, #tpu.memory_space<vmem>> -> memref<1x64xf32, #tpu.memory_space<vmem>>
          %dma_start3A_407 = tpu.memref_squeeze %dma_start3A_406 : memref<1x64xf32, #tpu.memory_space<vmem>> -> memref<64xf32, #tpu.memory_space<vmem>>
          %dma_start3A_408 = tpu.memref_slice %arg5[%multiple_of3A] : memref<1048576xf32, #tpu.memory_space<hbm>> -> memref<64xf32, #tpu.memory_space<hbm>>
          %dma_start3A_409 = tpu.memref_slice %arg5[%multiple_of3A] : memref<1048576xf32, #tpu.memory_space<hbm>> -> memref<64xf32, #tpu.memory_space<hbm>>
          %dma_start3A_410 = arith.constant 0 : i32
          %dma_start3A_411 = tpu.memref_slice %arg12[%dma_start3A, %dma_start3A_410] : memref<16x64xf32, #tpu.memory_space<vmem>> -> memref<1x64xf32, #tpu.memory_space<vmem>>
          %dma_start3A_412 = tpu.memref_squeeze %dma_start3A_411 : memref<1x64xf32, #tpu.memory_space<vmem>> -> memref<64xf32, #tpu.memory_space<vmem>>
          tpu.enqueue_dma source(%dma_start3A_412 : memref<64xf32, #tpu.memory_space<vmem>>) target(%dma_start3A_409 : memref<64xf32, #tpu.memory_space<hbm>>) target_semaphore(%arg14 : memref<!tpu.dma_semaphore, #tpu.memory_space<semaphore_mem>>)
        } else {
        }
        %gt3A_355 = arith.constant 9 : i32
        %gt3A_356 = arith.cmpi sgt, %min3A_310, %gt3A_355 : i32
        %convert_element_type3A_357 = arith.extui %gt3A_356 : i1 to i32
        %cond3A_358 = arith.constant 0 : i32
        %cond3A_359 = arith.cmpi ne, %convert_element_type3A_357, %cond3A_358 : i32
        scf.if %cond3A_359 {
          %slice3A = vector.extract_strided_slice %get3A_116 {offsets = [9], sizes = [1], strides = [1]} : vector<16xi32> to vector<1xi32>
          %squeeze3A = vector.extract %slice3A[0] : i32 from vector<1xi32>
          %mul3A_403 = arith.constant 64 : i32
          %mul3A_404 = arith.muli %squeeze3A, %mul3A_403 : i32
          %multiple_of3A = tpu.assume_multiple %mul3A_404, 8 : i32
          %dma_start3A = arith.constant 9 : i32
          %dma_start3A_405 = arith.constant 0 : i32
          %dma_start3A_406 = tpu.memref_slice %arg12[%dma_start3A, %dma_start3A_405] : memref<16x64xf32, #tpu.memory_space<vmem>> -> memref<1x64xf32, #tpu.memory_space<vmem>>
          %dma_start3A_407 = tpu.memref_squeeze %dma_start3A_406 : memref<1x64xf32, #tpu.memory_space<vmem>> -> memref<64xf32, #tpu.memory_space<vmem>>
          %dma_start3A_408 = tpu.memref_slice %arg5[%multiple_of3A] : memref<1048576xf32, #tpu.memory_space<hbm>> -> memref<64xf32, #tpu.memory_space<hbm>>
          %dma_start3A_409 = tpu.memref_slice %arg5[%multiple_of3A] : memref<1048576xf32, #tpu.memory_space<hbm>> -> memref<64xf32, #tpu.memory_space<hbm>>
          %dma_start3A_410 = arith.constant 0 : i32
          %dma_start3A_411 = tpu.memref_slice %arg12[%dma_start3A, %dma_start3A_410] : memref<16x64xf32, #tpu.memory_space<vmem>> -> memref<1x64xf32, #tpu.memory_space<vmem>>
          %dma_start3A_412 = tpu.memref_squeeze %dma_start3A_411 : memref<1x64xf32, #tpu.memory_space<vmem>> -> memref<64xf32, #tpu.memory_space<vmem>>
          tpu.enqueue_dma source(%dma_start3A_412 : memref<64xf32, #tpu.memory_space<vmem>>) target(%dma_start3A_409 : memref<64xf32, #tpu.memory_space<hbm>>) target_semaphore(%arg14 : memref<!tpu.dma_semaphore, #tpu.memory_space<semaphore_mem>>)
        } else {
        }
        %gt3A_360 = arith.constant 10 : i32
        %gt3A_361 = arith.cmpi sgt, %min3A_310, %gt3A_360 : i32
        %convert_element_type3A_362 = arith.extui %gt3A_361 : i1 to i32
        %cond3A_363 = arith.constant 0 : i32
        %cond3A_364 = arith.cmpi ne, %convert_element_type3A_362, %cond3A_363 : i32
        scf.if %cond3A_364 {
          %slice3A = vector.extract_strided_slice %get3A_116 {offsets = [10], sizes = [1], strides = [1]} : vector<16xi32> to vector<1xi32>
          %squeeze3A = vector.extract %slice3A[0] : i32 from vector<1xi32>
          %mul3A_403 = arith.constant 64 : i32
          %mul3A_404 = arith.muli %squeeze3A, %mul3A_403 : i32
          %multiple_of3A = tpu.assume_multiple %mul3A_404, 8 : i32
          %dma_start3A = arith.constant 10 : i32
          %dma_start3A_405 = arith.constant 0 : i32
          %dma_start3A_406 = tpu.memref_slice %arg12[%dma_start3A, %dma_start3A_405] : memref<16x64xf32, #tpu.memory_space<vmem>> -> memref<1x64xf32, #tpu.memory_space<vmem>>
          %dma_start3A_407 = tpu.memref_squeeze %dma_start3A_406 : memref<1x64xf32, #tpu.memory_space<vmem>> -> memref<64xf32, #tpu.memory_space<vmem>>
          %dma_start3A_408 = tpu.memref_slice %arg5[%multiple_of3A] : memref<1048576xf32, #tpu.memory_space<hbm>> -> memref<64xf32, #tpu.memory_space<hbm>>
          %dma_start3A_409 = tpu.memref_slice %arg5[%multiple_of3A] : memref<1048576xf32, #tpu.memory_space<hbm>> -> memref<64xf32, #tpu.memory_space<hbm>>
          %dma_start3A_410 = arith.constant 0 : i32
          %dma_start3A_411 = tpu.memref_slice %arg12[%dma_start3A, %dma_start3A_410] : memref<16x64xf32, #tpu.memory_space<vmem>> -> memref<1x64xf32, #tpu.memory_space<vmem>>
          %dma_start3A_412 = tpu.memref_squeeze %dma_start3A_411 : memref<1x64xf32, #tpu.memory_space<vmem>> -> memref<64xf32, #tpu.memory_space<vmem>>
          tpu.enqueue_dma source(%dma_start3A_412 : memref<64xf32, #tpu.memory_space<vmem>>) target(%dma_start3A_409 : memref<64xf32, #tpu.memory_space<hbm>>) target_semaphore(%arg14 : memref<!tpu.dma_semaphore, #tpu.memory_space<semaphore_mem>>)
        } else {
        }
        %gt3A_365 = arith.constant 11 : i32
        %gt3A_366 = arith.cmpi sgt, %min3A_310, %gt3A_365 : i32
        %convert_element_type3A_367 = arith.extui %gt3A_366 : i1 to i32
        %cond3A_368 = arith.constant 0 : i32
        %cond3A_369 = arith.cmpi ne, %convert_element_type3A_367, %cond3A_368 : i32
        scf.if %cond3A_369 {
          %slice3A = vector.extract_strided_slice %get3A_116 {offsets = [11], sizes = [1], strides = [1]} : vector<16xi32> to vector<1xi32>
          %squeeze3A = vector.extract %slice3A[0] : i32 from vector<1xi32>
          %mul3A_403 = arith.constant 64 : i32
          %mul3A_404 = arith.muli %squeeze3A, %mul3A_403 : i32
          %multiple_of3A = tpu.assume_multiple %mul3A_404, 8 : i32
          %dma_start3A = arith.constant 11 : i32
          %dma_start3A_405 = arith.constant 0 : i32
          %dma_start3A_406 = tpu.memref_slice %arg12[%dma_start3A, %dma_start3A_405] : memref<16x64xf32, #tpu.memory_space<vmem>> -> memref<1x64xf32, #tpu.memory_space<vmem>>
          %dma_start3A_407 = tpu.memref_squeeze %dma_start3A_406 : memref<1x64xf32, #tpu.memory_space<vmem>> -> memref<64xf32, #tpu.memory_space<vmem>>
          %dma_start3A_408 = tpu.memref_slice %arg5[%multiple_of3A] : memref<1048576xf32, #tpu.memory_space<hbm>> -> memref<64xf32, #tpu.memory_space<hbm>>
          %dma_start3A_409 = tpu.memref_slice %arg5[%multiple_of3A] : memref<1048576xf32, #tpu.memory_space<hbm>> -> memref<64xf32, #tpu.memory_space<hbm>>
          %dma_start3A_410 = arith.constant 0 : i32
          %dma_start3A_411 = tpu.memref_slice %arg12[%dma_start3A, %dma_start3A_410] : memref<16x64xf32, #tpu.memory_space<vmem>> -> memref<1x64xf32, #tpu.memory_space<vmem>>
          %dma_start3A_412 = tpu.memref_squeeze %dma_start3A_411 : memref<1x64xf32, #tpu.memory_space<vmem>> -> memref<64xf32, #tpu.memory_space<vmem>>
          tpu.enqueue_dma source(%dma_start3A_412 : memref<64xf32, #tpu.memory_space<vmem>>) target(%dma_start3A_409 : memref<64xf32, #tpu.memory_space<hbm>>) target_semaphore(%arg14 : memref<!tpu.dma_semaphore, #tpu.memory_space<semaphore_mem>>)
        } else {
        }
        %gt3A_370 = arith.constant 12 : i32
        %gt3A_371 = arith.cmpi sgt, %min3A_310, %gt3A_370 : i32
        %convert_element_type3A_372 = arith.extui %gt3A_371 : i1 to i32
        %cond3A_373 = arith.constant 0 : i32
        %cond3A_374 = arith.cmpi ne, %convert_element_type3A_372, %cond3A_373 : i32
        scf.if %cond3A_374 {
          %slice3A = vector.extract_strided_slice %get3A_116 {offsets = [12], sizes = [1], strides = [1]} : vector<16xi32> to vector<1xi32>
          %squeeze3A = vector.extract %slice3A[0] : i32 from vector<1xi32>
          %mul3A_403 = arith.constant 64 : i32
          %mul3A_404 = arith.muli %squeeze3A, %mul3A_403 : i32
          %multiple_of3A = tpu.assume_multiple %mul3A_404, 8 : i32
          %dma_start3A = arith.constant 12 : i32
          %dma_start3A_405 = arith.constant 0 : i32
          %dma_start3A_406 = tpu.memref_slice %arg12[%dma_start3A, %dma_start3A_405] : memref<16x64xf32, #tpu.memory_space<vmem>> -> memref<1x64xf32, #tpu.memory_space<vmem>>
          %dma_start3A_407 = tpu.memref_squeeze %dma_start3A_406 : memref<1x64xf32, #tpu.memory_space<vmem>> -> memref<64xf32, #tpu.memory_space<vmem>>
          %dma_start3A_408 = tpu.memref_slice %arg5[%multiple_of3A] : memref<1048576xf32, #tpu.memory_space<hbm>> -> memref<64xf32, #tpu.memory_space<hbm>>
          %dma_start3A_409 = tpu.memref_slice %arg5[%multiple_of3A] : memref<1048576xf32, #tpu.memory_space<hbm>> -> memref<64xf32, #tpu.memory_space<hbm>>
          %dma_start3A_410 = arith.constant 0 : i32
          %dma_start3A_411 = tpu.memref_slice %arg12[%dma_start3A, %dma_start3A_410] : memref<16x64xf32, #tpu.memory_space<vmem>> -> memref<1x64xf32, #tpu.memory_space<vmem>>
          %dma_start3A_412 = tpu.memref_squeeze %dma_start3A_411 : memref<1x64xf32, #tpu.memory_space<vmem>> -> memref<64xf32, #tpu.memory_space<vmem>>
          tpu.enqueue_dma source(%dma_start3A_412 : memref<64xf32, #tpu.memory_space<vmem>>) target(%dma_start3A_409 : memref<64xf32, #tpu.memory_space<hbm>>) target_semaphore(%arg14 : memref<!tpu.dma_semaphore, #tpu.memory_space<semaphore_mem>>)
        } else {
        }
        %gt3A_375 = arith.constant 13 : i32
        %gt3A_376 = arith.cmpi sgt, %min3A_310, %gt3A_375 : i32
        %convert_element_type3A_377 = arith.extui %gt3A_376 : i1 to i32
        %cond3A_378 = arith.constant 0 : i32
        %cond3A_379 = arith.cmpi ne, %convert_element_type3A_377, %cond3A_378 : i32
        scf.if %cond3A_379 {
          %slice3A = vector.extract_strided_slice %get3A_116 {offsets = [13], sizes = [1], strides = [1]} : vector<16xi32> to vector<1xi32>
          %squeeze3A = vector.extract %slice3A[0] : i32 from vector<1xi32>
          %mul3A_403 = arith.constant 64 : i32
          %mul3A_404 = arith.muli %squeeze3A, %mul3A_403 : i32
          %multiple_of3A = tpu.assume_multiple %mul3A_404, 8 : i32
          %dma_start3A = arith.constant 13 : i32
          %dma_start3A_405 = arith.constant 0 : i32
          %dma_start3A_406 = tpu.memref_slice %arg12[%dma_start3A, %dma_start3A_405] : memref<16x64xf32, #tpu.memory_space<vmem>> -> memref<1x64xf32, #tpu.memory_space<vmem>>
          %dma_start3A_407 = tpu.memref_squeeze %dma_start3A_406 : memref<1x64xf32, #tpu.memory_space<vmem>> -> memref<64xf32, #tpu.memory_space<vmem>>
          %dma_start3A_408 = tpu.memref_slice %arg5[%multiple_of3A] : memref<1048576xf32, #tpu.memory_space<hbm>> -> memref<64xf32, #tpu.memory_space<hbm>>
          %dma_start3A_409 = tpu.memref_slice %arg5[%multiple_of3A] : memref<1048576xf32, #tpu.memory_space<hbm>> -> memref<64xf32, #tpu.memory_space<hbm>>
          %dma_start3A_410 = arith.constant 0 : i32
          %dma_start3A_411 = tpu.memref_slice %arg12[%dma_start3A, %dma_start3A_410] : memref<16x64xf32, #tpu.memory_space<vmem>> -> memref<1x64xf32, #tpu.memory_space<vmem>>
          %dma_start3A_412 = tpu.memref_squeeze %dma_start3A_411 : memref<1x64xf32, #tpu.memory_space<vmem>> -> memref<64xf32, #tpu.memory_space<vmem>>
          tpu.enqueue_dma source(%dma_start3A_412 : memref<64xf32, #tpu.memory_space<vmem>>) target(%dma_start3A_409 : memref<64xf32, #tpu.memory_space<hbm>>) target_semaphore(%arg14 : memref<!tpu.dma_semaphore, #tpu.memory_space<semaphore_mem>>)
        } else {
        }
        %gt3A_380 = arith.constant 14 : i32
        %gt3A_381 = arith.cmpi sgt, %min3A_310, %gt3A_380 : i32
        %convert_element_type3A_382 = arith.extui %gt3A_381 : i1 to i32
        %cond3A_383 = arith.constant 0 : i32
        %cond3A_384 = arith.cmpi ne, %convert_element_type3A_382, %cond3A_383 : i32
        scf.if %cond3A_384 {
          %slice3A = vector.extract_strided_slice %get3A_116 {offsets = [14], sizes = [1], strides = [1]} : vector<16xi32> to vector<1xi32>
          %squeeze3A = vector.extract %slice3A[0] : i32 from vector<1xi32>
          %mul3A_403 = arith.constant 64 : i32
          %mul3A_404 = arith.muli %squeeze3A, %mul3A_403 : i32
          %multiple_of3A = tpu.assume_multiple %mul3A_404, 8 : i32
          %dma_start3A = arith.constant 14 : i32
          %dma_start3A_405 = arith.constant 0 : i32
          %dma_start3A_406 = tpu.memref_slice %arg12[%dma_start3A, %dma_start3A_405] : memref<16x64xf32, #tpu.memory_space<vmem>> -> memref<1x64xf32, #tpu.memory_space<vmem>>
          %dma_start3A_407 = tpu.memref_squeeze %dma_start3A_406 : memref<1x64xf32, #tpu.memory_space<vmem>> -> memref<64xf32, #tpu.memory_space<vmem>>
          %dma_start3A_408 = tpu.memref_slice %arg5[%multiple_of3A] : memref<1048576xf32, #tpu.memory_space<hbm>> -> memref<64xf32, #tpu.memory_space<hbm>>
          %dma_start3A_409 = tpu.memref_slice %arg5[%multiple_of3A] : memref<1048576xf32, #tpu.memory_space<hbm>> -> memref<64xf32, #tpu.memory_space<hbm>>
          %dma_start3A_410 = arith.constant 0 : i32
          %dma_start3A_411 = tpu.memref_slice %arg12[%dma_start3A, %dma_start3A_410] : memref<16x64xf32, #tpu.memory_space<vmem>> -> memref<1x64xf32, #tpu.memory_space<vmem>>
          %dma_start3A_412 = tpu.memref_squeeze %dma_start3A_411 : memref<1x64xf32, #tpu.memory_space<vmem>> -> memref<64xf32, #tpu.memory_space<vmem>>
          tpu.enqueue_dma source(%dma_start3A_412 : memref<64xf32, #tpu.memory_space<vmem>>) target(%dma_start3A_409 : memref<64xf32, #tpu.memory_space<hbm>>) target_semaphore(%arg14 : memref<!tpu.dma_semaphore, #tpu.memory_space<semaphore_mem>>)
        } else {
        }
        %gt3A_385 = arith.constant 15 : i32
        %gt3A_386 = arith.cmpi sgt, %min3A_310, %gt3A_385 : i32
        %convert_element_type3A_387 = arith.extui %gt3A_386 : i1 to i32
        %cond3A_388 = arith.constant 0 : i32
        %cond3A_389 = arith.cmpi ne, %convert_element_type3A_387, %cond3A_388 : i32
        scf.if %cond3A_389 {
          %slice3A = vector.extract_strided_slice %get3A_116 {offsets = [15], sizes = [1], strides = [1]} : vector<16xi32> to vector<1xi32>
          %squeeze3A = vector.extract %slice3A[0] : i32 from vector<1xi32>
          %mul3A_403 = arith.constant 64 : i32
          %mul3A_404 = arith.muli %squeeze3A, %mul3A_403 : i32
          %multiple_of3A = tpu.assume_multiple %mul3A_404, 8 : i32
          %dma_start3A = arith.constant 15 : i32
          %dma_start3A_405 = arith.constant 0 : i32
          %dma_start3A_406 = tpu.memref_slice %arg12[%dma_start3A, %dma_start3A_405] : memref<16x64xf32, #tpu.memory_space<vmem>> -> memref<1x64xf32, #tpu.memory_space<vmem>>
          %dma_start3A_407 = tpu.memref_squeeze %dma_start3A_406 : memref<1x64xf32, #tpu.memory_space<vmem>> -> memref<64xf32, #tpu.memory_space<vmem>>
          %dma_start3A_408 = tpu.memref_slice %arg5[%multiple_of3A] : memref<1048576xf32, #tpu.memory_space<hbm>> -> memref<64xf32, #tpu.memory_space<hbm>>
          %dma_start3A_409 = tpu.memref_slice %arg5[%multiple_of3A] : memref<1048576xf32, #tpu.memory_space<hbm>> -> memref<64xf32, #tpu.memory_space<hbm>>
          %dma_start3A_410 = arith.constant 0 : i32
          %dma_start3A_411 = tpu.memref_slice %arg12[%dma_start3A, %dma_start3A_410] : memref<16x64xf32, #tpu.memory_space<vmem>> -> memref<1x64xf32, #tpu.memory_space<vmem>>
          %dma_start3A_412 = tpu.memref_squeeze %dma_start3A_411 : memref<1x64xf32, #tpu.memory_space<vmem>> -> memref<64xf32, #tpu.memory_space<vmem>>
          tpu.enqueue_dma source(%dma_start3A_412 : memref<64xf32, #tpu.memory_space<vmem>>) target(%dma_start3A_409 : memref<64xf32, #tpu.memory_space<hbm>>) target_semaphore(%arg14 : memref<!tpu.dma_semaphore, #tpu.memory_space<semaphore_mem>>)
        } else {
        }
        %while3A_390 = arith.constant 0 : i32
        %while3A_391 = arith.constant 0 : i32
        %while3A_392 = arith.subi %min3A_310, %while3A_390 : i32
        %while3A_393 = arith.addi %while3A_390, %while3A_392 : i32
        %while3A_394 = arith.constant 1 : i32
        %while3A_395 = arith.divsi %while3A_392, %while3A_394 : i32
        %while3A_396 = arith.muli %while3A_395, %while3A_394 : i32
        %while3A_397 = arith.addi %while3A_390, %while3A_396 : i32
        %while3A_398 = arith.constant 1 : i32
        %while3A_399 = scf.for %while3A_403 = %while3A_390 to %while3A_397 step %while3A_398 iter_args(%while3A_404 = %while3A_391) -> (i32)  : i32 {
          %dma_wait3A = arith.constant 0 : i32
          %dma_wait3A_405 = arith.constant 0 : i32
          %dma_wait3A_406 = tpu.memref_slice %arg12[%dma_wait3A, %dma_wait3A_405] : memref<16x64xf32, #tpu.memory_space<vmem>> -> memref<1x64xf32, #tpu.memory_space<vmem>>
          %dma_wait3A_407 = tpu.memref_squeeze %dma_wait3A_406 : memref<1x64xf32, #tpu.memory_space<vmem>> -> memref<64xf32, #tpu.memory_space<vmem>>
          %dma_wait3A_408 = arith.constant 0 : i32
          %dma_wait3A_409 = tpu.memref_slice %arg5[%dma_wait3A_408] : memref<1048576xf32, #tpu.memory_space<hbm>> -> memref<64xf32, #tpu.memory_space<hbm>>
          %dma_wait3A_410 = arith.constant 0 : i32
          %dma_wait3A_411 = tpu.memref_slice %arg5[%dma_wait3A_410] : memref<1048576xf32, #tpu.memory_space<hbm>> -> memref<64xf32, #tpu.memory_space<hbm>>
          %dma_wait3A_412 = arith.constant 0 : i32
          %dma_wait3A_413 = tpu.memref_slice %arg12[%dma_wait3A, %dma_wait3A_412] : memref<16x64xf32, #tpu.memory_space<vmem>> -> memref<1x64xf32, #tpu.memory_space<vmem>>
          %dma_wait3A_414 = tpu.memref_squeeze %dma_wait3A_413 : memref<1x64xf32, #tpu.memory_space<vmem>> -> memref<64xf32, #tpu.memory_space<vmem>>
          tpu.wait_dma2 semaphore(%arg14 : memref<!tpu.dma_semaphore, #tpu.memory_space<semaphore_mem>>) src(%dma_wait3A_414 : memref<64xf32, #tpu.memory_space<vmem>>) dst(%dma_wait3A_411 : memref<64xf32, #tpu.memory_space<hbm>>)
          %while3A_415 = arith.constant 0 : i32
          scf.yield %while3A_415 : i32
        }
        %while3A_400 = arith.constant 1 : i32
        %while3A_401 = scf.for %while3A_403 = %while3A_397 to %while3A_393 step %while3A_400 iter_args(%while3A_404 = %while3A_399) -> (i32)  : i32 {
          %dma_wait3A = arith.constant 0 : i32
          %dma_wait3A_405 = arith.constant 0 : i32
          %dma_wait3A_406 = tpu.memref_slice %arg12[%dma_wait3A, %dma_wait3A_405] : memref<16x64xf32, #tpu.memory_space<vmem>> -> memref<1x64xf32, #tpu.memory_space<vmem>>
          %dma_wait3A_407 = tpu.memref_squeeze %dma_wait3A_406 : memref<1x64xf32, #tpu.memory_space<vmem>> -> memref<64xf32, #tpu.memory_space<vmem>>
          %dma_wait3A_408 = arith.constant 0 : i32
          %dma_wait3A_409 = tpu.memref_slice %arg5[%dma_wait3A_408] : memref<1048576xf32, #tpu.memory_space<hbm>> -> memref<64xf32, #tpu.memory_space<hbm>>
          %dma_wait3A_410 = arith.constant 0 : i32
          %dma_wait3A_411 = tpu.memref_slice %arg5[%dma_wait3A_410] : memref<1048576xf32, #tpu.memory_space<hbm>> -> memref<64xf32, #tpu.memory_space<hbm>>
          %dma_wait3A_412 = arith.constant 0 : i32
          %dma_wait3A_413 = tpu.memref_slice %arg12[%dma_wait3A, %dma_wait3A_412] : memref<16x64xf32, #tpu.memory_space<vmem>> -> memref<1x64xf32, #tpu.memory_space<vmem>>
          %dma_wait3A_414 = tpu.memref_squeeze %dma_wait3A_413 : memref<1x64xf32, #tpu.memory_space<vmem>> -> memref<64xf32, #tpu.memory_space<vmem>>
          tpu.wait_dma2 semaphore(%arg14 : memref<!tpu.dma_semaphore, #tpu.memory_space<semaphore_mem>>) src(%dma_wait3A_414 : memref<64xf32, #tpu.memory_space<vmem>>) dst(%dma_wait3A_411 : memref<64xf32, #tpu.memory_space<hbm>>)
          %while3A_415 = arith.constant 0 : i32
          scf.yield %while3A_415 : i32
        }
        %while3A_402 = arith.constant 0 : i32
        scf.yield %while3A_402 : i32
      }
      %while3A_100 = arith.constant 1 : i32
      %while3A_101 = scf.for %while3A_103 = %while3A_97 to %while3A_93 step %while3A_100 iter_args(%while3A_104 = %while3A_99) -> (i32)  : i32 {
        %mul3A_105 = arith.constant 16 : i32
        %mul3A_106 = arith.muli %while3A_103, %mul3A_105 : i32
        %get3A = arith.index_cast %mul3A_106 : i32 to index
        %get3A_107 = tpu.vector_load %arg9[%get3A] {strides = array<i32>} : memref<64xi32, #tpu.memory_space<vmem>>, vector<16xi32>,
        %sub3A_108 = vector.broadcast %select_n3A_38 : i32 to vector<16xi32>
        %sub3A_109 = arith.subi %get3A_107, %sub3A_108 : vector<16xi32>
        %and3A_110 = arith.constant 1023 : i32
        %and3A_111 = vector.broadcast %and3A_110 : i32 to vector<16xi32>
        %and3A_112 = arith.andi %sub3A_109, %and3A_111 : vector<16xi32>
        %mul3A_113 = arith.constant 16 : i32
        %mul3A_114 = arith.muli %while3A_103, %mul3A_113 : i32
        %get3A_115 = arith.index_cast %mul3A_114 : i32 to index
        %get3A_116 = tpu.vector_load %arg10[%get3A_115] {strides = array<i32>} : memref<64xi32, #tpu.memory_space<vmem>>, vector<16xi32>,
        %broadcast_in_dim3A = arith.constant 0 : i32
        %broadcast_in_dim3A_117 = vector.broadcast %broadcast_in_dim3A : i32 to vector<16xi32>
        %gather3A = tpu.vector_load_idx %arg11[%broadcast_in_dim3A_117, %and3A_112] : memref<64x1024xf32, #tpu.memory_space<vmem>>[vector<16xi32>, vector<16xi32>], vector<16xf32>,
        tpu.vector_store_idx %arg12[%iota3A, %broadcast_in_dim3A_117], %gather3A : memref<16x64xf32, #tpu.memory_space<vmem>>[vector<16xi32>, vector<16xi32>], vector<16xf32>,
        %broadcast_in_dim3A_118 = arith.constant 1 : i32
        %broadcast_in_dim3A_119 = vector.broadcast %broadcast_in_dim3A_118 : i32 to vector<16xi32>
        %gather3A_120 = tpu.vector_load_idx %arg11[%broadcast_in_dim3A_119, %and3A_112] : memref<64x1024xf32, #tpu.memory_space<vmem>>[vector<16xi32>, vector<16xi32>], vector<16xf32>,
        tpu.vector_store_idx %arg12[%iota3A, %broadcast_in_dim3A_119], %gather3A_120 : memref<16x64xf32, #tpu.memory_space<vmem>>[vector<16xi32>, vector<16xi32>], vector<16xf32>,
        %broadcast_in_dim3A_121 = arith.constant 2 : i32
        %broadcast_in_dim3A_122 = vector.broadcast %broadcast_in_dim3A_121 : i32 to vector<16xi32>
        %gather3A_123 = tpu.vector_load_idx %arg11[%broadcast_in_dim3A_122, %and3A_112] : memref<64x1024xf32, #tpu.memory_space<vmem>>[vector<16xi32>, vector<16xi32>], vector<16xf32>,
        tpu.vector_store_idx %arg12[%iota3A, %broadcast_in_dim3A_122], %gather3A_123 : memref<16x64xf32, #tpu.memory_space<vmem>>[vector<16xi32>, vector<16xi32>], vector<16xf32>,
        %broadcast_in_dim3A_124 = arith.constant 3 : i32
        %broadcast_in_dim3A_125 = vector.broadcast %broadcast_in_dim3A_124 : i32 to vector<16xi32>
        %gather3A_126 = tpu.vector_load_idx %arg11[%broadcast_in_dim3A_125, %and3A_112] : memref<64x1024xf32, #tpu.memory_space<vmem>>[vector<16xi32>, vector<16xi32>], vector<16xf32>,
        tpu.vector_store_idx %arg12[%iota3A, %broadcast_in_dim3A_125], %gather3A_126 : memref<16x64xf32, #tpu.memory_space<vmem>>[vector<16xi32>, vector<16xi32>], vector<16xf32>,
        %broadcast_in_dim3A_127 = arith.constant 4 : i32
        %broadcast_in_dim3A_128 = vector.broadcast %broadcast_in_dim3A_127 : i32 to vector<16xi32>
        %gather3A_129 = tpu.vector_load_idx %arg11[%broadcast_in_dim3A_128, %and3A_112] : memref<64x1024xf32, #tpu.memory_space<vmem>>[vector<16xi32>, vector<16xi32>], vector<16xf32>,
        tpu.vector_store_idx %arg12[%iota3A, %broadcast_in_dim3A_128], %gather3A_129 : memref<16x64xf32, #tpu.memory_space<vmem>>[vector<16xi32>, vector<16xi32>], vector<16xf32>,
        %broadcast_in_dim3A_130 = arith.constant 5 : i32
        %broadcast_in_dim3A_131 = vector.broadcast %broadcast_in_dim3A_130 : i32 to vector<16xi32>
        %gather3A_132 = tpu.vector_load_idx %arg11[%broadcast_in_dim3A_131, %and3A_112] : memref<64x1024xf32, #tpu.memory_space<vmem>>[vector<16xi32>, vector<16xi32>], vector<16xf32>,
        tpu.vector_store_idx %arg12[%iota3A, %broadcast_in_dim3A_131], %gather3A_132 : memref<16x64xf32, #tpu.memory_space<vmem>>[vector<16xi32>, vector<16xi32>], vector<16xf32>,
        %broadcast_in_dim3A_133 = arith.constant 6 : i32
        %broadcast_in_dim3A_134 = vector.broadcast %broadcast_in_dim3A_133 : i32 to vector<16xi32>
        %gather3A_135 = tpu.vector_load_idx %arg11[%broadcast_in_dim3A_134, %and3A_112] : memref<64x1024xf32, #tpu.memory_space<vmem>>[vector<16xi32>, vector<16xi32>], vector<16xf32>,
        tpu.vector_store_idx %arg12[%iota3A, %broadcast_in_dim3A_134], %gather3A_135 : memref<16x64xf32, #tpu.memory_space<vmem>>[vector<16xi32>, vector<16xi32>], vector<16xf32>,
        %broadcast_in_dim3A_136 = arith.constant 7 : i32
        %broadcast_in_dim3A_137 = vector.broadcast %broadcast_in_dim3A_136 : i32 to vector<16xi32>
        %gather3A_138 = tpu.vector_load_idx %arg11[%broadcast_in_dim3A_137, %and3A_112] : memref<64x1024xf32, #tpu.memory_space<vmem>>[vector<16xi32>, vector<16xi32>], vector<16xf32>,
        tpu.vector_store_idx %arg12[%iota3A, %broadcast_in_dim3A_137], %gather3A_138 : memref<16x64xf32, #tpu.memory_space<vmem>>[vector<16xi32>, vector<16xi32>], vector<16xf32>,
        %broadcast_in_dim3A_139 = arith.constant 8 : i32
        %broadcast_in_dim3A_140 = vector.broadcast %broadcast_in_dim3A_139 : i32 to vector<16xi32>
        %gather3A_141 = tpu.vector_load_idx %arg11[%broadcast_in_dim3A_140, %and3A_112] : memref<64x1024xf32, #tpu.memory_space<vmem>>[vector<16xi32>, vector<16xi32>], vector<16xf32>,
        tpu.vector_store_idx %arg12[%iota3A, %broadcast_in_dim3A_140], %gather3A_141 : memref<16x64xf32, #tpu.memory_space<vmem>>[vector<16xi32>, vector<16xi32>], vector<16xf32>,
        %broadcast_in_dim3A_142 = arith.constant 9 : i32
        %broadcast_in_dim3A_143 = vector.broadcast %broadcast_in_dim3A_142 : i32 to vector<16xi32>
        %gather3A_144 = tpu.vector_load_idx %arg11[%broadcast_in_dim3A_143, %and3A_112] : memref<64x1024xf32, #tpu.memory_space<vmem>>[vector<16xi32>, vector<16xi32>], vector<16xf32>,
        tpu.vector_store_idx %arg12[%iota3A, %broadcast_in_dim3A_143], %gather3A_144 : memref<16x64xf32, #tpu.memory_space<vmem>>[vector<16xi32>, vector<16xi32>], vector<16xf32>,
        %broadcast_in_dim3A_145 = arith.constant 10 : i32
        %broadcast_in_dim3A_146 = vector.broadcast %broadcast_in_dim3A_145 : i32 to vector<16xi32>
        %gather3A_147 = tpu.vector_load_idx %arg11[%broadcast_in_dim3A_146, %and3A_112] : memref<64x1024xf32, #tpu.memory_space<vmem>>[vector<16xi32>, vector<16xi32>], vector<16xf32>,
        tpu.vector_store_idx %arg12[%iota3A, %broadcast_in_dim3A_146], %gather3A_147 : memref<16x64xf32, #tpu.memory_space<vmem>>[vector<16xi32>, vector<16xi32>], vector<16xf32>,
        %broadcast_in_dim3A_148 = arith.constant 11 : i32
        %broadcast_in_dim3A_149 = vector.broadcast %broadcast_in_dim3A_148 : i32 to vector<16xi32>
        %gather3A_150 = tpu.vector_load_idx %arg11[%broadcast_in_dim3A_149, %and3A_112] : memref<64x1024xf32, #tpu.memory_space<vmem>>[vector<16xi32>, vector<16xi32>], vector<16xf32>,
        tpu.vector_store_idx %arg12[%iota3A, %broadcast_in_dim3A_149], %gather3A_150 : memref<16x64xf32, #tpu.memory_space<vmem>>[vector<16xi32>, vector<16xi32>], vector<16xf32>,
        %broadcast_in_dim3A_151 = arith.constant 12 : i32
        %broadcast_in_dim3A_152 = vector.broadcast %broadcast_in_dim3A_151 : i32 to vector<16xi32>
        %gather3A_153 = tpu.vector_load_idx %arg11[%broadcast_in_dim3A_152, %and3A_112] : memref<64x1024xf32, #tpu.memory_space<vmem>>[vector<16xi32>, vector<16xi32>], vector<16xf32>,
        tpu.vector_store_idx %arg12[%iota3A, %broadcast_in_dim3A_152], %gather3A_153 : memref<16x64xf32, #tpu.memory_space<vmem>>[vector<16xi32>, vector<16xi32>], vector<16xf32>,
        %broadcast_in_dim3A_154 = arith.constant 13 : i32
        %broadcast_in_dim3A_155 = vector.broadcast %broadcast_in_dim3A_154 : i32 to vector<16xi32>
        %gather3A_156 = tpu.vector_load_idx %arg11[%broadcast_in_dim3A_155, %and3A_112] : memref<64x1024xf32, #tpu.memory_space<vmem>>[vector<16xi32>, vector<16xi32>], vector<16xf32>,
        tpu.vector_store_idx %arg12[%iota3A, %broadcast_in_dim3A_155], %gather3A_156 : memref<16x64xf32, #tpu.memory_space<vmem>>[vector<16xi32>, vector<16xi32>], vector<16xf32>,
        %broadcast_in_dim3A_157 = arith.constant 14 : i32
        %broadcast_in_dim3A_158 = vector.broadcast %broadcast_in_dim3A_157 : i32 to vector<16xi32>
        %gather3A_159 = tpu.vector_load_idx %arg11[%broadcast_in_dim3A_158, %and3A_112] : memref<64x1024xf32, #tpu.memory_space<vmem>>[vector<16xi32>, vector<16xi32>], vector<16xf32>,
        tpu.vector_store_idx %arg12[%iota3A, %broadcast_in_dim3A_158], %gather3A_159 : memref<16x64xf32, #tpu.memory_space<vmem>>[vector<16xi32>, vector<16xi32>], vector<16xf32>,
        %broadcast_in_dim3A_160 = arith.constant 15 : i32
        %broadcast_in_dim3A_161 = vector.broadcast %broadcast_in_dim3A_160 : i32 to vector<16xi32>
        %gather3A_162 = tpu.vector_load_idx %arg11[%broadcast_in_dim3A_161, %and3A_112] : memref<64x1024xf32, #tpu.memory_space<vmem>>[vector<16xi32>, vector<16xi32>], vector<16xf32>,
        tpu.vector_store_idx %arg12[%iota3A, %broadcast_in_dim3A_161], %gather3A_162 : memref<16x64xf32, #tpu.memory_space<vmem>>[vector<16xi32>, vector<16xi32>], vector<16xf32>,
        %broadcast_in_dim3A_163 = arith.constant 16 : i32
        %broadcast_in_dim3A_164 = vector.broadcast %broadcast_in_dim3A_163 : i32 to vector<16xi32>
        %gather3A_165 = tpu.vector_load_idx %arg11[%broadcast_in_dim3A_164, %and3A_112] : memref<64x1024xf32, #tpu.memory_space<vmem>>[vector<16xi32>, vector<16xi32>], vector<16xf32>,
        tpu.vector_store_idx %arg12[%iota3A, %broadcast_in_dim3A_164], %gather3A_165 : memref<16x64xf32, #tpu.memory_space<vmem>>[vector<16xi32>, vector<16xi32>], vector<16xf32>,
        %broadcast_in_dim3A_166 = arith.constant 17 : i32
        %broadcast_in_dim3A_167 = vector.broadcast %broadcast_in_dim3A_166 : i32 to vector<16xi32>
        %gather3A_168 = tpu.vector_load_idx %arg11[%broadcast_in_dim3A_167, %and3A_112] : memref<64x1024xf32, #tpu.memory_space<vmem>>[vector<16xi32>, vector<16xi32>], vector<16xf32>,
        tpu.vector_store_idx %arg12[%iota3A, %broadcast_in_dim3A_167], %gather3A_168 : memref<16x64xf32, #tpu.memory_space<vmem>>[vector<16xi32>, vector<16xi32>], vector<16xf32>,
        %broadcast_in_dim3A_169 = arith.constant 18 : i32
        %broadcast_in_dim3A_170 = vector.broadcast %broadcast_in_dim3A_169 : i32 to vector<16xi32>
        %gather3A_171 = tpu.vector_load_idx %arg11[%broadcast_in_dim3A_170, %and3A_112] : memref<64x1024xf32, #tpu.memory_space<vmem>>[vector<16xi32>, vector<16xi32>], vector<16xf32>,
        tpu.vector_store_idx %arg12[%iota3A, %broadcast_in_dim3A_170], %gather3A_171 : memref<16x64xf32, #tpu.memory_space<vmem>>[vector<16xi32>, vector<16xi32>], vector<16xf32>,
        %broadcast_in_dim3A_172 = arith.constant 19 : i32
        %broadcast_in_dim3A_173 = vector.broadcast %broadcast_in_dim3A_172 : i32 to vector<16xi32>
        %gather3A_174 = tpu.vector_load_idx %arg11[%broadcast_in_dim3A_173, %and3A_112] : memref<64x1024xf32, #tpu.memory_space<vmem>>[vector<16xi32>, vector<16xi32>], vector<16xf32>,
        tpu.vector_store_idx %arg12[%iota3A, %broadcast_in_dim3A_173], %gather3A_174 : memref<16x64xf32, #tpu.memory_space<vmem>>[vector<16xi32>, vector<16xi32>], vector<16xf32>,
        %broadcast_in_dim3A_175 = arith.constant 20 : i32
        %broadcast_in_dim3A_176 = vector.broadcast %broadcast_in_dim3A_175 : i32 to vector<16xi32>
        %gather3A_177 = tpu.vector_load_idx %arg11[%broadcast_in_dim3A_176, %and3A_112] : memref<64x1024xf32, #tpu.memory_space<vmem>>[vector<16xi32>, vector<16xi32>], vector<16xf32>,
        tpu.vector_store_idx %arg12[%iota3A, %broadcast_in_dim3A_176], %gather3A_177 : memref<16x64xf32, #tpu.memory_space<vmem>>[vector<16xi32>, vector<16xi32>], vector<16xf32>,
        %broadcast_in_dim3A_178 = arith.constant 21 : i32
        %broadcast_in_dim3A_179 = vector.broadcast %broadcast_in_dim3A_178 : i32 to vector<16xi32>
        %gather3A_180 = tpu.vector_load_idx %arg11[%broadcast_in_dim3A_179, %and3A_112] : memref<64x1024xf32, #tpu.memory_space<vmem>>[vector<16xi32>, vector<16xi32>], vector<16xf32>,
        tpu.vector_store_idx %arg12[%iota3A, %broadcast_in_dim3A_179], %gather3A_180 : memref<16x64xf32, #tpu.memory_space<vmem>>[vector<16xi32>, vector<16xi32>], vector<16xf32>,
        %broadcast_in_dim3A_181 = arith.constant 22 : i32
        %broadcast_in_dim3A_182 = vector.broadcast %broadcast_in_dim3A_181 : i32 to vector<16xi32>
        %gather3A_183 = tpu.vector_load_idx %arg11[%broadcast_in_dim3A_182, %and3A_112] : memref<64x1024xf32, #tpu.memory_space<vmem>>[vector<16xi32>, vector<16xi32>], vector<16xf32>,
        tpu.vector_store_idx %arg12[%iota3A, %broadcast_in_dim3A_182], %gather3A_183 : memref<16x64xf32, #tpu.memory_space<vmem>>[vector<16xi32>, vector<16xi32>], vector<16xf32>,
        %broadcast_in_dim3A_184 = arith.constant 23 : i32
        %broadcast_in_dim3A_185 = vector.broadcast %broadcast_in_dim3A_184 : i32 to vector<16xi32>
        %gather3A_186 = tpu.vector_load_idx %arg11[%broadcast_in_dim3A_185, %and3A_112] : memref<64x1024xf32, #tpu.memory_space<vmem>>[vector<16xi32>, vector<16xi32>], vector<16xf32>,
        tpu.vector_store_idx %arg12[%iota3A, %broadcast_in_dim3A_185], %gather3A_186 : memref<16x64xf32, #tpu.memory_space<vmem>>[vector<16xi32>, vector<16xi32>], vector<16xf32>,
        %broadcast_in_dim3A_187 = arith.constant 24 : i32
        %broadcast_in_dim3A_188 = vector.broadcast %broadcast_in_dim3A_187 : i32 to vector<16xi32>
        %gather3A_189 = tpu.vector_load_idx %arg11[%broadcast_in_dim3A_188, %and3A_112] : memref<64x1024xf32, #tpu.memory_space<vmem>>[vector<16xi32>, vector<16xi32>], vector<16xf32>,
        tpu.vector_store_idx %arg12[%iota3A, %broadcast_in_dim3A_188], %gather3A_189 : memref<16x64xf32, #tpu.memory_space<vmem>>[vector<16xi32>, vector<16xi32>], vector<16xf32>,
        %broadcast_in_dim3A_190 = arith.constant 25 : i32
        %broadcast_in_dim3A_191 = vector.broadcast %broadcast_in_dim3A_190 : i32 to vector<16xi32>
        %gather3A_192 = tpu.vector_load_idx %arg11[%broadcast_in_dim3A_191, %and3A_112] : memref<64x1024xf32, #tpu.memory_space<vmem>>[vector<16xi32>, vector<16xi32>], vector<16xf32>,
        tpu.vector_store_idx %arg12[%iota3A, %broadcast_in_dim3A_191], %gather3A_192 : memref<16x64xf32, #tpu.memory_space<vmem>>[vector<16xi32>, vector<16xi32>], vector<16xf32>,
        %broadcast_in_dim3A_193 = arith.constant 26 : i32
        %broadcast_in_dim3A_194 = vector.broadcast %broadcast_in_dim3A_193 : i32 to vector<16xi32>
        %gather3A_195 = tpu.vector_load_idx %arg11[%broadcast_in_dim3A_194, %and3A_112] : memref<64x1024xf32, #tpu.memory_space<vmem>>[vector<16xi32>, vector<16xi32>], vector<16xf32>,
        tpu.vector_store_idx %arg12[%iota3A, %broadcast_in_dim3A_194], %gather3A_195 : memref<16x64xf32, #tpu.memory_space<vmem>>[vector<16xi32>, vector<16xi32>], vector<16xf32>,
        %broadcast_in_dim3A_196 = arith.constant 27 : i32
        %broadcast_in_dim3A_197 = vector.broadcast %broadcast_in_dim3A_196 : i32 to vector<16xi32>
        %gather3A_198 = tpu.vector_load_idx %arg11[%broadcast_in_dim3A_197, %and3A_112] : memref<64x1024xf32, #tpu.memory_space<vmem>>[vector<16xi32>, vector<16xi32>], vector<16xf32>,
        tpu.vector_store_idx %arg12[%iota3A, %broadcast_in_dim3A_197], %gather3A_198 : memref<16x64xf32, #tpu.memory_space<vmem>>[vector<16xi32>, vector<16xi32>], vector<16xf32>,
        %broadcast_in_dim3A_199 = arith.constant 28 : i32
        %broadcast_in_dim3A_200 = vector.broadcast %broadcast_in_dim3A_199 : i32 to vector<16xi32>
        %gather3A_201 = tpu.vector_load_idx %arg11[%broadcast_in_dim3A_200, %and3A_112] : memref<64x1024xf32, #tpu.memory_space<vmem>>[vector<16xi32>, vector<16xi32>], vector<16xf32>,
        tpu.vector_store_idx %arg12[%iota3A, %broadcast_in_dim3A_200], %gather3A_201 : memref<16x64xf32, #tpu.memory_space<vmem>>[vector<16xi32>, vector<16xi32>], vector<16xf32>,
        %broadcast_in_dim3A_202 = arith.constant 29 : i32
        %broadcast_in_dim3A_203 = vector.broadcast %broadcast_in_dim3A_202 : i32 to vector<16xi32>
        %gather3A_204 = tpu.vector_load_idx %arg11[%broadcast_in_dim3A_203, %and3A_112] : memref<64x1024xf32, #tpu.memory_space<vmem>>[vector<16xi32>, vector<16xi32>], vector<16xf32>,
        tpu.vector_store_idx %arg12[%iota3A, %broadcast_in_dim3A_203], %gather3A_204 : memref<16x64xf32, #tpu.memory_space<vmem>>[vector<16xi32>, vector<16xi32>], vector<16xf32>,
        %broadcast_in_dim3A_205 = arith.constant 30 : i32
        %broadcast_in_dim3A_206 = vector.broadcast %broadcast_in_dim3A_205 : i32 to vector<16xi32>
        %gather3A_207 = tpu.vector_load_idx %arg11[%broadcast_in_dim3A_206, %and3A_112] : memref<64x1024xf32, #tpu.memory_space<vmem>>[vector<16xi32>, vector<16xi32>], vector<16xf32>,
        tpu.vector_store_idx %arg12[%iota3A, %broadcast_in_dim3A_206], %gather3A_207 : memref<16x64xf32, #tpu.memory_space<vmem>>[vector<16xi32>, vector<16xi32>], vector<16xf32>,
        %broadcast_in_dim3A_208 = arith.constant 31 : i32
        %broadcast_in_dim3A_209 = vector.broadcast %broadcast_in_dim3A_208 : i32 to vector<16xi32>
        %gather3A_210 = tpu.vector_load_idx %arg11[%broadcast_in_dim3A_209, %and3A_112] : memref<64x1024xf32, #tpu.memory_space<vmem>>[vector<16xi32>, vector<16xi32>], vector<16xf32>,
        tpu.vector_store_idx %arg12[%iota3A, %broadcast_in_dim3A_209], %gather3A_210 : memref<16x64xf32, #tpu.memory_space<vmem>>[vector<16xi32>, vector<16xi32>], vector<16xf32>,
        %broadcast_in_dim3A_211 = arith.constant 32 : i32
        %broadcast_in_dim3A_212 = vector.broadcast %broadcast_in_dim3A_211 : i32 to vector<16xi32>
        %gather3A_213 = tpu.vector_load_idx %arg11[%broadcast_in_dim3A_212, %and3A_112] : memref<64x1024xf32, #tpu.memory_space<vmem>>[vector<16xi32>, vector<16xi32>], vector<16xf32>,
        tpu.vector_store_idx %arg12[%iota3A, %broadcast_in_dim3A_212], %gather3A_213 : memref<16x64xf32, #tpu.memory_space<vmem>>[vector<16xi32>, vector<16xi32>], vector<16xf32>,
        %broadcast_in_dim3A_214 = arith.constant 33 : i32
        %broadcast_in_dim3A_215 = vector.broadcast %broadcast_in_dim3A_214 : i32 to vector<16xi32>
        %gather3A_216 = tpu.vector_load_idx %arg11[%broadcast_in_dim3A_215, %and3A_112] : memref<64x1024xf32, #tpu.memory_space<vmem>>[vector<16xi32>, vector<16xi32>], vector<16xf32>,
        tpu.vector_store_idx %arg12[%iota3A, %broadcast_in_dim3A_215], %gather3A_216 : memref<16x64xf32, #tpu.memory_space<vmem>>[vector<16xi32>, vector<16xi32>], vector<16xf32>,
        %broadcast_in_dim3A_217 = arith.constant 34 : i32
        %broadcast_in_dim3A_218 = vector.broadcast %broadcast_in_dim3A_217 : i32 to vector<16xi32>
        %gather3A_219 = tpu.vector_load_idx %arg11[%broadcast_in_dim3A_218, %and3A_112] : memref<64x1024xf32, #tpu.memory_space<vmem>>[vector<16xi32>, vector<16xi32>], vector<16xf32>,
        tpu.vector_store_idx %arg12[%iota3A, %broadcast_in_dim3A_218], %gather3A_219 : memref<16x64xf32, #tpu.memory_space<vmem>>[vector<16xi32>, vector<16xi32>], vector<16xf32>,
        %broadcast_in_dim3A_220 = arith.constant 35 : i32
        %broadcast_in_dim3A_221 = vector.broadcast %broadcast_in_dim3A_220 : i32 to vector<16xi32>
        %gather3A_222 = tpu.vector_load_idx %arg11[%broadcast_in_dim3A_221, %and3A_112] : memref<64x1024xf32, #tpu.memory_space<vmem>>[vector<16xi32>, vector<16xi32>], vector<16xf32>,
        tpu.vector_store_idx %arg12[%iota3A, %broadcast_in_dim3A_221], %gather3A_222 : memref<16x64xf32, #tpu.memory_space<vmem>>[vector<16xi32>, vector<16xi32>], vector<16xf32>,
        %broadcast_in_dim3A_223 = arith.constant 36 : i32
        %broadcast_in_dim3A_224 = vector.broadcast %broadcast_in_dim3A_223 : i32 to vector<16xi32>
        %gather3A_225 = tpu.vector_load_idx %arg11[%broadcast_in_dim3A_224, %and3A_112] : memref<64x1024xf32, #tpu.memory_space<vmem>>[vector<16xi32>, vector<16xi32>], vector<16xf32>,
        tpu.vector_store_idx %arg12[%iota3A, %broadcast_in_dim3A_224], %gather3A_225 : memref<16x64xf32, #tpu.memory_space<vmem>>[vector<16xi32>, vector<16xi32>], vector<16xf32>,
        %broadcast_in_dim3A_226 = arith.constant 37 : i32
        %broadcast_in_dim3A_227 = vector.broadcast %broadcast_in_dim3A_226 : i32 to vector<16xi32>
        %gather3A_228 = tpu.vector_load_idx %arg11[%broadcast_in_dim3A_227, %and3A_112] : memref<64x1024xf32, #tpu.memory_space<vmem>>[vector<16xi32>, vector<16xi32>], vector<16xf32>,
        tpu.vector_store_idx %arg12[%iota3A, %broadcast_in_dim3A_227], %gather3A_228 : memref<16x64xf32, #tpu.memory_space<vmem>>[vector<16xi32>, vector<16xi32>], vector<16xf32>,
        %broadcast_in_dim3A_229 = arith.constant 38 : i32
        %broadcast_in_dim3A_230 = vector.broadcast %broadcast_in_dim3A_229 : i32 to vector<16xi32>
        %gather3A_231 = tpu.vector_load_idx %arg11[%broadcast_in_dim3A_230, %and3A_112] : memref<64x1024xf32, #tpu.memory_space<vmem>>[vector<16xi32>, vector<16xi32>], vector<16xf32>,
        tpu.vector_store_idx %arg12[%iota3A, %broadcast_in_dim3A_230], %gather3A_231 : memref<16x64xf32, #tpu.memory_space<vmem>>[vector<16xi32>, vector<16xi32>], vector<16xf32>,
        %broadcast_in_dim3A_232 = arith.constant 39 : i32
        %broadcast_in_dim3A_233 = vector.broadcast %broadcast_in_dim3A_232 : i32 to vector<16xi32>
        %gather3A_234 = tpu.vector_load_idx %arg11[%broadcast_in_dim3A_233, %and3A_112] : memref<64x1024xf32, #tpu.memory_space<vmem>>[vector<16xi32>, vector<16xi32>], vector<16xf32>,
        tpu.vector_store_idx %arg12[%iota3A, %broadcast_in_dim3A_233], %gather3A_234 : memref<16x64xf32, #tpu.memory_space<vmem>>[vector<16xi32>, vector<16xi32>], vector<16xf32>,
        %broadcast_in_dim3A_235 = arith.constant 40 : i32
        %broadcast_in_dim3A_236 = vector.broadcast %broadcast_in_dim3A_235 : i32 to vector<16xi32>
        %gather3A_237 = tpu.vector_load_idx %arg11[%broadcast_in_dim3A_236, %and3A_112] : memref<64x1024xf32, #tpu.memory_space<vmem>>[vector<16xi32>, vector<16xi32>], vector<16xf32>,
        tpu.vector_store_idx %arg12[%iota3A, %broadcast_in_dim3A_236], %gather3A_237 : memref<16x64xf32, #tpu.memory_space<vmem>>[vector<16xi32>, vector<16xi32>], vector<16xf32>,
        %broadcast_in_dim3A_238 = arith.constant 41 : i32
        %broadcast_in_dim3A_239 = vector.broadcast %broadcast_in_dim3A_238 : i32 to vector<16xi32>
        %gather3A_240 = tpu.vector_load_idx %arg11[%broadcast_in_dim3A_239, %and3A_112] : memref<64x1024xf32, #tpu.memory_space<vmem>>[vector<16xi32>, vector<16xi32>], vector<16xf32>,
        tpu.vector_store_idx %arg12[%iota3A, %broadcast_in_dim3A_239], %gather3A_240 : memref<16x64xf32, #tpu.memory_space<vmem>>[vector<16xi32>, vector<16xi32>], vector<16xf32>,
        %broadcast_in_dim3A_241 = arith.constant 42 : i32
        %broadcast_in_dim3A_242 = vector.broadcast %broadcast_in_dim3A_241 : i32 to vector<16xi32>
        %gather3A_243 = tpu.vector_load_idx %arg11[%broadcast_in_dim3A_242, %and3A_112] : memref<64x1024xf32, #tpu.memory_space<vmem>>[vector<16xi32>, vector<16xi32>], vector<16xf32>,
        tpu.vector_store_idx %arg12[%iota3A, %broadcast_in_dim3A_242], %gather3A_243 : memref<16x64xf32, #tpu.memory_space<vmem>>[vector<16xi32>, vector<16xi32>], vector<16xf32>,
        %broadcast_in_dim3A_244 = arith.constant 43 : i32
        %broadcast_in_dim3A_245 = vector.broadcast %broadcast_in_dim3A_244 : i32 to vector<16xi32>
        %gather3A_246 = tpu.vector_load_idx %arg11[%broadcast_in_dim3A_245, %and3A_112] : memref<64x1024xf32, #tpu.memory_space<vmem>>[vector<16xi32>, vector<16xi32>], vector<16xf32>,
        tpu.vector_store_idx %arg12[%iota3A, %broadcast_in_dim3A_245], %gather3A_246 : memref<16x64xf32, #tpu.memory_space<vmem>>[vector<16xi32>, vector<16xi32>], vector<16xf32>,
        %broadcast_in_dim3A_247 = arith.constant 44 : i32
        %broadcast_in_dim3A_248 = vector.broadcast %broadcast_in_dim3A_247 : i32 to vector<16xi32>
        %gather3A_249 = tpu.vector_load_idx %arg11[%broadcast_in_dim3A_248, %and3A_112] : memref<64x1024xf32, #tpu.memory_space<vmem>>[vector<16xi32>, vector<16xi32>], vector<16xf32>,
        tpu.vector_store_idx %arg12[%iota3A, %broadcast_in_dim3A_248], %gather3A_249 : memref<16x64xf32, #tpu.memory_space<vmem>>[vector<16xi32>, vector<16xi32>], vector<16xf32>,
        %broadcast_in_dim3A_250 = arith.constant 45 : i32
        %broadcast_in_dim3A_251 = vector.broadcast %broadcast_in_dim3A_250 : i32 to vector<16xi32>
        %gather3A_252 = tpu.vector_load_idx %arg11[%broadcast_in_dim3A_251, %and3A_112] : memref<64x1024xf32, #tpu.memory_space<vmem>>[vector<16xi32>, vector<16xi32>], vector<16xf32>,
        tpu.vector_store_idx %arg12[%iota3A, %broadcast_in_dim3A_251], %gather3A_252 : memref<16x64xf32, #tpu.memory_space<vmem>>[vector<16xi32>, vector<16xi32>], vector<16xf32>,
        %broadcast_in_dim3A_253 = arith.constant 46 : i32
        %broadcast_in_dim3A_254 = vector.broadcast %broadcast_in_dim3A_253 : i32 to vector<16xi32>
        %gather3A_255 = tpu.vector_load_idx %arg11[%broadcast_in_dim3A_254, %and3A_112] : memref<64x1024xf32, #tpu.memory_space<vmem>>[vector<16xi32>, vector<16xi32>], vector<16xf32>,
        tpu.vector_store_idx %arg12[%iota3A, %broadcast_in_dim3A_254], %gather3A_255 : memref<16x64xf32, #tpu.memory_space<vmem>>[vector<16xi32>, vector<16xi32>], vector<16xf32>,
        %broadcast_in_dim3A_256 = arith.constant 47 : i32
        %broadcast_in_dim3A_257 = vector.broadcast %broadcast_in_dim3A_256 : i32 to vector<16xi32>
        %gather3A_258 = tpu.vector_load_idx %arg11[%broadcast_in_dim3A_257, %and3A_112] : memref<64x1024xf32, #tpu.memory_space<vmem>>[vector<16xi32>, vector<16xi32>], vector<16xf32>,
        tpu.vector_store_idx %arg12[%iota3A, %broadcast_in_dim3A_257], %gather3A_258 : memref<16x64xf32, #tpu.memory_space<vmem>>[vector<16xi32>, vector<16xi32>], vector<16xf32>,
        %broadcast_in_dim3A_259 = arith.constant 48 : i32
        %broadcast_in_dim3A_260 = vector.broadcast %broadcast_in_dim3A_259 : i32 to vector<16xi32>
        %gather3A_261 = tpu.vector_load_idx %arg11[%broadcast_in_dim3A_260, %and3A_112] : memref<64x1024xf32, #tpu.memory_space<vmem>>[vector<16xi32>, vector<16xi32>], vector<16xf32>,
        tpu.vector_store_idx %arg12[%iota3A, %broadcast_in_dim3A_260], %gather3A_261 : memref<16x64xf32, #tpu.memory_space<vmem>>[vector<16xi32>, vector<16xi32>], vector<16xf32>,
        %broadcast_in_dim3A_262 = arith.constant 49 : i32
        %broadcast_in_dim3A_263 = vector.broadcast %broadcast_in_dim3A_262 : i32 to vector<16xi32>
        %gather3A_264 = tpu.vector_load_idx %arg11[%broadcast_in_dim3A_263, %and3A_112] : memref<64x1024xf32, #tpu.memory_space<vmem>>[vector<16xi32>, vector<16xi32>], vector<16xf32>,
        tpu.vector_store_idx %arg12[%iota3A, %broadcast_in_dim3A_263], %gather3A_264 : memref<16x64xf32, #tpu.memory_space<vmem>>[vector<16xi32>, vector<16xi32>], vector<16xf32>,
        %broadcast_in_dim3A_265 = arith.constant 50 : i32
        %broadcast_in_dim3A_266 = vector.broadcast %broadcast_in_dim3A_265 : i32 to vector<16xi32>
        %gather3A_267 = tpu.vector_load_idx %arg11[%broadcast_in_dim3A_266, %and3A_112] : memref<64x1024xf32, #tpu.memory_space<vmem>>[vector<16xi32>, vector<16xi32>], vector<16xf32>,
        tpu.vector_store_idx %arg12[%iota3A, %broadcast_in_dim3A_266], %gather3A_267 : memref<16x64xf32, #tpu.memory_space<vmem>>[vector<16xi32>, vector<16xi32>], vector<16xf32>,
        %broadcast_in_dim3A_268 = arith.constant 51 : i32
        %broadcast_in_dim3A_269 = vector.broadcast %broadcast_in_dim3A_268 : i32 to vector<16xi32>
        %gather3A_270 = tpu.vector_load_idx %arg11[%broadcast_in_dim3A_269, %and3A_112] : memref<64x1024xf32, #tpu.memory_space<vmem>>[vector<16xi32>, vector<16xi32>], vector<16xf32>,
        tpu.vector_store_idx %arg12[%iota3A, %broadcast_in_dim3A_269], %gather3A_270 : memref<16x64xf32, #tpu.memory_space<vmem>>[vector<16xi32>, vector<16xi32>], vector<16xf32>,
        %broadcast_in_dim3A_271 = arith.constant 52 : i32
        %broadcast_in_dim3A_272 = vector.broadcast %broadcast_in_dim3A_271 : i32 to vector<16xi32>
        %gather3A_273 = tpu.vector_load_idx %arg11[%broadcast_in_dim3A_272, %and3A_112] : memref<64x1024xf32, #tpu.memory_space<vmem>>[vector<16xi32>, vector<16xi32>], vector<16xf32>,
        tpu.vector_store_idx %arg12[%iota3A, %broadcast_in_dim3A_272], %gather3A_273 : memref<16x64xf32, #tpu.memory_space<vmem>>[vector<16xi32>, vector<16xi32>], vector<16xf32>,
        %broadcast_in_dim3A_274 = arith.constant 53 : i32
        %broadcast_in_dim3A_275 = vector.broadcast %broadcast_in_dim3A_274 : i32 to vector<16xi32>
        %gather3A_276 = tpu.vector_load_idx %arg11[%broadcast_in_dim3A_275, %and3A_112] : memref<64x1024xf32, #tpu.memory_space<vmem>>[vector<16xi32>, vector<16xi32>], vector<16xf32>,
        tpu.vector_store_idx %arg12[%iota3A, %broadcast_in_dim3A_275], %gather3A_276 : memref<16x64xf32, #tpu.memory_space<vmem>>[vector<16xi32>, vector<16xi32>], vector<16xf32>,
        %broadcast_in_dim3A_277 = arith.constant 54 : i32
        %broadcast_in_dim3A_278 = vector.broadcast %broadcast_in_dim3A_277 : i32 to vector<16xi32>
        %gather3A_279 = tpu.vector_load_idx %arg11[%broadcast_in_dim3A_278, %and3A_112] : memref<64x1024xf32, #tpu.memory_space<vmem>>[vector<16xi32>, vector<16xi32>], vector<16xf32>,
        tpu.vector_store_idx %arg12[%iota3A, %broadcast_in_dim3A_278], %gather3A_279 : memref<16x64xf32, #tpu.memory_space<vmem>>[vector<16xi32>, vector<16xi32>], vector<16xf32>,
        %broadcast_in_dim3A_280 = arith.constant 55 : i32
        %broadcast_in_dim3A_281 = vector.broadcast %broadcast_in_dim3A_280 : i32 to vector<16xi32>
        %gather3A_282 = tpu.vector_load_idx %arg11[%broadcast_in_dim3A_281, %and3A_112] : memref<64x1024xf32, #tpu.memory_space<vmem>>[vector<16xi32>, vector<16xi32>], vector<16xf32>,
        tpu.vector_store_idx %arg12[%iota3A, %broadcast_in_dim3A_281], %gather3A_282 : memref<16x64xf32, #tpu.memory_space<vmem>>[vector<16xi32>, vector<16xi32>], vector<16xf32>,
        %broadcast_in_dim3A_283 = arith.constant 56 : i32
        %broadcast_in_dim3A_284 = vector.broadcast %broadcast_in_dim3A_283 : i32 to vector<16xi32>
        %gather3A_285 = tpu.vector_load_idx %arg11[%broadcast_in_dim3A_284, %and3A_112] : memref<64x1024xf32, #tpu.memory_space<vmem>>[vector<16xi32>, vector<16xi32>], vector<16xf32>,
        tpu.vector_store_idx %arg12[%iota3A, %broadcast_in_dim3A_284], %gather3A_285 : memref<16x64xf32, #tpu.memory_space<vmem>>[vector<16xi32>, vector<16xi32>], vector<16xf32>,
        %broadcast_in_dim3A_286 = arith.constant 57 : i32
        %broadcast_in_dim3A_287 = vector.broadcast %broadcast_in_dim3A_286 : i32 to vector<16xi32>
        %gather3A_288 = tpu.vector_load_idx %arg11[%broadcast_in_dim3A_287, %and3A_112] : memref<64x1024xf32, #tpu.memory_space<vmem>>[vector<16xi32>, vector<16xi32>], vector<16xf32>,
        tpu.vector_store_idx %arg12[%iota3A, %broadcast_in_dim3A_287], %gather3A_288 : memref<16x64xf32, #tpu.memory_space<vmem>>[vector<16xi32>, vector<16xi32>], vector<16xf32>,
        %broadcast_in_dim3A_289 = arith.constant 58 : i32
        %broadcast_in_dim3A_290 = vector.broadcast %broadcast_in_dim3A_289 : i32 to vector<16xi32>
        %gather3A_291 = tpu.vector_load_idx %arg11[%broadcast_in_dim3A_290, %and3A_112] : memref<64x1024xf32, #tpu.memory_space<vmem>>[vector<16xi32>, vector<16xi32>], vector<16xf32>,
        tpu.vector_store_idx %arg12[%iota3A, %broadcast_in_dim3A_290], %gather3A_291 : memref<16x64xf32, #tpu.memory_space<vmem>>[vector<16xi32>, vector<16xi32>], vector<16xf32>,
        %broadcast_in_dim3A_292 = arith.constant 59 : i32
        %broadcast_in_dim3A_293 = vector.broadcast %broadcast_in_dim3A_292 : i32 to vector<16xi32>
        %gather3A_294 = tpu.vector_load_idx %arg11[%broadcast_in_dim3A_293, %and3A_112] : memref<64x1024xf32, #tpu.memory_space<vmem>>[vector<16xi32>, vector<16xi32>], vector<16xf32>,
        tpu.vector_store_idx %arg12[%iota3A, %broadcast_in_dim3A_293], %gather3A_294 : memref<16x64xf32, #tpu.memory_space<vmem>>[vector<16xi32>, vector<16xi32>], vector<16xf32>,
        %broadcast_in_dim3A_295 = arith.constant 60 : i32
        %broadcast_in_dim3A_296 = vector.broadcast %broadcast_in_dim3A_295 : i32 to vector<16xi32>
        %gather3A_297 = tpu.vector_load_idx %arg11[%broadcast_in_dim3A_296, %and3A_112] : memref<64x1024xf32, #tpu.memory_space<vmem>>[vector<16xi32>, vector<16xi32>], vector<16xf32>,
        tpu.vector_store_idx %arg12[%iota3A, %broadcast_in_dim3A_296], %gather3A_297 : memref<16x64xf32, #tpu.memory_space<vmem>>[vector<16xi32>, vector<16xi32>], vector<16xf32>,
        %broadcast_in_dim3A_298 = arith.constant 61 : i32
        %broadcast_in_dim3A_299 = vector.broadcast %broadcast_in_dim3A_298 : i32 to vector<16xi32>
        %gather3A_300 = tpu.vector_load_idx %arg11[%broadcast_in_dim3A_299, %and3A_112] : memref<64x1024xf32, #tpu.memory_space<vmem>>[vector<16xi32>, vector<16xi32>], vector<16xf32>,
        tpu.vector_store_idx %arg12[%iota3A, %broadcast_in_dim3A_299], %gather3A_300 : memref<16x64xf32, #tpu.memory_space<vmem>>[vector<16xi32>, vector<16xi32>], vector<16xf32>,
        %broadcast_in_dim3A_301 = arith.constant 62 : i32
        %broadcast_in_dim3A_302 = vector.broadcast %broadcast_in_dim3A_301 : i32 to vector<16xi32>
        %gather3A_303 = tpu.vector_load_idx %arg11[%broadcast_in_dim3A_302, %and3A_112] : memref<64x1024xf32, #tpu.memory_space<vmem>>[vector<16xi32>, vector<16xi32>], vector<16xf32>,
        tpu.vector_store_idx %arg12[%iota3A, %broadcast_in_dim3A_302], %gather3A_303 : memref<16x64xf32, #tpu.memory_space<vmem>>[vector<16xi32>, vector<16xi32>], vector<16xf32>,
        %broadcast_in_dim3A_304 = arith.constant 63 : i32
        %broadcast_in_dim3A_305 = vector.broadcast %broadcast_in_dim3A_304 : i32 to vector<16xi32>
        %gather3A_306 = tpu.vector_load_idx %arg11[%broadcast_in_dim3A_305, %and3A_112] : memref<64x1024xf32, #tpu.memory_space<vmem>>[vector<16xi32>, vector<16xi32>], vector<16xf32>,
        tpu.vector_store_idx %arg12[%iota3A, %broadcast_in_dim3A_305], %gather3A_306 : memref<16x64xf32, #tpu.memory_space<vmem>>[vector<16xi32>, vector<16xi32>], vector<16xf32>,
        %mul3A_307 = arith.constant 16 : i32
        %mul3A_308 = arith.muli %while3A_103, %mul3A_307 : i32
        %sub3A_309 = arith.subi %while3A_54, %mul3A_308 : i32
        %min3A = arith.constant 16 : i32
        %min3A_310 = arith.minsi %sub3A_309, %min3A : i32
        %gt3A = arith.constant 0 : i32
        %gt3A_311 = arith.cmpi sgt, %min3A_310, %gt3A : i32
        %convert_element_type3A_312 = arith.extui %gt3A_311 : i1 to i32
        %cond3A_313 = arith.constant 0 : i32
        %cond3A_314 = arith.cmpi ne, %convert_element_type3A_312, %cond3A_313 : i32
        scf.if %cond3A_314 {
          %slice3A = vector.extract_strided_slice %get3A_116 {offsets = [0], sizes = [1], strides = [1]} : vector<16xi32> to vector<1xi32>
          %squeeze3A = vector.extract %slice3A[0] : i32 from vector<1xi32>
          %mul3A_403 = arith.constant 64 : i32
          %mul3A_404 = arith.muli %squeeze3A, %mul3A_403 : i32
          %multiple_of3A = tpu.assume_multiple %mul3A_404, 8 : i32
          %dma_start3A = arith.constant 0 : i32
          %dma_start3A_405 = arith.constant 0 : i32
          %dma_start3A_406 = tpu.memref_slice %arg12[%dma_start3A, %dma_start3A_405] : memref<16x64xf32, #tpu.memory_space<vmem>> -> memref<1x64xf32, #tpu.memory_space<vmem>>
          %dma_start3A_407 = tpu.memref_squeeze %dma_start3A_406 : memref<1x64xf32, #tpu.memory_space<vmem>> -> memref<64xf32, #tpu.memory_space<vmem>>
          %dma_start3A_408 = tpu.memref_slice %arg5[%multiple_of3A] : memref<1048576xf32, #tpu.memory_space<hbm>> -> memref<64xf32, #tpu.memory_space<hbm>>
          %dma_start3A_409 = tpu.memref_slice %arg5[%multiple_of3A] : memref<1048576xf32, #tpu.memory_space<hbm>> -> memref<64xf32, #tpu.memory_space<hbm>>
          %dma_start3A_410 = arith.constant 0 : i32
          %dma_start3A_411 = tpu.memref_slice %arg12[%dma_start3A, %dma_start3A_410] : memref<16x64xf32, #tpu.memory_space<vmem>> -> memref<1x64xf32, #tpu.memory_space<vmem>>
          %dma_start3A_412 = tpu.memref_squeeze %dma_start3A_411 : memref<1x64xf32, #tpu.memory_space<vmem>> -> memref<64xf32, #tpu.memory_space<vmem>>
          tpu.enqueue_dma source(%dma_start3A_412 : memref<64xf32, #tpu.memory_space<vmem>>) target(%dma_start3A_409 : memref<64xf32, #tpu.memory_space<hbm>>) target_semaphore(%arg14 : memref<!tpu.dma_semaphore, #tpu.memory_space<semaphore_mem>>)
        } else {
        }
        %gt3A_315 = arith.constant 1 : i32
        %gt3A_316 = arith.cmpi sgt, %min3A_310, %gt3A_315 : i32
        %convert_element_type3A_317 = arith.extui %gt3A_316 : i1 to i32
        %cond3A_318 = arith.constant 0 : i32
        %cond3A_319 = arith.cmpi ne, %convert_element_type3A_317, %cond3A_318 : i32
        scf.if %cond3A_319 {
          %slice3A = vector.extract_strided_slice %get3A_116 {offsets = [1], sizes = [1], strides = [1]} : vector<16xi32> to vector<1xi32>
          %squeeze3A = vector.extract %slice3A[0] : i32 from vector<1xi32>
          %mul3A_403 = arith.constant 64 : i32
          %mul3A_404 = arith.muli %squeeze3A, %mul3A_403 : i32
          %multiple_of3A = tpu.assume_multiple %mul3A_404, 8 : i32
          %dma_start3A = arith.constant 1 : i32
          %dma_start3A_405 = arith.constant 0 : i32
          %dma_start3A_406 = tpu.memref_slice %arg12[%dma_start3A, %dma_start3A_405] : memref<16x64xf32, #tpu.memory_space<vmem>> -> memref<1x64xf32, #tpu.memory_space<vmem>>
          %dma_start3A_407 = tpu.memref_squeeze %dma_start3A_406 : memref<1x64xf32, #tpu.memory_space<vmem>> -> memref<64xf32, #tpu.memory_space<vmem>>
          %dma_start3A_408 = tpu.memref_slice %arg5[%multiple_of3A] : memref<1048576xf32, #tpu.memory_space<hbm>> -> memref<64xf32, #tpu.memory_space<hbm>>
          %dma_start3A_409 = tpu.memref_slice %arg5[%multiple_of3A] : memref<1048576xf32, #tpu.memory_space<hbm>> -> memref<64xf32, #tpu.memory_space<hbm>>
          %dma_start3A_410 = arith.constant 0 : i32
          %dma_start3A_411 = tpu.memref_slice %arg12[%dma_start3A, %dma_start3A_410] : memref<16x64xf32, #tpu.memory_space<vmem>> -> memref<1x64xf32, #tpu.memory_space<vmem>>
          %dma_start3A_412 = tpu.memref_squeeze %dma_start3A_411 : memref<1x64xf32, #tpu.memory_space<vmem>> -> memref<64xf32, #tpu.memory_space<vmem>>
          tpu.enqueue_dma source(%dma_start3A_412 : memref<64xf32, #tpu.memory_space<vmem>>) target(%dma_start3A_409 : memref<64xf32, #tpu.memory_space<hbm>>) target_semaphore(%arg14 : memref<!tpu.dma_semaphore, #tpu.memory_space<semaphore_mem>>)
        } else {
        }
        %gt3A_320 = arith.constant 2 : i32
        %gt3A_321 = arith.cmpi sgt, %min3A_310, %gt3A_320 : i32
        %convert_element_type3A_322 = arith.extui %gt3A_321 : i1 to i32
        %cond3A_323 = arith.constant 0 : i32
        %cond3A_324 = arith.cmpi ne, %convert_element_type3A_322, %cond3A_323 : i32
        scf.if %cond3A_324 {
          %slice3A = vector.extract_strided_slice %get3A_116 {offsets = [2], sizes = [1], strides = [1]} : vector<16xi32> to vector<1xi32>
          %squeeze3A = vector.extract %slice3A[0] : i32 from vector<1xi32>
          %mul3A_403 = arith.constant 64 : i32
          %mul3A_404 = arith.muli %squeeze3A, %mul3A_403 : i32
          %multiple_of3A = tpu.assume_multiple %mul3A_404, 8 : i32
          %dma_start3A = arith.constant 2 : i32
          %dma_start3A_405 = arith.constant 0 : i32
          %dma_start3A_406 = tpu.memref_slice %arg12[%dma_start3A, %dma_start3A_405] : memref<16x64xf32, #tpu.memory_space<vmem>> -> memref<1x64xf32, #tpu.memory_space<vmem>>
          %dma_start3A_407 = tpu.memref_squeeze %dma_start3A_406 : memref<1x64xf32, #tpu.memory_space<vmem>> -> memref<64xf32, #tpu.memory_space<vmem>>
          %dma_start3A_408 = tpu.memref_slice %arg5[%multiple_of3A] : memref<1048576xf32, #tpu.memory_space<hbm>> -> memref<64xf32, #tpu.memory_space<hbm>>
          %dma_start3A_409 = tpu.memref_slice %arg5[%multiple_of3A] : memref<1048576xf32, #tpu.memory_space<hbm>> -> memref<64xf32, #tpu.memory_space<hbm>>
          %dma_start3A_410 = arith.constant 0 : i32
          %dma_start3A_411 = tpu.memref_slice %arg12[%dma_start3A, %dma_start3A_410] : memref<16x64xf32, #tpu.memory_space<vmem>> -> memref<1x64xf32, #tpu.memory_space<vmem>>
          %dma_start3A_412 = tpu.memref_squeeze %dma_start3A_411 : memref<1x64xf32, #tpu.memory_space<vmem>> -> memref<64xf32, #tpu.memory_space<vmem>>
          tpu.enqueue_dma source(%dma_start3A_412 : memref<64xf32, #tpu.memory_space<vmem>>) target(%dma_start3A_409 : memref<64xf32, #tpu.memory_space<hbm>>) target_semaphore(%arg14 : memref<!tpu.dma_semaphore, #tpu.memory_space<semaphore_mem>>)
        } else {
        }
        %gt3A_325 = arith.constant 3 : i32
        %gt3A_326 = arith.cmpi sgt, %min3A_310, %gt3A_325 : i32
        %convert_element_type3A_327 = arith.extui %gt3A_326 : i1 to i32
        %cond3A_328 = arith.constant 0 : i32
        %cond3A_329 = arith.cmpi ne, %convert_element_type3A_327, %cond3A_328 : i32
        scf.if %cond3A_329 {
          %slice3A = vector.extract_strided_slice %get3A_116 {offsets = [3], sizes = [1], strides = [1]} : vector<16xi32> to vector<1xi32>
          %squeeze3A = vector.extract %slice3A[0] : i32 from vector<1xi32>
          %mul3A_403 = arith.constant 64 : i32
          %mul3A_404 = arith.muli %squeeze3A, %mul3A_403 : i32
          %multiple_of3A = tpu.assume_multiple %mul3A_404, 8 : i32
          %dma_start3A = arith.constant 3 : i32
          %dma_start3A_405 = arith.constant 0 : i32
          %dma_start3A_406 = tpu.memref_slice %arg12[%dma_start3A, %dma_start3A_405] : memref<16x64xf32, #tpu.memory_space<vmem>> -> memref<1x64xf32, #tpu.memory_space<vmem>>
          %dma_start3A_407 = tpu.memref_squeeze %dma_start3A_406 : memref<1x64xf32, #tpu.memory_space<vmem>> -> memref<64xf32, #tpu.memory_space<vmem>>
          %dma_start3A_408 = tpu.memref_slice %arg5[%multiple_of3A] : memref<1048576xf32, #tpu.memory_space<hbm>> -> memref<64xf32, #tpu.memory_space<hbm>>
          %dma_start3A_409 = tpu.memref_slice %arg5[%multiple_of3A] : memref<1048576xf32, #tpu.memory_space<hbm>> -> memref<64xf32, #tpu.memory_space<hbm>>
          %dma_start3A_410 = arith.constant 0 : i32
          %dma_start3A_411 = tpu.memref_slice %arg12[%dma_start3A, %dma_start3A_410] : memref<16x64xf32, #tpu.memory_space<vmem>> -> memref<1x64xf32, #tpu.memory_space<vmem>>
          %dma_start3A_412 = tpu.memref_squeeze %dma_start3A_411 : memref<1x64xf32, #tpu.memory_space<vmem>> -> memref<64xf32, #tpu.memory_space<vmem>>
          tpu.enqueue_dma source(%dma_start3A_412 : memref<64xf32, #tpu.memory_space<vmem>>) target(%dma_start3A_409 : memref<64xf32, #tpu.memory_space<hbm>>) target_semaphore(%arg14 : memref<!tpu.dma_semaphore, #tpu.memory_space<semaphore_mem>>)
        } else {
        }
        %gt3A_330 = arith.constant 4 : i32
        %gt3A_331 = arith.cmpi sgt, %min3A_310, %gt3A_330 : i32
        %convert_element_type3A_332 = arith.extui %gt3A_331 : i1 to i32
        %cond3A_333 = arith.constant 0 : i32
        %cond3A_334 = arith.cmpi ne, %convert_element_type3A_332, %cond3A_333 : i32
        scf.if %cond3A_334 {
          %slice3A = vector.extract_strided_slice %get3A_116 {offsets = [4], sizes = [1], strides = [1]} : vector<16xi32> to vector<1xi32>
          %squeeze3A = vector.extract %slice3A[0] : i32 from vector<1xi32>
          %mul3A_403 = arith.constant 64 : i32
          %mul3A_404 = arith.muli %squeeze3A, %mul3A_403 : i32
          %multiple_of3A = tpu.assume_multiple %mul3A_404, 8 : i32
          %dma_start3A = arith.constant 4 : i32
          %dma_start3A_405 = arith.constant 0 : i32
          %dma_start3A_406 = tpu.memref_slice %arg12[%dma_start3A, %dma_start3A_405] : memref<16x64xf32, #tpu.memory_space<vmem>> -> memref<1x64xf32, #tpu.memory_space<vmem>>
          %dma_start3A_407 = tpu.memref_squeeze %dma_start3A_406 : memref<1x64xf32, #tpu.memory_space<vmem>> -> memref<64xf32, #tpu.memory_space<vmem>>
          %dma_start3A_408 = tpu.memref_slice %arg5[%multiple_of3A] : memref<1048576xf32, #tpu.memory_space<hbm>> -> memref<64xf32, #tpu.memory_space<hbm>>
          %dma_start3A_409 = tpu.memref_slice %arg5[%multiple_of3A] : memref<1048576xf32, #tpu.memory_space<hbm>> -> memref<64xf32, #tpu.memory_space<hbm>>
          %dma_start3A_410 = arith.constant 0 : i32
          %dma_start3A_411 = tpu.memref_slice %arg12[%dma_start3A, %dma_start3A_410] : memref<16x64xf32, #tpu.memory_space<vmem>> -> memref<1x64xf32, #tpu.memory_space<vmem>>
          %dma_start3A_412 = tpu.memref_squeeze %dma_start3A_411 : memref<1x64xf32, #tpu.memory_space<vmem>> -> memref<64xf32, #tpu.memory_space<vmem>>
          tpu.enqueue_dma source(%dma_start3A_412 : memref<64xf32, #tpu.memory_space<vmem>>) target(%dma_start3A_409 : memref<64xf32, #tpu.memory_space<hbm>>) target_semaphore(%arg14 : memref<!tpu.dma_semaphore, #tpu.memory_space<semaphore_mem>>)
        } else {
        }
        %gt3A_335 = arith.constant 5 : i32
        %gt3A_336 = arith.cmpi sgt, %min3A_310, %gt3A_335 : i32
        %convert_element_type3A_337 = arith.extui %gt3A_336 : i1 to i32
        %cond3A_338 = arith.constant 0 : i32
        %cond3A_339 = arith.cmpi ne, %convert_element_type3A_337, %cond3A_338 : i32
        scf.if %cond3A_339 {
          %slice3A = vector.extract_strided_slice %get3A_116 {offsets = [5], sizes = [1], strides = [1]} : vector<16xi32> to vector<1xi32>
          %squeeze3A = vector.extract %slice3A[0] : i32 from vector<1xi32>
          %mul3A_403 = arith.constant 64 : i32
          %mul3A_404 = arith.muli %squeeze3A, %mul3A_403 : i32
          %multiple_of3A = tpu.assume_multiple %mul3A_404, 8 : i32
          %dma_start3A = arith.constant 5 : i32
          %dma_start3A_405 = arith.constant 0 : i32
          %dma_start3A_406 = tpu.memref_slice %arg12[%dma_start3A, %dma_start3A_405] : memref<16x64xf32, #tpu.memory_space<vmem>> -> memref<1x64xf32, #tpu.memory_space<vmem>>
          %dma_start3A_407 = tpu.memref_squeeze %dma_start3A_406 : memref<1x64xf32, #tpu.memory_space<vmem>> -> memref<64xf32, #tpu.memory_space<vmem>>
          %dma_start3A_408 = tpu.memref_slice %arg5[%multiple_of3A] : memref<1048576xf32, #tpu.memory_space<hbm>> -> memref<64xf32, #tpu.memory_space<hbm>>
          %dma_start3A_409 = tpu.memref_slice %arg5[%multiple_of3A] : memref<1048576xf32, #tpu.memory_space<hbm>> -> memref<64xf32, #tpu.memory_space<hbm>>
          %dma_start3A_410 = arith.constant 0 : i32
          %dma_start3A_411 = tpu.memref_slice %arg12[%dma_start3A, %dma_start3A_410] : memref<16x64xf32, #tpu.memory_space<vmem>> -> memref<1x64xf32, #tpu.memory_space<vmem>>
          %dma_start3A_412 = tpu.memref_squeeze %dma_start3A_411 : memref<1x64xf32, #tpu.memory_space<vmem>> -> memref<64xf32, #tpu.memory_space<vmem>>
          tpu.enqueue_dma source(%dma_start3A_412 : memref<64xf32, #tpu.memory_space<vmem>>) target(%dma_start3A_409 : memref<64xf32, #tpu.memory_space<hbm>>) target_semaphore(%arg14 : memref<!tpu.dma_semaphore, #tpu.memory_space<semaphore_mem>>)
        } else {
        }
        %gt3A_340 = arith.constant 6 : i32
        %gt3A_341 = arith.cmpi sgt, %min3A_310, %gt3A_340 : i32
        %convert_element_type3A_342 = arith.extui %gt3A_341 : i1 to i32
        %cond3A_343 = arith.constant 0 : i32
        %cond3A_344 = arith.cmpi ne, %convert_element_type3A_342, %cond3A_343 : i32
        scf.if %cond3A_344 {
          %slice3A = vector.extract_strided_slice %get3A_116 {offsets = [6], sizes = [1], strides = [1]} : vector<16xi32> to vector<1xi32>
          %squeeze3A = vector.extract %slice3A[0] : i32 from vector<1xi32>
          %mul3A_403 = arith.constant 64 : i32
          %mul3A_404 = arith.muli %squeeze3A, %mul3A_403 : i32
          %multiple_of3A = tpu.assume_multiple %mul3A_404, 8 : i32
          %dma_start3A = arith.constant 6 : i32
          %dma_start3A_405 = arith.constant 0 : i32
          %dma_start3A_406 = tpu.memref_slice %arg12[%dma_start3A, %dma_start3A_405] : memref<16x64xf32, #tpu.memory_space<vmem>> -> memref<1x64xf32, #tpu.memory_space<vmem>>
          %dma_start3A_407 = tpu.memref_squeeze %dma_start3A_406 : memref<1x64xf32, #tpu.memory_space<vmem>> -> memref<64xf32, #tpu.memory_space<vmem>>
          %dma_start3A_408 = tpu.memref_slice %arg5[%multiple_of3A] : memref<1048576xf32, #tpu.memory_space<hbm>> -> memref<64xf32, #tpu.memory_space<hbm>>
          %dma_start3A_409 = tpu.memref_slice %arg5[%multiple_of3A] : memref<1048576xf32, #tpu.memory_space<hbm>> -> memref<64xf32, #tpu.memory_space<hbm>>
          %dma_start3A_410 = arith.constant 0 : i32
          %dma_start3A_411 = tpu.memref_slice %arg12[%dma_start3A, %dma_start3A_410] : memref<16x64xf32, #tpu.memory_space<vmem>> -> memref<1x64xf32, #tpu.memory_space<vmem>>
          %dma_start3A_412 = tpu.memref_squeeze %dma_start3A_411 : memref<1x64xf32, #tpu.memory_space<vmem>> -> memref<64xf32, #tpu.memory_space<vmem>>
          tpu.enqueue_dma source(%dma_start3A_412 : memref<64xf32, #tpu.memory_space<vmem>>) target(%dma_start3A_409 : memref<64xf32, #tpu.memory_space<hbm>>) target_semaphore(%arg14 : memref<!tpu.dma_semaphore, #tpu.memory_space<semaphore_mem>>)
        } else {
        }
        %gt3A_345 = arith.constant 7 : i32
        %gt3A_346 = arith.cmpi sgt, %min3A_310, %gt3A_345 : i32
        %convert_element_type3A_347 = arith.extui %gt3A_346 : i1 to i32
        %cond3A_348 = arith.constant 0 : i32
        %cond3A_349 = arith.cmpi ne, %convert_element_type3A_347, %cond3A_348 : i32
        scf.if %cond3A_349 {
          %slice3A = vector.extract_strided_slice %get3A_116 {offsets = [7], sizes = [1], strides = [1]} : vector<16xi32> to vector<1xi32>
          %squeeze3A = vector.extract %slice3A[0] : i32 from vector<1xi32>
          %mul3A_403 = arith.constant 64 : i32
          %mul3A_404 = arith.muli %squeeze3A, %mul3A_403 : i32
          %multiple_of3A = tpu.assume_multiple %mul3A_404, 8 : i32
          %dma_start3A = arith.constant 7 : i32
          %dma_start3A_405 = arith.constant 0 : i32
          %dma_start3A_406 = tpu.memref_slice %arg12[%dma_start3A, %dma_start3A_405] : memref<16x64xf32, #tpu.memory_space<vmem>> -> memref<1x64xf32, #tpu.memory_space<vmem>>
          %dma_start3A_407 = tpu.memref_squeeze %dma_start3A_406 : memref<1x64xf32, #tpu.memory_space<vmem>> -> memref<64xf32, #tpu.memory_space<vmem>>
          %dma_start3A_408 = tpu.memref_slice %arg5[%multiple_of3A] : memref<1048576xf32, #tpu.memory_space<hbm>> -> memref<64xf32, #tpu.memory_space<hbm>>
          %dma_start3A_409 = tpu.memref_slice %arg5[%multiple_of3A] : memref<1048576xf32, #tpu.memory_space<hbm>> -> memref<64xf32, #tpu.memory_space<hbm>>
          %dma_start3A_410 = arith.constant 0 : i32
          %dma_start3A_411 = tpu.memref_slice %arg12[%dma_start3A, %dma_start3A_410] : memref<16x64xf32, #tpu.memory_space<vmem>> -> memref<1x64xf32, #tpu.memory_space<vmem>>
          %dma_start3A_412 = tpu.memref_squeeze %dma_start3A_411 : memref<1x64xf32, #tpu.memory_space<vmem>> -> memref<64xf32, #tpu.memory_space<vmem>>
          tpu.enqueue_dma source(%dma_start3A_412 : memref<64xf32, #tpu.memory_space<vmem>>) target(%dma_start3A_409 : memref<64xf32, #tpu.memory_space<hbm>>) target_semaphore(%arg14 : memref<!tpu.dma_semaphore, #tpu.memory_space<semaphore_mem>>)
        } else {
        }
        %gt3A_350 = arith.constant 8 : i32
        %gt3A_351 = arith.cmpi sgt, %min3A_310, %gt3A_350 : i32
        %convert_element_type3A_352 = arith.extui %gt3A_351 : i1 to i32
        %cond3A_353 = arith.constant 0 : i32
        %cond3A_354 = arith.cmpi ne, %convert_element_type3A_352, %cond3A_353 : i32
        scf.if %cond3A_354 {
          %slice3A = vector.extract_strided_slice %get3A_116 {offsets = [8], sizes = [1], strides = [1]} : vector<16xi32> to vector<1xi32>
          %squeeze3A = vector.extract %slice3A[0] : i32 from vector<1xi32>
          %mul3A_403 = arith.constant 64 : i32
          %mul3A_404 = arith.muli %squeeze3A, %mul3A_403 : i32
          %multiple_of3A = tpu.assume_multiple %mul3A_404, 8 : i32
          %dma_start3A = arith.constant 8 : i32
          %dma_start3A_405 = arith.constant 0 : i32
          %dma_start3A_406 = tpu.memref_slice %arg12[%dma_start3A, %dma_start3A_405] : memref<16x64xf32, #tpu.memory_space<vmem>> -> memref<1x64xf32, #tpu.memory_space<vmem>>
          %dma_start3A_407 = tpu.memref_squeeze %dma_start3A_406 : memref<1x64xf32, #tpu.memory_space<vmem>> -> memref<64xf32, #tpu.memory_space<vmem>>
          %dma_start3A_408 = tpu.memref_slice %arg5[%multiple_of3A] : memref<1048576xf32, #tpu.memory_space<hbm>> -> memref<64xf32, #tpu.memory_space<hbm>>
          %dma_start3A_409 = tpu.memref_slice %arg5[%multiple_of3A] : memref<1048576xf32, #tpu.memory_space<hbm>> -> memref<64xf32, #tpu.memory_space<hbm>>
          %dma_start3A_410 = arith.constant 0 : i32
          %dma_start3A_411 = tpu.memref_slice %arg12[%dma_start3A, %dma_start3A_410] : memref<16x64xf32, #tpu.memory_space<vmem>> -> memref<1x64xf32, #tpu.memory_space<vmem>>
          %dma_start3A_412 = tpu.memref_squeeze %dma_start3A_411 : memref<1x64xf32, #tpu.memory_space<vmem>> -> memref<64xf32, #tpu.memory_space<vmem>>
          tpu.enqueue_dma source(%dma_start3A_412 : memref<64xf32, #tpu.memory_space<vmem>>) target(%dma_start3A_409 : memref<64xf32, #tpu.memory_space<hbm>>) target_semaphore(%arg14 : memref<!tpu.dma_semaphore, #tpu.memory_space<semaphore_mem>>)
        } else {
        }
        %gt3A_355 = arith.constant 9 : i32
        %gt3A_356 = arith.cmpi sgt, %min3A_310, %gt3A_355 : i32
        %convert_element_type3A_357 = arith.extui %gt3A_356 : i1 to i32
        %cond3A_358 = arith.constant 0 : i32
        %cond3A_359 = arith.cmpi ne, %convert_element_type3A_357, %cond3A_358 : i32
        scf.if %cond3A_359 {
          %slice3A = vector.extract_strided_slice %get3A_116 {offsets = [9], sizes = [1], strides = [1]} : vector<16xi32> to vector<1xi32>
          %squeeze3A = vector.extract %slice3A[0] : i32 from vector<1xi32>
          %mul3A_403 = arith.constant 64 : i32
          %mul3A_404 = arith.muli %squeeze3A, %mul3A_403 : i32
          %multiple_of3A = tpu.assume_multiple %mul3A_404, 8 : i32
          %dma_start3A = arith.constant 9 : i32
          %dma_start3A_405 = arith.constant 0 : i32
          %dma_start3A_406 = tpu.memref_slice %arg12[%dma_start3A, %dma_start3A_405] : memref<16x64xf32, #tpu.memory_space<vmem>> -> memref<1x64xf32, #tpu.memory_space<vmem>>
          %dma_start3A_407 = tpu.memref_squeeze %dma_start3A_406 : memref<1x64xf32, #tpu.memory_space<vmem>> -> memref<64xf32, #tpu.memory_space<vmem>>
          %dma_start3A_408 = tpu.memref_slice %arg5[%multiple_of3A] : memref<1048576xf32, #tpu.memory_space<hbm>> -> memref<64xf32, #tpu.memory_space<hbm>>
          %dma_start3A_409 = tpu.memref_slice %arg5[%multiple_of3A] : memref<1048576xf32, #tpu.memory_space<hbm>> -> memref<64xf32, #tpu.memory_space<hbm>>
          %dma_start3A_410 = arith.constant 0 : i32
          %dma_start3A_411 = tpu.memref_slice %arg12[%dma_start3A, %dma_start3A_410] : memref<16x64xf32, #tpu.memory_space<vmem>> -> memref<1x64xf32, #tpu.memory_space<vmem>>
          %dma_start3A_412 = tpu.memref_squeeze %dma_start3A_411 : memref<1x64xf32, #tpu.memory_space<vmem>> -> memref<64xf32, #tpu.memory_space<vmem>>
          tpu.enqueue_dma source(%dma_start3A_412 : memref<64xf32, #tpu.memory_space<vmem>>) target(%dma_start3A_409 : memref<64xf32, #tpu.memory_space<hbm>>) target_semaphore(%arg14 : memref<!tpu.dma_semaphore, #tpu.memory_space<semaphore_mem>>)
        } else {
        }
        %gt3A_360 = arith.constant 10 : i32
        %gt3A_361 = arith.cmpi sgt, %min3A_310, %gt3A_360 : i32
        %convert_element_type3A_362 = arith.extui %gt3A_361 : i1 to i32
        %cond3A_363 = arith.constant 0 : i32
        %cond3A_364 = arith.cmpi ne, %convert_element_type3A_362, %cond3A_363 : i32
        scf.if %cond3A_364 {
          %slice3A = vector.extract_strided_slice %get3A_116 {offsets = [10], sizes = [1], strides = [1]} : vector<16xi32> to vector<1xi32>
          %squeeze3A = vector.extract %slice3A[0] : i32 from vector<1xi32>
          %mul3A_403 = arith.constant 64 : i32
          %mul3A_404 = arith.muli %squeeze3A, %mul3A_403 : i32
          %multiple_of3A = tpu.assume_multiple %mul3A_404, 8 : i32
          %dma_start3A = arith.constant 10 : i32
          %dma_start3A_405 = arith.constant 0 : i32
          %dma_start3A_406 = tpu.memref_slice %arg12[%dma_start3A, %dma_start3A_405] : memref<16x64xf32, #tpu.memory_space<vmem>> -> memref<1x64xf32, #tpu.memory_space<vmem>>
          %dma_start3A_407 = tpu.memref_squeeze %dma_start3A_406 : memref<1x64xf32, #tpu.memory_space<vmem>> -> memref<64xf32, #tpu.memory_space<vmem>>
          %dma_start3A_408 = tpu.memref_slice %arg5[%multiple_of3A] : memref<1048576xf32, #tpu.memory_space<hbm>> -> memref<64xf32, #tpu.memory_space<hbm>>
          %dma_start3A_409 = tpu.memref_slice %arg5[%multiple_of3A] : memref<1048576xf32, #tpu.memory_space<hbm>> -> memref<64xf32, #tpu.memory_space<hbm>>
          %dma_start3A_410 = arith.constant 0 : i32
          %dma_start3A_411 = tpu.memref_slice %arg12[%dma_start3A, %dma_start3A_410] : memref<16x64xf32, #tpu.memory_space<vmem>> -> memref<1x64xf32, #tpu.memory_space<vmem>>
          %dma_start3A_412 = tpu.memref_squeeze %dma_start3A_411 : memref<1x64xf32, #tpu.memory_space<vmem>> -> memref<64xf32, #tpu.memory_space<vmem>>
          tpu.enqueue_dma source(%dma_start3A_412 : memref<64xf32, #tpu.memory_space<vmem>>) target(%dma_start3A_409 : memref<64xf32, #tpu.memory_space<hbm>>) target_semaphore(%arg14 : memref<!tpu.dma_semaphore, #tpu.memory_space<semaphore_mem>>)
        } else {
        }
        %gt3A_365 = arith.constant 11 : i32
        %gt3A_366 = arith.cmpi sgt, %min3A_310, %gt3A_365 : i32
        %convert_element_type3A_367 = arith.extui %gt3A_366 : i1 to i32
        %cond3A_368 = arith.constant 0 : i32
        %cond3A_369 = arith.cmpi ne, %convert_element_type3A_367, %cond3A_368 : i32
        scf.if %cond3A_369 {
          %slice3A = vector.extract_strided_slice %get3A_116 {offsets = [11], sizes = [1], strides = [1]} : vector<16xi32> to vector<1xi32>
          %squeeze3A = vector.extract %slice3A[0] : i32 from vector<1xi32>
          %mul3A_403 = arith.constant 64 : i32
          %mul3A_404 = arith.muli %squeeze3A, %mul3A_403 : i32
          %multiple_of3A = tpu.assume_multiple %mul3A_404, 8 : i32
          %dma_start3A = arith.constant 11 : i32
          %dma_start3A_405 = arith.constant 0 : i32
          %dma_start3A_406 = tpu.memref_slice %arg12[%dma_start3A, %dma_start3A_405] : memref<16x64xf32, #tpu.memory_space<vmem>> -> memref<1x64xf32, #tpu.memory_space<vmem>>
          %dma_start3A_407 = tpu.memref_squeeze %dma_start3A_406 : memref<1x64xf32, #tpu.memory_space<vmem>> -> memref<64xf32, #tpu.memory_space<vmem>>
          %dma_start3A_408 = tpu.memref_slice %arg5[%multiple_of3A] : memref<1048576xf32, #tpu.memory_space<hbm>> -> memref<64xf32, #tpu.memory_space<hbm>>
          %dma_start3A_409 = tpu.memref_slice %arg5[%multiple_of3A] : memref<1048576xf32, #tpu.memory_space<hbm>> -> memref<64xf32, #tpu.memory_space<hbm>>
          %dma_start3A_410 = arith.constant 0 : i32
          %dma_start3A_411 = tpu.memref_slice %arg12[%dma_start3A, %dma_start3A_410] : memref<16x64xf32, #tpu.memory_space<vmem>> -> memref<1x64xf32, #tpu.memory_space<vmem>>
          %dma_start3A_412 = tpu.memref_squeeze %dma_start3A_411 : memref<1x64xf32, #tpu.memory_space<vmem>> -> memref<64xf32, #tpu.memory_space<vmem>>
          tpu.enqueue_dma source(%dma_start3A_412 : memref<64xf32, #tpu.memory_space<vmem>>) target(%dma_start3A_409 : memref<64xf32, #tpu.memory_space<hbm>>) target_semaphore(%arg14 : memref<!tpu.dma_semaphore, #tpu.memory_space<semaphore_mem>>)
        } else {
        }
        %gt3A_370 = arith.constant 12 : i32
        %gt3A_371 = arith.cmpi sgt, %min3A_310, %gt3A_370 : i32
        %convert_element_type3A_372 = arith.extui %gt3A_371 : i1 to i32
        %cond3A_373 = arith.constant 0 : i32
        %cond3A_374 = arith.cmpi ne, %convert_element_type3A_372, %cond3A_373 : i32
        scf.if %cond3A_374 {
          %slice3A = vector.extract_strided_slice %get3A_116 {offsets = [12], sizes = [1], strides = [1]} : vector<16xi32> to vector<1xi32>
          %squeeze3A = vector.extract %slice3A[0] : i32 from vector<1xi32>
          %mul3A_403 = arith.constant 64 : i32
          %mul3A_404 = arith.muli %squeeze3A, %mul3A_403 : i32
          %multiple_of3A = tpu.assume_multiple %mul3A_404, 8 : i32
          %dma_start3A = arith.constant 12 : i32
          %dma_start3A_405 = arith.constant 0 : i32
          %dma_start3A_406 = tpu.memref_slice %arg12[%dma_start3A, %dma_start3A_405] : memref<16x64xf32, #tpu.memory_space<vmem>> -> memref<1x64xf32, #tpu.memory_space<vmem>>
          %dma_start3A_407 = tpu.memref_squeeze %dma_start3A_406 : memref<1x64xf32, #tpu.memory_space<vmem>> -> memref<64xf32, #tpu.memory_space<vmem>>
          %dma_start3A_408 = tpu.memref_slice %arg5[%multiple_of3A] : memref<1048576xf32, #tpu.memory_space<hbm>> -> memref<64xf32, #tpu.memory_space<hbm>>
          %dma_start3A_409 = tpu.memref_slice %arg5[%multiple_of3A] : memref<1048576xf32, #tpu.memory_space<hbm>> -> memref<64xf32, #tpu.memory_space<hbm>>
          %dma_start3A_410 = arith.constant 0 : i32
          %dma_start3A_411 = tpu.memref_slice %arg12[%dma_start3A, %dma_start3A_410] : memref<16x64xf32, #tpu.memory_space<vmem>> -> memref<1x64xf32, #tpu.memory_space<vmem>>
          %dma_start3A_412 = tpu.memref_squeeze %dma_start3A_411 : memref<1x64xf32, #tpu.memory_space<vmem>> -> memref<64xf32, #tpu.memory_space<vmem>>
          tpu.enqueue_dma source(%dma_start3A_412 : memref<64xf32, #tpu.memory_space<vmem>>) target(%dma_start3A_409 : memref<64xf32, #tpu.memory_space<hbm>>) target_semaphore(%arg14 : memref<!tpu.dma_semaphore, #tpu.memory_space<semaphore_mem>>)
        } else {
        }
        %gt3A_375 = arith.constant 13 : i32
        %gt3A_376 = arith.cmpi sgt, %min3A_310, %gt3A_375 : i32
        %convert_element_type3A_377 = arith.extui %gt3A_376 : i1 to i32
        %cond3A_378 = arith.constant 0 : i32
        %cond3A_379 = arith.cmpi ne, %convert_element_type3A_377, %cond3A_378 : i32
        scf.if %cond3A_379 {
          %slice3A = vector.extract_strided_slice %get3A_116 {offsets = [13], sizes = [1], strides = [1]} : vector<16xi32> to vector<1xi32>
          %squeeze3A = vector.extract %slice3A[0] : i32 from vector<1xi32>
          %mul3A_403 = arith.constant 64 : i32
          %mul3A_404 = arith.muli %squeeze3A, %mul3A_403 : i32
          %multiple_of3A = tpu.assume_multiple %mul3A_404, 8 : i32
          %dma_start3A = arith.constant 13 : i32
          %dma_start3A_405 = arith.constant 0 : i32
          %dma_start3A_406 = tpu.memref_slice %arg12[%dma_start3A, %dma_start3A_405] : memref<16x64xf32, #tpu.memory_space<vmem>> -> memref<1x64xf32, #tpu.memory_space<vmem>>
          %dma_start3A_407 = tpu.memref_squeeze %dma_start3A_406 : memref<1x64xf32, #tpu.memory_space<vmem>> -> memref<64xf32, #tpu.memory_space<vmem>>
          %dma_start3A_408 = tpu.memref_slice %arg5[%multiple_of3A] : memref<1048576xf32, #tpu.memory_space<hbm>> -> memref<64xf32, #tpu.memory_space<hbm>>
          %dma_start3A_409 = tpu.memref_slice %arg5[%multiple_of3A] : memref<1048576xf32, #tpu.memory_space<hbm>> -> memref<64xf32, #tpu.memory_space<hbm>>
          %dma_start3A_410 = arith.constant 0 : i32
          %dma_start3A_411 = tpu.memref_slice %arg12[%dma_start3A, %dma_start3A_410] : memref<16x64xf32, #tpu.memory_space<vmem>> -> memref<1x64xf32, #tpu.memory_space<vmem>>
          %dma_start3A_412 = tpu.memref_squeeze %dma_start3A_411 : memref<1x64xf32, #tpu.memory_space<vmem>> -> memref<64xf32, #tpu.memory_space<vmem>>
          tpu.enqueue_dma source(%dma_start3A_412 : memref<64xf32, #tpu.memory_space<vmem>>) target(%dma_start3A_409 : memref<64xf32, #tpu.memory_space<hbm>>) target_semaphore(%arg14 : memref<!tpu.dma_semaphore, #tpu.memory_space<semaphore_mem>>)
        } else {
        }
        %gt3A_380 = arith.constant 14 : i32
        %gt3A_381 = arith.cmpi sgt, %min3A_310, %gt3A_380 : i32
        %convert_element_type3A_382 = arith.extui %gt3A_381 : i1 to i32
        %cond3A_383 = arith.constant 0 : i32
        %cond3A_384 = arith.cmpi ne, %convert_element_type3A_382, %cond3A_383 : i32
        scf.if %cond3A_384 {
          %slice3A = vector.extract_strided_slice %get3A_116 {offsets = [14], sizes = [1], strides = [1]} : vector<16xi32> to vector<1xi32>
          %squeeze3A = vector.extract %slice3A[0] : i32 from vector<1xi32>
          %mul3A_403 = arith.constant 64 : i32
          %mul3A_404 = arith.muli %squeeze3A, %mul3A_403 : i32
          %multiple_of3A = tpu.assume_multiple %mul3A_404, 8 : i32
          %dma_start3A = arith.constant 14 : i32
          %dma_start3A_405 = arith.constant 0 : i32
          %dma_start3A_406 = tpu.memref_slice %arg12[%dma_start3A, %dma_start3A_405] : memref<16x64xf32, #tpu.memory_space<vmem>> -> memref<1x64xf32, #tpu.memory_space<vmem>>
          %dma_start3A_407 = tpu.memref_squeeze %dma_start3A_406 : memref<1x64xf32, #tpu.memory_space<vmem>> -> memref<64xf32, #tpu.memory_space<vmem>>
          %dma_start3A_408 = tpu.memref_slice %arg5[%multiple_of3A] : memref<1048576xf32, #tpu.memory_space<hbm>> -> memref<64xf32, #tpu.memory_space<hbm>>
          %dma_start3A_409 = tpu.memref_slice %arg5[%multiple_of3A] : memref<1048576xf32, #tpu.memory_space<hbm>> -> memref<64xf32, #tpu.memory_space<hbm>>
          %dma_start3A_410 = arith.constant 0 : i32
          %dma_start3A_411 = tpu.memref_slice %arg12[%dma_start3A, %dma_start3A_410] : memref<16x64xf32, #tpu.memory_space<vmem>> -> memref<1x64xf32, #tpu.memory_space<vmem>>
          %dma_start3A_412 = tpu.memref_squeeze %dma_start3A_411 : memref<1x64xf32, #tpu.memory_space<vmem>> -> memref<64xf32, #tpu.memory_space<vmem>>
          tpu.enqueue_dma source(%dma_start3A_412 : memref<64xf32, #tpu.memory_space<vmem>>) target(%dma_start3A_409 : memref<64xf32, #tpu.memory_space<hbm>>) target_semaphore(%arg14 : memref<!tpu.dma_semaphore, #tpu.memory_space<semaphore_mem>>)
        } else {
        }
        %gt3A_385 = arith.constant 15 : i32
        %gt3A_386 = arith.cmpi sgt, %min3A_310, %gt3A_385 : i32
        %convert_element_type3A_387 = arith.extui %gt3A_386 : i1 to i32
        %cond3A_388 = arith.constant 0 : i32
        %cond3A_389 = arith.cmpi ne, %convert_element_type3A_387, %cond3A_388 : i32
        scf.if %cond3A_389 {
          %slice3A = vector.extract_strided_slice %get3A_116 {offsets = [15], sizes = [1], strides = [1]} : vector<16xi32> to vector<1xi32>
          %squeeze3A = vector.extract %slice3A[0] : i32 from vector<1xi32>
          %mul3A_403 = arith.constant 64 : i32
          %mul3A_404 = arith.muli %squeeze3A, %mul3A_403 : i32
          %multiple_of3A = tpu.assume_multiple %mul3A_404, 8 : i32
          %dma_start3A = arith.constant 15 : i32
          %dma_start3A_405 = arith.constant 0 : i32
          %dma_start3A_406 = tpu.memref_slice %arg12[%dma_start3A, %dma_start3A_405] : memref<16x64xf32, #tpu.memory_space<vmem>> -> memref<1x64xf32, #tpu.memory_space<vmem>>
          %dma_start3A_407 = tpu.memref_squeeze %dma_start3A_406 : memref<1x64xf32, #tpu.memory_space<vmem>> -> memref<64xf32, #tpu.memory_space<vmem>>
          %dma_start3A_408 = tpu.memref_slice %arg5[%multiple_of3A] : memref<1048576xf32, #tpu.memory_space<hbm>> -> memref<64xf32, #tpu.memory_space<hbm>>
          %dma_start3A_409 = tpu.memref_slice %arg5[%multiple_of3A] : memref<1048576xf32, #tpu.memory_space<hbm>> -> memref<64xf32, #tpu.memory_space<hbm>>
          %dma_start3A_410 = arith.constant 0 : i32
          %dma_start3A_411 = tpu.memref_slice %arg12[%dma_start3A, %dma_start3A_410] : memref<16x64xf32, #tpu.memory_space<vmem>> -> memref<1x64xf32, #tpu.memory_space<vmem>>
          %dma_start3A_412 = tpu.memref_squeeze %dma_start3A_411 : memref<1x64xf32, #tpu.memory_space<vmem>> -> memref<64xf32, #tpu.memory_space<vmem>>
          tpu.enqueue_dma source(%dma_start3A_412 : memref<64xf32, #tpu.memory_space<vmem>>) target(%dma_start3A_409 : memref<64xf32, #tpu.memory_space<hbm>>) target_semaphore(%arg14 : memref<!tpu.dma_semaphore, #tpu.memory_space<semaphore_mem>>)
        } else {
        }
        %while3A_390 = arith.constant 0 : i32
        %while3A_391 = arith.constant 0 : i32
        %while3A_392 = arith.subi %min3A_310, %while3A_390 : i32
        %while3A_393 = arith.addi %while3A_390, %while3A_392 : i32
        %while3A_394 = arith.constant 1 : i32
        %while3A_395 = arith.divsi %while3A_392, %while3A_394 : i32
        %while3A_396 = arith.muli %while3A_395, %while3A_394 : i32
        %while3A_397 = arith.addi %while3A_390, %while3A_396 : i32
        %while3A_398 = arith.constant 1 : i32
        %while3A_399 = scf.for %while3A_403 = %while3A_390 to %while3A_397 step %while3A_398 iter_args(%while3A_404 = %while3A_391) -> (i32)  : i32 {
          %dma_wait3A = arith.constant 0 : i32
          %dma_wait3A_405 = arith.constant 0 : i32
          %dma_wait3A_406 = tpu.memref_slice %arg12[%dma_wait3A, %dma_wait3A_405] : memref<16x64xf32, #tpu.memory_space<vmem>> -> memref<1x64xf32, #tpu.memory_space<vmem>>
          %dma_wait3A_407 = tpu.memref_squeeze %dma_wait3A_406 : memref<1x64xf32, #tpu.memory_space<vmem>> -> memref<64xf32, #tpu.memory_space<vmem>>
          %dma_wait3A_408 = arith.constant 0 : i32
          %dma_wait3A_409 = tpu.memref_slice %arg5[%dma_wait3A_408] : memref<1048576xf32, #tpu.memory_space<hbm>> -> memref<64xf32, #tpu.memory_space<hbm>>
          %dma_wait3A_410 = arith.constant 0 : i32
          %dma_wait3A_411 = tpu.memref_slice %arg5[%dma_wait3A_410] : memref<1048576xf32, #tpu.memory_space<hbm>> -> memref<64xf32, #tpu.memory_space<hbm>>
          %dma_wait3A_412 = arith.constant 0 : i32
          %dma_wait3A_413 = tpu.memref_slice %arg12[%dma_wait3A, %dma_wait3A_412] : memref<16x64xf32, #tpu.memory_space<vmem>> -> memref<1x64xf32, #tpu.memory_space<vmem>>
          %dma_wait3A_414 = tpu.memref_squeeze %dma_wait3A_413 : memref<1x64xf32, #tpu.memory_space<vmem>> -> memref<64xf32, #tpu.memory_space<vmem>>
          tpu.wait_dma2 semaphore(%arg14 : memref<!tpu.dma_semaphore, #tpu.memory_space<semaphore_mem>>) src(%dma_wait3A_414 : memref<64xf32, #tpu.memory_space<vmem>>) dst(%dma_wait3A_411 : memref<64xf32, #tpu.memory_space<hbm>>)
          %while3A_415 = arith.constant 0 : i32
          scf.yield %while3A_415 : i32
        }
        %while3A_400 = arith.constant 1 : i32
        %while3A_401 = scf.for %while3A_403 = %while3A_397 to %while3A_393 step %while3A_400 iter_args(%while3A_404 = %while3A_399) -> (i32)  : i32 {
          %dma_wait3A = arith.constant 0 : i32
          %dma_wait3A_405 = arith.constant 0 : i32
          %dma_wait3A_406 = tpu.memref_slice %arg12[%dma_wait3A, %dma_wait3A_405] : memref<16x64xf32, #tpu.memory_space<vmem>> -> memref<1x64xf32, #tpu.memory_space<vmem>>
          %dma_wait3A_407 = tpu.memref_squeeze %dma_wait3A_406 : memref<1x64xf32, #tpu.memory_space<vmem>> -> memref<64xf32, #tpu.memory_space<vmem>>
          %dma_wait3A_408 = arith.constant 0 : i32
          %dma_wait3A_409 = tpu.memref_slice %arg5[%dma_wait3A_408] : memref<1048576xf32, #tpu.memory_space<hbm>> -> memref<64xf32, #tpu.memory_space<hbm>>
          %dma_wait3A_410 = arith.constant 0 : i32
          %dma_wait3A_411 = tpu.memref_slice %arg5[%dma_wait3A_410] : memref<1048576xf32, #tpu.memory_space<hbm>> -> memref<64xf32, #tpu.memory_space<hbm>>
          %dma_wait3A_412 = arith.constant 0 : i32
          %dma_wait3A_413 = tpu.memref_slice %arg12[%dma_wait3A, %dma_wait3A_412] : memref<16x64xf32, #tpu.memory_space<vmem>> -> memref<1x64xf32, #tpu.memory_space<vmem>>
          %dma_wait3A_414 = tpu.memref_squeeze %dma_wait3A_413 : memref<1x64xf32, #tpu.memory_space<vmem>> -> memref<64xf32, #tpu.memory_space<vmem>>
          tpu.wait_dma2 semaphore(%arg14 : memref<!tpu.dma_semaphore, #tpu.memory_space<semaphore_mem>>) src(%dma_wait3A_414 : memref<64xf32, #tpu.memory_space<vmem>>) dst(%dma_wait3A_411 : memref<64xf32, #tpu.memory_space<hbm>>)
          %while3A_415 = arith.constant 0 : i32
          scf.yield %while3A_415 : i32
        }
        %while3A_402 = arith.constant 0 : i32
        scf.yield %while3A_402 : i32
      }
      %while3A_102 = arith.constant 0 : i32
      scf.yield %while3A_102 : i32
    }
    %while3A_20 = arith.constant 1 : i32
    %while3A_21 = scf.for %while3A_22 = %while3A_17 to %while3A_13 step %while3A_20 iter_args(%while3A_23 = %while3A_19) -> (i32)  : i32 {
      %mul3A_24 = arith.constant 32 : i32
      %mul3A_25 = arith.muli %mul3A_24, %while3A_22 : i32
      %add3A_26 = arith.addi %add3A, %mul3A_25 : i32
      %mul3A_27 = arith.constant 1024 : i32
      %mul3A_28 = arith.muli %add3A_26, %mul3A_27 : i32
      %ne3A = arith.constant 976 : i32
      %ne3A_29 = arith.cmpi ne, %add3A_26, %ne3A : i32
      %convert_element_type3A = arith.extui %ne3A_29 : i1 to i32
      %cond3A = arith.constant 0 : i32
      %cond3A_30 = arith.cmpi ne, %convert_element_type3A, %cond3A : i32
      scf.if %cond3A_30 {
        %dma_start3A = arith.constant 0 : i32
        %dma_start3A_103 = tpu.memref_slice %arg2[%dma_start3A, %mul3A_28] : memref<64x1000000xf32, #tpu.memory_space<hbm>> -> memref<64x1024xf32, #tpu.memory_space<hbm>>
        %dma_start3A_104 = arith.constant 0 : i32
        %dma_start3A_105 = tpu.memref_slice %arg2[%dma_start3A_104, %mul3A_28] : memref<64x1000000xf32, #tpu.memory_space<hbm>> -> memref<64x1024xf32, #tpu.memory_space<hbm>>
        tpu.enqueue_dma source(%dma_start3A_105 : memref<64x1024xf32, #tpu.memory_space<hbm>>) target(%arg11 : memref<64x1024xf32, #tpu.memory_space<vmem>>) target_semaphore(%arg13 : memref<!tpu.dma_semaphore, #tpu.memory_space<semaphore_mem>>)
      } else {
      }
      %eq3A = arith.constant 976 : i32
      %eq3A_31 = arith.cmpi eq, %add3A_26, %eq3A : i32
      %convert_element_type3A_32 = arith.extui %eq3A_31 : i1 to i32
      %cond3A_33 = arith.constant 0 : i32
      %cond3A_34 = arith.cmpi ne, %convert_element_type3A_32, %cond3A_33 : i32
      scf.if %cond3A_34 {
        %dma_start3A = arith.constant 0 : i32
        %dma_start3A_103 = arith.constant 0 : i32
        %dma_start3A_104 = tpu.memref_slice %arg11[%dma_start3A, %dma_start3A_103] : memref<64x1024xf32, #tpu.memory_space<vmem>> -> memref<64x640xf32, #tpu.memory_space<vmem>>
        %dma_start3A_105 = arith.constant 0 : i32
        %dma_start3A_106 = arith.constant 0 : i32
        %dma_start3A_107 = tpu.memref_slice %arg11[%dma_start3A_105, %dma_start3A_106] : memref<64x1024xf32, #tpu.memory_space<vmem>> -> memref<64x640xf32, #tpu.memory_space<vmem>>
        tpu.enqueue_dma source(%arg3 : memref<64x640xf32, #tpu.memory_space<hbm>>) target(%dma_start3A_107 : memref<64x640xf32, #tpu.memory_space<vmem>>) target_semaphore(%arg13 : memref<!tpu.dma_semaphore, #tpu.memory_space<semaphore_mem>>)
      } else {
      }
      %eq3A_35 = arith.constant 976 : i32
      %eq3A_36 = arith.cmpi eq, %add3A_26, %eq3A_35 : i32
      %jit3A_37 = arith.constant 999360 : i32
      %select_n3A_38 = arith.select %eq3A_36, %jit3A_37, %mul3A_28 : i32
      %add3A_39 = arith.constant 16 : i32
      %add3A_40 = arith.addi %scan3A_5, %add3A_39 : i32
      %sub3A = arith.constant 1 : i32
      %sub3A_41 = arith.subi %add3A_40, %sub3A : i32
      %div3A = arith.constant 16 : i32
      %div3A_42 = arith.divsi %sub3A_41, %div3A : i32
      %while3A_43 = arith.constant 0 : i32
      %while3A_44 = arith.constant 0 : i32
      %while3A_45 = arith.subi %div3A_42, %while3A_43 : i32
      %while3A_46 = arith.addi %while3A_43, %while3A_45 : i32
      %while3A_47 = arith.constant 1 : i32
      %while3A_48 = arith.divsi %while3A_45, %while3A_47 : i32
      %while3A_49 = arith.muli %while3A_48, %while3A_47 : i32
      %while3A_50 = arith.addi %while3A_43, %while3A_49 : i32
      %while3A_51 = arith.constant 1 : i32
      %while3A_52 = scf.for %while3A_103 = %while3A_43 to %while3A_50 step %while3A_51 iter_args(%while3A_104 = %while3A_44) -> (i32)  : i32 {
        %mul3A_105 = arith.constant 16 : i32
        %mul3A_106 = arith.muli %while3A_103, %mul3A_105 : i32
        %get3A = arith.index_cast %mul3A_106 : i32 to index
        %get3A_107 = tpu.vector_load %arg7[%get3A] {strides = array<i32>} : memref<1024xi32, #tpu.memory_space<vmem>>, vector<16xi32>,
        %mul3A_108 = arith.constant 16 : i32
        %mul3A_109 = arith.muli %while3A_103, %mul3A_108 : i32
        %get3A_110 = arith.index_cast %mul3A_109 : i32 to index
        %get3A_111 = tpu.vector_load %arg8[%get3A_110] {strides = array<i32>} : memref<1024xi32, #tpu.memory_space<vmem>>, vector<16xi32>,
        %shift_right_arithmetic3A = arith.constant 10 : i32
        %shift_right_arithmetic3A_112 = vector.broadcast %shift_right_arithmetic3A : i32 to vector<16xi32>
        %shift_right_arithmetic3A_113 = arith.shrsi %get3A_107, %shift_right_arithmetic3A_112 : vector<16xi32>
        %eq3A_114 = vector.broadcast %add3A_26 : i32 to vector<16xi32>
        %eq3A_115 = arith.cmpi eq, %shift_right_arithmetic3A_113, %eq3A_114 : vector<16xi32>
        %mul3A_116 = arith.constant 16 : i32
        %mul3A_117 = arith.muli %while3A_103, %mul3A_116 : i32
        %add3A_118 = vector.broadcast %mul3A_117 : i32 to vector<16xi32>
        %add3A_119 = arith.addi %iota3A, %add3A_118 : vector<16xi32>
        %lt3A = vector.broadcast %scan3A_5 : i32 to vector<16xi32>
        %lt3A_120 = arith.cmpi slt, %add3A_119, %lt3A : vector<16xi32>
        %and3A_121 = arith.andi %eq3A_115, %lt3A_120 : vector<16xi1>
        %swap3A = arith.index_cast %while3A_104 : i32 to index
        %swap3A_122 = tpu.vector_load %arg9[%swap3A] masked %and3A_121 {strides = array<i32>} : memref<64xi32, #tpu.memory_space<vmem>>, vector<16xi32>, vector<16xi1>
        tpu.vector_store %arg9[%swap3A], %get3A_107 masked %and3A_121 {strides = array<i32>} : memref<64xi32, #tpu.memory_space<vmem>>, vector<16xi32>, vector<16xi1>
        %swap3A_123 = arith.index_cast %while3A_104 : i32 to index
        %swap3A_124 = tpu.vector_load %arg10[%swap3A_123] masked %and3A_121 {strides = array<i32>} : memref<64xi32, #tpu.memory_space<vmem>>, vector<16xi32>, vector<16xi1>
        tpu.vector_store %arg10[%swap3A_123], %get3A_111 masked %and3A_121 {strides = array<i32>} : memref<64xi32, #tpu.memory_space<vmem>>, vector<16xi32>, vector<16xi1>
        %all_reduce_population_count3A = tpu.all_reduce %and3A_121 {dim = 0 : i64, kind = #tpu.reduction_kind<sum>} : vector<16xi1> -> vector<16xi32>
        %slice3A = vector.extract_strided_slice %all_reduce_population_count3A {offsets = [0], sizes = [1], strides = [1]} : vector<16xi32> to vector<1xi32>
        %squeeze3A = vector.extract %slice3A[0] : i32 from vector<1xi32>
        %add3A_125 = arith.addi %while3A_104, %squeeze3A : i32
        scf.yield %add3A_125 : i32
      }
      %while3A_53 = arith.constant 1 : i32
      %while3A_54 = scf.for %while3A_103 = %while3A_50 to %while3A_46 step %while3A_53 iter_args(%while3A_104 = %while3A_52) -> (i32)  : i32 {
        %mul3A_105 = arith.constant 16 : i32
        %mul3A_106 = arith.muli %while3A_103, %mul3A_105 : i32
        %get3A = arith.index_cast %mul3A_106 : i32 to index
        %get3A_107 = tpu.vector_load %arg7[%get3A] {strides = array<i32>} : memref<1024xi32, #tpu.memory_space<vmem>>, vector<16xi32>,
        %mul3A_108 = arith.constant 16 : i32
        %mul3A_109 = arith.muli %while3A_103, %mul3A_108 : i32
        %get3A_110 = arith.index_cast %mul3A_109 : i32 to index
        %get3A_111 = tpu.vector_load %arg8[%get3A_110] {strides = array<i32>} : memref<1024xi32, #tpu.memory_space<vmem>>, vector<16xi32>,
        %shift_right_arithmetic3A = arith.constant 10 : i32
        %shift_right_arithmetic3A_112 = vector.broadcast %shift_right_arithmetic3A : i32 to vector<16xi32>
        %shift_right_arithmetic3A_113 = arith.shrsi %get3A_107, %shift_right_arithmetic3A_112 : vector<16xi32>
        %eq3A_114 = vector.broadcast %add3A_26 : i32 to vector<16xi32>
        %eq3A_115 = arith.cmpi eq, %shift_right_arithmetic3A_113, %eq3A_114 : vector<16xi32>
        %mul3A_116 = arith.constant 16 : i32
        %mul3A_117 = arith.muli %while3A_103, %mul3A_116 : i32
        %add3A_118 = vector.broadcast %mul3A_117 : i32 to vector<16xi32>
        %add3A_119 = arith.addi %iota3A, %add3A_118 : vector<16xi32>
        %lt3A = vector.broadcast %scan3A_5 : i32 to vector<16xi32>
        %lt3A_120 = arith.cmpi slt, %add3A_119, %lt3A : vector<16xi32>
        %and3A_121 = arith.andi %eq3A_115, %lt3A_120 : vector<16xi1>
        %swap3A = arith.index_cast %while3A_104 : i32 to index
        %swap3A_122 = tpu.vector_load %arg9[%swap3A] masked %and3A_121 {strides = array<i32>} : memref<64xi32, #tpu.memory_space<vmem>>, vector<16xi32>, vector<16xi1>
        tpu.vector_store %arg9[%swap3A], %get3A_107 masked %and3A_121 {strides = array<i32>} : memref<64xi32, #tpu.memory_space<vmem>>, vector<16xi32>, vector<16xi1>
        %swap3A_123 = arith.index_cast %while3A_104 : i32 to index
        %swap3A_124 = tpu.vector_load %arg10[%swap3A_123] masked %and3A_121 {strides = array<i32>} : memref<64xi32, #tpu.memory_space<vmem>>, vector<16xi32>, vector<16xi1>
        tpu.vector_store %arg10[%swap3A_123], %get3A_111 masked %and3A_121 {strides = array<i32>} : memref<64xi32, #tpu.memory_space<vmem>>, vector<16xi32>, vector<16xi1>
        %all_reduce_population_count3A = tpu.all_reduce %and3A_121 {dim = 0 : i64, kind = #tpu.reduction_kind<sum>} : vector<16xi1> -> vector<16xi32>
        %slice3A = vector.extract_strided_slice %all_reduce_population_count3A {offsets = [0], sizes = [1], strides = [1]} : vector<16xi32> to vector<1xi32>
        %squeeze3A = vector.extract %slice3A[0] : i32 from vector<1xi32>
        %add3A_125 = arith.addi %while3A_104, %squeeze3A : i32
        scf.yield %add3A_125 : i32
      }
      %ne3A_55 = arith.constant 976 : i32
      %ne3A_56 = arith.cmpi ne, %add3A_26, %ne3A_55 : i32
      %convert_element_type3A_57 = arith.extui %ne3A_56 : i1 to i32
      %cond3A_58 = arith.constant 0 : i32
      %cond3A_59 = arith.cmpi ne, %convert_element_type3A_57, %cond3A_58 : i32
      scf.if %cond3A_59 {
        %dma_wait3A = arith.constant 0 : i32
        %dma_wait3A_103 = tpu.memref_slice %arg2[%dma_wait3A, %mul3A_28] : memref<64x1000000xf32, #tpu.memory_space<hbm>> -> memref<64x1024xf32, #tpu.memory_space<hbm>>
        %dma_wait3A_104 = arith.constant 0 : i32
        %dma_wait3A_105 = tpu.memref_slice %arg2[%dma_wait3A_104, %mul3A_28] : memref<64x1000000xf32, #tpu.memory_space<hbm>> -> memref<64x1024xf32, #tpu.memory_space<hbm>>
        tpu.wait_dma2 semaphore(%arg13 : memref<!tpu.dma_semaphore, #tpu.memory_space<semaphore_mem>>) src(%dma_wait3A_105 : memref<64x1024xf32, #tpu.memory_space<hbm>>) dst(%arg11 : memref<64x1024xf32, #tpu.memory_space<vmem>>)
      } else {
      }
      %eq3A_60 = arith.constant 976 : i32
      %eq3A_61 = arith.cmpi eq, %add3A_26, %eq3A_60 : i32
      %convert_element_type3A_62 = arith.extui %eq3A_61 : i1 to i32
      %cond3A_63 = arith.constant 0 : i32
      %cond3A_64 = arith.cmpi ne, %convert_element_type3A_62, %cond3A_63 : i32
      scf.if %cond3A_64 {
        %dma_wait3A = arith.constant 0 : i32
        %dma_wait3A_103 = arith.constant 0 : i32
        %dma_wait3A_104 = tpu.memref_slice %arg11[%dma_wait3A, %dma_wait3A_103] : memref<64x1024xf32, #tpu.memory_space<vmem>> -> memref<64x640xf32, #tpu.memory_space<vmem>>
        %dma_wait3A_105 = arith.constant 0 : i32
        %dma_wait3A_106 = arith.constant 0 : i32
        %dma_wait3A_107 = tpu.memref_slice %arg11[%dma_wait3A_105, %dma_wait3A_106] : memref<64x1024xf32, #tpu.memory_space<vmem>> -> memref<64x640xf32, #tpu.memory_space<vmem>>
        tpu.wait_dma2 semaphore(%arg13 : memref<!tpu.dma_semaphore, #tpu.memory_space<semaphore_mem>>) src(%arg3 : memref<64x640xf32, #tpu.memory_space<hbm>>) dst(%dma_wait3A_107 : memref<64x640xf32, #tpu.memory_space<vmem>>)
      } else {
      }
      %add3A_65 = arith.constant 16 : i32
      %add3A_66 = arith.addi %while3A_54, %add3A_65 : i32
      %sub3A_67 = arith.constant 1 : i32
      %sub3A_68 = arith.subi %add3A_66, %sub3A_67 : i32
      %jit3A_69 = arith.constant 16 : i32
      %div3A_70 = arith.divsi %sub3A_68, %jit3A_69 : i32
      %sign3A = arith.constant 0 : i32
      %sign3A_71 = arith.cmpi sgt, %sub3A_68, %sign3A : i32
      %sign3A_72 = arith.extui %sign3A_71 : i1 to i32
      %sign3A_73 = arith.constant 0 : i32
      %sign3A_74 = arith.cmpi slt, %sub3A_68, %sign3A_73 : i32
      %sign3A_75 = arith.extui %sign3A_74 : i1 to i32
      %sign3A_76 = arith.subi %sign3A_72, %sign3A_75 : i32
      %sign3A_77 = arith.constant 0 : i32
      %sign3A_78 = arith.cmpi sgt, %jit3A_69, %sign3A_77 : i32
      %sign3A_79 = arith.extui %sign3A_78 : i1 to i32
      %sign3A_80 = arith.constant 0 : i32
      %sign3A_81 = arith.cmpi slt, %jit3A_69, %sign3A_80 : i32
      %sign3A_82 = arith.extui %sign3A_81 : i1 to i32
      %sign3A_83 = arith.subi %sign3A_79, %sign3A_82 : i32
      %ne3A_84 = arith.cmpi ne, %sign3A_76, %sign3A_83 : i32
      %rem3A = arith.remsi %sub3A_68, %jit3A_69 : i32
      %ne3A_85 = arith.constant 0 : i32
      %ne3A_86 = arith.cmpi ne, %rem3A, %ne3A_85 : i32
      %and3A = arith.andi %ne3A_84, %ne3A_86 : i1
      %sub3A_87 = arith.constant 1 : i32
      %sub3A_88 = arith.subi %div3A_70, %sub3A_87 : i32
      %select_n3A_89 = arith.select %and3A, %sub3A_88, %div3A_70 : i32
      %while3A_90 = arith.constant 0 : i32
      %while3A_91 = arith.constant 0 : i32
      %while3A_92 = arith.subi %select_n3A_89, %while3A_90 : i32
      %while3A_93 = arith.addi %while3A_90, %while3A_92 : i32
      %while3A_94 = arith.constant 1 : i32
      %while3A_95 = arith.divsi %while3A_92, %while3A_94 : i32
      %while3A_96 = arith.muli %while3A_95, %while3A_94 : i32
      %while3A_97 = arith.addi %while3A_90, %while3A_96 : i32
      %while3A_98 = arith.constant 1 : i32
      %while3A_99 = scf.for %while3A_103 = %while3A_90 to %while3A_97 step %while3A_98 iter_args(%while3A_104 = %while3A_91) -> (i32)  : i32 {
        %mul3A_105 = arith.constant 16 : i32
        %mul3A_106 = arith.muli %while3A_103, %mul3A_105 : i32
        %get3A = arith.index_cast %mul3A_106 : i32 to index
        %get3A_107 = tpu.vector_load %arg9[%get3A] {strides = array<i32>} : memref<64xi32, #tpu.memory_space<vmem>>, vector<16xi32>,
        %sub3A_108 = vector.broadcast %select_n3A_38 : i32 to vector<16xi32>
        %sub3A_109 = arith.subi %get3A_107, %sub3A_108 : vector<16xi32>
        %and3A_110 = arith.constant 1023 : i32
        %and3A_111 = vector.broadcast %and3A_110 : i32 to vector<16xi32>
        %and3A_112 = arith.andi %sub3A_109, %and3A_111 : vector<16xi32>
        %mul3A_113 = arith.constant 16 : i32
        %mul3A_114 = arith.muli %while3A_103, %mul3A_113 : i32
        %get3A_115 = arith.index_cast %mul3A_114 : i32 to index
        %get3A_116 = tpu.vector_load %arg10[%get3A_115] {strides = array<i32>} : memref<64xi32, #tpu.memory_space<vmem>>, vector<16xi32>,
        %broadcast_in_dim3A = arith.constant 0 : i32
        %broadcast_in_dim3A_117 = vector.broadcast %broadcast_in_dim3A : i32 to vector<16xi32>
        %gather3A = tpu.vector_load_idx %arg11[%broadcast_in_dim3A_117, %and3A_112] : memref<64x1024xf32, #tpu.memory_space<vmem>>[vector<16xi32>, vector<16xi32>], vector<16xf32>,
        tpu.vector_store_idx %arg12[%iota3A, %broadcast_in_dim3A_117], %gather3A : memref<16x64xf32, #tpu.memory_space<vmem>>[vector<16xi32>, vector<16xi32>], vector<16xf32>,
        %broadcast_in_dim3A_118 = arith.constant 1 : i32
        %broadcast_in_dim3A_119 = vector.broadcast %broadcast_in_dim3A_118 : i32 to vector<16xi32>
        %gather3A_120 = tpu.vector_load_idx %arg11[%broadcast_in_dim3A_119, %and3A_112] : memref<64x1024xf32, #tpu.memory_space<vmem>>[vector<16xi32>, vector<16xi32>], vector<16xf32>,
        tpu.vector_store_idx %arg12[%iota3A, %broadcast_in_dim3A_119], %gather3A_120 : memref<16x64xf32, #tpu.memory_space<vmem>>[vector<16xi32>, vector<16xi32>], vector<16xf32>,
        %broadcast_in_dim3A_121 = arith.constant 2 : i32
        %broadcast_in_dim3A_122 = vector.broadcast %broadcast_in_dim3A_121 : i32 to vector<16xi32>
        %gather3A_123 = tpu.vector_load_idx %arg11[%broadcast_in_dim3A_122, %and3A_112] : memref<64x1024xf32, #tpu.memory_space<vmem>>[vector<16xi32>, vector<16xi32>], vector<16xf32>,
        tpu.vector_store_idx %arg12[%iota3A, %broadcast_in_dim3A_122], %gather3A_123 : memref<16x64xf32, #tpu.memory_space<vmem>>[vector<16xi32>, vector<16xi32>], vector<16xf32>,
        %broadcast_in_dim3A_124 = arith.constant 3 : i32
        %broadcast_in_dim3A_125 = vector.broadcast %broadcast_in_dim3A_124 : i32 to vector<16xi32>
        %gather3A_126 = tpu.vector_load_idx %arg11[%broadcast_in_dim3A_125, %and3A_112] : memref<64x1024xf32, #tpu.memory_space<vmem>>[vector<16xi32>, vector<16xi32>], vector<16xf32>,
        tpu.vector_store_idx %arg12[%iota3A, %broadcast_in_dim3A_125], %gather3A_126 : memref<16x64xf32, #tpu.memory_space<vmem>>[vector<16xi32>, vector<16xi32>], vector<16xf32>,
        %broadcast_in_dim3A_127 = arith.constant 4 : i32
        %broadcast_in_dim3A_128 = vector.broadcast %broadcast_in_dim3A_127 : i32 to vector<16xi32>
        %gather3A_129 = tpu.vector_load_idx %arg11[%broadcast_in_dim3A_128, %and3A_112] : memref<64x1024xf32, #tpu.memory_space<vmem>>[vector<16xi32>, vector<16xi32>], vector<16xf32>,
        tpu.vector_store_idx %arg12[%iota3A, %broadcast_in_dim3A_128], %gather3A_129 : memref<16x64xf32, #tpu.memory_space<vmem>>[vector<16xi32>, vector<16xi32>], vector<16xf32>,
        %broadcast_in_dim3A_130 = arith.constant 5 : i32
        %broadcast_in_dim3A_131 = vector.broadcast %broadcast_in_dim3A_130 : i32 to vector<16xi32>
        %gather3A_132 = tpu.vector_load_idx %arg11[%broadcast_in_dim3A_131, %and3A_112] : memref<64x1024xf32, #tpu.memory_space<vmem>>[vector<16xi32>, vector<16xi32>], vector<16xf32>,
        tpu.vector_store_idx %arg12[%iota3A, %broadcast_in_dim3A_131], %gather3A_132 : memref<16x64xf32, #tpu.memory_space<vmem>>[vector<16xi32>, vector<16xi32>], vector<16xf32>,
        %broadcast_in_dim3A_133 = arith.constant 6 : i32
        %broadcast_in_dim3A_134 = vector.broadcast %broadcast_in_dim3A_133 : i32 to vector<16xi32>
        %gather3A_135 = tpu.vector_load_idx %arg11[%broadcast_in_dim3A_134, %and3A_112] : memref<64x1024xf32, #tpu.memory_space<vmem>>[vector<16xi32>, vector<16xi32>], vector<16xf32>,
        tpu.vector_store_idx %arg12[%iota3A, %broadcast_in_dim3A_134], %gather3A_135 : memref<16x64xf32, #tpu.memory_space<vmem>>[vector<16xi32>, vector<16xi32>], vector<16xf32>,
        %broadcast_in_dim3A_136 = arith.constant 7 : i32
        %broadcast_in_dim3A_137 = vector.broadcast %broadcast_in_dim3A_136 : i32 to vector<16xi32>
        %gather3A_138 = tpu.vector_load_idx %arg11[%broadcast_in_dim3A_137, %and3A_112] : memref<64x1024xf32, #tpu.memory_space<vmem>>[vector<16xi32>, vector<16xi32>], vector<16xf32>,
        tpu.vector_store_idx %arg12[%iota3A, %broadcast_in_dim3A_137], %gather3A_138 : memref<16x64xf32, #tpu.memory_space<vmem>>[vector<16xi32>, vector<16xi32>], vector<16xf32>,
        %broadcast_in_dim3A_139 = arith.constant 8 : i32
        %broadcast_in_dim3A_140 = vector.broadcast %broadcast_in_dim3A_139 : i32 to vector<16xi32>
        %gather3A_141 = tpu.vector_load_idx %arg11[%broadcast_in_dim3A_140, %and3A_112] : memref<64x1024xf32, #tpu.memory_space<vmem>>[vector<16xi32>, vector<16xi32>], vector<16xf32>,
        tpu.vector_store_idx %arg12[%iota3A, %broadcast_in_dim3A_140], %gather3A_141 : memref<16x64xf32, #tpu.memory_space<vmem>>[vector<16xi32>, vector<16xi32>], vector<16xf32>,
        %broadcast_in_dim3A_142 = arith.constant 9 : i32
        %broadcast_in_dim3A_143 = vector.broadcast %broadcast_in_dim3A_142 : i32 to vector<16xi32>
        %gather3A_144 = tpu.vector_load_idx %arg11[%broadcast_in_dim3A_143, %and3A_112] : memref<64x1024xf32, #tpu.memory_space<vmem>>[vector<16xi32>, vector<16xi32>], vector<16xf32>,
        tpu.vector_store_idx %arg12[%iota3A, %broadcast_in_dim3A_143], %gather3A_144 : memref<16x64xf32, #tpu.memory_space<vmem>>[vector<16xi32>, vector<16xi32>], vector<16xf32>,
        %broadcast_in_dim3A_145 = arith.constant 10 : i32
        %broadcast_in_dim3A_146 = vector.broadcast %broadcast_in_dim3A_145 : i32 to vector<16xi32>
        %gather3A_147 = tpu.vector_load_idx %arg11[%broadcast_in_dim3A_146, %and3A_112] : memref<64x1024xf32, #tpu.memory_space<vmem>>[vector<16xi32>, vector<16xi32>], vector<16xf32>,
        tpu.vector_store_idx %arg12[%iota3A, %broadcast_in_dim3A_146], %gather3A_147 : memref<16x64xf32, #tpu.memory_space<vmem>>[vector<16xi32>, vector<16xi32>], vector<16xf32>,
        %broadcast_in_dim3A_148 = arith.constant 11 : i32
        %broadcast_in_dim3A_149 = vector.broadcast %broadcast_in_dim3A_148 : i32 to vector<16xi32>
        %gather3A_150 = tpu.vector_load_idx %arg11[%broadcast_in_dim3A_149, %and3A_112] : memref<64x1024xf32, #tpu.memory_space<vmem>>[vector<16xi32>, vector<16xi32>], vector<16xf32>,
        tpu.vector_store_idx %arg12[%iota3A, %broadcast_in_dim3A_149], %gather3A_150 : memref<16x64xf32, #tpu.memory_space<vmem>>[vector<16xi32>, vector<16xi32>], vector<16xf32>,
        %broadcast_in_dim3A_151 = arith.constant 12 : i32
        %broadcast_in_dim3A_152 = vector.broadcast %broadcast_in_dim3A_151 : i32 to vector<16xi32>
        %gather3A_153 = tpu.vector_load_idx %arg11[%broadcast_in_dim3A_152, %and3A_112] : memref<64x1024xf32, #tpu.memory_space<vmem>>[vector<16xi32>, vector<16xi32>], vector<16xf32>,
        tpu.vector_store_idx %arg12[%iota3A, %broadcast_in_dim3A_152], %gather3A_153 : memref<16x64xf32, #tpu.memory_space<vmem>>[vector<16xi32>, vector<16xi32>], vector<16xf32>,
        %broadcast_in_dim3A_154 = arith.constant 13 : i32
        %broadcast_in_dim3A_155 = vector.broadcast %broadcast_in_dim3A_154 : i32 to vector<16xi32>
        %gather3A_156 = tpu.vector_load_idx %arg11[%broadcast_in_dim3A_155, %and3A_112] : memref<64x1024xf32, #tpu.memory_space<vmem>>[vector<16xi32>, vector<16xi32>], vector<16xf32>,
        tpu.vector_store_idx %arg12[%iota3A, %broadcast_in_dim3A_155], %gather3A_156 : memref<16x64xf32, #tpu.memory_space<vmem>>[vector<16xi32>, vector<16xi32>], vector<16xf32>,
        %broadcast_in_dim3A_157 = arith.constant 14 : i32
        %broadcast_in_dim3A_158 = vector.broadcast %broadcast_in_dim3A_157 : i32 to vector<16xi32>
        %gather3A_159 = tpu.vector_load_idx %arg11[%broadcast_in_dim3A_158, %and3A_112] : memref<64x1024xf32, #tpu.memory_space<vmem>>[vector<16xi32>, vector<16xi32>], vector<16xf32>,
        tpu.vector_store_idx %arg12[%iota3A, %broadcast_in_dim3A_158], %gather3A_159 : memref<16x64xf32, #tpu.memory_space<vmem>>[vector<16xi32>, vector<16xi32>], vector<16xf32>,
        %broadcast_in_dim3A_160 = arith.constant 15 : i32
        %broadcast_in_dim3A_161 = vector.broadcast %broadcast_in_dim3A_160 : i32 to vector<16xi32>
        %gather3A_162 = tpu.vector_load_idx %arg11[%broadcast_in_dim3A_161, %and3A_112] : memref<64x1024xf32, #tpu.memory_space<vmem>>[vector<16xi32>, vector<16xi32>], vector<16xf32>,
        tpu.vector_store_idx %arg12[%iota3A, %broadcast_in_dim3A_161], %gather3A_162 : memref<16x64xf32, #tpu.memory_space<vmem>>[vector<16xi32>, vector<16xi32>], vector<16xf32>,
        %broadcast_in_dim3A_163 = arith.constant 16 : i32
        %broadcast_in_dim3A_164 = vector.broadcast %broadcast_in_dim3A_163 : i32 to vector<16xi32>
        %gather3A_165 = tpu.vector_load_idx %arg11[%broadcast_in_dim3A_164, %and3A_112] : memref<64x1024xf32, #tpu.memory_space<vmem>>[vector<16xi32>, vector<16xi32>], vector<16xf32>,
        tpu.vector_store_idx %arg12[%iota3A, %broadcast_in_dim3A_164], %gather3A_165 : memref<16x64xf32, #tpu.memory_space<vmem>>[vector<16xi32>, vector<16xi32>], vector<16xf32>,
        %broadcast_in_dim3A_166 = arith.constant 17 : i32
        %broadcast_in_dim3A_167 = vector.broadcast %broadcast_in_dim3A_166 : i32 to vector<16xi32>
        %gather3A_168 = tpu.vector_load_idx %arg11[%broadcast_in_dim3A_167, %and3A_112] : memref<64x1024xf32, #tpu.memory_space<vmem>>[vector<16xi32>, vector<16xi32>], vector<16xf32>,
        tpu.vector_store_idx %arg12[%iota3A, %broadcast_in_dim3A_167], %gather3A_168 : memref<16x64xf32, #tpu.memory_space<vmem>>[vector<16xi32>, vector<16xi32>], vector<16xf32>,
        %broadcast_in_dim3A_169 = arith.constant 18 : i32
        %broadcast_in_dim3A_170 = vector.broadcast %broadcast_in_dim3A_169 : i32 to vector<16xi32>
        %gather3A_171 = tpu.vector_load_idx %arg11[%broadcast_in_dim3A_170, %and3A_112] : memref<64x1024xf32, #tpu.memory_space<vmem>>[vector<16xi32>, vector<16xi32>], vector<16xf32>,
        tpu.vector_store_idx %arg12[%iota3A, %broadcast_in_dim3A_170], %gather3A_171 : memref<16x64xf32, #tpu.memory_space<vmem>>[vector<16xi32>, vector<16xi32>], vector<16xf32>,
        %broadcast_in_dim3A_172 = arith.constant 19 : i32
        %broadcast_in_dim3A_173 = vector.broadcast %broadcast_in_dim3A_172 : i32 to vector<16xi32>
        %gather3A_174 = tpu.vector_load_idx %arg11[%broadcast_in_dim3A_173, %and3A_112] : memref<64x1024xf32, #tpu.memory_space<vmem>>[vector<16xi32>, vector<16xi32>], vector<16xf32>,
        tpu.vector_store_idx %arg12[%iota3A, %broadcast_in_dim3A_173], %gather3A_174 : memref<16x64xf32, #tpu.memory_space<vmem>>[vector<16xi32>, vector<16xi32>], vector<16xf32>,
        %broadcast_in_dim3A_175 = arith.constant 20 : i32
        %broadcast_in_dim3A_176 = vector.broadcast %broadcast_in_dim3A_175 : i32 to vector<16xi32>
        %gather3A_177 = tpu.vector_load_idx %arg11[%broadcast_in_dim3A_176, %and3A_112] : memref<64x1024xf32, #tpu.memory_space<vmem>>[vector<16xi32>, vector<16xi32>], vector<16xf32>,
        tpu.vector_store_idx %arg12[%iota3A, %broadcast_in_dim3A_176], %gather3A_177 : memref<16x64xf32, #tpu.memory_space<vmem>>[vector<16xi32>, vector<16xi32>], vector<16xf32>,
        %broadcast_in_dim3A_178 = arith.constant 21 : i32
        %broadcast_in_dim3A_179 = vector.broadcast %broadcast_in_dim3A_178 : i32 to vector<16xi32>
        %gather3A_180 = tpu.vector_load_idx %arg11[%broadcast_in_dim3A_179, %and3A_112] : memref<64x1024xf32, #tpu.memory_space<vmem>>[vector<16xi32>, vector<16xi32>], vector<16xf32>,
        tpu.vector_store_idx %arg12[%iota3A, %broadcast_in_dim3A_179], %gather3A_180 : memref<16x64xf32, #tpu.memory_space<vmem>>[vector<16xi32>, vector<16xi32>], vector<16xf32>,
        %broadcast_in_dim3A_181 = arith.constant 22 : i32
        %broadcast_in_dim3A_182 = vector.broadcast %broadcast_in_dim3A_181 : i32 to vector<16xi32>
        %gather3A_183 = tpu.vector_load_idx %arg11[%broadcast_in_dim3A_182, %and3A_112] : memref<64x1024xf32, #tpu.memory_space<vmem>>[vector<16xi32>, vector<16xi32>], vector<16xf32>,
        tpu.vector_store_idx %arg12[%iota3A, %broadcast_in_dim3A_182], %gather3A_183 : memref<16x64xf32, #tpu.memory_space<vmem>>[vector<16xi32>, vector<16xi32>], vector<16xf32>,
        %broadcast_in_dim3A_184 = arith.constant 23 : i32
        %broadcast_in_dim3A_185 = vector.broadcast %broadcast_in_dim3A_184 : i32 to vector<16xi32>
        %gather3A_186 = tpu.vector_load_idx %arg11[%broadcast_in_dim3A_185, %and3A_112] : memref<64x1024xf32, #tpu.memory_space<vmem>>[vector<16xi32>, vector<16xi32>], vector<16xf32>,
        tpu.vector_store_idx %arg12[%iota3A, %broadcast_in_dim3A_185], %gather3A_186 : memref<16x64xf32, #tpu.memory_space<vmem>>[vector<16xi32>, vector<16xi32>], vector<16xf32>,
        %broadcast_in_dim3A_187 = arith.constant 24 : i32
        %broadcast_in_dim3A_188 = vector.broadcast %broadcast_in_dim3A_187 : i32 to vector<16xi32>
        %gather3A_189 = tpu.vector_load_idx %arg11[%broadcast_in_dim3A_188, %and3A_112] : memref<64x1024xf32, #tpu.memory_space<vmem>>[vector<16xi32>, vector<16xi32>], vector<16xf32>,
        tpu.vector_store_idx %arg12[%iota3A, %broadcast_in_dim3A_188], %gather3A_189 : memref<16x64xf32, #tpu.memory_space<vmem>>[vector<16xi32>, vector<16xi32>], vector<16xf32>,
        %broadcast_in_dim3A_190 = arith.constant 25 : i32
        %broadcast_in_dim3A_191 = vector.broadcast %broadcast_in_dim3A_190 : i32 to vector<16xi32>
        %gather3A_192 = tpu.vector_load_idx %arg11[%broadcast_in_dim3A_191, %and3A_112] : memref<64x1024xf32, #tpu.memory_space<vmem>>[vector<16xi32>, vector<16xi32>], vector<16xf32>,
        tpu.vector_store_idx %arg12[%iota3A, %broadcast_in_dim3A_191], %gather3A_192 : memref<16x64xf32, #tpu.memory_space<vmem>>[vector<16xi32>, vector<16xi32>], vector<16xf32>,
        %broadcast_in_dim3A_193 = arith.constant 26 : i32
        %broadcast_in_dim3A_194 = vector.broadcast %broadcast_in_dim3A_193 : i32 to vector<16xi32>
        %gather3A_195 = tpu.vector_load_idx %arg11[%broadcast_in_dim3A_194, %and3A_112] : memref<64x1024xf32, #tpu.memory_space<vmem>>[vector<16xi32>, vector<16xi32>], vector<16xf32>,
        tpu.vector_store_idx %arg12[%iota3A, %broadcast_in_dim3A_194], %gather3A_195 : memref<16x64xf32, #tpu.memory_space<vmem>>[vector<16xi32>, vector<16xi32>], vector<16xf32>,
        %broadcast_in_dim3A_196 = arith.constant 27 : i32
        %broadcast_in_dim3A_197 = vector.broadcast %broadcast_in_dim3A_196 : i32 to vector<16xi32>
        %gather3A_198 = tpu.vector_load_idx %arg11[%broadcast_in_dim3A_197, %and3A_112] : memref<64x1024xf32, #tpu.memory_space<vmem>>[vector<16xi32>, vector<16xi32>], vector<16xf32>,
        tpu.vector_store_idx %arg12[%iota3A, %broadcast_in_dim3A_197], %gather3A_198 : memref<16x64xf32, #tpu.memory_space<vmem>>[vector<16xi32>, vector<16xi32>], vector<16xf32>,
        %broadcast_in_dim3A_199 = arith.constant 28 : i32
        %broadcast_in_dim3A_200 = vector.broadcast %broadcast_in_dim3A_199 : i32 to vector<16xi32>
        %gather3A_201 = tpu.vector_load_idx %arg11[%broadcast_in_dim3A_200, %and3A_112] : memref<64x1024xf32, #tpu.memory_space<vmem>>[vector<16xi32>, vector<16xi32>], vector<16xf32>,
        tpu.vector_store_idx %arg12[%iota3A, %broadcast_in_dim3A_200], %gather3A_201 : memref<16x64xf32, #tpu.memory_space<vmem>>[vector<16xi32>, vector<16xi32>], vector<16xf32>,
        %broadcast_in_dim3A_202 = arith.constant 29 : i32
        %broadcast_in_dim3A_203 = vector.broadcast %broadcast_in_dim3A_202 : i32 to vector<16xi32>
        %gather3A_204 = tpu.vector_load_idx %arg11[%broadcast_in_dim3A_203, %and3A_112] : memref<64x1024xf32, #tpu.memory_space<vmem>>[vector<16xi32>, vector<16xi32>], vector<16xf32>,
        tpu.vector_store_idx %arg12[%iota3A, %broadcast_in_dim3A_203], %gather3A_204 : memref<16x64xf32, #tpu.memory_space<vmem>>[vector<16xi32>, vector<16xi32>], vector<16xf32>,
        %broadcast_in_dim3A_205 = arith.constant 30 : i32
        %broadcast_in_dim3A_206 = vector.broadcast %broadcast_in_dim3A_205 : i32 to vector<16xi32>
        %gather3A_207 = tpu.vector_load_idx %arg11[%broadcast_in_dim3A_206, %and3A_112] : memref<64x1024xf32, #tpu.memory_space<vmem>>[vector<16xi32>, vector<16xi32>], vector<16xf32>,
        tpu.vector_store_idx %arg12[%iota3A, %broadcast_in_dim3A_206], %gather3A_207 : memref<16x64xf32, #tpu.memory_space<vmem>>[vector<16xi32>, vector<16xi32>], vector<16xf32>,
        %broadcast_in_dim3A_208 = arith.constant 31 : i32
        %broadcast_in_dim3A_209 = vector.broadcast %broadcast_in_dim3A_208 : i32 to vector<16xi32>
        %gather3A_210 = tpu.vector_load_idx %arg11[%broadcast_in_dim3A_209, %and3A_112] : memref<64x1024xf32, #tpu.memory_space<vmem>>[vector<16xi32>, vector<16xi32>], vector<16xf32>,
        tpu.vector_store_idx %arg12[%iota3A, %broadcast_in_dim3A_209], %gather3A_210 : memref<16x64xf32, #tpu.memory_space<vmem>>[vector<16xi32>, vector<16xi32>], vector<16xf32>,
        %broadcast_in_dim3A_211 = arith.constant 32 : i32
        %broadcast_in_dim3A_212 = vector.broadcast %broadcast_in_dim3A_211 : i32 to vector<16xi32>
        %gather3A_213 = tpu.vector_load_idx %arg11[%broadcast_in_dim3A_212, %and3A_112] : memref<64x1024xf32, #tpu.memory_space<vmem>>[vector<16xi32>, vector<16xi32>], vector<16xf32>,
        tpu.vector_store_idx %arg12[%iota3A, %broadcast_in_dim3A_212], %gather3A_213 : memref<16x64xf32, #tpu.memory_space<vmem>>[vector<16xi32>, vector<16xi32>], vector<16xf32>,
        %broadcast_in_dim3A_214 = arith.constant 33 : i32
        %broadcast_in_dim3A_215 = vector.broadcast %broadcast_in_dim3A_214 : i32 to vector<16xi32>
        %gather3A_216 = tpu.vector_load_idx %arg11[%broadcast_in_dim3A_215, %and3A_112] : memref<64x1024xf32, #tpu.memory_space<vmem>>[vector<16xi32>, vector<16xi32>], vector<16xf32>,
        tpu.vector_store_idx %arg12[%iota3A, %broadcast_in_dim3A_215], %gather3A_216 : memref<16x64xf32, #tpu.memory_space<vmem>>[vector<16xi32>, vector<16xi32>], vector<16xf32>,
        %broadcast_in_dim3A_217 = arith.constant 34 : i32
        %broadcast_in_dim3A_218 = vector.broadcast %broadcast_in_dim3A_217 : i32 to vector<16xi32>
        %gather3A_219 = tpu.vector_load_idx %arg11[%broadcast_in_dim3A_218, %and3A_112] : memref<64x1024xf32, #tpu.memory_space<vmem>>[vector<16xi32>, vector<16xi32>], vector<16xf32>,
        tpu.vector_store_idx %arg12[%iota3A, %broadcast_in_dim3A_218], %gather3A_219 : memref<16x64xf32, #tpu.memory_space<vmem>>[vector<16xi32>, vector<16xi32>], vector<16xf32>,
        %broadcast_in_dim3A_220 = arith.constant 35 : i32
        %broadcast_in_dim3A_221 = vector.broadcast %broadcast_in_dim3A_220 : i32 to vector<16xi32>
        %gather3A_222 = tpu.vector_load_idx %arg11[%broadcast_in_dim3A_221, %and3A_112] : memref<64x1024xf32, #tpu.memory_space<vmem>>[vector<16xi32>, vector<16xi32>], vector<16xf32>,
        tpu.vector_store_idx %arg12[%iota3A, %broadcast_in_dim3A_221], %gather3A_222 : memref<16x64xf32, #tpu.memory_space<vmem>>[vector<16xi32>, vector<16xi32>], vector<16xf32>,
        %broadcast_in_dim3A_223 = arith.constant 36 : i32
        %broadcast_in_dim3A_224 = vector.broadcast %broadcast_in_dim3A_223 : i32 to vector<16xi32>
        %gather3A_225 = tpu.vector_load_idx %arg11[%broadcast_in_dim3A_224, %and3A_112] : memref<64x1024xf32, #tpu.memory_space<vmem>>[vector<16xi32>, vector<16xi32>], vector<16xf32>,
        tpu.vector_store_idx %arg12[%iota3A, %broadcast_in_dim3A_224], %gather3A_225 : memref<16x64xf32, #tpu.memory_space<vmem>>[vector<16xi32>, vector<16xi32>], vector<16xf32>,
        %broadcast_in_dim3A_226 = arith.constant 37 : i32
        %broadcast_in_dim3A_227 = vector.broadcast %broadcast_in_dim3A_226 : i32 to vector<16xi32>
        %gather3A_228 = tpu.vector_load_idx %arg11[%broadcast_in_dim3A_227, %and3A_112] : memref<64x1024xf32, #tpu.memory_space<vmem>>[vector<16xi32>, vector<16xi32>], vector<16xf32>,
        tpu.vector_store_idx %arg12[%iota3A, %broadcast_in_dim3A_227], %gather3A_228 : memref<16x64xf32, #tpu.memory_space<vmem>>[vector<16xi32>, vector<16xi32>], vector<16xf32>,
        %broadcast_in_dim3A_229 = arith.constant 38 : i32
        %broadcast_in_dim3A_230 = vector.broadcast %broadcast_in_dim3A_229 : i32 to vector<16xi32>
        %gather3A_231 = tpu.vector_load_idx %arg11[%broadcast_in_dim3A_230, %and3A_112] : memref<64x1024xf32, #tpu.memory_space<vmem>>[vector<16xi32>, vector<16xi32>], vector<16xf32>,
        tpu.vector_store_idx %arg12[%iota3A, %broadcast_in_dim3A_230], %gather3A_231 : memref<16x64xf32, #tpu.memory_space<vmem>>[vector<16xi32>, vector<16xi32>], vector<16xf32>,
        %broadcast_in_dim3A_232 = arith.constant 39 : i32
        %broadcast_in_dim3A_233 = vector.broadcast %broadcast_in_dim3A_232 : i32 to vector<16xi32>
        %gather3A_234 = tpu.vector_load_idx %arg11[%broadcast_in_dim3A_233, %and3A_112] : memref<64x1024xf32, #tpu.memory_space<vmem>>[vector<16xi32>, vector<16xi32>], vector<16xf32>,
        tpu.vector_store_idx %arg12[%iota3A, %broadcast_in_dim3A_233], %gather3A_234 : memref<16x64xf32, #tpu.memory_space<vmem>>[vector<16xi32>, vector<16xi32>], vector<16xf32>,
        %broadcast_in_dim3A_235 = arith.constant 40 : i32
        %broadcast_in_dim3A_236 = vector.broadcast %broadcast_in_dim3A_235 : i32 to vector<16xi32>
        %gather3A_237 = tpu.vector_load_idx %arg11[%broadcast_in_dim3A_236, %and3A_112] : memref<64x1024xf32, #tpu.memory_space<vmem>>[vector<16xi32>, vector<16xi32>], vector<16xf32>,
        tpu.vector_store_idx %arg12[%iota3A, %broadcast_in_dim3A_236], %gather3A_237 : memref<16x64xf32, #tpu.memory_space<vmem>>[vector<16xi32>, vector<16xi32>], vector<16xf32>,
        %broadcast_in_dim3A_238 = arith.constant 41 : i32
        %broadcast_in_dim3A_239 = vector.broadcast %broadcast_in_dim3A_238 : i32 to vector<16xi32>
        %gather3A_240 = tpu.vector_load_idx %arg11[%broadcast_in_dim3A_239, %and3A_112] : memref<64x1024xf32, #tpu.memory_space<vmem>>[vector<16xi32>, vector<16xi32>], vector<16xf32>,
        tpu.vector_store_idx %arg12[%iota3A, %broadcast_in_dim3A_239], %gather3A_240 : memref<16x64xf32, #tpu.memory_space<vmem>>[vector<16xi32>, vector<16xi32>], vector<16xf32>,
        %broadcast_in_dim3A_241 = arith.constant 42 : i32
        %broadcast_in_dim3A_242 = vector.broadcast %broadcast_in_dim3A_241 : i32 to vector<16xi32>
        %gather3A_243 = tpu.vector_load_idx %arg11[%broadcast_in_dim3A_242, %and3A_112] : memref<64x1024xf32, #tpu.memory_space<vmem>>[vector<16xi32>, vector<16xi32>], vector<16xf32>,
        tpu.vector_store_idx %arg12[%iota3A, %broadcast_in_dim3A_242], %gather3A_243 : memref<16x64xf32, #tpu.memory_space<vmem>>[vector<16xi32>, vector<16xi32>], vector<16xf32>,
        %broadcast_in_dim3A_244 = arith.constant 43 : i32
        %broadcast_in_dim3A_245 = vector.broadcast %broadcast_in_dim3A_244 : i32 to vector<16xi32>
        %gather3A_246 = tpu.vector_load_idx %arg11[%broadcast_in_dim3A_245, %and3A_112] : memref<64x1024xf32, #tpu.memory_space<vmem>>[vector<16xi32>, vector<16xi32>], vector<16xf32>,
        tpu.vector_store_idx %arg12[%iota3A, %broadcast_in_dim3A_245], %gather3A_246 : memref<16x64xf32, #tpu.memory_space<vmem>>[vector<16xi32>, vector<16xi32>], vector<16xf32>,
        %broadcast_in_dim3A_247 = arith.constant 44 : i32
        %broadcast_in_dim3A_248 = vector.broadcast %broadcast_in_dim3A_247 : i32 to vector<16xi32>
        %gather3A_249 = tpu.vector_load_idx %arg11[%broadcast_in_dim3A_248, %and3A_112] : memref<64x1024xf32, #tpu.memory_space<vmem>>[vector<16xi32>, vector<16xi32>], vector<16xf32>,
        tpu.vector_store_idx %arg12[%iota3A, %broadcast_in_dim3A_248], %gather3A_249 : memref<16x64xf32, #tpu.memory_space<vmem>>[vector<16xi32>, vector<16xi32>], vector<16xf32>,
        %broadcast_in_dim3A_250 = arith.constant 45 : i32
        %broadcast_in_dim3A_251 = vector.broadcast %broadcast_in_dim3A_250 : i32 to vector<16xi32>
        %gather3A_252 = tpu.vector_load_idx %arg11[%broadcast_in_dim3A_251, %and3A_112] : memref<64x1024xf32, #tpu.memory_space<vmem>>[vector<16xi32>, vector<16xi32>], vector<16xf32>,
        tpu.vector_store_idx %arg12[%iota3A, %broadcast_in_dim3A_251], %gather3A_252 : memref<16x64xf32, #tpu.memory_space<vmem>>[vector<16xi32>, vector<16xi32>], vector<16xf32>,
        %broadcast_in_dim3A_253 = arith.constant 46 : i32
        %broadcast_in_dim3A_254 = vector.broadcast %broadcast_in_dim3A_253 : i32 to vector<16xi32>
        %gather3A_255 = tpu.vector_load_idx %arg11[%broadcast_in_dim3A_254, %and3A_112] : memref<64x1024xf32, #tpu.memory_space<vmem>>[vector<16xi32>, vector<16xi32>], vector<16xf32>,
        tpu.vector_store_idx %arg12[%iota3A, %broadcast_in_dim3A_254], %gather3A_255 : memref<16x64xf32, #tpu.memory_space<vmem>>[vector<16xi32>, vector<16xi32>], vector<16xf32>,
        %broadcast_in_dim3A_256 = arith.constant 47 : i32
        %broadcast_in_dim3A_257 = vector.broadcast %broadcast_in_dim3A_256 : i32 to vector<16xi32>
        %gather3A_258 = tpu.vector_load_idx %arg11[%broadcast_in_dim3A_257, %and3A_112] : memref<64x1024xf32, #tpu.memory_space<vmem>>[vector<16xi32>, vector<16xi32>], vector<16xf32>,
        tpu.vector_store_idx %arg12[%iota3A, %broadcast_in_dim3A_257], %gather3A_258 : memref<16x64xf32, #tpu.memory_space<vmem>>[vector<16xi32>, vector<16xi32>], vector<16xf32>,
        %broadcast_in_dim3A_259 = arith.constant 48 : i32
        %broadcast_in_dim3A_260 = vector.broadcast %broadcast_in_dim3A_259 : i32 to vector<16xi32>
        %gather3A_261 = tpu.vector_load_idx %arg11[%broadcast_in_dim3A_260, %and3A_112] : memref<64x1024xf32, #tpu.memory_space<vmem>>[vector<16xi32>, vector<16xi32>], vector<16xf32>,
        tpu.vector_store_idx %arg12[%iota3A, %broadcast_in_dim3A_260], %gather3A_261 : memref<16x64xf32, #tpu.memory_space<vmem>>[vector<16xi32>, vector<16xi32>], vector<16xf32>,
        %broadcast_in_dim3A_262 = arith.constant 49 : i32
        %broadcast_in_dim3A_263 = vector.broadcast %broadcast_in_dim3A_262 : i32 to vector<16xi32>
        %gather3A_264 = tpu.vector_load_idx %arg11[%broadcast_in_dim3A_263, %and3A_112] : memref<64x1024xf32, #tpu.memory_space<vmem>>[vector<16xi32>, vector<16xi32>], vector<16xf32>,
        tpu.vector_store_idx %arg12[%iota3A, %broadcast_in_dim3A_263], %gather3A_264 : memref<16x64xf32, #tpu.memory_space<vmem>>[vector<16xi32>, vector<16xi32>], vector<16xf32>,
        %broadcast_in_dim3A_265 = arith.constant 50 : i32
        %broadcast_in_dim3A_266 = vector.broadcast %broadcast_in_dim3A_265 : i32 to vector<16xi32>
        %gather3A_267 = tpu.vector_load_idx %arg11[%broadcast_in_dim3A_266, %and3A_112] : memref<64x1024xf32, #tpu.memory_space<vmem>>[vector<16xi32>, vector<16xi32>], vector<16xf32>,
        tpu.vector_store_idx %arg12[%iota3A, %broadcast_in_dim3A_266], %gather3A_267 : memref<16x64xf32, #tpu.memory_space<vmem>>[vector<16xi32>, vector<16xi32>], vector<16xf32>,
        %broadcast_in_dim3A_268 = arith.constant 51 : i32
        %broadcast_in_dim3A_269 = vector.broadcast %broadcast_in_dim3A_268 : i32 to vector<16xi32>
        %gather3A_270 = tpu.vector_load_idx %arg11[%broadcast_in_dim3A_269, %and3A_112] : memref<64x1024xf32, #tpu.memory_space<vmem>>[vector<16xi32>, vector<16xi32>], vector<16xf32>,
        tpu.vector_store_idx %arg12[%iota3A, %broadcast_in_dim3A_269], %gather3A_270 : memref<16x64xf32, #tpu.memory_space<vmem>>[vector<16xi32>, vector<16xi32>], vector<16xf32>,
        %broadcast_in_dim3A_271 = arith.constant 52 : i32
        %broadcast_in_dim3A_272 = vector.broadcast %broadcast_in_dim3A_271 : i32 to vector<16xi32>
        %gather3A_273 = tpu.vector_load_idx %arg11[%broadcast_in_dim3A_272, %and3A_112] : memref<64x1024xf32, #tpu.memory_space<vmem>>[vector<16xi32>, vector<16xi32>], vector<16xf32>,
        tpu.vector_store_idx %arg12[%iota3A, %broadcast_in_dim3A_272], %gather3A_273 : memref<16x64xf32, #tpu.memory_space<vmem>>[vector<16xi32>, vector<16xi32>], vector<16xf32>,
        %broadcast_in_dim3A_274 = arith.constant 53 : i32
        %broadcast_in_dim3A_275 = vector.broadcast %broadcast_in_dim3A_274 : i32 to vector<16xi32>
        %gather3A_276 = tpu.vector_load_idx %arg11[%broadcast_in_dim3A_275, %and3A_112] : memref<64x1024xf32, #tpu.memory_space<vmem>>[vector<16xi32>, vector<16xi32>], vector<16xf32>,
        tpu.vector_store_idx %arg12[%iota3A, %broadcast_in_dim3A_275], %gather3A_276 : memref<16x64xf32, #tpu.memory_space<vmem>>[vector<16xi32>, vector<16xi32>], vector<16xf32>,
        %broadcast_in_dim3A_277 = arith.constant 54 : i32
        %broadcast_in_dim3A_278 = vector.broadcast %broadcast_in_dim3A_277 : i32 to vector<16xi32>
        %gather3A_279 = tpu.vector_load_idx %arg11[%broadcast_in_dim3A_278, %and3A_112] : memref<64x1024xf32, #tpu.memory_space<vmem>>[vector<16xi32>, vector<16xi32>], vector<16xf32>,
        tpu.vector_store_idx %arg12[%iota3A, %broadcast_in_dim3A_278], %gather3A_279 : memref<16x64xf32, #tpu.memory_space<vmem>>[vector<16xi32>, vector<16xi32>], vector<16xf32>,
        %broadcast_in_dim3A_280 = arith.constant 55 : i32
        %broadcast_in_dim3A_281 = vector.broadcast %broadcast_in_dim3A_280 : i32 to vector<16xi32>
        %gather3A_282 = tpu.vector_load_idx %arg11[%broadcast_in_dim3A_281, %and3A_112] : memref<64x1024xf32, #tpu.memory_space<vmem>>[vector<16xi32>, vector<16xi32>], vector<16xf32>,
        tpu.vector_store_idx %arg12[%iota3A, %broadcast_in_dim3A_281], %gather3A_282 : memref<16x64xf32, #tpu.memory_space<vmem>>[vector<16xi32>, vector<16xi32>], vector<16xf32>,
        %broadcast_in_dim3A_283 = arith.constant 56 : i32
        %broadcast_in_dim3A_284 = vector.broadcast %broadcast_in_dim3A_283 : i32 to vector<16xi32>
        %gather3A_285 = tpu.vector_load_idx %arg11[%broadcast_in_dim3A_284, %and3A_112] : memref<64x1024xf32, #tpu.memory_space<vmem>>[vector<16xi32>, vector<16xi32>], vector<16xf32>,
        tpu.vector_store_idx %arg12[%iota3A, %broadcast_in_dim3A_284], %gather3A_285 : memref<16x64xf32, #tpu.memory_space<vmem>>[vector<16xi32>, vector<16xi32>], vector<16xf32>,
        %broadcast_in_dim3A_286 = arith.constant 57 : i32
        %broadcast_in_dim3A_287 = vector.broadcast %broadcast_in_dim3A_286 : i32 to vector<16xi32>
        %gather3A_288 = tpu.vector_load_idx %arg11[%broadcast_in_dim3A_287, %and3A_112] : memref<64x1024xf32, #tpu.memory_space<vmem>>[vector<16xi32>, vector<16xi32>], vector<16xf32>,
        tpu.vector_store_idx %arg12[%iota3A, %broadcast_in_dim3A_287], %gather3A_288 : memref<16x64xf32, #tpu.memory_space<vmem>>[vector<16xi32>, vector<16xi32>], vector<16xf32>,
        %broadcast_in_dim3A_289 = arith.constant 58 : i32
        %broadcast_in_dim3A_290 = vector.broadcast %broadcast_in_dim3A_289 : i32 to vector<16xi32>
        %gather3A_291 = tpu.vector_load_idx %arg11[%broadcast_in_dim3A_290, %and3A_112] : memref<64x1024xf32, #tpu.memory_space<vmem>>[vector<16xi32>, vector<16xi32>], vector<16xf32>,
        tpu.vector_store_idx %arg12[%iota3A, %broadcast_in_dim3A_290], %gather3A_291 : memref<16x64xf32, #tpu.memory_space<vmem>>[vector<16xi32>, vector<16xi32>], vector<16xf32>,
        %broadcast_in_dim3A_292 = arith.constant 59 : i32
        %broadcast_in_dim3A_293 = vector.broadcast %broadcast_in_dim3A_292 : i32 to vector<16xi32>
        %gather3A_294 = tpu.vector_load_idx %arg11[%broadcast_in_dim3A_293, %and3A_112] : memref<64x1024xf32, #tpu.memory_space<vmem>>[vector<16xi32>, vector<16xi32>], vector<16xf32>,
        tpu.vector_store_idx %arg12[%iota3A, %broadcast_in_dim3A_293], %gather3A_294 : memref<16x64xf32, #tpu.memory_space<vmem>>[vector<16xi32>, vector<16xi32>], vector<16xf32>,
        %broadcast_in_dim3A_295 = arith.constant 60 : i32
        %broadcast_in_dim3A_296 = vector.broadcast %broadcast_in_dim3A_295 : i32 to vector<16xi32>
        %gather3A_297 = tpu.vector_load_idx %arg11[%broadcast_in_dim3A_296, %and3A_112] : memref<64x1024xf32, #tpu.memory_space<vmem>>[vector<16xi32>, vector<16xi32>], vector<16xf32>,
        tpu.vector_store_idx %arg12[%iota3A, %broadcast_in_dim3A_296], %gather3A_297 : memref<16x64xf32, #tpu.memory_space<vmem>>[vector<16xi32>, vector<16xi32>], vector<16xf32>,
        %broadcast_in_dim3A_298 = arith.constant 61 : i32
        %broadcast_in_dim3A_299 = vector.broadcast %broadcast_in_dim3A_298 : i32 to vector<16xi32>
        %gather3A_300 = tpu.vector_load_idx %arg11[%broadcast_in_dim3A_299, %and3A_112] : memref<64x1024xf32, #tpu.memory_space<vmem>>[vector<16xi32>, vector<16xi32>], vector<16xf32>,
        tpu.vector_store_idx %arg12[%iota3A, %broadcast_in_dim3A_299], %gather3A_300 : memref<16x64xf32, #tpu.memory_space<vmem>>[vector<16xi32>, vector<16xi32>], vector<16xf32>,
        %broadcast_in_dim3A_301 = arith.constant 62 : i32
        %broadcast_in_dim3A_302 = vector.broadcast %broadcast_in_dim3A_301 : i32 to vector<16xi32>
        %gather3A_303 = tpu.vector_load_idx %arg11[%broadcast_in_dim3A_302, %and3A_112] : memref<64x1024xf32, #tpu.memory_space<vmem>>[vector<16xi32>, vector<16xi32>], vector<16xf32>,
        tpu.vector_store_idx %arg12[%iota3A, %broadcast_in_dim3A_302], %gather3A_303 : memref<16x64xf32, #tpu.memory_space<vmem>>[vector<16xi32>, vector<16xi32>], vector<16xf32>,
        %broadcast_in_dim3A_304 = arith.constant 63 : i32
        %broadcast_in_dim3A_305 = vector.broadcast %broadcast_in_dim3A_304 : i32 to vector<16xi32>
        %gather3A_306 = tpu.vector_load_idx %arg11[%broadcast_in_dim3A_305, %and3A_112] : memref<64x1024xf32, #tpu.memory_space<vmem>>[vector<16xi32>, vector<16xi32>], vector<16xf32>,
        tpu.vector_store_idx %arg12[%iota3A, %broadcast_in_dim3A_305], %gather3A_306 : memref<16x64xf32, #tpu.memory_space<vmem>>[vector<16xi32>, vector<16xi32>], vector<16xf32>,
        %mul3A_307 = arith.constant 16 : i32
        %mul3A_308 = arith.muli %while3A_103, %mul3A_307 : i32
        %sub3A_309 = arith.subi %while3A_54, %mul3A_308 : i32
        %min3A = arith.constant 16 : i32
        %min3A_310 = arith.minsi %sub3A_309, %min3A : i32
        %gt3A = arith.constant 0 : i32
        %gt3A_311 = arith.cmpi sgt, %min3A_310, %gt3A : i32
        %convert_element_type3A_312 = arith.extui %gt3A_311 : i1 to i32
        %cond3A_313 = arith.constant 0 : i32
        %cond3A_314 = arith.cmpi ne, %convert_element_type3A_312, %cond3A_313 : i32
        scf.if %cond3A_314 {
          %slice3A = vector.extract_strided_slice %get3A_116 {offsets = [0], sizes = [1], strides = [1]} : vector<16xi32> to vector<1xi32>
          %squeeze3A = vector.extract %slice3A[0] : i32 from vector<1xi32>
          %mul3A_403 = arith.constant 64 : i32
          %mul3A_404 = arith.muli %squeeze3A, %mul3A_403 : i32
          %multiple_of3A = tpu.assume_multiple %mul3A_404, 8 : i32
          %dma_start3A = arith.constant 0 : i32
          %dma_start3A_405 = arith.constant 0 : i32
          %dma_start3A_406 = tpu.memref_slice %arg12[%dma_start3A, %dma_start3A_405] : memref<16x64xf32, #tpu.memory_space<vmem>> -> memref<1x64xf32, #tpu.memory_space<vmem>>
          %dma_start3A_407 = tpu.memref_squeeze %dma_start3A_406 : memref<1x64xf32, #tpu.memory_space<vmem>> -> memref<64xf32, #tpu.memory_space<vmem>>
          %dma_start3A_408 = tpu.memref_slice %arg5[%multiple_of3A] : memref<1048576xf32, #tpu.memory_space<hbm>> -> memref<64xf32, #tpu.memory_space<hbm>>
          %dma_start3A_409 = tpu.memref_slice %arg5[%multiple_of3A] : memref<1048576xf32, #tpu.memory_space<hbm>> -> memref<64xf32, #tpu.memory_space<hbm>>
          %dma_start3A_410 = arith.constant 0 : i32
          %dma_start3A_411 = tpu.memref_slice %arg12[%dma_start3A, %dma_start3A_410] : memref<16x64xf32, #tpu.memory_space<vmem>> -> memref<1x64xf32, #tpu.memory_space<vmem>>
          %dma_start3A_412 = tpu.memref_squeeze %dma_start3A_411 : memref<1x64xf32, #tpu.memory_space<vmem>> -> memref<64xf32, #tpu.memory_space<vmem>>
          tpu.enqueue_dma source(%dma_start3A_412 : memref<64xf32, #tpu.memory_space<vmem>>) target(%dma_start3A_409 : memref<64xf32, #tpu.memory_space<hbm>>) target_semaphore(%arg14 : memref<!tpu.dma_semaphore, #tpu.memory_space<semaphore_mem>>)
        } else {
        }
        %gt3A_315 = arith.constant 1 : i32
        %gt3A_316 = arith.cmpi sgt, %min3A_310, %gt3A_315 : i32
        %convert_element_type3A_317 = arith.extui %gt3A_316 : i1 to i32
        %cond3A_318 = arith.constant 0 : i32
        %cond3A_319 = arith.cmpi ne, %convert_element_type3A_317, %cond3A_318 : i32
        scf.if %cond3A_319 {
          %slice3A = vector.extract_strided_slice %get3A_116 {offsets = [1], sizes = [1], strides = [1]} : vector<16xi32> to vector<1xi32>
          %squeeze3A = vector.extract %slice3A[0] : i32 from vector<1xi32>
          %mul3A_403 = arith.constant 64 : i32
          %mul3A_404 = arith.muli %squeeze3A, %mul3A_403 : i32
          %multiple_of3A = tpu.assume_multiple %mul3A_404, 8 : i32
          %dma_start3A = arith.constant 1 : i32
          %dma_start3A_405 = arith.constant 0 : i32
          %dma_start3A_406 = tpu.memref_slice %arg12[%dma_start3A, %dma_start3A_405] : memref<16x64xf32, #tpu.memory_space<vmem>> -> memref<1x64xf32, #tpu.memory_space<vmem>>
          %dma_start3A_407 = tpu.memref_squeeze %dma_start3A_406 : memref<1x64xf32, #tpu.memory_space<vmem>> -> memref<64xf32, #tpu.memory_space<vmem>>
          %dma_start3A_408 = tpu.memref_slice %arg5[%multiple_of3A] : memref<1048576xf32, #tpu.memory_space<hbm>> -> memref<64xf32, #tpu.memory_space<hbm>>
          %dma_start3A_409 = tpu.memref_slice %arg5[%multiple_of3A] : memref<1048576xf32, #tpu.memory_space<hbm>> -> memref<64xf32, #tpu.memory_space<hbm>>
          %dma_start3A_410 = arith.constant 0 : i32
          %dma_start3A_411 = tpu.memref_slice %arg12[%dma_start3A, %dma_start3A_410] : memref<16x64xf32, #tpu.memory_space<vmem>> -> memref<1x64xf32, #tpu.memory_space<vmem>>
          %dma_start3A_412 = tpu.memref_squeeze %dma_start3A_411 : memref<1x64xf32, #tpu.memory_space<vmem>> -> memref<64xf32, #tpu.memory_space<vmem>>
          tpu.enqueue_dma source(%dma_start3A_412 : memref<64xf32, #tpu.memory_space<vmem>>) target(%dma_start3A_409 : memref<64xf32, #tpu.memory_space<hbm>>) target_semaphore(%arg14 : memref<!tpu.dma_semaphore, #tpu.memory_space<semaphore_mem>>)
        } else {
        }
        %gt3A_320 = arith.constant 2 : i32
        %gt3A_321 = arith.cmpi sgt, %min3A_310, %gt3A_320 : i32
        %convert_element_type3A_322 = arith.extui %gt3A_321 : i1 to i32
        %cond3A_323 = arith.constant 0 : i32
        %cond3A_324 = arith.cmpi ne, %convert_element_type3A_322, %cond3A_323 : i32
        scf.if %cond3A_324 {
          %slice3A = vector.extract_strided_slice %get3A_116 {offsets = [2], sizes = [1], strides = [1]} : vector<16xi32> to vector<1xi32>
          %squeeze3A = vector.extract %slice3A[0] : i32 from vector<1xi32>
          %mul3A_403 = arith.constant 64 : i32
          %mul3A_404 = arith.muli %squeeze3A, %mul3A_403 : i32
          %multiple_of3A = tpu.assume_multiple %mul3A_404, 8 : i32
          %dma_start3A = arith.constant 2 : i32
          %dma_start3A_405 = arith.constant 0 : i32
          %dma_start3A_406 = tpu.memref_slice %arg12[%dma_start3A, %dma_start3A_405] : memref<16x64xf32, #tpu.memory_space<vmem>> -> memref<1x64xf32, #tpu.memory_space<vmem>>
          %dma_start3A_407 = tpu.memref_squeeze %dma_start3A_406 : memref<1x64xf32, #tpu.memory_space<vmem>> -> memref<64xf32, #tpu.memory_space<vmem>>
          %dma_start3A_408 = tpu.memref_slice %arg5[%multiple_of3A] : memref<1048576xf32, #tpu.memory_space<hbm>> -> memref<64xf32, #tpu.memory_space<hbm>>
          %dma_start3A_409 = tpu.memref_slice %arg5[%multiple_of3A] : memref<1048576xf32, #tpu.memory_space<hbm>> -> memref<64xf32, #tpu.memory_space<hbm>>
          %dma_start3A_410 = arith.constant 0 : i32
          %dma_start3A_411 = tpu.memref_slice %arg12[%dma_start3A, %dma_start3A_410] : memref<16x64xf32, #tpu.memory_space<vmem>> -> memref<1x64xf32, #tpu.memory_space<vmem>>
          %dma_start3A_412 = tpu.memref_squeeze %dma_start3A_411 : memref<1x64xf32, #tpu.memory_space<vmem>> -> memref<64xf32, #tpu.memory_space<vmem>>
          tpu.enqueue_dma source(%dma_start3A_412 : memref<64xf32, #tpu.memory_space<vmem>>) target(%dma_start3A_409 : memref<64xf32, #tpu.memory_space<hbm>>) target_semaphore(%arg14 : memref<!tpu.dma_semaphore, #tpu.memory_space<semaphore_mem>>)
        } else {
        }
        %gt3A_325 = arith.constant 3 : i32
        %gt3A_326 = arith.cmpi sgt, %min3A_310, %gt3A_325 : i32
        %convert_element_type3A_327 = arith.extui %gt3A_326 : i1 to i32
        %cond3A_328 = arith.constant 0 : i32
        %cond3A_329 = arith.cmpi ne, %convert_element_type3A_327, %cond3A_328 : i32
        scf.if %cond3A_329 {
          %slice3A = vector.extract_strided_slice %get3A_116 {offsets = [3], sizes = [1], strides = [1]} : vector<16xi32> to vector<1xi32>
          %squeeze3A = vector.extract %slice3A[0] : i32 from vector<1xi32>
          %mul3A_403 = arith.constant 64 : i32
          %mul3A_404 = arith.muli %squeeze3A, %mul3A_403 : i32
          %multiple_of3A = tpu.assume_multiple %mul3A_404, 8 : i32
          %dma_start3A = arith.constant 3 : i32
          %dma_start3A_405 = arith.constant 0 : i32
          %dma_start3A_406 = tpu.memref_slice %arg12[%dma_start3A, %dma_start3A_405] : memref<16x64xf32, #tpu.memory_space<vmem>> -> memref<1x64xf32, #tpu.memory_space<vmem>>
          %dma_start3A_407 = tpu.memref_squeeze %dma_start3A_406 : memref<1x64xf32, #tpu.memory_space<vmem>> -> memref<64xf32, #tpu.memory_space<vmem>>
          %dma_start3A_408 = tpu.memref_slice %arg5[%multiple_of3A] : memref<1048576xf32, #tpu.memory_space<hbm>> -> memref<64xf32, #tpu.memory_space<hbm>>
          %dma_start3A_409 = tpu.memref_slice %arg5[%multiple_of3A] : memref<1048576xf32, #tpu.memory_space<hbm>> -> memref<64xf32, #tpu.memory_space<hbm>>
          %dma_start3A_410 = arith.constant 0 : i32
          %dma_start3A_411 = tpu.memref_slice %arg12[%dma_start3A, %dma_start3A_410] : memref<16x64xf32, #tpu.memory_space<vmem>> -> memref<1x64xf32, #tpu.memory_space<vmem>>
          %dma_start3A_412 = tpu.memref_squeeze %dma_start3A_411 : memref<1x64xf32, #tpu.memory_space<vmem>> -> memref<64xf32, #tpu.memory_space<vmem>>
          tpu.enqueue_dma source(%dma_start3A_412 : memref<64xf32, #tpu.memory_space<vmem>>) target(%dma_start3A_409 : memref<64xf32, #tpu.memory_space<hbm>>) target_semaphore(%arg14 : memref<!tpu.dma_semaphore, #tpu.memory_space<semaphore_mem>>)
        } else {
        }
        %gt3A_330 = arith.constant 4 : i32
        %gt3A_331 = arith.cmpi sgt, %min3A_310, %gt3A_330 : i32
        %convert_element_type3A_332 = arith.extui %gt3A_331 : i1 to i32
        %cond3A_333 = arith.constant 0 : i32
        %cond3A_334 = arith.cmpi ne, %convert_element_type3A_332, %cond3A_333 : i32
        scf.if %cond3A_334 {
          %slice3A = vector.extract_strided_slice %get3A_116 {offsets = [4], sizes = [1], strides = [1]} : vector<16xi32> to vector<1xi32>
          %squeeze3A = vector.extract %slice3A[0] : i32 from vector<1xi32>
          %mul3A_403 = arith.constant 64 : i32
          %mul3A_404 = arith.muli %squeeze3A, %mul3A_403 : i32
          %multiple_of3A = tpu.assume_multiple %mul3A_404, 8 : i32
          %dma_start3A = arith.constant 4 : i32
          %dma_start3A_405 = arith.constant 0 : i32
          %dma_start3A_406 = tpu.memref_slice %arg12[%dma_start3A, %dma_start3A_405] : memref<16x64xf32, #tpu.memory_space<vmem>> -> memref<1x64xf32, #tpu.memory_space<vmem>>
          %dma_start3A_407 = tpu.memref_squeeze %dma_start3A_406 : memref<1x64xf32, #tpu.memory_space<vmem>> -> memref<64xf32, #tpu.memory_space<vmem>>
          %dma_start3A_408 = tpu.memref_slice %arg5[%multiple_of3A] : memref<1048576xf32, #tpu.memory_space<hbm>> -> memref<64xf32, #tpu.memory_space<hbm>>
          %dma_start3A_409 = tpu.memref_slice %arg5[%multiple_of3A] : memref<1048576xf32, #tpu.memory_space<hbm>> -> memref<64xf32, #tpu.memory_space<hbm>>
          %dma_start3A_410 = arith.constant 0 : i32
          %dma_start3A_411 = tpu.memref_slice %arg12[%dma_start3A, %dma_start3A_410] : memref<16x64xf32, #tpu.memory_space<vmem>> -> memref<1x64xf32, #tpu.memory_space<vmem>>
          %dma_start3A_412 = tpu.memref_squeeze %dma_start3A_411 : memref<1x64xf32, #tpu.memory_space<vmem>> -> memref<64xf32, #tpu.memory_space<vmem>>
          tpu.enqueue_dma source(%dma_start3A_412 : memref<64xf32, #tpu.memory_space<vmem>>) target(%dma_start3A_409 : memref<64xf32, #tpu.memory_space<hbm>>) target_semaphore(%arg14 : memref<!tpu.dma_semaphore, #tpu.memory_space<semaphore_mem>>)
        } else {
        }
        %gt3A_335 = arith.constant 5 : i32
        %gt3A_336 = arith.cmpi sgt, %min3A_310, %gt3A_335 : i32
        %convert_element_type3A_337 = arith.extui %gt3A_336 : i1 to i32
        %cond3A_338 = arith.constant 0 : i32
        %cond3A_339 = arith.cmpi ne, %convert_element_type3A_337, %cond3A_338 : i32
        scf.if %cond3A_339 {
          %slice3A = vector.extract_strided_slice %get3A_116 {offsets = [5], sizes = [1], strides = [1]} : vector<16xi32> to vector<1xi32>
          %squeeze3A = vector.extract %slice3A[0] : i32 from vector<1xi32>
          %mul3A_403 = arith.constant 64 : i32
          %mul3A_404 = arith.muli %squeeze3A, %mul3A_403 : i32
          %multiple_of3A = tpu.assume_multiple %mul3A_404, 8 : i32
          %dma_start3A = arith.constant 5 : i32
          %dma_start3A_405 = arith.constant 0 : i32
          %dma_start3A_406 = tpu.memref_slice %arg12[%dma_start3A, %dma_start3A_405] : memref<16x64xf32, #tpu.memory_space<vmem>> -> memref<1x64xf32, #tpu.memory_space<vmem>>
          %dma_start3A_407 = tpu.memref_squeeze %dma_start3A_406 : memref<1x64xf32, #tpu.memory_space<vmem>> -> memref<64xf32, #tpu.memory_space<vmem>>
          %dma_start3A_408 = tpu.memref_slice %arg5[%multiple_of3A] : memref<1048576xf32, #tpu.memory_space<hbm>> -> memref<64xf32, #tpu.memory_space<hbm>>
          %dma_start3A_409 = tpu.memref_slice %arg5[%multiple_of3A] : memref<1048576xf32, #tpu.memory_space<hbm>> -> memref<64xf32, #tpu.memory_space<hbm>>
          %dma_start3A_410 = arith.constant 0 : i32
          %dma_start3A_411 = tpu.memref_slice %arg12[%dma_start3A, %dma_start3A_410] : memref<16x64xf32, #tpu.memory_space<vmem>> -> memref<1x64xf32, #tpu.memory_space<vmem>>
          %dma_start3A_412 = tpu.memref_squeeze %dma_start3A_411 : memref<1x64xf32, #tpu.memory_space<vmem>> -> memref<64xf32, #tpu.memory_space<vmem>>
          tpu.enqueue_dma source(%dma_start3A_412 : memref<64xf32, #tpu.memory_space<vmem>>) target(%dma_start3A_409 : memref<64xf32, #tpu.memory_space<hbm>>) target_semaphore(%arg14 : memref<!tpu.dma_semaphore, #tpu.memory_space<semaphore_mem>>)
        } else {
        }
        %gt3A_340 = arith.constant 6 : i32
        %gt3A_341 = arith.cmpi sgt, %min3A_310, %gt3A_340 : i32
        %convert_element_type3A_342 = arith.extui %gt3A_341 : i1 to i32
        %cond3A_343 = arith.constant 0 : i32
        %cond3A_344 = arith.cmpi ne, %convert_element_type3A_342, %cond3A_343 : i32
        scf.if %cond3A_344 {
          %slice3A = vector.extract_strided_slice %get3A_116 {offsets = [6], sizes = [1], strides = [1]} : vector<16xi32> to vector<1xi32>
          %squeeze3A = vector.extract %slice3A[0] : i32 from vector<1xi32>
          %mul3A_403 = arith.constant 64 : i32
          %mul3A_404 = arith.muli %squeeze3A, %mul3A_403 : i32
          %multiple_of3A = tpu.assume_multiple %mul3A_404, 8 : i32
          %dma_start3A = arith.constant 6 : i32
          %dma_start3A_405 = arith.constant 0 : i32
          %dma_start3A_406 = tpu.memref_slice %arg12[%dma_start3A, %dma_start3A_405] : memref<16x64xf32, #tpu.memory_space<vmem>> -> memref<1x64xf32, #tpu.memory_space<vmem>>
          %dma_start3A_407 = tpu.memref_squeeze %dma_start3A_406 : memref<1x64xf32, #tpu.memory_space<vmem>> -> memref<64xf32, #tpu.memory_space<vmem>>
          %dma_start3A_408 = tpu.memref_slice %arg5[%multiple_of3A] : memref<1048576xf32, #tpu.memory_space<hbm>> -> memref<64xf32, #tpu.memory_space<hbm>>
          %dma_start3A_409 = tpu.memref_slice %arg5[%multiple_of3A] : memref<1048576xf32, #tpu.memory_space<hbm>> -> memref<64xf32, #tpu.memory_space<hbm>>
          %dma_start3A_410 = arith.constant 0 : i32
          %dma_start3A_411 = tpu.memref_slice %arg12[%dma_start3A, %dma_start3A_410] : memref<16x64xf32, #tpu.memory_space<vmem>> -> memref<1x64xf32, #tpu.memory_space<vmem>>
          %dma_start3A_412 = tpu.memref_squeeze %dma_start3A_411 : memref<1x64xf32, #tpu.memory_space<vmem>> -> memref<64xf32, #tpu.memory_space<vmem>>
          tpu.enqueue_dma source(%dma_start3A_412 : memref<64xf32, #tpu.memory_space<vmem>>) target(%dma_start3A_409 : memref<64xf32, #tpu.memory_space<hbm>>) target_semaphore(%arg14 : memref<!tpu.dma_semaphore, #tpu.memory_space<semaphore_mem>>)
        } else {
        }
        %gt3A_345 = arith.constant 7 : i32
        %gt3A_346 = arith.cmpi sgt, %min3A_310, %gt3A_345 : i32
        %convert_element_type3A_347 = arith.extui %gt3A_346 : i1 to i32
        %cond3A_348 = arith.constant 0 : i32
        %cond3A_349 = arith.cmpi ne, %convert_element_type3A_347, %cond3A_348 : i32
        scf.if %cond3A_349 {
          %slice3A = vector.extract_strided_slice %get3A_116 {offsets = [7], sizes = [1], strides = [1]} : vector<16xi32> to vector<1xi32>
          %squeeze3A = vector.extract %slice3A[0] : i32 from vector<1xi32>
          %mul3A_403 = arith.constant 64 : i32
          %mul3A_404 = arith.muli %squeeze3A, %mul3A_403 : i32
          %multiple_of3A = tpu.assume_multiple %mul3A_404, 8 : i32
          %dma_start3A = arith.constant 7 : i32
          %dma_start3A_405 = arith.constant 0 : i32
          %dma_start3A_406 = tpu.memref_slice %arg12[%dma_start3A, %dma_start3A_405] : memref<16x64xf32, #tpu.memory_space<vmem>> -> memref<1x64xf32, #tpu.memory_space<vmem>>
          %dma_start3A_407 = tpu.memref_squeeze %dma_start3A_406 : memref<1x64xf32, #tpu.memory_space<vmem>> -> memref<64xf32, #tpu.memory_space<vmem>>
          %dma_start3A_408 = tpu.memref_slice %arg5[%multiple_of3A] : memref<1048576xf32, #tpu.memory_space<hbm>> -> memref<64xf32, #tpu.memory_space<hbm>>
          %dma_start3A_409 = tpu.memref_slice %arg5[%multiple_of3A] : memref<1048576xf32, #tpu.memory_space<hbm>> -> memref<64xf32, #tpu.memory_space<hbm>>
          %dma_start3A_410 = arith.constant 0 : i32
          %dma_start3A_411 = tpu.memref_slice %arg12[%dma_start3A, %dma_start3A_410] : memref<16x64xf32, #tpu.memory_space<vmem>> -> memref<1x64xf32, #tpu.memory_space<vmem>>
          %dma_start3A_412 = tpu.memref_squeeze %dma_start3A_411 : memref<1x64xf32, #tpu.memory_space<vmem>> -> memref<64xf32, #tpu.memory_space<vmem>>
          tpu.enqueue_dma source(%dma_start3A_412 : memref<64xf32, #tpu.memory_space<vmem>>) target(%dma_start3A_409 : memref<64xf32, #tpu.memory_space<hbm>>) target_semaphore(%arg14 : memref<!tpu.dma_semaphore, #tpu.memory_space<semaphore_mem>>)
        } else {
        }
        %gt3A_350 = arith.constant 8 : i32
        %gt3A_351 = arith.cmpi sgt, %min3A_310, %gt3A_350 : i32
        %convert_element_type3A_352 = arith.extui %gt3A_351 : i1 to i32
        %cond3A_353 = arith.constant 0 : i32
        %cond3A_354 = arith.cmpi ne, %convert_element_type3A_352, %cond3A_353 : i32
        scf.if %cond3A_354 {
          %slice3A = vector.extract_strided_slice %get3A_116 {offsets = [8], sizes = [1], strides = [1]} : vector<16xi32> to vector<1xi32>
          %squeeze3A = vector.extract %slice3A[0] : i32 from vector<1xi32>
          %mul3A_403 = arith.constant 64 : i32
          %mul3A_404 = arith.muli %squeeze3A, %mul3A_403 : i32
          %multiple_of3A = tpu.assume_multiple %mul3A_404, 8 : i32
          %dma_start3A = arith.constant 8 : i32
          %dma_start3A_405 = arith.constant 0 : i32
          %dma_start3A_406 = tpu.memref_slice %arg12[%dma_start3A, %dma_start3A_405] : memref<16x64xf32, #tpu.memory_space<vmem>> -> memref<1x64xf32, #tpu.memory_space<vmem>>
          %dma_start3A_407 = tpu.memref_squeeze %dma_start3A_406 : memref<1x64xf32, #tpu.memory_space<vmem>> -> memref<64xf32, #tpu.memory_space<vmem>>
          %dma_start3A_408 = tpu.memref_slice %arg5[%multiple_of3A] : memref<1048576xf32, #tpu.memory_space<hbm>> -> memref<64xf32, #tpu.memory_space<hbm>>
          %dma_start3A_409 = tpu.memref_slice %arg5[%multiple_of3A] : memref<1048576xf32, #tpu.memory_space<hbm>> -> memref<64xf32, #tpu.memory_space<hbm>>
          %dma_start3A_410 = arith.constant 0 : i32
          %dma_start3A_411 = tpu.memref_slice %arg12[%dma_start3A, %dma_start3A_410] : memref<16x64xf32, #tpu.memory_space<vmem>> -> memref<1x64xf32, #tpu.memory_space<vmem>>
          %dma_start3A_412 = tpu.memref_squeeze %dma_start3A_411 : memref<1x64xf32, #tpu.memory_space<vmem>> -> memref<64xf32, #tpu.memory_space<vmem>>
          tpu.enqueue_dma source(%dma_start3A_412 : memref<64xf32, #tpu.memory_space<vmem>>) target(%dma_start3A_409 : memref<64xf32, #tpu.memory_space<hbm>>) target_semaphore(%arg14 : memref<!tpu.dma_semaphore, #tpu.memory_space<semaphore_mem>>)
        } else {
        }
        %gt3A_355 = arith.constant 9 : i32
        %gt3A_356 = arith.cmpi sgt, %min3A_310, %gt3A_355 : i32
        %convert_element_type3A_357 = arith.extui %gt3A_356 : i1 to i32
        %cond3A_358 = arith.constant 0 : i32
        %cond3A_359 = arith.cmpi ne, %convert_element_type3A_357, %cond3A_358 : i32
        scf.if %cond3A_359 {
          %slice3A = vector.extract_strided_slice %get3A_116 {offsets = [9], sizes = [1], strides = [1]} : vector<16xi32> to vector<1xi32>
          %squeeze3A = vector.extract %slice3A[0] : i32 from vector<1xi32>
          %mul3A_403 = arith.constant 64 : i32
          %mul3A_404 = arith.muli %squeeze3A, %mul3A_403 : i32
          %multiple_of3A = tpu.assume_multiple %mul3A_404, 8 : i32
          %dma_start3A = arith.constant 9 : i32
          %dma_start3A_405 = arith.constant 0 : i32
          %dma_start3A_406 = tpu.memref_slice %arg12[%dma_start3A, %dma_start3A_405] : memref<16x64xf32, #tpu.memory_space<vmem>> -> memref<1x64xf32, #tpu.memory_space<vmem>>
          %dma_start3A_407 = tpu.memref_squeeze %dma_start3A_406 : memref<1x64xf32, #tpu.memory_space<vmem>> -> memref<64xf32, #tpu.memory_space<vmem>>
          %dma_start3A_408 = tpu.memref_slice %arg5[%multiple_of3A] : memref<1048576xf32, #tpu.memory_space<hbm>> -> memref<64xf32, #tpu.memory_space<hbm>>
          %dma_start3A_409 = tpu.memref_slice %arg5[%multiple_of3A] : memref<1048576xf32, #tpu.memory_space<hbm>> -> memref<64xf32, #tpu.memory_space<hbm>>
          %dma_start3A_410 = arith.constant 0 : i32
          %dma_start3A_411 = tpu.memref_slice %arg12[%dma_start3A, %dma_start3A_410] : memref<16x64xf32, #tpu.memory_space<vmem>> -> memref<1x64xf32, #tpu.memory_space<vmem>>
          %dma_start3A_412 = tpu.memref_squeeze %dma_start3A_411 : memref<1x64xf32, #tpu.memory_space<vmem>> -> memref<64xf32, #tpu.memory_space<vmem>>
          tpu.enqueue_dma source(%dma_start3A_412 : memref<64xf32, #tpu.memory_space<vmem>>) target(%dma_start3A_409 : memref<64xf32, #tpu.memory_space<hbm>>) target_semaphore(%arg14 : memref<!tpu.dma_semaphore, #tpu.memory_space<semaphore_mem>>)
        } else {
        }
        %gt3A_360 = arith.constant 10 : i32
        %gt3A_361 = arith.cmpi sgt, %min3A_310, %gt3A_360 : i32
        %convert_element_type3A_362 = arith.extui %gt3A_361 : i1 to i32
        %cond3A_363 = arith.constant 0 : i32
        %cond3A_364 = arith.cmpi ne, %convert_element_type3A_362, %cond3A_363 : i32
        scf.if %cond3A_364 {
          %slice3A = vector.extract_strided_slice %get3A_116 {offsets = [10], sizes = [1], strides = [1]} : vector<16xi32> to vector<1xi32>
          %squeeze3A = vector.extract %slice3A[0] : i32 from vector<1xi32>
          %mul3A_403 = arith.constant 64 : i32
          %mul3A_404 = arith.muli %squeeze3A, %mul3A_403 : i32
          %multiple_of3A = tpu.assume_multiple %mul3A_404, 8 : i32
          %dma_start3A = arith.constant 10 : i32
          %dma_start3A_405 = arith.constant 0 : i32
          %dma_start3A_406 = tpu.memref_slice %arg12[%dma_start3A, %dma_start3A_405] : memref<16x64xf32, #tpu.memory_space<vmem>> -> memref<1x64xf32, #tpu.memory_space<vmem>>
          %dma_start3A_407 = tpu.memref_squeeze %dma_start3A_406 : memref<1x64xf32, #tpu.memory_space<vmem>> -> memref<64xf32, #tpu.memory_space<vmem>>
          %dma_start3A_408 = tpu.memref_slice %arg5[%multiple_of3A] : memref<1048576xf32, #tpu.memory_space<hbm>> -> memref<64xf32, #tpu.memory_space<hbm>>
          %dma_start3A_409 = tpu.memref_slice %arg5[%multiple_of3A] : memref<1048576xf32, #tpu.memory_space<hbm>> -> memref<64xf32, #tpu.memory_space<hbm>>
          %dma_start3A_410 = arith.constant 0 : i32
          %dma_start3A_411 = tpu.memref_slice %arg12[%dma_start3A, %dma_start3A_410] : memref<16x64xf32, #tpu.memory_space<vmem>> -> memref<1x64xf32, #tpu.memory_space<vmem>>
          %dma_start3A_412 = tpu.memref_squeeze %dma_start3A_411 : memref<1x64xf32, #tpu.memory_space<vmem>> -> memref<64xf32, #tpu.memory_space<vmem>>
          tpu.enqueue_dma source(%dma_start3A_412 : memref<64xf32, #tpu.memory_space<vmem>>) target(%dma_start3A_409 : memref<64xf32, #tpu.memory_space<hbm>>) target_semaphore(%arg14 : memref<!tpu.dma_semaphore, #tpu.memory_space<semaphore_mem>>)
        } else {
        }
        %gt3A_365 = arith.constant 11 : i32
        %gt3A_366 = arith.cmpi sgt, %min3A_310, %gt3A_365 : i32
        %convert_element_type3A_367 = arith.extui %gt3A_366 : i1 to i32
        %cond3A_368 = arith.constant 0 : i32
        %cond3A_369 = arith.cmpi ne, %convert_element_type3A_367, %cond3A_368 : i32
        scf.if %cond3A_369 {
          %slice3A = vector.extract_strided_slice %get3A_116 {offsets = [11], sizes = [1], strides = [1]} : vector<16xi32> to vector<1xi32>
          %squeeze3A = vector.extract %slice3A[0] : i32 from vector<1xi32>
          %mul3A_403 = arith.constant 64 : i32
          %mul3A_404 = arith.muli %squeeze3A, %mul3A_403 : i32
          %multiple_of3A = tpu.assume_multiple %mul3A_404, 8 : i32
          %dma_start3A = arith.constant 11 : i32
          %dma_start3A_405 = arith.constant 0 : i32
          %dma_start3A_406 = tpu.memref_slice %arg12[%dma_start3A, %dma_start3A_405] : memref<16x64xf32, #tpu.memory_space<vmem>> -> memref<1x64xf32, #tpu.memory_space<vmem>>
          %dma_start3A_407 = tpu.memref_squeeze %dma_start3A_406 : memref<1x64xf32, #tpu.memory_space<vmem>> -> memref<64xf32, #tpu.memory_space<vmem>>
          %dma_start3A_408 = tpu.memref_slice %arg5[%multiple_of3A] : memref<1048576xf32, #tpu.memory_space<hbm>> -> memref<64xf32, #tpu.memory_space<hbm>>
          %dma_start3A_409 = tpu.memref_slice %arg5[%multiple_of3A] : memref<1048576xf32, #tpu.memory_space<hbm>> -> memref<64xf32, #tpu.memory_space<hbm>>
          %dma_start3A_410 = arith.constant 0 : i32
          %dma_start3A_411 = tpu.memref_slice %arg12[%dma_start3A, %dma_start3A_410] : memref<16x64xf32, #tpu.memory_space<vmem>> -> memref<1x64xf32, #tpu.memory_space<vmem>>
          %dma_start3A_412 = tpu.memref_squeeze %dma_start3A_411 : memref<1x64xf32, #tpu.memory_space<vmem>> -> memref<64xf32, #tpu.memory_space<vmem>>
          tpu.enqueue_dma source(%dma_start3A_412 : memref<64xf32, #tpu.memory_space<vmem>>) target(%dma_start3A_409 : memref<64xf32, #tpu.memory_space<hbm>>) target_semaphore(%arg14 : memref<!tpu.dma_semaphore, #tpu.memory_space<semaphore_mem>>)
        } else {
        }
        %gt3A_370 = arith.constant 12 : i32
        %gt3A_371 = arith.cmpi sgt, %min3A_310, %gt3A_370 : i32
        %convert_element_type3A_372 = arith.extui %gt3A_371 : i1 to i32
        %cond3A_373 = arith.constant 0 : i32
        %cond3A_374 = arith.cmpi ne, %convert_element_type3A_372, %cond3A_373 : i32
        scf.if %cond3A_374 {
          %slice3A = vector.extract_strided_slice %get3A_116 {offsets = [12], sizes = [1], strides = [1]} : vector<16xi32> to vector<1xi32>
          %squeeze3A = vector.extract %slice3A[0] : i32 from vector<1xi32>
          %mul3A_403 = arith.constant 64 : i32
          %mul3A_404 = arith.muli %squeeze3A, %mul3A_403 : i32
          %multiple_of3A = tpu.assume_multiple %mul3A_404, 8 : i32
          %dma_start3A = arith.constant 12 : i32
          %dma_start3A_405 = arith.constant 0 : i32
          %dma_start3A_406 = tpu.memref_slice %arg12[%dma_start3A, %dma_start3A_405] : memref<16x64xf32, #tpu.memory_space<vmem>> -> memref<1x64xf32, #tpu.memory_space<vmem>>
          %dma_start3A_407 = tpu.memref_squeeze %dma_start3A_406 : memref<1x64xf32, #tpu.memory_space<vmem>> -> memref<64xf32, #tpu.memory_space<vmem>>
          %dma_start3A_408 = tpu.memref_slice %arg5[%multiple_of3A] : memref<1048576xf32, #tpu.memory_space<hbm>> -> memref<64xf32, #tpu.memory_space<hbm>>
          %dma_start3A_409 = tpu.memref_slice %arg5[%multiple_of3A] : memref<1048576xf32, #tpu.memory_space<hbm>> -> memref<64xf32, #tpu.memory_space<hbm>>
          %dma_start3A_410 = arith.constant 0 : i32
          %dma_start3A_411 = tpu.memref_slice %arg12[%dma_start3A, %dma_start3A_410] : memref<16x64xf32, #tpu.memory_space<vmem>> -> memref<1x64xf32, #tpu.memory_space<vmem>>
          %dma_start3A_412 = tpu.memref_squeeze %dma_start3A_411 : memref<1x64xf32, #tpu.memory_space<vmem>> -> memref<64xf32, #tpu.memory_space<vmem>>
          tpu.enqueue_dma source(%dma_start3A_412 : memref<64xf32, #tpu.memory_space<vmem>>) target(%dma_start3A_409 : memref<64xf32, #tpu.memory_space<hbm>>) target_semaphore(%arg14 : memref<!tpu.dma_semaphore, #tpu.memory_space<semaphore_mem>>)
        } else {
        }
        %gt3A_375 = arith.constant 13 : i32
        %gt3A_376 = arith.cmpi sgt, %min3A_310, %gt3A_375 : i32
        %convert_element_type3A_377 = arith.extui %gt3A_376 : i1 to i32
        %cond3A_378 = arith.constant 0 : i32
        %cond3A_379 = arith.cmpi ne, %convert_element_type3A_377, %cond3A_378 : i32
        scf.if %cond3A_379 {
          %slice3A = vector.extract_strided_slice %get3A_116 {offsets = [13], sizes = [1], strides = [1]} : vector<16xi32> to vector<1xi32>
          %squeeze3A = vector.extract %slice3A[0] : i32 from vector<1xi32>
          %mul3A_403 = arith.constant 64 : i32
          %mul3A_404 = arith.muli %squeeze3A, %mul3A_403 : i32
          %multiple_of3A = tpu.assume_multiple %mul3A_404, 8 : i32
          %dma_start3A = arith.constant 13 : i32
          %dma_start3A_405 = arith.constant 0 : i32
          %dma_start3A_406 = tpu.memref_slice %arg12[%dma_start3A, %dma_start3A_405] : memref<16x64xf32, #tpu.memory_space<vmem>> -> memref<1x64xf32, #tpu.memory_space<vmem>>
          %dma_start3A_407 = tpu.memref_squeeze %dma_start3A_406 : memref<1x64xf32, #tpu.memory_space<vmem>> -> memref<64xf32, #tpu.memory_space<vmem>>
          %dma_start3A_408 = tpu.memref_slice %arg5[%multiple_of3A] : memref<1048576xf32, #tpu.memory_space<hbm>> -> memref<64xf32, #tpu.memory_space<hbm>>
          %dma_start3A_409 = tpu.memref_slice %arg5[%multiple_of3A] : memref<1048576xf32, #tpu.memory_space<hbm>> -> memref<64xf32, #tpu.memory_space<hbm>>
          %dma_start3A_410 = arith.constant 0 : i32
          %dma_start3A_411 = tpu.memref_slice %arg12[%dma_start3A, %dma_start3A_410] : memref<16x64xf32, #tpu.memory_space<vmem>> -> memref<1x64xf32, #tpu.memory_space<vmem>>
          %dma_start3A_412 = tpu.memref_squeeze %dma_start3A_411 : memref<1x64xf32, #tpu.memory_space<vmem>> -> memref<64xf32, #tpu.memory_space<vmem>>
          tpu.enqueue_dma source(%dma_start3A_412 : memref<64xf32, #tpu.memory_space<vmem>>) target(%dma_start3A_409 : memref<64xf32, #tpu.memory_space<hbm>>) target_semaphore(%arg14 : memref<!tpu.dma_semaphore, #tpu.memory_space<semaphore_mem>>)
        } else {
        }
        %gt3A_380 = arith.constant 14 : i32
        %gt3A_381 = arith.cmpi sgt, %min3A_310, %gt3A_380 : i32
        %convert_element_type3A_382 = arith.extui %gt3A_381 : i1 to i32
        %cond3A_383 = arith.constant 0 : i32
        %cond3A_384 = arith.cmpi ne, %convert_element_type3A_382, %cond3A_383 : i32
        scf.if %cond3A_384 {
          %slice3A = vector.extract_strided_slice %get3A_116 {offsets = [14], sizes = [1], strides = [1]} : vector<16xi32> to vector<1xi32>
          %squeeze3A = vector.extract %slice3A[0] : i32 from vector<1xi32>
          %mul3A_403 = arith.constant 64 : i32
          %mul3A_404 = arith.muli %squeeze3A, %mul3A_403 : i32
          %multiple_of3A = tpu.assume_multiple %mul3A_404, 8 : i32
          %dma_start3A = arith.constant 14 : i32
          %dma_start3A_405 = arith.constant 0 : i32
          %dma_start3A_406 = tpu.memref_slice %arg12[%dma_start3A, %dma_start3A_405] : memref<16x64xf32, #tpu.memory_space<vmem>> -> memref<1x64xf32, #tpu.memory_space<vmem>>
          %dma_start3A_407 = tpu.memref_squeeze %dma_start3A_406 : memref<1x64xf32, #tpu.memory_space<vmem>> -> memref<64xf32, #tpu.memory_space<vmem>>
          %dma_start3A_408 = tpu.memref_slice %arg5[%multiple_of3A] : memref<1048576xf32, #tpu.memory_space<hbm>> -> memref<64xf32, #tpu.memory_space<hbm>>
          %dma_start3A_409 = tpu.memref_slice %arg5[%multiple_of3A] : memref<1048576xf32, #tpu.memory_space<hbm>> -> memref<64xf32, #tpu.memory_space<hbm>>
          %dma_start3A_410 = arith.constant 0 : i32
          %dma_start3A_411 = tpu.memref_slice %arg12[%dma_start3A, %dma_start3A_410] : memref<16x64xf32, #tpu.memory_space<vmem>> -> memref<1x64xf32, #tpu.memory_space<vmem>>
          %dma_start3A_412 = tpu.memref_squeeze %dma_start3A_411 : memref<1x64xf32, #tpu.memory_space<vmem>> -> memref<64xf32, #tpu.memory_space<vmem>>
          tpu.enqueue_dma source(%dma_start3A_412 : memref<64xf32, #tpu.memory_space<vmem>>) target(%dma_start3A_409 : memref<64xf32, #tpu.memory_space<hbm>>) target_semaphore(%arg14 : memref<!tpu.dma_semaphore, #tpu.memory_space<semaphore_mem>>)
        } else {
        }
        %gt3A_385 = arith.constant 15 : i32
        %gt3A_386 = arith.cmpi sgt, %min3A_310, %gt3A_385 : i32
        %convert_element_type3A_387 = arith.extui %gt3A_386 : i1 to i32
        %cond3A_388 = arith.constant 0 : i32
        %cond3A_389 = arith.cmpi ne, %convert_element_type3A_387, %cond3A_388 : i32
        scf.if %cond3A_389 {
          %slice3A = vector.extract_strided_slice %get3A_116 {offsets = [15], sizes = [1], strides = [1]} : vector<16xi32> to vector<1xi32>
          %squeeze3A = vector.extract %slice3A[0] : i32 from vector<1xi32>
          %mul3A_403 = arith.constant 64 : i32
          %mul3A_404 = arith.muli %squeeze3A, %mul3A_403 : i32
          %multiple_of3A = tpu.assume_multiple %mul3A_404, 8 : i32
          %dma_start3A = arith.constant 15 : i32
          %dma_start3A_405 = arith.constant 0 : i32
          %dma_start3A_406 = tpu.memref_slice %arg12[%dma_start3A, %dma_start3A_405] : memref<16x64xf32, #tpu.memory_space<vmem>> -> memref<1x64xf32, #tpu.memory_space<vmem>>
          %dma_start3A_407 = tpu.memref_squeeze %dma_start3A_406 : memref<1x64xf32, #tpu.memory_space<vmem>> -> memref<64xf32, #tpu.memory_space<vmem>>
          %dma_start3A_408 = tpu.memref_slice %arg5[%multiple_of3A] : memref<1048576xf32, #tpu.memory_space<hbm>> -> memref<64xf32, #tpu.memory_space<hbm>>
          %dma_start3A_409 = tpu.memref_slice %arg5[%multiple_of3A] : memref<1048576xf32, #tpu.memory_space<hbm>> -> memref<64xf32, #tpu.memory_space<hbm>>
          %dma_start3A_410 = arith.constant 0 : i32
          %dma_start3A_411 = tpu.memref_slice %arg12[%dma_start3A, %dma_start3A_410] : memref<16x64xf32, #tpu.memory_space<vmem>> -> memref<1x64xf32, #tpu.memory_space<vmem>>
          %dma_start3A_412 = tpu.memref_squeeze %dma_start3A_411 : memref<1x64xf32, #tpu.memory_space<vmem>> -> memref<64xf32, #tpu.memory_space<vmem>>
          tpu.enqueue_dma source(%dma_start3A_412 : memref<64xf32, #tpu.memory_space<vmem>>) target(%dma_start3A_409 : memref<64xf32, #tpu.memory_space<hbm>>) target_semaphore(%arg14 : memref<!tpu.dma_semaphore, #tpu.memory_space<semaphore_mem>>)
        } else {
        }
        %while3A_390 = arith.constant 0 : i32
        %while3A_391 = arith.constant 0 : i32
        %while3A_392 = arith.subi %min3A_310, %while3A_390 : i32
        %while3A_393 = arith.addi %while3A_390, %while3A_392 : i32
        %while3A_394 = arith.constant 1 : i32
        %while3A_395 = arith.divsi %while3A_392, %while3A_394 : i32
        %while3A_396 = arith.muli %while3A_395, %while3A_394 : i32
        %while3A_397 = arith.addi %while3A_390, %while3A_396 : i32
        %while3A_398 = arith.constant 1 : i32
        %while3A_399 = scf.for %while3A_403 = %while3A_390 to %while3A_397 step %while3A_398 iter_args(%while3A_404 = %while3A_391) -> (i32)  : i32 {
          %dma_wait3A = arith.constant 0 : i32
          %dma_wait3A_405 = arith.constant 0 : i32
          %dma_wait3A_406 = tpu.memref_slice %arg12[%dma_wait3A, %dma_wait3A_405] : memref<16x64xf32, #tpu.memory_space<vmem>> -> memref<1x64xf32, #tpu.memory_space<vmem>>
          %dma_wait3A_407 = tpu.memref_squeeze %dma_wait3A_406 : memref<1x64xf32, #tpu.memory_space<vmem>> -> memref<64xf32, #tpu.memory_space<vmem>>
          %dma_wait3A_408 = arith.constant 0 : i32
          %dma_wait3A_409 = tpu.memref_slice %arg5[%dma_wait3A_408] : memref<1048576xf32, #tpu.memory_space<hbm>> -> memref<64xf32, #tpu.memory_space<hbm>>
          %dma_wait3A_410 = arith.constant 0 : i32
          %dma_wait3A_411 = tpu.memref_slice %arg5[%dma_wait3A_410] : memref<1048576xf32, #tpu.memory_space<hbm>> -> memref<64xf32, #tpu.memory_space<hbm>>
          %dma_wait3A_412 = arith.constant 0 : i32
          %dma_wait3A_413 = tpu.memref_slice %arg12[%dma_wait3A, %dma_wait3A_412] : memref<16x64xf32, #tpu.memory_space<vmem>> -> memref<1x64xf32, #tpu.memory_space<vmem>>
          %dma_wait3A_414 = tpu.memref_squeeze %dma_wait3A_413 : memref<1x64xf32, #tpu.memory_space<vmem>> -> memref<64xf32, #tpu.memory_space<vmem>>
          tpu.wait_dma2 semaphore(%arg14 : memref<!tpu.dma_semaphore, #tpu.memory_space<semaphore_mem>>) src(%dma_wait3A_414 : memref<64xf32, #tpu.memory_space<vmem>>) dst(%dma_wait3A_411 : memref<64xf32, #tpu.memory_space<hbm>>)
          %while3A_415 = arith.constant 0 : i32
          scf.yield %while3A_415 : i32
        }
        %while3A_400 = arith.constant 1 : i32
        %while3A_401 = scf.for %while3A_403 = %while3A_397 to %while3A_393 step %while3A_400 iter_args(%while3A_404 = %while3A_399) -> (i32)  : i32 {
          %dma_wait3A = arith.constant 0 : i32
          %dma_wait3A_405 = arith.constant 0 : i32
          %dma_wait3A_406 = tpu.memref_slice %arg12[%dma_wait3A, %dma_wait3A_405] : memref<16x64xf32, #tpu.memory_space<vmem>> -> memref<1x64xf32, #tpu.memory_space<vmem>>
          %dma_wait3A_407 = tpu.memref_squeeze %dma_wait3A_406 : memref<1x64xf32, #tpu.memory_space<vmem>> -> memref<64xf32, #tpu.memory_space<vmem>>
          %dma_wait3A_408 = arith.constant 0 : i32
          %dma_wait3A_409 = tpu.memref_slice %arg5[%dma_wait3A_408] : memref<1048576xf32, #tpu.memory_space<hbm>> -> memref<64xf32, #tpu.memory_space<hbm>>
          %dma_wait3A_410 = arith.constant 0 : i32
          %dma_wait3A_411 = tpu.memref_slice %arg5[%dma_wait3A_410] : memref<1048576xf32, #tpu.memory_space<hbm>> -> memref<64xf32, #tpu.memory_space<hbm>>
          %dma_wait3A_412 = arith.constant 0 : i32
          %dma_wait3A_413 = tpu.memref_slice %arg12[%dma_wait3A, %dma_wait3A_412] : memref<16x64xf32, #tpu.memory_space<vmem>> -> memref<1x64xf32, #tpu.memory_space<vmem>>
          %dma_wait3A_414 = tpu.memref_squeeze %dma_wait3A_413 : memref<1x64xf32, #tpu.memory_space<vmem>> -> memref<64xf32, #tpu.memory_space<vmem>>
          tpu.wait_dma2 semaphore(%arg14 : memref<!tpu.dma_semaphore, #tpu.memory_space<semaphore_mem>>) src(%dma_wait3A_414 : memref<64xf32, #tpu.memory_space<vmem>>) dst(%dma_wait3A_411 : memref<64xf32, #tpu.memory_space<hbm>>)
          %while3A_415 = arith.constant 0 : i32
          scf.yield %while3A_415 : i32
        }
        %while3A_402 = arith.constant 0 : i32
        scf.yield %while3A_402 : i32
      }
      %while3A_100 = arith.constant 1 : i32
      %while3A_101 = scf.for %while3A_103 = %while3A_97 to %while3A_93 step %while3A_100 iter_args(%while3A_104 = %while3A_99) -> (i32)  : i32 {
        %mul3A_105 = arith.constant 16 : i32
        %mul3A_106 = arith.muli %while3A_103, %mul3A_105 : i32
        %get3A = arith.index_cast %mul3A_106 : i32 to index
        %get3A_107 = tpu.vector_load %arg9[%get3A] {strides = array<i32>} : memref<64xi32, #tpu.memory_space<vmem>>, vector<16xi32>,
        %sub3A_108 = vector.broadcast %select_n3A_38 : i32 to vector<16xi32>
        %sub3A_109 = arith.subi %get3A_107, %sub3A_108 : vector<16xi32>
        %and3A_110 = arith.constant 1023 : i32
        %and3A_111 = vector.broadcast %and3A_110 : i32 to vector<16xi32>
        %and3A_112 = arith.andi %sub3A_109, %and3A_111 : vector<16xi32>
        %mul3A_113 = arith.constant 16 : i32
        %mul3A_114 = arith.muli %while3A_103, %mul3A_113 : i32
        %get3A_115 = arith.index_cast %mul3A_114 : i32 to index
        %get3A_116 = tpu.vector_load %arg10[%get3A_115] {strides = array<i32>} : memref<64xi32, #tpu.memory_space<vmem>>, vector<16xi32>,
        %broadcast_in_dim3A = arith.constant 0 : i32
        %broadcast_in_dim3A_117 = vector.broadcast %broadcast_in_dim3A : i32 to vector<16xi32>
        %gather3A = tpu.vector_load_idx %arg11[%broadcast_in_dim3A_117, %and3A_112] : memref<64x1024xf32, #tpu.memory_space<vmem>>[vector<16xi32>, vector<16xi32>], vector<16xf32>,
        tpu.vector_store_idx %arg12[%iota3A, %broadcast_in_dim3A_117], %gather3A : memref<16x64xf32, #tpu.memory_space<vmem>>[vector<16xi32>, vector<16xi32>], vector<16xf32>,
        %broadcast_in_dim3A_118 = arith.constant 1 : i32
        %broadcast_in_dim3A_119 = vector.broadcast %broadcast_in_dim3A_118 : i32 to vector<16xi32>
        %gather3A_120 = tpu.vector_load_idx %arg11[%broadcast_in_dim3A_119, %and3A_112] : memref<64x1024xf32, #tpu.memory_space<vmem>>[vector<16xi32>, vector<16xi32>], vector<16xf32>,
        tpu.vector_store_idx %arg12[%iota3A, %broadcast_in_dim3A_119], %gather3A_120 : memref<16x64xf32, #tpu.memory_space<vmem>>[vector<16xi32>, vector<16xi32>], vector<16xf32>,
        %broadcast_in_dim3A_121 = arith.constant 2 : i32
        %broadcast_in_dim3A_122 = vector.broadcast %broadcast_in_dim3A_121 : i32 to vector<16xi32>
        %gather3A_123 = tpu.vector_load_idx %arg11[%broadcast_in_dim3A_122, %and3A_112] : memref<64x1024xf32, #tpu.memory_space<vmem>>[vector<16xi32>, vector<16xi32>], vector<16xf32>,
        tpu.vector_store_idx %arg12[%iota3A, %broadcast_in_dim3A_122], %gather3A_123 : memref<16x64xf32, #tpu.memory_space<vmem>>[vector<16xi32>, vector<16xi32>], vector<16xf32>,
        %broadcast_in_dim3A_124 = arith.constant 3 : i32
        %broadcast_in_dim3A_125 = vector.broadcast %broadcast_in_dim3A_124 : i32 to vector<16xi32>
        %gather3A_126 = tpu.vector_load_idx %arg11[%broadcast_in_dim3A_125, %and3A_112] : memref<64x1024xf32, #tpu.memory_space<vmem>>[vector<16xi32>, vector<16xi32>], vector<16xf32>,
        tpu.vector_store_idx %arg12[%iota3A, %broadcast_in_dim3A_125], %gather3A_126 : memref<16x64xf32, #tpu.memory_space<vmem>>[vector<16xi32>, vector<16xi32>], vector<16xf32>,
        %broadcast_in_dim3A_127 = arith.constant 4 : i32
        %broadcast_in_dim3A_128 = vector.broadcast %broadcast_in_dim3A_127 : i32 to vector<16xi32>
        %gather3A_129 = tpu.vector_load_idx %arg11[%broadcast_in_dim3A_128, %and3A_112] : memref<64x1024xf32, #tpu.memory_space<vmem>>[vector<16xi32>, vector<16xi32>], vector<16xf32>,
        tpu.vector_store_idx %arg12[%iota3A, %broadcast_in_dim3A_128], %gather3A_129 : memref<16x64xf32, #tpu.memory_space<vmem>>[vector<16xi32>, vector<16xi32>], vector<16xf32>,
        %broadcast_in_dim3A_130 = arith.constant 5 : i32
        %broadcast_in_dim3A_131 = vector.broadcast %broadcast_in_dim3A_130 : i32 to vector<16xi32>
        %gather3A_132 = tpu.vector_load_idx %arg11[%broadcast_in_dim3A_131, %and3A_112] : memref<64x1024xf32, #tpu.memory_space<vmem>>[vector<16xi32>, vector<16xi32>], vector<16xf32>,
        tpu.vector_store_idx %arg12[%iota3A, %broadcast_in_dim3A_131], %gather3A_132 : memref<16x64xf32, #tpu.memory_space<vmem>>[vector<16xi32>, vector<16xi32>], vector<16xf32>,
        %broadcast_in_dim3A_133 = arith.constant 6 : i32
        %broadcast_in_dim3A_134 = vector.broadcast %broadcast_in_dim3A_133 : i32 to vector<16xi32>
        %gather3A_135 = tpu.vector_load_idx %arg11[%broadcast_in_dim3A_134, %and3A_112] : memref<64x1024xf32, #tpu.memory_space<vmem>>[vector<16xi32>, vector<16xi32>], vector<16xf32>,
        tpu.vector_store_idx %arg12[%iota3A, %broadcast_in_dim3A_134], %gather3A_135 : memref<16x64xf32, #tpu.memory_space<vmem>>[vector<16xi32>, vector<16xi32>], vector<16xf32>,
        %broadcast_in_dim3A_136 = arith.constant 7 : i32
        %broadcast_in_dim3A_137 = vector.broadcast %broadcast_in_dim3A_136 : i32 to vector<16xi32>
        %gather3A_138 = tpu.vector_load_idx %arg11[%broadcast_in_dim3A_137, %and3A_112] : memref<64x1024xf32, #tpu.memory_space<vmem>>[vector<16xi32>, vector<16xi32>], vector<16xf32>,
        tpu.vector_store_idx %arg12[%iota3A, %broadcast_in_dim3A_137], %gather3A_138 : memref<16x64xf32, #tpu.memory_space<vmem>>[vector<16xi32>, vector<16xi32>], vector<16xf32>,
        %broadcast_in_dim3A_139 = arith.constant 8 : i32
        %broadcast_in_dim3A_140 = vector.broadcast %broadcast_in_dim3A_139 : i32 to vector<16xi32>
        %gather3A_141 = tpu.vector_load_idx %arg11[%broadcast_in_dim3A_140, %and3A_112] : memref<64x1024xf32, #tpu.memory_space<vmem>>[vector<16xi32>, vector<16xi32>], vector<16xf32>,
        tpu.vector_store_idx %arg12[%iota3A, %broadcast_in_dim3A_140], %gather3A_141 : memref<16x64xf32, #tpu.memory_space<vmem>>[vector<16xi32>, vector<16xi32>], vector<16xf32>,
        %broadcast_in_dim3A_142 = arith.constant 9 : i32
        %broadcast_in_dim3A_143 = vector.broadcast %broadcast_in_dim3A_142 : i32 to vector<16xi32>
        %gather3A_144 = tpu.vector_load_idx %arg11[%broadcast_in_dim3A_143, %and3A_112] : memref<64x1024xf32, #tpu.memory_space<vmem>>[vector<16xi32>, vector<16xi32>], vector<16xf32>,
        tpu.vector_store_idx %arg12[%iota3A, %broadcast_in_dim3A_143], %gather3A_144 : memref<16x64xf32, #tpu.memory_space<vmem>>[vector<16xi32>, vector<16xi32>], vector<16xf32>,
        %broadcast_in_dim3A_145 = arith.constant 10 : i32
        %broadcast_in_dim3A_146 = vector.broadcast %broadcast_in_dim3A_145 : i32 to vector<16xi32>
        %gather3A_147 = tpu.vector_load_idx %arg11[%broadcast_in_dim3A_146, %and3A_112] : memref<64x1024xf32, #tpu.memory_space<vmem>>[vector<16xi32>, vector<16xi32>], vector<16xf32>,
        tpu.vector_store_idx %arg12[%iota3A, %broadcast_in_dim3A_146], %gather3A_147 : memref<16x64xf32, #tpu.memory_space<vmem>>[vector<16xi32>, vector<16xi32>], vector<16xf32>,
        %broadcast_in_dim3A_148 = arith.constant 11 : i32
        %broadcast_in_dim3A_149 = vector.broadcast %broadcast_in_dim3A_148 : i32 to vector<16xi32>
        %gather3A_150 = tpu.vector_load_idx %arg11[%broadcast_in_dim3A_149, %and3A_112] : memref<64x1024xf32, #tpu.memory_space<vmem>>[vector<16xi32>, vector<16xi32>], vector<16xf32>,
        tpu.vector_store_idx %arg12[%iota3A, %broadcast_in_dim3A_149], %gather3A_150 : memref<16x64xf32, #tpu.memory_space<vmem>>[vector<16xi32>, vector<16xi32>], vector<16xf32>,
        %broadcast_in_dim3A_151 = arith.constant 12 : i32
        %broadcast_in_dim3A_152 = vector.broadcast %broadcast_in_dim3A_151 : i32 to vector<16xi32>
        %gather3A_153 = tpu.vector_load_idx %arg11[%broadcast_in_dim3A_152, %and3A_112] : memref<64x1024xf32, #tpu.memory_space<vmem>>[vector<16xi32>, vector<16xi32>], vector<16xf32>,
        tpu.vector_store_idx %arg12[%iota3A, %broadcast_in_dim3A_152], %gather3A_153 : memref<16x64xf32, #tpu.memory_space<vmem>>[vector<16xi32>, vector<16xi32>], vector<16xf32>,
        %broadcast_in_dim3A_154 = arith.constant 13 : i32
        %broadcast_in_dim3A_155 = vector.broadcast %broadcast_in_dim3A_154 : i32 to vector<16xi32>
        %gather3A_156 = tpu.vector_load_idx %arg11[%broadcast_in_dim3A_155, %and3A_112] : memref<64x1024xf32, #tpu.memory_space<vmem>>[vector<16xi32>, vector<16xi32>], vector<16xf32>,
        tpu.vector_store_idx %arg12[%iota3A, %broadcast_in_dim3A_155], %gather3A_156 : memref<16x64xf32, #tpu.memory_space<vmem>>[vector<16xi32>, vector<16xi32>], vector<16xf32>,
        %broadcast_in_dim3A_157 = arith.constant 14 : i32
        %broadcast_in_dim3A_158 = vector.broadcast %broadcast_in_dim3A_157 : i32 to vector<16xi32>
        %gather3A_159 = tpu.vector_load_idx %arg11[%broadcast_in_dim3A_158, %and3A_112] : memref<64x1024xf32, #tpu.memory_space<vmem>>[vector<16xi32>, vector<16xi32>], vector<16xf32>,
        tpu.vector_store_idx %arg12[%iota3A, %broadcast_in_dim3A_158], %gather3A_159 : memref<16x64xf32, #tpu.memory_space<vmem>>[vector<16xi32>, vector<16xi32>], vector<16xf32>,
        %broadcast_in_dim3A_160 = arith.constant 15 : i32
        %broadcast_in_dim3A_161 = vector.broadcast %broadcast_in_dim3A_160 : i32 to vector<16xi32>
        %gather3A_162 = tpu.vector_load_idx %arg11[%broadcast_in_dim3A_161, %and3A_112] : memref<64x1024xf32, #tpu.memory_space<vmem>>[vector<16xi32>, vector<16xi32>], vector<16xf32>,
        tpu.vector_store_idx %arg12[%iota3A, %broadcast_in_dim3A_161], %gather3A_162 : memref<16x64xf32, #tpu.memory_space<vmem>>[vector<16xi32>, vector<16xi32>], vector<16xf32>,
        %broadcast_in_dim3A_163 = arith.constant 16 : i32
        %broadcast_in_dim3A_164 = vector.broadcast %broadcast_in_dim3A_163 : i32 to vector<16xi32>
        %gather3A_165 = tpu.vector_load_idx %arg11[%broadcast_in_dim3A_164, %and3A_112] : memref<64x1024xf32, #tpu.memory_space<vmem>>[vector<16xi32>, vector<16xi32>], vector<16xf32>,
        tpu.vector_store_idx %arg12[%iota3A, %broadcast_in_dim3A_164], %gather3A_165 : memref<16x64xf32, #tpu.memory_space<vmem>>[vector<16xi32>, vector<16xi32>], vector<16xf32>,
        %broadcast_in_dim3A_166 = arith.constant 17 : i32
        %broadcast_in_dim3A_167 = vector.broadcast %broadcast_in_dim3A_166 : i32 to vector<16xi32>
        %gather3A_168 = tpu.vector_load_idx %arg11[%broadcast_in_dim3A_167, %and3A_112] : memref<64x1024xf32, #tpu.memory_space<vmem>>[vector<16xi32>, vector<16xi32>], vector<16xf32>,
        tpu.vector_store_idx %arg12[%iota3A, %broadcast_in_dim3A_167], %gather3A_168 : memref<16x64xf32, #tpu.memory_space<vmem>>[vector<16xi32>, vector<16xi32>], vector<16xf32>,
        %broadcast_in_dim3A_169 = arith.constant 18 : i32
        %broadcast_in_dim3A_170 = vector.broadcast %broadcast_in_dim3A_169 : i32 to vector<16xi32>
        %gather3A_171 = tpu.vector_load_idx %arg11[%broadcast_in_dim3A_170, %and3A_112] : memref<64x1024xf32, #tpu.memory_space<vmem>>[vector<16xi32>, vector<16xi32>], vector<16xf32>,
        tpu.vector_store_idx %arg12[%iota3A, %broadcast_in_dim3A_170], %gather3A_171 : memref<16x64xf32, #tpu.memory_space<vmem>>[vector<16xi32>, vector<16xi32>], vector<16xf32>,
        %broadcast_in_dim3A_172 = arith.constant 19 : i32
        %broadcast_in_dim3A_173 = vector.broadcast %broadcast_in_dim3A_172 : i32 to vector<16xi32>
        %gather3A_174 = tpu.vector_load_idx %arg11[%broadcast_in_dim3A_173, %and3A_112] : memref<64x1024xf32, #tpu.memory_space<vmem>>[vector<16xi32>, vector<16xi32>], vector<16xf32>,
        tpu.vector_store_idx %arg12[%iota3A, %broadcast_in_dim3A_173], %gather3A_174 : memref<16x64xf32, #tpu.memory_space<vmem>>[vector<16xi32>, vector<16xi32>], vector<16xf32>,
        %broadcast_in_dim3A_175 = arith.constant 20 : i32
        %broadcast_in_dim3A_176 = vector.broadcast %broadcast_in_dim3A_175 : i32 to vector<16xi32>
        %gather3A_177 = tpu.vector_load_idx %arg11[%broadcast_in_dim3A_176, %and3A_112] : memref<64x1024xf32, #tpu.memory_space<vmem>>[vector<16xi32>, vector<16xi32>], vector<16xf32>,
        tpu.vector_store_idx %arg12[%iota3A, %broadcast_in_dim3A_176], %gather3A_177 : memref<16x64xf32, #tpu.memory_space<vmem>>[vector<16xi32>, vector<16xi32>], vector<16xf32>,
        %broadcast_in_dim3A_178 = arith.constant 21 : i32
        %broadcast_in_dim3A_179 = vector.broadcast %broadcast_in_dim3A_178 : i32 to vector<16xi32>
        %gather3A_180 = tpu.vector_load_idx %arg11[%broadcast_in_dim3A_179, %and3A_112] : memref<64x1024xf32, #tpu.memory_space<vmem>>[vector<16xi32>, vector<16xi32>], vector<16xf32>,
        tpu.vector_store_idx %arg12[%iota3A, %broadcast_in_dim3A_179], %gather3A_180 : memref<16x64xf32, #tpu.memory_space<vmem>>[vector<16xi32>, vector<16xi32>], vector<16xf32>,
        %broadcast_in_dim3A_181 = arith.constant 22 : i32
        %broadcast_in_dim3A_182 = vector.broadcast %broadcast_in_dim3A_181 : i32 to vector<16xi32>
        %gather3A_183 = tpu.vector_load_idx %arg11[%broadcast_in_dim3A_182, %and3A_112] : memref<64x1024xf32, #tpu.memory_space<vmem>>[vector<16xi32>, vector<16xi32>], vector<16xf32>,
        tpu.vector_store_idx %arg12[%iota3A, %broadcast_in_dim3A_182], %gather3A_183 : memref<16x64xf32, #tpu.memory_space<vmem>>[vector<16xi32>, vector<16xi32>], vector<16xf32>,
        %broadcast_in_dim3A_184 = arith.constant 23 : i32
        %broadcast_in_dim3A_185 = vector.broadcast %broadcast_in_dim3A_184 : i32 to vector<16xi32>
        %gather3A_186 = tpu.vector_load_idx %arg11[%broadcast_in_dim3A_185, %and3A_112] : memref<64x1024xf32, #tpu.memory_space<vmem>>[vector<16xi32>, vector<16xi32>], vector<16xf32>,
        tpu.vector_store_idx %arg12[%iota3A, %broadcast_in_dim3A_185], %gather3A_186 : memref<16x64xf32, #tpu.memory_space<vmem>>[vector<16xi32>, vector<16xi32>], vector<16xf32>,
        %broadcast_in_dim3A_187 = arith.constant 24 : i32
        %broadcast_in_dim3A_188 = vector.broadcast %broadcast_in_dim3A_187 : i32 to vector<16xi32>
        %gather3A_189 = tpu.vector_load_idx %arg11[%broadcast_in_dim3A_188, %and3A_112] : memref<64x1024xf32, #tpu.memory_space<vmem>>[vector<16xi32>, vector<16xi32>], vector<16xf32>,
        tpu.vector_store_idx %arg12[%iota3A, %broadcast_in_dim3A_188], %gather3A_189 : memref<16x64xf32, #tpu.memory_space<vmem>>[vector<16xi32>, vector<16xi32>], vector<16xf32>,
        %broadcast_in_dim3A_190 = arith.constant 25 : i32
        %broadcast_in_dim3A_191 = vector.broadcast %broadcast_in_dim3A_190 : i32 to vector<16xi32>
        %gather3A_192 = tpu.vector_load_idx %arg11[%broadcast_in_dim3A_191, %and3A_112] : memref<64x1024xf32, #tpu.memory_space<vmem>>[vector<16xi32>, vector<16xi32>], vector<16xf32>,
        tpu.vector_store_idx %arg12[%iota3A, %broadcast_in_dim3A_191], %gather3A_192 : memref<16x64xf32, #tpu.memory_space<vmem>>[vector<16xi32>, vector<16xi32>], vector<16xf32>,
        %broadcast_in_dim3A_193 = arith.constant 26 : i32
        %broadcast_in_dim3A_194 = vector.broadcast %broadcast_in_dim3A_193 : i32 to vector<16xi32>
        %gather3A_195 = tpu.vector_load_idx %arg11[%broadcast_in_dim3A_194, %and3A_112] : memref<64x1024xf32, #tpu.memory_space<vmem>>[vector<16xi32>, vector<16xi32>], vector<16xf32>,
        tpu.vector_store_idx %arg12[%iota3A, %broadcast_in_dim3A_194], %gather3A_195 : memref<16x64xf32, #tpu.memory_space<vmem>>[vector<16xi32>, vector<16xi32>], vector<16xf32>,
        %broadcast_in_dim3A_196 = arith.constant 27 : i32
        %broadcast_in_dim3A_197 = vector.broadcast %broadcast_in_dim3A_196 : i32 to vector<16xi32>
        %gather3A_198 = tpu.vector_load_idx %arg11[%broadcast_in_dim3A_197, %and3A_112] : memref<64x1024xf32, #tpu.memory_space<vmem>>[vector<16xi32>, vector<16xi32>], vector<16xf32>,
        tpu.vector_store_idx %arg12[%iota3A, %broadcast_in_dim3A_197], %gather3A_198 : memref<16x64xf32, #tpu.memory_space<vmem>>[vector<16xi32>, vector<16xi32>], vector<16xf32>,
        %broadcast_in_dim3A_199 = arith.constant 28 : i32
        %broadcast_in_dim3A_200 = vector.broadcast %broadcast_in_dim3A_199 : i32 to vector<16xi32>
        %gather3A_201 = tpu.vector_load_idx %arg11[%broadcast_in_dim3A_200, %and3A_112] : memref<64x1024xf32, #tpu.memory_space<vmem>>[vector<16xi32>, vector<16xi32>], vector<16xf32>,
        tpu.vector_store_idx %arg12[%iota3A, %broadcast_in_dim3A_200], %gather3A_201 : memref<16x64xf32, #tpu.memory_space<vmem>>[vector<16xi32>, vector<16xi32>], vector<16xf32>,
        %broadcast_in_dim3A_202 = arith.constant 29 : i32
        %broadcast_in_dim3A_203 = vector.broadcast %broadcast_in_dim3A_202 : i32 to vector<16xi32>
        %gather3A_204 = tpu.vector_load_idx %arg11[%broadcast_in_dim3A_203, %and3A_112] : memref<64x1024xf32, #tpu.memory_space<vmem>>[vector<16xi32>, vector<16xi32>], vector<16xf32>,
        tpu.vector_store_idx %arg12[%iota3A, %broadcast_in_dim3A_203], %gather3A_204 : memref<16x64xf32, #tpu.memory_space<vmem>>[vector<16xi32>, vector<16xi32>], vector<16xf32>,
        %broadcast_in_dim3A_205 = arith.constant 30 : i32
        %broadcast_in_dim3A_206 = vector.broadcast %broadcast_in_dim3A_205 : i32 to vector<16xi32>
        %gather3A_207 = tpu.vector_load_idx %arg11[%broadcast_in_dim3A_206, %and3A_112] : memref<64x1024xf32, #tpu.memory_space<vmem>>[vector<16xi32>, vector<16xi32>], vector<16xf32>,
        tpu.vector_store_idx %arg12[%iota3A, %broadcast_in_dim3A_206], %gather3A_207 : memref<16x64xf32, #tpu.memory_space<vmem>>[vector<16xi32>, vector<16xi32>], vector<16xf32>,
        %broadcast_in_dim3A_208 = arith.constant 31 : i32
        %broadcast_in_dim3A_209 = vector.broadcast %broadcast_in_dim3A_208 : i32 to vector<16xi32>
        %gather3A_210 = tpu.vector_load_idx %arg11[%broadcast_in_dim3A_209, %and3A_112] : memref<64x1024xf32, #tpu.memory_space<vmem>>[vector<16xi32>, vector<16xi32>], vector<16xf32>,
        tpu.vector_store_idx %arg12[%iota3A, %broadcast_in_dim3A_209], %gather3A_210 : memref<16x64xf32, #tpu.memory_space<vmem>>[vector<16xi32>, vector<16xi32>], vector<16xf32>,
        %broadcast_in_dim3A_211 = arith.constant 32 : i32
        %broadcast_in_dim3A_212 = vector.broadcast %broadcast_in_dim3A_211 : i32 to vector<16xi32>
        %gather3A_213 = tpu.vector_load_idx %arg11[%broadcast_in_dim3A_212, %and3A_112] : memref<64x1024xf32, #tpu.memory_space<vmem>>[vector<16xi32>, vector<16xi32>], vector<16xf32>,
        tpu.vector_store_idx %arg12[%iota3A, %broadcast_in_dim3A_212], %gather3A_213 : memref<16x64xf32, #tpu.memory_space<vmem>>[vector<16xi32>, vector<16xi32>], vector<16xf32>,
        %broadcast_in_dim3A_214 = arith.constant 33 : i32
        %broadcast_in_dim3A_215 = vector.broadcast %broadcast_in_dim3A_214 : i32 to vector<16xi32>
        %gather3A_216 = tpu.vector_load_idx %arg11[%broadcast_in_dim3A_215, %and3A_112] : memref<64x1024xf32, #tpu.memory_space<vmem>>[vector<16xi32>, vector<16xi32>], vector<16xf32>,
        tpu.vector_store_idx %arg12[%iota3A, %broadcast_in_dim3A_215], %gather3A_216 : memref<16x64xf32, #tpu.memory_space<vmem>>[vector<16xi32>, vector<16xi32>], vector<16xf32>,
        %broadcast_in_dim3A_217 = arith.constant 34 : i32
        %broadcast_in_dim3A_218 = vector.broadcast %broadcast_in_dim3A_217 : i32 to vector<16xi32>
        %gather3A_219 = tpu.vector_load_idx %arg11[%broadcast_in_dim3A_218, %and3A_112] : memref<64x1024xf32, #tpu.memory_space<vmem>>[vector<16xi32>, vector<16xi32>], vector<16xf32>,
        tpu.vector_store_idx %arg12[%iota3A, %broadcast_in_dim3A_218], %gather3A_219 : memref<16x64xf32, #tpu.memory_space<vmem>>[vector<16xi32>, vector<16xi32>], vector<16xf32>,
        %broadcast_in_dim3A_220 = arith.constant 35 : i32
        %broadcast_in_dim3A_221 = vector.broadcast %broadcast_in_dim3A_220 : i32 to vector<16xi32>
        %gather3A_222 = tpu.vector_load_idx %arg11[%broadcast_in_dim3A_221, %and3A_112] : memref<64x1024xf32, #tpu.memory_space<vmem>>[vector<16xi32>, vector<16xi32>], vector<16xf32>,
        tpu.vector_store_idx %arg12[%iota3A, %broadcast_in_dim3A_221], %gather3A_222 : memref<16x64xf32, #tpu.memory_space<vmem>>[vector<16xi32>, vector<16xi32>], vector<16xf32>,
        %broadcast_in_dim3A_223 = arith.constant 36 : i32
        %broadcast_in_dim3A_224 = vector.broadcast %broadcast_in_dim3A_223 : i32 to vector<16xi32>
        %gather3A_225 = tpu.vector_load_idx %arg11[%broadcast_in_dim3A_224, %and3A_112] : memref<64x1024xf32, #tpu.memory_space<vmem>>[vector<16xi32>, vector<16xi32>], vector<16xf32>,
        tpu.vector_store_idx %arg12[%iota3A, %broadcast_in_dim3A_224], %gather3A_225 : memref<16x64xf32, #tpu.memory_space<vmem>>[vector<16xi32>, vector<16xi32>], vector<16xf32>,
        %broadcast_in_dim3A_226 = arith.constant 37 : i32
        %broadcast_in_dim3A_227 = vector.broadcast %broadcast_in_dim3A_226 : i32 to vector<16xi32>
        %gather3A_228 = tpu.vector_load_idx %arg11[%broadcast_in_dim3A_227, %and3A_112] : memref<64x1024xf32, #tpu.memory_space<vmem>>[vector<16xi32>, vector<16xi32>], vector<16xf32>,
        tpu.vector_store_idx %arg12[%iota3A, %broadcast_in_dim3A_227], %gather3A_228 : memref<16x64xf32, #tpu.memory_space<vmem>>[vector<16xi32>, vector<16xi32>], vector<16xf32>,
        %broadcast_in_dim3A_229 = arith.constant 38 : i32
        %broadcast_in_dim3A_230 = vector.broadcast %broadcast_in_dim3A_229 : i32 to vector<16xi32>
        %gather3A_231 = tpu.vector_load_idx %arg11[%broadcast_in_dim3A_230, %and3A_112] : memref<64x1024xf32, #tpu.memory_space<vmem>>[vector<16xi32>, vector<16xi32>], vector<16xf32>,
        tpu.vector_store_idx %arg12[%iota3A, %broadcast_in_dim3A_230], %gather3A_231 : memref<16x64xf32, #tpu.memory_space<vmem>>[vector<16xi32>, vector<16xi32>], vector<16xf32>,
        %broadcast_in_dim3A_232 = arith.constant 39 : i32
        %broadcast_in_dim3A_233 = vector.broadcast %broadcast_in_dim3A_232 : i32 to vector<16xi32>
        %gather3A_234 = tpu.vector_load_idx %arg11[%broadcast_in_dim3A_233, %and3A_112] : memref<64x1024xf32, #tpu.memory_space<vmem>>[vector<16xi32>, vector<16xi32>], vector<16xf32>,
        tpu.vector_store_idx %arg12[%iota3A, %broadcast_in_dim3A_233], %gather3A_234 : memref<16x64xf32, #tpu.memory_space<vmem>>[vector<16xi32>, vector<16xi32>], vector<16xf32>,
        %broadcast_in_dim3A_235 = arith.constant 40 : i32
        %broadcast_in_dim3A_236 = vector.broadcast %broadcast_in_dim3A_235 : i32 to vector<16xi32>
        %gather3A_237 = tpu.vector_load_idx %arg11[%broadcast_in_dim3A_236, %and3A_112] : memref<64x1024xf32, #tpu.memory_space<vmem>>[vector<16xi32>, vector<16xi32>], vector<16xf32>,
        tpu.vector_store_idx %arg12[%iota3A, %broadcast_in_dim3A_236], %gather3A_237 : memref<16x64xf32, #tpu.memory_space<vmem>>[vector<16xi32>, vector<16xi32>], vector<16xf32>,
        %broadcast_in_dim3A_238 = arith.constant 41 : i32
        %broadcast_in_dim3A_239 = vector.broadcast %broadcast_in_dim3A_238 : i32 to vector<16xi32>
        %gather3A_240 = tpu.vector_load_idx %arg11[%broadcast_in_dim3A_239, %and3A_112] : memref<64x1024xf32, #tpu.memory_space<vmem>>[vector<16xi32>, vector<16xi32>], vector<16xf32>,
        tpu.vector_store_idx %arg12[%iota3A, %broadcast_in_dim3A_239], %gather3A_240 : memref<16x64xf32, #tpu.memory_space<vmem>>[vector<16xi32>, vector<16xi32>], vector<16xf32>,
        %broadcast_in_dim3A_241 = arith.constant 42 : i32
        %broadcast_in_dim3A_242 = vector.broadcast %broadcast_in_dim3A_241 : i32 to vector<16xi32>
        %gather3A_243 = tpu.vector_load_idx %arg11[%broadcast_in_dim3A_242, %and3A_112] : memref<64x1024xf32, #tpu.memory_space<vmem>>[vector<16xi32>, vector<16xi32>], vector<16xf32>,
        tpu.vector_store_idx %arg12[%iota3A, %broadcast_in_dim3A_242], %gather3A_243 : memref<16x64xf32, #tpu.memory_space<vmem>>[vector<16xi32>, vector<16xi32>], vector<16xf32>,
        %broadcast_in_dim3A_244 = arith.constant 43 : i32
        %broadcast_in_dim3A_245 = vector.broadcast %broadcast_in_dim3A_244 : i32 to vector<16xi32>
        %gather3A_246 = tpu.vector_load_idx %arg11[%broadcast_in_dim3A_245, %and3A_112] : memref<64x1024xf32, #tpu.memory_space<vmem>>[vector<16xi32>, vector<16xi32>], vector<16xf32>,
        tpu.vector_store_idx %arg12[%iota3A, %broadcast_in_dim3A_245], %gather3A_246 : memref<16x64xf32, #tpu.memory_space<vmem>>[vector<16xi32>, vector<16xi32>], vector<16xf32>,
        %broadcast_in_dim3A_247 = arith.constant 44 : i32
        %broadcast_in_dim3A_248 = vector.broadcast %broadcast_in_dim3A_247 : i32 to vector<16xi32>
        %gather3A_249 = tpu.vector_load_idx %arg11[%broadcast_in_dim3A_248, %and3A_112] : memref<64x1024xf32, #tpu.memory_space<vmem>>[vector<16xi32>, vector<16xi32>], vector<16xf32>,
        tpu.vector_store_idx %arg12[%iota3A, %broadcast_in_dim3A_248], %gather3A_249 : memref<16x64xf32, #tpu.memory_space<vmem>>[vector<16xi32>, vector<16xi32>], vector<16xf32>,
        %broadcast_in_dim3A_250 = arith.constant 45 : i32
        %broadcast_in_dim3A_251 = vector.broadcast %broadcast_in_dim3A_250 : i32 to vector<16xi32>
        %gather3A_252 = tpu.vector_load_idx %arg11[%broadcast_in_dim3A_251, %and3A_112] : memref<64x1024xf32, #tpu.memory_space<vmem>>[vector<16xi32>, vector<16xi32>], vector<16xf32>,
        tpu.vector_store_idx %arg12[%iota3A, %broadcast_in_dim3A_251], %gather3A_252 : memref<16x64xf32, #tpu.memory_space<vmem>>[vector<16xi32>, vector<16xi32>], vector<16xf32>,
        %broadcast_in_dim3A_253 = arith.constant 46 : i32
        %broadcast_in_dim3A_254 = vector.broadcast %broadcast_in_dim3A_253 : i32 to vector<16xi32>
        %gather3A_255 = tpu.vector_load_idx %arg11[%broadcast_in_dim3A_254, %and3A_112] : memref<64x1024xf32, #tpu.memory_space<vmem>>[vector<16xi32>, vector<16xi32>], vector<16xf32>,
        tpu.vector_store_idx %arg12[%iota3A, %broadcast_in_dim3A_254], %gather3A_255 : memref<16x64xf32, #tpu.memory_space<vmem>>[vector<16xi32>, vector<16xi32>], vector<16xf32>,
        %broadcast_in_dim3A_256 = arith.constant 47 : i32
        %broadcast_in_dim3A_257 = vector.broadcast %broadcast_in_dim3A_256 : i32 to vector<16xi32>
        %gather3A_258 = tpu.vector_load_idx %arg11[%broadcast_in_dim3A_257, %and3A_112] : memref<64x1024xf32, #tpu.memory_space<vmem>>[vector<16xi32>, vector<16xi32>], vector<16xf32>,
        tpu.vector_store_idx %arg12[%iota3A, %broadcast_in_dim3A_257], %gather3A_258 : memref<16x64xf32, #tpu.memory_space<vmem>>[vector<16xi32>, vector<16xi32>], vector<16xf32>,
        %broadcast_in_dim3A_259 = arith.constant 48 : i32
        %broadcast_in_dim3A_260 = vector.broadcast %broadcast_in_dim3A_259 : i32 to vector<16xi32>
        %gather3A_261 = tpu.vector_load_idx %arg11[%broadcast_in_dim3A_260, %and3A_112] : memref<64x1024xf32, #tpu.memory_space<vmem>>[vector<16xi32>, vector<16xi32>], vector<16xf32>,
        tpu.vector_store_idx %arg12[%iota3A, %broadcast_in_dim3A_260], %gather3A_261 : memref<16x64xf32, #tpu.memory_space<vmem>>[vector<16xi32>, vector<16xi32>], vector<16xf32>,
        %broadcast_in_dim3A_262 = arith.constant 49 : i32
        %broadcast_in_dim3A_263 = vector.broadcast %broadcast_in_dim3A_262 : i32 to vector<16xi32>
        %gather3A_264 = tpu.vector_load_idx %arg11[%broadcast_in_dim3A_263, %and3A_112] : memref<64x1024xf32, #tpu.memory_space<vmem>>[vector<16xi32>, vector<16xi32>], vector<16xf32>,
        tpu.vector_store_idx %arg12[%iota3A, %broadcast_in_dim3A_263], %gather3A_264 : memref<16x64xf32, #tpu.memory_space<vmem>>[vector<16xi32>, vector<16xi32>], vector<16xf32>,
        %broadcast_in_dim3A_265 = arith.constant 50 : i32
        %broadcast_in_dim3A_266 = vector.broadcast %broadcast_in_dim3A_265 : i32 to vector<16xi32>
        %gather3A_267 = tpu.vector_load_idx %arg11[%broadcast_in_dim3A_266, %and3A_112] : memref<64x1024xf32, #tpu.memory_space<vmem>>[vector<16xi32>, vector<16xi32>], vector<16xf32>,
        tpu.vector_store_idx %arg12[%iota3A, %broadcast_in_dim3A_266], %gather3A_267 : memref<16x64xf32, #tpu.memory_space<vmem>>[vector<16xi32>, vector<16xi32>], vector<16xf32>,
        %broadcast_in_dim3A_268 = arith.constant 51 : i32
        %broadcast_in_dim3A_269 = vector.broadcast %broadcast_in_dim3A_268 : i32 to vector<16xi32>
        %gather3A_270 = tpu.vector_load_idx %arg11[%broadcast_in_dim3A_269, %and3A_112] : memref<64x1024xf32, #tpu.memory_space<vmem>>[vector<16xi32>, vector<16xi32>], vector<16xf32>,
        tpu.vector_store_idx %arg12[%iota3A, %broadcast_in_dim3A_269], %gather3A_270 : memref<16x64xf32, #tpu.memory_space<vmem>>[vector<16xi32>, vector<16xi32>], vector<16xf32>,
        %broadcast_in_dim3A_271 = arith.constant 52 : i32
        %broadcast_in_dim3A_272 = vector.broadcast %broadcast_in_dim3A_271 : i32 to vector<16xi32>
        %gather3A_273 = tpu.vector_load_idx %arg11[%broadcast_in_dim3A_272, %and3A_112] : memref<64x1024xf32, #tpu.memory_space<vmem>>[vector<16xi32>, vector<16xi32>], vector<16xf32>,
        tpu.vector_store_idx %arg12[%iota3A, %broadcast_in_dim3A_272], %gather3A_273 : memref<16x64xf32, #tpu.memory_space<vmem>>[vector<16xi32>, vector<16xi32>], vector<16xf32>,
        %broadcast_in_dim3A_274 = arith.constant 53 : i32
        %broadcast_in_dim3A_275 = vector.broadcast %broadcast_in_dim3A_274 : i32 to vector<16xi32>
        %gather3A_276 = tpu.vector_load_idx %arg11[%broadcast_in_dim3A_275, %and3A_112] : memref<64x1024xf32, #tpu.memory_space<vmem>>[vector<16xi32>, vector<16xi32>], vector<16xf32>,
        tpu.vector_store_idx %arg12[%iota3A, %broadcast_in_dim3A_275], %gather3A_276 : memref<16x64xf32, #tpu.memory_space<vmem>>[vector<16xi32>, vector<16xi32>], vector<16xf32>,
        %broadcast_in_dim3A_277 = arith.constant 54 : i32
        %broadcast_in_dim3A_278 = vector.broadcast %broadcast_in_dim3A_277 : i32 to vector<16xi32>
        %gather3A_279 = tpu.vector_load_idx %arg11[%broadcast_in_dim3A_278, %and3A_112] : memref<64x1024xf32, #tpu.memory_space<vmem>>[vector<16xi32>, vector<16xi32>], vector<16xf32>,
        tpu.vector_store_idx %arg12[%iota3A, %broadcast_in_dim3A_278], %gather3A_279 : memref<16x64xf32, #tpu.memory_space<vmem>>[vector<16xi32>, vector<16xi32>], vector<16xf32>,
        %broadcast_in_dim3A_280 = arith.constant 55 : i32
        %broadcast_in_dim3A_281 = vector.broadcast %broadcast_in_dim3A_280 : i32 to vector<16xi32>
        %gather3A_282 = tpu.vector_load_idx %arg11[%broadcast_in_dim3A_281, %and3A_112] : memref<64x1024xf32, #tpu.memory_space<vmem>>[vector<16xi32>, vector<16xi32>], vector<16xf32>,
        tpu.vector_store_idx %arg12[%iota3A, %broadcast_in_dim3A_281], %gather3A_282 : memref<16x64xf32, #tpu.memory_space<vmem>>[vector<16xi32>, vector<16xi32>], vector<16xf32>,
        %broadcast_in_dim3A_283 = arith.constant 56 : i32
        %broadcast_in_dim3A_284 = vector.broadcast %broadcast_in_dim3A_283 : i32 to vector<16xi32>
        %gather3A_285 = tpu.vector_load_idx %arg11[%broadcast_in_dim3A_284, %and3A_112] : memref<64x1024xf32, #tpu.memory_space<vmem>>[vector<16xi32>, vector<16xi32>], vector<16xf32>,
        tpu.vector_store_idx %arg12[%iota3A, %broadcast_in_dim3A_284], %gather3A_285 : memref<16x64xf32, #tpu.memory_space<vmem>>[vector<16xi32>, vector<16xi32>], vector<16xf32>,
        %broadcast_in_dim3A_286 = arith.constant 57 : i32
        %broadcast_in_dim3A_287 = vector.broadcast %broadcast_in_dim3A_286 : i32 to vector<16xi32>
        %gather3A_288 = tpu.vector_load_idx %arg11[%broadcast_in_dim3A_287, %and3A_112] : memref<64x1024xf32, #tpu.memory_space<vmem>>[vector<16xi32>, vector<16xi32>], vector<16xf32>,
        tpu.vector_store_idx %arg12[%iota3A, %broadcast_in_dim3A_287], %gather3A_288 : memref<16x64xf32, #tpu.memory_space<vmem>>[vector<16xi32>, vector<16xi32>], vector<16xf32>,
        %broadcast_in_dim3A_289 = arith.constant 58 : i32
        %broadcast_in_dim3A_290 = vector.broadcast %broadcast_in_dim3A_289 : i32 to vector<16xi32>
        %gather3A_291 = tpu.vector_load_idx %arg11[%broadcast_in_dim3A_290, %and3A_112] : memref<64x1024xf32, #tpu.memory_space<vmem>>[vector<16xi32>, vector<16xi32>], vector<16xf32>,
        tpu.vector_store_idx %arg12[%iota3A, %broadcast_in_dim3A_290], %gather3A_291 : memref<16x64xf32, #tpu.memory_space<vmem>>[vector<16xi32>, vector<16xi32>], vector<16xf32>,
        %broadcast_in_dim3A_292 = arith.constant 59 : i32
        %broadcast_in_dim3A_293 = vector.broadcast %broadcast_in_dim3A_292 : i32 to vector<16xi32>
        %gather3A_294 = tpu.vector_load_idx %arg11[%broadcast_in_dim3A_293, %and3A_112] : memref<64x1024xf32, #tpu.memory_space<vmem>>[vector<16xi32>, vector<16xi32>], vector<16xf32>,
        tpu.vector_store_idx %arg12[%iota3A, %broadcast_in_dim3A_293], %gather3A_294 : memref<16x64xf32, #tpu.memory_space<vmem>>[vector<16xi32>, vector<16xi32>], vector<16xf32>,
        %broadcast_in_dim3A_295 = arith.constant 60 : i32
        %broadcast_in_dim3A_296 = vector.broadcast %broadcast_in_dim3A_295 : i32 to vector<16xi32>
        %gather3A_297 = tpu.vector_load_idx %arg11[%broadcast_in_dim3A_296, %and3A_112] : memref<64x1024xf32, #tpu.memory_space<vmem>>[vector<16xi32>, vector<16xi32>], vector<16xf32>,
        tpu.vector_store_idx %arg12[%iota3A, %broadcast_in_dim3A_296], %gather3A_297 : memref<16x64xf32, #tpu.memory_space<vmem>>[vector<16xi32>, vector<16xi32>], vector<16xf32>,
        %broadcast_in_dim3A_298 = arith.constant 61 : i32
        %broadcast_in_dim3A_299 = vector.broadcast %broadcast_in_dim3A_298 : i32 to vector<16xi32>
        %gather3A_300 = tpu.vector_load_idx %arg11[%broadcast_in_dim3A_299, %and3A_112] : memref<64x1024xf32, #tpu.memory_space<vmem>>[vector<16xi32>, vector<16xi32>], vector<16xf32>,
        tpu.vector_store_idx %arg12[%iota3A, %broadcast_in_dim3A_299], %gather3A_300 : memref<16x64xf32, #tpu.memory_space<vmem>>[vector<16xi32>, vector<16xi32>], vector<16xf32>,
        %broadcast_in_dim3A_301 = arith.constant 62 : i32
        %broadcast_in_dim3A_302 = vector.broadcast %broadcast_in_dim3A_301 : i32 to vector<16xi32>
        %gather3A_303 = tpu.vector_load_idx %arg11[%broadcast_in_dim3A_302, %and3A_112] : memref<64x1024xf32, #tpu.memory_space<vmem>>[vector<16xi32>, vector<16xi32>], vector<16xf32>,
        tpu.vector_store_idx %arg12[%iota3A, %broadcast_in_dim3A_302], %gather3A_303 : memref<16x64xf32, #tpu.memory_space<vmem>>[vector<16xi32>, vector<16xi32>], vector<16xf32>,
        %broadcast_in_dim3A_304 = arith.constant 63 : i32
        %broadcast_in_dim3A_305 = vector.broadcast %broadcast_in_dim3A_304 : i32 to vector<16xi32>
        %gather3A_306 = tpu.vector_load_idx %arg11[%broadcast_in_dim3A_305, %and3A_112] : memref<64x1024xf32, #tpu.memory_space<vmem>>[vector<16xi32>, vector<16xi32>], vector<16xf32>,
        tpu.vector_store_idx %arg12[%iota3A, %broadcast_in_dim3A_305], %gather3A_306 : memref<16x64xf32, #tpu.memory_space<vmem>>[vector<16xi32>, vector<16xi32>], vector<16xf32>,
        %mul3A_307 = arith.constant 16 : i32
        %mul3A_308 = arith.muli %while3A_103, %mul3A_307 : i32
        %sub3A_309 = arith.subi %while3A_54, %mul3A_308 : i32
        %min3A = arith.constant 16 : i32
        %min3A_310 = arith.minsi %sub3A_309, %min3A : i32
        %gt3A = arith.constant 0 : i32
        %gt3A_311 = arith.cmpi sgt, %min3A_310, %gt3A : i32
        %convert_element_type3A_312 = arith.extui %gt3A_311 : i1 to i32
        %cond3A_313 = arith.constant 0 : i32
        %cond3A_314 = arith.cmpi ne, %convert_element_type3A_312, %cond3A_313 : i32
        scf.if %cond3A_314 {
          %slice3A = vector.extract_strided_slice %get3A_116 {offsets = [0], sizes = [1], strides = [1]} : vector<16xi32> to vector<1xi32>
          %squeeze3A = vector.extract %slice3A[0] : i32 from vector<1xi32>
          %mul3A_403 = arith.constant 64 : i32
          %mul3A_404 = arith.muli %squeeze3A, %mul3A_403 : i32
          %multiple_of3A = tpu.assume_multiple %mul3A_404, 8 : i32
          %dma_start3A = arith.constant 0 : i32
          %dma_start3A_405 = arith.constant 0 : i32
          %dma_start3A_406 = tpu.memref_slice %arg12[%dma_start3A, %dma_start3A_405] : memref<16x64xf32, #tpu.memory_space<vmem>> -> memref<1x64xf32, #tpu.memory_space<vmem>>
          %dma_start3A_407 = tpu.memref_squeeze %dma_start3A_406 : memref<1x64xf32, #tpu.memory_space<vmem>> -> memref<64xf32, #tpu.memory_space<vmem>>
          %dma_start3A_408 = tpu.memref_slice %arg5[%multiple_of3A] : memref<1048576xf32, #tpu.memory_space<hbm>> -> memref<64xf32, #tpu.memory_space<hbm>>
          %dma_start3A_409 = tpu.memref_slice %arg5[%multiple_of3A] : memref<1048576xf32, #tpu.memory_space<hbm>> -> memref<64xf32, #tpu.memory_space<hbm>>
          %dma_start3A_410 = arith.constant 0 : i32
          %dma_start3A_411 = tpu.memref_slice %arg12[%dma_start3A, %dma_start3A_410] : memref<16x64xf32, #tpu.memory_space<vmem>> -> memref<1x64xf32, #tpu.memory_space<vmem>>
          %dma_start3A_412 = tpu.memref_squeeze %dma_start3A_411 : memref<1x64xf32, #tpu.memory_space<vmem>> -> memref<64xf32, #tpu.memory_space<vmem>>
          tpu.enqueue_dma source(%dma_start3A_412 : memref<64xf32, #tpu.memory_space<vmem>>) target(%dma_start3A_409 : memref<64xf32, #tpu.memory_space<hbm>>) target_semaphore(%arg14 : memref<!tpu.dma_semaphore, #tpu.memory_space<semaphore_mem>>)
        } else {
        }
        %gt3A_315 = arith.constant 1 : i32
        %gt3A_316 = arith.cmpi sgt, %min3A_310, %gt3A_315 : i32
        %convert_element_type3A_317 = arith.extui %gt3A_316 : i1 to i32
        %cond3A_318 = arith.constant 0 : i32
        %cond3A_319 = arith.cmpi ne, %convert_element_type3A_317, %cond3A_318 : i32
        scf.if %cond3A_319 {
          %slice3A = vector.extract_strided_slice %get3A_116 {offsets = [1], sizes = [1], strides = [1]} : vector<16xi32> to vector<1xi32>
          %squeeze3A = vector.extract %slice3A[0] : i32 from vector<1xi32>
          %mul3A_403 = arith.constant 64 : i32
          %mul3A_404 = arith.muli %squeeze3A, %mul3A_403 : i32
          %multiple_of3A = tpu.assume_multiple %mul3A_404, 8 : i32
          %dma_start3A = arith.constant 1 : i32
          %dma_start3A_405 = arith.constant 0 : i32
          %dma_start3A_406 = tpu.memref_slice %arg12[%dma_start3A, %dma_start3A_405] : memref<16x64xf32, #tpu.memory_space<vmem>> -> memref<1x64xf32, #tpu.memory_space<vmem>>
          %dma_start3A_407 = tpu.memref_squeeze %dma_start3A_406 : memref<1x64xf32, #tpu.memory_space<vmem>> -> memref<64xf32, #tpu.memory_space<vmem>>
          %dma_start3A_408 = tpu.memref_slice %arg5[%multiple_of3A] : memref<1048576xf32, #tpu.memory_space<hbm>> -> memref<64xf32, #tpu.memory_space<hbm>>
          %dma_start3A_409 = tpu.memref_slice %arg5[%multiple_of3A] : memref<1048576xf32, #tpu.memory_space<hbm>> -> memref<64xf32, #tpu.memory_space<hbm>>
          %dma_start3A_410 = arith.constant 0 : i32
          %dma_start3A_411 = tpu.memref_slice %arg12[%dma_start3A, %dma_start3A_410] : memref<16x64xf32, #tpu.memory_space<vmem>> -> memref<1x64xf32, #tpu.memory_space<vmem>>
          %dma_start3A_412 = tpu.memref_squeeze %dma_start3A_411 : memref<1x64xf32, #tpu.memory_space<vmem>> -> memref<64xf32, #tpu.memory_space<vmem>>
          tpu.enqueue_dma source(%dma_start3A_412 : memref<64xf32, #tpu.memory_space<vmem>>) target(%dma_start3A_409 : memref<64xf32, #tpu.memory_space<hbm>>) target_semaphore(%arg14 : memref<!tpu.dma_semaphore, #tpu.memory_space<semaphore_mem>>)
        } else {
        }
        %gt3A_320 = arith.constant 2 : i32
        %gt3A_321 = arith.cmpi sgt, %min3A_310, %gt3A_320 : i32
        %convert_element_type3A_322 = arith.extui %gt3A_321 : i1 to i32
        %cond3A_323 = arith.constant 0 : i32
        %cond3A_324 = arith.cmpi ne, %convert_element_type3A_322, %cond3A_323 : i32
        scf.if %cond3A_324 {
          %slice3A = vector.extract_strided_slice %get3A_116 {offsets = [2], sizes = [1], strides = [1]} : vector<16xi32> to vector<1xi32>
          %squeeze3A = vector.extract %slice3A[0] : i32 from vector<1xi32>
          %mul3A_403 = arith.constant 64 : i32
          %mul3A_404 = arith.muli %squeeze3A, %mul3A_403 : i32
          %multiple_of3A = tpu.assume_multiple %mul3A_404, 8 : i32
          %dma_start3A = arith.constant 2 : i32
          %dma_start3A_405 = arith.constant 0 : i32
          %dma_start3A_406 = tpu.memref_slice %arg12[%dma_start3A, %dma_start3A_405] : memref<16x64xf32, #tpu.memory_space<vmem>> -> memref<1x64xf32, #tpu.memory_space<vmem>>
          %dma_start3A_407 = tpu.memref_squeeze %dma_start3A_406 : memref<1x64xf32, #tpu.memory_space<vmem>> -> memref<64xf32, #tpu.memory_space<vmem>>
          %dma_start3A_408 = tpu.memref_slice %arg5[%multiple_of3A] : memref<1048576xf32, #tpu.memory_space<hbm>> -> memref<64xf32, #tpu.memory_space<hbm>>
          %dma_start3A_409 = tpu.memref_slice %arg5[%multiple_of3A] : memref<1048576xf32, #tpu.memory_space<hbm>> -> memref<64xf32, #tpu.memory_space<hbm>>
          %dma_start3A_410 = arith.constant 0 : i32
          %dma_start3A_411 = tpu.memref_slice %arg12[%dma_start3A, %dma_start3A_410] : memref<16x64xf32, #tpu.memory_space<vmem>> -> memref<1x64xf32, #tpu.memory_space<vmem>>
          %dma_start3A_412 = tpu.memref_squeeze %dma_start3A_411 : memref<1x64xf32, #tpu.memory_space<vmem>> -> memref<64xf32, #tpu.memory_space<vmem>>
          tpu.enqueue_dma source(%dma_start3A_412 : memref<64xf32, #tpu.memory_space<vmem>>) target(%dma_start3A_409 : memref<64xf32, #tpu.memory_space<hbm>>) target_semaphore(%arg14 : memref<!tpu.dma_semaphore, #tpu.memory_space<semaphore_mem>>)
        } else {
        }
        %gt3A_325 = arith.constant 3 : i32
        %gt3A_326 = arith.cmpi sgt, %min3A_310, %gt3A_325 : i32
        %convert_element_type3A_327 = arith.extui %gt3A_326 : i1 to i32
        %cond3A_328 = arith.constant 0 : i32
        %cond3A_329 = arith.cmpi ne, %convert_element_type3A_327, %cond3A_328 : i32
        scf.if %cond3A_329 {
          %slice3A = vector.extract_strided_slice %get3A_116 {offsets = [3], sizes = [1], strides = [1]} : vector<16xi32> to vector<1xi32>
          %squeeze3A = vector.extract %slice3A[0] : i32 from vector<1xi32>
          %mul3A_403 = arith.constant 64 : i32
          %mul3A_404 = arith.muli %squeeze3A, %mul3A_403 : i32
          %multiple_of3A = tpu.assume_multiple %mul3A_404, 8 : i32
          %dma_start3A = arith.constant 3 : i32
          %dma_start3A_405 = arith.constant 0 : i32
          %dma_start3A_406 = tpu.memref_slice %arg12[%dma_start3A, %dma_start3A_405] : memref<16x64xf32, #tpu.memory_space<vmem>> -> memref<1x64xf32, #tpu.memory_space<vmem>>
          %dma_start3A_407 = tpu.memref_squeeze %dma_start3A_406 : memref<1x64xf32, #tpu.memory_space<vmem>> -> memref<64xf32, #tpu.memory_space<vmem>>
          %dma_start3A_408 = tpu.memref_slice %arg5[%multiple_of3A] : memref<1048576xf32, #tpu.memory_space<hbm>> -> memref<64xf32, #tpu.memory_space<hbm>>
          %dma_start3A_409 = tpu.memref_slice %arg5[%multiple_of3A] : memref<1048576xf32, #tpu.memory_space<hbm>> -> memref<64xf32, #tpu.memory_space<hbm>>
          %dma_start3A_410 = arith.constant 0 : i32
          %dma_start3A_411 = tpu.memref_slice %arg12[%dma_start3A, %dma_start3A_410] : memref<16x64xf32, #tpu.memory_space<vmem>> -> memref<1x64xf32, #tpu.memory_space<vmem>>
          %dma_start3A_412 = tpu.memref_squeeze %dma_start3A_411 : memref<1x64xf32, #tpu.memory_space<vmem>> -> memref<64xf32, #tpu.memory_space<vmem>>
          tpu.enqueue_dma source(%dma_start3A_412 : memref<64xf32, #tpu.memory_space<vmem>>) target(%dma_start3A_409 : memref<64xf32, #tpu.memory_space<hbm>>) target_semaphore(%arg14 : memref<!tpu.dma_semaphore, #tpu.memory_space<semaphore_mem>>)
        } else {
        }
        %gt3A_330 = arith.constant 4 : i32
        %gt3A_331 = arith.cmpi sgt, %min3A_310, %gt3A_330 : i32
        %convert_element_type3A_332 = arith.extui %gt3A_331 : i1 to i32
        %cond3A_333 = arith.constant 0 : i32
        %cond3A_334 = arith.cmpi ne, %convert_element_type3A_332, %cond3A_333 : i32
        scf.if %cond3A_334 {
          %slice3A = vector.extract_strided_slice %get3A_116 {offsets = [4], sizes = [1], strides = [1]} : vector<16xi32> to vector<1xi32>
          %squeeze3A = vector.extract %slice3A[0] : i32 from vector<1xi32>
          %mul3A_403 = arith.constant 64 : i32
          %mul3A_404 = arith.muli %squeeze3A, %mul3A_403 : i32
          %multiple_of3A = tpu.assume_multiple %mul3A_404, 8 : i32
          %dma_start3A = arith.constant 4 : i32
          %dma_start3A_405 = arith.constant 0 : i32
          %dma_start3A_406 = tpu.memref_slice %arg12[%dma_start3A, %dma_start3A_405] : memref<16x64xf32, #tpu.memory_space<vmem>> -> memref<1x64xf32, #tpu.memory_space<vmem>>
          %dma_start3A_407 = tpu.memref_squeeze %dma_start3A_406 : memref<1x64xf32, #tpu.memory_space<vmem>> -> memref<64xf32, #tpu.memory_space<vmem>>
          %dma_start3A_408 = tpu.memref_slice %arg5[%multiple_of3A] : memref<1048576xf32, #tpu.memory_space<hbm>> -> memref<64xf32, #tpu.memory_space<hbm>>
          %dma_start3A_409 = tpu.memref_slice %arg5[%multiple_of3A] : memref<1048576xf32, #tpu.memory_space<hbm>> -> memref<64xf32, #tpu.memory_space<hbm>>
          %dma_start3A_410 = arith.constant 0 : i32
          %dma_start3A_411 = tpu.memref_slice %arg12[%dma_start3A, %dma_start3A_410] : memref<16x64xf32, #tpu.memory_space<vmem>> -> memref<1x64xf32, #tpu.memory_space<vmem>>
          %dma_start3A_412 = tpu.memref_squeeze %dma_start3A_411 : memref<1x64xf32, #tpu.memory_space<vmem>> -> memref<64xf32, #tpu.memory_space<vmem>>
          tpu.enqueue_dma source(%dma_start3A_412 : memref<64xf32, #tpu.memory_space<vmem>>) target(%dma_start3A_409 : memref<64xf32, #tpu.memory_space<hbm>>) target_semaphore(%arg14 : memref<!tpu.dma_semaphore, #tpu.memory_space<semaphore_mem>>)
        } else {
        }
        %gt3A_335 = arith.constant 5 : i32
        %gt3A_336 = arith.cmpi sgt, %min3A_310, %gt3A_335 : i32
        %convert_element_type3A_337 = arith.extui %gt3A_336 : i1 to i32
        %cond3A_338 = arith.constant 0 : i32
        %cond3A_339 = arith.cmpi ne, %convert_element_type3A_337, %cond3A_338 : i32
        scf.if %cond3A_339 {
          %slice3A = vector.extract_strided_slice %get3A_116 {offsets = [5], sizes = [1], strides = [1]} : vector<16xi32> to vector<1xi32>
          %squeeze3A = vector.extract %slice3A[0] : i32 from vector<1xi32>
          %mul3A_403 = arith.constant 64 : i32
          %mul3A_404 = arith.muli %squeeze3A, %mul3A_403 : i32
          %multiple_of3A = tpu.assume_multiple %mul3A_404, 8 : i32
          %dma_start3A = arith.constant 5 : i32
          %dma_start3A_405 = arith.constant 0 : i32
          %dma_start3A_406 = tpu.memref_slice %arg12[%dma_start3A, %dma_start3A_405] : memref<16x64xf32, #tpu.memory_space<vmem>> -> memref<1x64xf32, #tpu.memory_space<vmem>>
          %dma_start3A_407 = tpu.memref_squeeze %dma_start3A_406 : memref<1x64xf32, #tpu.memory_space<vmem>> -> memref<64xf32, #tpu.memory_space<vmem>>
          %dma_start3A_408 = tpu.memref_slice %arg5[%multiple_of3A] : memref<1048576xf32, #tpu.memory_space<hbm>> -> memref<64xf32, #tpu.memory_space<hbm>>
          %dma_start3A_409 = tpu.memref_slice %arg5[%multiple_of3A] : memref<1048576xf32, #tpu.memory_space<hbm>> -> memref<64xf32, #tpu.memory_space<hbm>>
          %dma_start3A_410 = arith.constant 0 : i32
          %dma_start3A_411 = tpu.memref_slice %arg12[%dma_start3A, %dma_start3A_410] : memref<16x64xf32, #tpu.memory_space<vmem>> -> memref<1x64xf32, #tpu.memory_space<vmem>>
          %dma_start3A_412 = tpu.memref_squeeze %dma_start3A_411 : memref<1x64xf32, #tpu.memory_space<vmem>> -> memref<64xf32, #tpu.memory_space<vmem>>
          tpu.enqueue_dma source(%dma_start3A_412 : memref<64xf32, #tpu.memory_space<vmem>>) target(%dma_start3A_409 : memref<64xf32, #tpu.memory_space<hbm>>) target_semaphore(%arg14 : memref<!tpu.dma_semaphore, #tpu.memory_space<semaphore_mem>>)
        } else {
        }
        %gt3A_340 = arith.constant 6 : i32
        %gt3A_341 = arith.cmpi sgt, %min3A_310, %gt3A_340 : i32
        %convert_element_type3A_342 = arith.extui %gt3A_341 : i1 to i32
        %cond3A_343 = arith.constant 0 : i32
        %cond3A_344 = arith.cmpi ne, %convert_element_type3A_342, %cond3A_343 : i32
        scf.if %cond3A_344 {
          %slice3A = vector.extract_strided_slice %get3A_116 {offsets = [6], sizes = [1], strides = [1]} : vector<16xi32> to vector<1xi32>
          %squeeze3A = vector.extract %slice3A[0] : i32 from vector<1xi32>
          %mul3A_403 = arith.constant 64 : i32
          %mul3A_404 = arith.muli %squeeze3A, %mul3A_403 : i32
          %multiple_of3A = tpu.assume_multiple %mul3A_404, 8 : i32
          %dma_start3A = arith.constant 6 : i32
          %dma_start3A_405 = arith.constant 0 : i32
          %dma_start3A_406 = tpu.memref_slice %arg12[%dma_start3A, %dma_start3A_405] : memref<16x64xf32, #tpu.memory_space<vmem>> -> memref<1x64xf32, #tpu.memory_space<vmem>>
          %dma_start3A_407 = tpu.memref_squeeze %dma_start3A_406 : memref<1x64xf32, #tpu.memory_space<vmem>> -> memref<64xf32, #tpu.memory_space<vmem>>
          %dma_start3A_408 = tpu.memref_slice %arg5[%multiple_of3A] : memref<1048576xf32, #tpu.memory_space<hbm>> -> memref<64xf32, #tpu.memory_space<hbm>>
          %dma_start3A_409 = tpu.memref_slice %arg5[%multiple_of3A] : memref<1048576xf32, #tpu.memory_space<hbm>> -> memref<64xf32, #tpu.memory_space<hbm>>
          %dma_start3A_410 = arith.constant 0 : i32
          %dma_start3A_411 = tpu.memref_slice %arg12[%dma_start3A, %dma_start3A_410] : memref<16x64xf32, #tpu.memory_space<vmem>> -> memref<1x64xf32, #tpu.memory_space<vmem>>
          %dma_start3A_412 = tpu.memref_squeeze %dma_start3A_411 : memref<1x64xf32, #tpu.memory_space<vmem>> -> memref<64xf32, #tpu.memory_space<vmem>>
          tpu.enqueue_dma source(%dma_start3A_412 : memref<64xf32, #tpu.memory_space<vmem>>) target(%dma_start3A_409 : memref<64xf32, #tpu.memory_space<hbm>>) target_semaphore(%arg14 : memref<!tpu.dma_semaphore, #tpu.memory_space<semaphore_mem>>)
        } else {
        }
        %gt3A_345 = arith.constant 7 : i32
        %gt3A_346 = arith.cmpi sgt, %min3A_310, %gt3A_345 : i32
        %convert_element_type3A_347 = arith.extui %gt3A_346 : i1 to i32
        %cond3A_348 = arith.constant 0 : i32
        %cond3A_349 = arith.cmpi ne, %convert_element_type3A_347, %cond3A_348 : i32
        scf.if %cond3A_349 {
          %slice3A = vector.extract_strided_slice %get3A_116 {offsets = [7], sizes = [1], strides = [1]} : vector<16xi32> to vector<1xi32>
          %squeeze3A = vector.extract %slice3A[0] : i32 from vector<1xi32>
          %mul3A_403 = arith.constant 64 : i32
          %mul3A_404 = arith.muli %squeeze3A, %mul3A_403 : i32
          %multiple_of3A = tpu.assume_multiple %mul3A_404, 8 : i32
          %dma_start3A = arith.constant 7 : i32
          %dma_start3A_405 = arith.constant 0 : i32
          %dma_start3A_406 = tpu.memref_slice %arg12[%dma_start3A, %dma_start3A_405] : memref<16x64xf32, #tpu.memory_space<vmem>> -> memref<1x64xf32, #tpu.memory_space<vmem>>
          %dma_start3A_407 = tpu.memref_squeeze %dma_start3A_406 : memref<1x64xf32, #tpu.memory_space<vmem>> -> memref<64xf32, #tpu.memory_space<vmem>>
          %dma_start3A_408 = tpu.memref_slice %arg5[%multiple_of3A] : memref<1048576xf32, #tpu.memory_space<hbm>> -> memref<64xf32, #tpu.memory_space<hbm>>
          %dma_start3A_409 = tpu.memref_slice %arg5[%multiple_of3A] : memref<1048576xf32, #tpu.memory_space<hbm>> -> memref<64xf32, #tpu.memory_space<hbm>>
          %dma_start3A_410 = arith.constant 0 : i32
          %dma_start3A_411 = tpu.memref_slice %arg12[%dma_start3A, %dma_start3A_410] : memref<16x64xf32, #tpu.memory_space<vmem>> -> memref<1x64xf32, #tpu.memory_space<vmem>>
          %dma_start3A_412 = tpu.memref_squeeze %dma_start3A_411 : memref<1x64xf32, #tpu.memory_space<vmem>> -> memref<64xf32, #tpu.memory_space<vmem>>
          tpu.enqueue_dma source(%dma_start3A_412 : memref<64xf32, #tpu.memory_space<vmem>>) target(%dma_start3A_409 : memref<64xf32, #tpu.memory_space<hbm>>) target_semaphore(%arg14 : memref<!tpu.dma_semaphore, #tpu.memory_space<semaphore_mem>>)
        } else {
        }
        %gt3A_350 = arith.constant 8 : i32
        %gt3A_351 = arith.cmpi sgt, %min3A_310, %gt3A_350 : i32
        %convert_element_type3A_352 = arith.extui %gt3A_351 : i1 to i32
        %cond3A_353 = arith.constant 0 : i32
        %cond3A_354 = arith.cmpi ne, %convert_element_type3A_352, %cond3A_353 : i32
        scf.if %cond3A_354 {
          %slice3A = vector.extract_strided_slice %get3A_116 {offsets = [8], sizes = [1], strides = [1]} : vector<16xi32> to vector<1xi32>
          %squeeze3A = vector.extract %slice3A[0] : i32 from vector<1xi32>
          %mul3A_403 = arith.constant 64 : i32
          %mul3A_404 = arith.muli %squeeze3A, %mul3A_403 : i32
          %multiple_of3A = tpu.assume_multiple %mul3A_404, 8 : i32
          %dma_start3A = arith.constant 8 : i32
          %dma_start3A_405 = arith.constant 0 : i32
          %dma_start3A_406 = tpu.memref_slice %arg12[%dma_start3A, %dma_start3A_405] : memref<16x64xf32, #tpu.memory_space<vmem>> -> memref<1x64xf32, #tpu.memory_space<vmem>>
          %dma_start3A_407 = tpu.memref_squeeze %dma_start3A_406 : memref<1x64xf32, #tpu.memory_space<vmem>> -> memref<64xf32, #tpu.memory_space<vmem>>
          %dma_start3A_408 = tpu.memref_slice %arg5[%multiple_of3A] : memref<1048576xf32, #tpu.memory_space<hbm>> -> memref<64xf32, #tpu.memory_space<hbm>>
          %dma_start3A_409 = tpu.memref_slice %arg5[%multiple_of3A] : memref<1048576xf32, #tpu.memory_space<hbm>> -> memref<64xf32, #tpu.memory_space<hbm>>
          %dma_start3A_410 = arith.constant 0 : i32
          %dma_start3A_411 = tpu.memref_slice %arg12[%dma_start3A, %dma_start3A_410] : memref<16x64xf32, #tpu.memory_space<vmem>> -> memref<1x64xf32, #tpu.memory_space<vmem>>
          %dma_start3A_412 = tpu.memref_squeeze %dma_start3A_411 : memref<1x64xf32, #tpu.memory_space<vmem>> -> memref<64xf32, #tpu.memory_space<vmem>>
          tpu.enqueue_dma source(%dma_start3A_412 : memref<64xf32, #tpu.memory_space<vmem>>) target(%dma_start3A_409 : memref<64xf32, #tpu.memory_space<hbm>>) target_semaphore(%arg14 : memref<!tpu.dma_semaphore, #tpu.memory_space<semaphore_mem>>)
        } else {
        }
        %gt3A_355 = arith.constant 9 : i32
        %gt3A_356 = arith.cmpi sgt, %min3A_310, %gt3A_355 : i32
        %convert_element_type3A_357 = arith.extui %gt3A_356 : i1 to i32
        %cond3A_358 = arith.constant 0 : i32
        %cond3A_359 = arith.cmpi ne, %convert_element_type3A_357, %cond3A_358 : i32
        scf.if %cond3A_359 {
          %slice3A = vector.extract_strided_slice %get3A_116 {offsets = [9], sizes = [1], strides = [1]} : vector<16xi32> to vector<1xi32>
          %squeeze3A = vector.extract %slice3A[0] : i32 from vector<1xi32>
          %mul3A_403 = arith.constant 64 : i32
          %mul3A_404 = arith.muli %squeeze3A, %mul3A_403 : i32
          %multiple_of3A = tpu.assume_multiple %mul3A_404, 8 : i32
          %dma_start3A = arith.constant 9 : i32
          %dma_start3A_405 = arith.constant 0 : i32
          %dma_start3A_406 = tpu.memref_slice %arg12[%dma_start3A, %dma_start3A_405] : memref<16x64xf32, #tpu.memory_space<vmem>> -> memref<1x64xf32, #tpu.memory_space<vmem>>
          %dma_start3A_407 = tpu.memref_squeeze %dma_start3A_406 : memref<1x64xf32, #tpu.memory_space<vmem>> -> memref<64xf32, #tpu.memory_space<vmem>>
          %dma_start3A_408 = tpu.memref_slice %arg5[%multiple_of3A] : memref<1048576xf32, #tpu.memory_space<hbm>> -> memref<64xf32, #tpu.memory_space<hbm>>
          %dma_start3A_409 = tpu.memref_slice %arg5[%multiple_of3A] : memref<1048576xf32, #tpu.memory_space<hbm>> -> memref<64xf32, #tpu.memory_space<hbm>>
          %dma_start3A_410 = arith.constant 0 : i32
          %dma_start3A_411 = tpu.memref_slice %arg12[%dma_start3A, %dma_start3A_410] : memref<16x64xf32, #tpu.memory_space<vmem>> -> memref<1x64xf32, #tpu.memory_space<vmem>>
          %dma_start3A_412 = tpu.memref_squeeze %dma_start3A_411 : memref<1x64xf32, #tpu.memory_space<vmem>> -> memref<64xf32, #tpu.memory_space<vmem>>
          tpu.enqueue_dma source(%dma_start3A_412 : memref<64xf32, #tpu.memory_space<vmem>>) target(%dma_start3A_409 : memref<64xf32, #tpu.memory_space<hbm>>) target_semaphore(%arg14 : memref<!tpu.dma_semaphore, #tpu.memory_space<semaphore_mem>>)
        } else {
        }
        %gt3A_360 = arith.constant 10 : i32
        %gt3A_361 = arith.cmpi sgt, %min3A_310, %gt3A_360 : i32
        %convert_element_type3A_362 = arith.extui %gt3A_361 : i1 to i32
        %cond3A_363 = arith.constant 0 : i32
        %cond3A_364 = arith.cmpi ne, %convert_element_type3A_362, %cond3A_363 : i32
        scf.if %cond3A_364 {
          %slice3A = vector.extract_strided_slice %get3A_116 {offsets = [10], sizes = [1], strides = [1]} : vector<16xi32> to vector<1xi32>
          %squeeze3A = vector.extract %slice3A[0] : i32 from vector<1xi32>
          %mul3A_403 = arith.constant 64 : i32
          %mul3A_404 = arith.muli %squeeze3A, %mul3A_403 : i32
          %multiple_of3A = tpu.assume_multiple %mul3A_404, 8 : i32
          %dma_start3A = arith.constant 10 : i32
          %dma_start3A_405 = arith.constant 0 : i32
          %dma_start3A_406 = tpu.memref_slice %arg12[%dma_start3A, %dma_start3A_405] : memref<16x64xf32, #tpu.memory_space<vmem>> -> memref<1x64xf32, #tpu.memory_space<vmem>>
          %dma_start3A_407 = tpu.memref_squeeze %dma_start3A_406 : memref<1x64xf32, #tpu.memory_space<vmem>> -> memref<64xf32, #tpu.memory_space<vmem>>
          %dma_start3A_408 = tpu.memref_slice %arg5[%multiple_of3A] : memref<1048576xf32, #tpu.memory_space<hbm>> -> memref<64xf32, #tpu.memory_space<hbm>>
          %dma_start3A_409 = tpu.memref_slice %arg5[%multiple_of3A] : memref<1048576xf32, #tpu.memory_space<hbm>> -> memref<64xf32, #tpu.memory_space<hbm>>
          %dma_start3A_410 = arith.constant 0 : i32
          %dma_start3A_411 = tpu.memref_slice %arg12[%dma_start3A, %dma_start3A_410] : memref<16x64xf32, #tpu.memory_space<vmem>> -> memref<1x64xf32, #tpu.memory_space<vmem>>
          %dma_start3A_412 = tpu.memref_squeeze %dma_start3A_411 : memref<1x64xf32, #tpu.memory_space<vmem>> -> memref<64xf32, #tpu.memory_space<vmem>>
          tpu.enqueue_dma source(%dma_start3A_412 : memref<64xf32, #tpu.memory_space<vmem>>) target(%dma_start3A_409 : memref<64xf32, #tpu.memory_space<hbm>>) target_semaphore(%arg14 : memref<!tpu.dma_semaphore, #tpu.memory_space<semaphore_mem>>)
        } else {
        }
        %gt3A_365 = arith.constant 11 : i32
        %gt3A_366 = arith.cmpi sgt, %min3A_310, %gt3A_365 : i32
        %convert_element_type3A_367 = arith.extui %gt3A_366 : i1 to i32
        %cond3A_368 = arith.constant 0 : i32
        %cond3A_369 = arith.cmpi ne, %convert_element_type3A_367, %cond3A_368 : i32
        scf.if %cond3A_369 {
          %slice3A = vector.extract_strided_slice %get3A_116 {offsets = [11], sizes = [1], strides = [1]} : vector<16xi32> to vector<1xi32>
          %squeeze3A = vector.extract %slice3A[0] : i32 from vector<1xi32>
          %mul3A_403 = arith.constant 64 : i32
          %mul3A_404 = arith.muli %squeeze3A, %mul3A_403 : i32
          %multiple_of3A = tpu.assume_multiple %mul3A_404, 8 : i32
          %dma_start3A = arith.constant 11 : i32
          %dma_start3A_405 = arith.constant 0 : i32
          %dma_start3A_406 = tpu.memref_slice %arg12[%dma_start3A, %dma_start3A_405] : memref<16x64xf32, #tpu.memory_space<vmem>> -> memref<1x64xf32, #tpu.memory_space<vmem>>
          %dma_start3A_407 = tpu.memref_squeeze %dma_start3A_406 : memref<1x64xf32, #tpu.memory_space<vmem>> -> memref<64xf32, #tpu.memory_space<vmem>>
          %dma_start3A_408 = tpu.memref_slice %arg5[%multiple_of3A] : memref<1048576xf32, #tpu.memory_space<hbm>> -> memref<64xf32, #tpu.memory_space<hbm>>
          %dma_start3A_409 = tpu.memref_slice %arg5[%multiple_of3A] : memref<1048576xf32, #tpu.memory_space<hbm>> -> memref<64xf32, #tpu.memory_space<hbm>>
          %dma_start3A_410 = arith.constant 0 : i32
          %dma_start3A_411 = tpu.memref_slice %arg12[%dma_start3A, %dma_start3A_410] : memref<16x64xf32, #tpu.memory_space<vmem>> -> memref<1x64xf32, #tpu.memory_space<vmem>>
          %dma_start3A_412 = tpu.memref_squeeze %dma_start3A_411 : memref<1x64xf32, #tpu.memory_space<vmem>> -> memref<64xf32, #tpu.memory_space<vmem>>
          tpu.enqueue_dma source(%dma_start3A_412 : memref<64xf32, #tpu.memory_space<vmem>>) target(%dma_start3A_409 : memref<64xf32, #tpu.memory_space<hbm>>) target_semaphore(%arg14 : memref<!tpu.dma_semaphore, #tpu.memory_space<semaphore_mem>>)
        } else {
        }
        %gt3A_370 = arith.constant 12 : i32
        %gt3A_371 = arith.cmpi sgt, %min3A_310, %gt3A_370 : i32
        %convert_element_type3A_372 = arith.extui %gt3A_371 : i1 to i32
        %cond3A_373 = arith.constant 0 : i32
        %cond3A_374 = arith.cmpi ne, %convert_element_type3A_372, %cond3A_373 : i32
        scf.if %cond3A_374 {
          %slice3A = vector.extract_strided_slice %get3A_116 {offsets = [12], sizes = [1], strides = [1]} : vector<16xi32> to vector<1xi32>
          %squeeze3A = vector.extract %slice3A[0] : i32 from vector<1xi32>
          %mul3A_403 = arith.constant 64 : i32
          %mul3A_404 = arith.muli %squeeze3A, %mul3A_403 : i32
          %multiple_of3A = tpu.assume_multiple %mul3A_404, 8 : i32
          %dma_start3A = arith.constant 12 : i32
          %dma_start3A_405 = arith.constant 0 : i32
          %dma_start3A_406 = tpu.memref_slice %arg12[%dma_start3A, %dma_start3A_405] : memref<16x64xf32, #tpu.memory_space<vmem>> -> memref<1x64xf32, #tpu.memory_space<vmem>>
          %dma_start3A_407 = tpu.memref_squeeze %dma_start3A_406 : memref<1x64xf32, #tpu.memory_space<vmem>> -> memref<64xf32, #tpu.memory_space<vmem>>
          %dma_start3A_408 = tpu.memref_slice %arg5[%multiple_of3A] : memref<1048576xf32, #tpu.memory_space<hbm>> -> memref<64xf32, #tpu.memory_space<hbm>>
          %dma_start3A_409 = tpu.memref_slice %arg5[%multiple_of3A] : memref<1048576xf32, #tpu.memory_space<hbm>> -> memref<64xf32, #tpu.memory_space<hbm>>
          %dma_start3A_410 = arith.constant 0 : i32
          %dma_start3A_411 = tpu.memref_slice %arg12[%dma_start3A, %dma_start3A_410] : memref<16x64xf32, #tpu.memory_space<vmem>> -> memref<1x64xf32, #tpu.memory_space<vmem>>
          %dma_start3A_412 = tpu.memref_squeeze %dma_start3A_411 : memref<1x64xf32, #tpu.memory_space<vmem>> -> memref<64xf32, #tpu.memory_space<vmem>>
          tpu.enqueue_dma source(%dma_start3A_412 : memref<64xf32, #tpu.memory_space<vmem>>) target(%dma_start3A_409 : memref<64xf32, #tpu.memory_space<hbm>>) target_semaphore(%arg14 : memref<!tpu.dma_semaphore, #tpu.memory_space<semaphore_mem>>)
        } else {
        }
        %gt3A_375 = arith.constant 13 : i32
        %gt3A_376 = arith.cmpi sgt, %min3A_310, %gt3A_375 : i32
        %convert_element_type3A_377 = arith.extui %gt3A_376 : i1 to i32
        %cond3A_378 = arith.constant 0 : i32
        %cond3A_379 = arith.cmpi ne, %convert_element_type3A_377, %cond3A_378 : i32
        scf.if %cond3A_379 {
          %slice3A = vector.extract_strided_slice %get3A_116 {offsets = [13], sizes = [1], strides = [1]} : vector<16xi32> to vector<1xi32>
          %squeeze3A = vector.extract %slice3A[0] : i32 from vector<1xi32>
          %mul3A_403 = arith.constant 64 : i32
          %mul3A_404 = arith.muli %squeeze3A, %mul3A_403 : i32
          %multiple_of3A = tpu.assume_multiple %mul3A_404, 8 : i32
          %dma_start3A = arith.constant 13 : i32
          %dma_start3A_405 = arith.constant 0 : i32
          %dma_start3A_406 = tpu.memref_slice %arg12[%dma_start3A, %dma_start3A_405] : memref<16x64xf32, #tpu.memory_space<vmem>> -> memref<1x64xf32, #tpu.memory_space<vmem>>
          %dma_start3A_407 = tpu.memref_squeeze %dma_start3A_406 : memref<1x64xf32, #tpu.memory_space<vmem>> -> memref<64xf32, #tpu.memory_space<vmem>>
          %dma_start3A_408 = tpu.memref_slice %arg5[%multiple_of3A] : memref<1048576xf32, #tpu.memory_space<hbm>> -> memref<64xf32, #tpu.memory_space<hbm>>
          %dma_start3A_409 = tpu.memref_slice %arg5[%multiple_of3A] : memref<1048576xf32, #tpu.memory_space<hbm>> -> memref<64xf32, #tpu.memory_space<hbm>>
          %dma_start3A_410 = arith.constant 0 : i32
          %dma_start3A_411 = tpu.memref_slice %arg12[%dma_start3A, %dma_start3A_410] : memref<16x64xf32, #tpu.memory_space<vmem>> -> memref<1x64xf32, #tpu.memory_space<vmem>>
          %dma_start3A_412 = tpu.memref_squeeze %dma_start3A_411 : memref<1x64xf32, #tpu.memory_space<vmem>> -> memref<64xf32, #tpu.memory_space<vmem>>
          tpu.enqueue_dma source(%dma_start3A_412 : memref<64xf32, #tpu.memory_space<vmem>>) target(%dma_start3A_409 : memref<64xf32, #tpu.memory_space<hbm>>) target_semaphore(%arg14 : memref<!tpu.dma_semaphore, #tpu.memory_space<semaphore_mem>>)
        } else {
        }
        %gt3A_380 = arith.constant 14 : i32
        %gt3A_381 = arith.cmpi sgt, %min3A_310, %gt3A_380 : i32
        %convert_element_type3A_382 = arith.extui %gt3A_381 : i1 to i32
        %cond3A_383 = arith.constant 0 : i32
        %cond3A_384 = arith.cmpi ne, %convert_element_type3A_382, %cond3A_383 : i32
        scf.if %cond3A_384 {
          %slice3A = vector.extract_strided_slice %get3A_116 {offsets = [14], sizes = [1], strides = [1]} : vector<16xi32> to vector<1xi32>
          %squeeze3A = vector.extract %slice3A[0] : i32 from vector<1xi32>
          %mul3A_403 = arith.constant 64 : i32
          %mul3A_404 = arith.muli %squeeze3A, %mul3A_403 : i32
          %multiple_of3A = tpu.assume_multiple %mul3A_404, 8 : i32
          %dma_start3A = arith.constant 14 : i32
          %dma_start3A_405 = arith.constant 0 : i32
          %dma_start3A_406 = tpu.memref_slice %arg12[%dma_start3A, %dma_start3A_405] : memref<16x64xf32, #tpu.memory_space<vmem>> -> memref<1x64xf32, #tpu.memory_space<vmem>>
          %dma_start3A_407 = tpu.memref_squeeze %dma_start3A_406 : memref<1x64xf32, #tpu.memory_space<vmem>> -> memref<64xf32, #tpu.memory_space<vmem>>
          %dma_start3A_408 = tpu.memref_slice %arg5[%multiple_of3A] : memref<1048576xf32, #tpu.memory_space<hbm>> -> memref<64xf32, #tpu.memory_space<hbm>>
          %dma_start3A_409 = tpu.memref_slice %arg5[%multiple_of3A] : memref<1048576xf32, #tpu.memory_space<hbm>> -> memref<64xf32, #tpu.memory_space<hbm>>
          %dma_start3A_410 = arith.constant 0 : i32
          %dma_start3A_411 = tpu.memref_slice %arg12[%dma_start3A, %dma_start3A_410] : memref<16x64xf32, #tpu.memory_space<vmem>> -> memref<1x64xf32, #tpu.memory_space<vmem>>
          %dma_start3A_412 = tpu.memref_squeeze %dma_start3A_411 : memref<1x64xf32, #tpu.memory_space<vmem>> -> memref<64xf32, #tpu.memory_space<vmem>>
          tpu.enqueue_dma source(%dma_start3A_412 : memref<64xf32, #tpu.memory_space<vmem>>) target(%dma_start3A_409 : memref<64xf32, #tpu.memory_space<hbm>>) target_semaphore(%arg14 : memref<!tpu.dma_semaphore, #tpu.memory_space<semaphore_mem>>)
        } else {
        }
        %gt3A_385 = arith.constant 15 : i32
        %gt3A_386 = arith.cmpi sgt, %min3A_310, %gt3A_385 : i32
        %convert_element_type3A_387 = arith.extui %gt3A_386 : i1 to i32
        %cond3A_388 = arith.constant 0 : i32
        %cond3A_389 = arith.cmpi ne, %convert_element_type3A_387, %cond3A_388 : i32
        scf.if %cond3A_389 {
          %slice3A = vector.extract_strided_slice %get3A_116 {offsets = [15], sizes = [1], strides = [1]} : vector<16xi32> to vector<1xi32>
          %squeeze3A = vector.extract %slice3A[0] : i32 from vector<1xi32>
          %mul3A_403 = arith.constant 64 : i32
          %mul3A_404 = arith.muli %squeeze3A, %mul3A_403 : i32
          %multiple_of3A = tpu.assume_multiple %mul3A_404, 8 : i32
          %dma_start3A = arith.constant 15 : i32
          %dma_start3A_405 = arith.constant 0 : i32
          %dma_start3A_406 = tpu.memref_slice %arg12[%dma_start3A, %dma_start3A_405] : memref<16x64xf32, #tpu.memory_space<vmem>> -> memref<1x64xf32, #tpu.memory_space<vmem>>
          %dma_start3A_407 = tpu.memref_squeeze %dma_start3A_406 : memref<1x64xf32, #tpu.memory_space<vmem>> -> memref<64xf32, #tpu.memory_space<vmem>>
          %dma_start3A_408 = tpu.memref_slice %arg5[%multiple_of3A] : memref<1048576xf32, #tpu.memory_space<hbm>> -> memref<64xf32, #tpu.memory_space<hbm>>
          %dma_start3A_409 = tpu.memref_slice %arg5[%multiple_of3A] : memref<1048576xf32, #tpu.memory_space<hbm>> -> memref<64xf32, #tpu.memory_space<hbm>>
          %dma_start3A_410 = arith.constant 0 : i32
          %dma_start3A_411 = tpu.memref_slice %arg12[%dma_start3A, %dma_start3A_410] : memref<16x64xf32, #tpu.memory_space<vmem>> -> memref<1x64xf32, #tpu.memory_space<vmem>>
          %dma_start3A_412 = tpu.memref_squeeze %dma_start3A_411 : memref<1x64xf32, #tpu.memory_space<vmem>> -> memref<64xf32, #tpu.memory_space<vmem>>
          tpu.enqueue_dma source(%dma_start3A_412 : memref<64xf32, #tpu.memory_space<vmem>>) target(%dma_start3A_409 : memref<64xf32, #tpu.memory_space<hbm>>) target_semaphore(%arg14 : memref<!tpu.dma_semaphore, #tpu.memory_space<semaphore_mem>>)
        } else {
        }
        %while3A_390 = arith.constant 0 : i32
        %while3A_391 = arith.constant 0 : i32
        %while3A_392 = arith.subi %min3A_310, %while3A_390 : i32
        %while3A_393 = arith.addi %while3A_390, %while3A_392 : i32
        %while3A_394 = arith.constant 1 : i32
        %while3A_395 = arith.divsi %while3A_392, %while3A_394 : i32
        %while3A_396 = arith.muli %while3A_395, %while3A_394 : i32
        %while3A_397 = arith.addi %while3A_390, %while3A_396 : i32
        %while3A_398 = arith.constant 1 : i32
        %while3A_399 = scf.for %while3A_403 = %while3A_390 to %while3A_397 step %while3A_398 iter_args(%while3A_404 = %while3A_391) -> (i32)  : i32 {
          %dma_wait3A = arith.constant 0 : i32
          %dma_wait3A_405 = arith.constant 0 : i32
          %dma_wait3A_406 = tpu.memref_slice %arg12[%dma_wait3A, %dma_wait3A_405] : memref<16x64xf32, #tpu.memory_space<vmem>> -> memref<1x64xf32, #tpu.memory_space<vmem>>
          %dma_wait3A_407 = tpu.memref_squeeze %dma_wait3A_406 : memref<1x64xf32, #tpu.memory_space<vmem>> -> memref<64xf32, #tpu.memory_space<vmem>>
          %dma_wait3A_408 = arith.constant 0 : i32
          %dma_wait3A_409 = tpu.memref_slice %arg5[%dma_wait3A_408] : memref<1048576xf32, #tpu.memory_space<hbm>> -> memref<64xf32, #tpu.memory_space<hbm>>
          %dma_wait3A_410 = arith.constant 0 : i32
          %dma_wait3A_411 = tpu.memref_slice %arg5[%dma_wait3A_410] : memref<1048576xf32, #tpu.memory_space<hbm>> -> memref<64xf32, #tpu.memory_space<hbm>>
          %dma_wait3A_412 = arith.constant 0 : i32
          %dma_wait3A_413 = tpu.memref_slice %arg12[%dma_wait3A, %dma_wait3A_412] : memref<16x64xf32, #tpu.memory_space<vmem>> -> memref<1x64xf32, #tpu.memory_space<vmem>>
          %dma_wait3A_414 = tpu.memref_squeeze %dma_wait3A_413 : memref<1x64xf32, #tpu.memory_space<vmem>> -> memref<64xf32, #tpu.memory_space<vmem>>
          tpu.wait_dma2 semaphore(%arg14 : memref<!tpu.dma_semaphore, #tpu.memory_space<semaphore_mem>>) src(%dma_wait3A_414 : memref<64xf32, #tpu.memory_space<vmem>>) dst(%dma_wait3A_411 : memref<64xf32, #tpu.memory_space<hbm>>)
          %while3A_415 = arith.constant 0 : i32
          scf.yield %while3A_415 : i32
        }
        %while3A_400 = arith.constant 1 : i32
        %while3A_401 = scf.for %while3A_403 = %while3A_397 to %while3A_393 step %while3A_400 iter_args(%while3A_404 = %while3A_399) -> (i32)  : i32 {
          %dma_wait3A = arith.constant 0 : i32
          %dma_wait3A_405 = arith.constant 0 : i32
          %dma_wait3A_406 = tpu.memref_slice %arg12[%dma_wait3A, %dma_wait3A_405] : memref<16x64xf32, #tpu.memory_space<vmem>> -> memref<1x64xf32, #tpu.memory_space<vmem>>
          %dma_wait3A_407 = tpu.memref_squeeze %dma_wait3A_406 : memref<1x64xf32, #tpu.memory_space<vmem>> -> memref<64xf32, #tpu.memory_space<vmem>>
          %dma_wait3A_408 = arith.constant 0 : i32
          %dma_wait3A_409 = tpu.memref_slice %arg5[%dma_wait3A_408] : memref<1048576xf32, #tpu.memory_space<hbm>> -> memref<64xf32, #tpu.memory_space<hbm>>
          %dma_wait3A_410 = arith.constant 0 : i32
          %dma_wait3A_411 = tpu.memref_slice %arg5[%dma_wait3A_410] : memref<1048576xf32, #tpu.memory_space<hbm>> -> memref<64xf32, #tpu.memory_space<hbm>>
          %dma_wait3A_412 = arith.constant 0 : i32
          %dma_wait3A_413 = tpu.memref_slice %arg12[%dma_wait3A, %dma_wait3A_412] : memref<16x64xf32, #tpu.memory_space<vmem>> -> memref<1x64xf32, #tpu.memory_space<vmem>>
          %dma_wait3A_414 = tpu.memref_squeeze %dma_wait3A_413 : memref<1x64xf32, #tpu.memory_space<vmem>> -> memref<64xf32, #tpu.memory_space<vmem>>
          tpu.wait_dma2 semaphore(%arg14 : memref<!tpu.dma_semaphore, #tpu.memory_space<semaphore_mem>>) src(%dma_wait3A_414 : memref<64xf32, #tpu.memory_space<vmem>>) dst(%dma_wait3A_411 : memref<64xf32, #tpu.memory_space<hbm>>)
          %while3A_415 = arith.constant 0 : i32
          scf.yield %while3A_415 : i32
        }
        %while3A_402 = arith.constant 0 : i32
        scf.yield %while3A_402 : i32
      }
      %while3A_102 = arith.constant 0 : i32
      scf.yield %while3A_102 : i32
    }
    return
  }
}

module attributes {stable_mosaic.version = 14 : i64} {
  func.func @_tc_a(%arg0: i32, %arg1: memref<512x1000xi32, #tpu.memory_space<vmem>>, %arg2: memref<512x16xf32, #tpu.memory_space<vmem>>, %arg3: memref<1000x64xf32, #tpu.memory_space<vmem>>, %arg4: memref<16x64xf32, #tpu.memory_space<vmem>>, %arg5: memref<1x64xf32, #tpu.memory_space<vmem>>, %arg6: memref<64x128xf32, #tpu.memory_space<vmem>>, %arg7: memref<64x128xf32, #tpu.memory_space<vmem>>, %arg8: memref<3x128xf32, #tpu.memory_space<vmem>>, %arg9: memref<1x128xf32, #tpu.memory_space<vmem>>, %arg10: memref<512x128xf32, #tpu.memory_space<vmem>>, %arg11: memref<512x64xf32, #tpu.memory_space<vmem>>, %arg12: memref<512x64xf32, #tpu.memory_space<vmem>>) attributes {dimension_semantics = [#tpu.dimension_semantics<arbitrary>], iteration_bounds = array<i64: 32>, scalar_prefetch = 0 : i64, scratch_operands = 0 : i64, tpu.core_type = #tpu.core_type<tc>, window_params = [{transform_indices = @transform_0, window_bounds = array<i64: 512, 1000>}, {transform_indices = @transform_1, window_bounds = array<i64: 512, 16>}, {pipeline_mode = #tpu.pipeline_mode<synchronous>, transform_indices = @transform_2, window_bounds = array<i64: 1000, 64>}, {pipeline_mode = #tpu.pipeline_mode<synchronous>, transform_indices = @transform_3, window_bounds = array<i64: 16, 64>}, {pipeline_mode = #tpu.pipeline_mode<synchronous>, transform_indices = @transform_4, window_bounds = array<i64: 1, 64>}, {pipeline_mode = #tpu.pipeline_mode<synchronous>, transform_indices = @transform_5, window_bounds = array<i64: 64, 128>}, {pipeline_mode = #tpu.pipeline_mode<synchronous>, transform_indices = @transform_6, window_bounds = array<i64: 64, 128>}, {pipeline_mode = #tpu.pipeline_mode<synchronous>, transform_indices = @transform_7, window_bounds = array<i64: 3, 128>}, {pipeline_mode = #tpu.pipeline_mode<synchronous>, transform_indices = @transform_8, window_bounds = array<i64: 1, 128>}, {transform_indices = @transform_9, window_bounds = array<i64: 512, 128>}, {transform_indices = @transform_10, window_bounds = array<i64: 512, 64>}, {transform_indices = @transform_11, window_bounds = array<i64: 512, 64>}]} {
    %get3A = arith.constant 0 : index
    %get3A_0 = arith.constant 0 : index
    %get3A_1 = vector.load %arg1[%get3A, %get3A_0] : memref<512x1000xi32, #tpu.memory_space<vmem>>, vector<512x1000xi32>
    %ne3A = arith.constant 0 : i32
    %ne3A_2 = vector.broadcast %ne3A : i32 to vector<512x1000xi32>
    %ne3A_3 = arith.cmpi ne, %get3A_1, %ne3A_2 : vector<512x1000xi32>
    %convert_element_type3A = arith.extui %ne3A_3 : vector<512x1000xi1> to vector<512x1000xi32>
    %convert_element_type3A_4 = arith.sitofp %convert_element_type3A : vector<512x1000xi32> to vector<512x1000xf32>
    %reduce_sum3A = arith.constant dense<0.000000e+00> : vector<512xf32>
    %reduce_sum3A_5 = vector.multi_reduction <add>, %convert_element_type3A_4, %reduce_sum3A [1] : vector<512x1000xf32> to vector<512xf32>
    %broadcast_in_dim3A = vector.shape_cast %reduce_sum3A_5 : vector<512xf32> to vector<512x1xf32>
    %max3A = arith.constant 1.000000e+00 : f32
    %max3A_6 = vector.broadcast %max3A : f32 to vector<512x1xf32>
    %max3A_7 = arith.maximumf %broadcast_in_dim3A, %max3A_6 : vector<512x1xf32>
    %get3A_8 = arith.constant 0 : index
    %get3A_9 = arith.constant 0 : index
    %get3A_10 = vector.load %arg3[%get3A_8, %get3A_9] : memref<1000x64xf32, #tpu.memory_space<vmem>>, vector<1000x64xf32>
    %dot_general3A = arith.constant dense<0.000000e+00> : vector<512x64xf32>
    %dot_general3A_11 = tpu.matmul %convert_element_type3A_4, %get3A_10, %dot_general3A {dimension_numbers = #tpu.dot_dimension_numbers<[1], [0], [0], [1], [0, 0, 1, 1], [], []>, transpose_lhs_hint = false} : vector<512x1000xf32>, vector<1000x64xf32>, vector<512x64xf32> -> vector<512x64xf32>
    %div3A = vector.broadcast %max3A_7 : vector<512x1xf32> to vector<512x64xf32>
    %div3A_12 = arith.divf %dot_general3A_11, %div3A : vector<512x64xf32>
    %get3A_13 = arith.constant 0 : index
    %get3A_14 = arith.constant 0 : index
    %get3A_15 = vector.load %arg2[%get3A_13, %get3A_14] : memref<512x16xf32, #tpu.memory_space<vmem>>, vector<512x16xf32>
    %get3A_16 = arith.constant 0 : index
    %get3A_17 = arith.constant 0 : index
    %get3A_18 = vector.load %arg4[%get3A_16, %get3A_17] : memref<16x64xf32, #tpu.memory_space<vmem>>, vector<16x64xf32>
    %dot_general3A_19 = arith.constant dense<0.000000e+00> : vector<512x64xf32>
    %dot_general3A_20 = tpu.matmul %get3A_15, %get3A_18, %dot_general3A_19 {dimension_numbers = #tpu.dot_dimension_numbers<[1], [0], [0], [1], [0, 0, 1, 1], [], []>, transpose_lhs_hint = false} : vector<512x16xf32>, vector<16x64xf32>, vector<512x64xf32> -> vector<512x64xf32>
    %get3A_21 = arith.constant 0 : index
    %get3A_22 = arith.constant 0 : index
    %get3A_23 = vector.load %arg5[%get3A_21, %get3A_22] : memref<1x64xf32, #tpu.memory_space<vmem>>, vector<1x64xf32>
    %add3A = vector.broadcast %get3A_23 : vector<1x64xf32> to vector<512x64xf32>
    %add3A_24 = arith.addf %dot_general3A_20, %add3A : vector<512x64xf32>
    %mul3A = arith.mulf %div3A_12, %add3A_24 : vector<512x64xf32>
    %reduce_sum3A_25 = arith.constant dense<0.000000e+00> : vector<512xf32>
    %reduce_sum3A_26 = vector.multi_reduction <add>, %mul3A, %reduce_sum3A_25 [1] : vector<512x64xf32> to vector<512xf32>
    %broadcast_in_dim3A_27 = vector.shape_cast %reduce_sum3A_26 : vector<512xf32> to vector<512x1xf32>
    %get3A_28 = arith.constant 0 : index
    %get3A_29 = arith.constant 0 : index
    %get3A_30 = vector.load %arg6[%get3A_28, %get3A_29] : memref<64x128xf32, #tpu.memory_space<vmem>>, vector<64x128xf32>
    %dot_general3A_31 = arith.constant dense<0.000000e+00> : vector<512x128xf32>
    %dot_general3A_32 = tpu.matmul %div3A_12, %get3A_30, %dot_general3A_31 {dimension_numbers = #tpu.dot_dimension_numbers<[1], [0], [0], [1], [0, 0, 1, 1], [], []>, transpose_lhs_hint = false} : vector<512x64xf32>, vector<64x128xf32>, vector<512x128xf32> -> vector<512x128xf32>
    %get3A_33 = arith.constant 0 : index
    %get3A_34 = arith.constant 0 : index
    %get3A_35 = vector.load %arg7[%get3A_33, %get3A_34] : memref<64x128xf32, #tpu.memory_space<vmem>>, vector<64x128xf32>
    %dot_general3A_36 = arith.constant dense<0.000000e+00> : vector<512x128xf32>
    %dot_general3A_37 = tpu.matmul %add3A_24, %get3A_35, %dot_general3A_36 {dimension_numbers = #tpu.dot_dimension_numbers<[1], [0], [0], [1], [0, 0, 1, 1], [], []>, transpose_lhs_hint = false} : vector<512x64xf32>, vector<64x128xf32>, vector<512x128xf32> -> vector<512x128xf32>
    %add3A_38 = arith.addf %dot_general3A_32, %dot_general3A_37 : vector<512x128xf32>
    %get3A_39 = arith.constant 2 : index
    %get3A_40 = arith.constant 0 : index
    %get3A_41 = vector.load %arg8[%get3A_39, %get3A_40] : memref<3x128xf32, #tpu.memory_space<vmem>>, vector<1x128xf32>
    %mul3A_42 = vector.broadcast %broadcast_in_dim3A_27 : vector<512x1xf32> to vector<512x128xf32>
    %mul3A_43 = vector.broadcast %get3A_41 : vector<1x128xf32> to vector<512x128xf32>
    %mul3A_44 = arith.mulf %mul3A_42, %mul3A_43 : vector<512x128xf32>
    %add3A_45 = arith.addf %add3A_38, %mul3A_44 : vector<512x128xf32>
    %get3A_46 = arith.constant 0 : index
    %get3A_47 = arith.constant 0 : index
    %get3A_48 = vector.load %arg9[%get3A_46, %get3A_47] : memref<1x128xf32, #tpu.memory_space<vmem>>, vector<1x128xf32>
    %add3A_49 = vector.broadcast %get3A_48 : vector<1x128xf32> to vector<512x128xf32>
    %add3A_50 = arith.addf %add3A_45, %add3A_49 : vector<512x128xf32>
    %swap3A = arith.constant 0 : index
    %swap3A_51 = arith.constant 0 : index
    %swap3A_52 = vector.load %arg10[%swap3A, %swap3A_51] : memref<512x128xf32, #tpu.memory_space<vmem>>, vector<512x128xf32>
    tpu.vector_store %arg10[%swap3A, %swap3A_51], %add3A_50 {strides = array<i32>} : memref<512x128xf32, #tpu.memory_space<vmem>>, vector<512x128xf32>,
    %swap3A_53 = arith.constant 0 : index
    %swap3A_54 = arith.constant 0 : index
    %swap3A_55 = vector.load %arg11[%swap3A_53, %swap3A_54] : memref<512x64xf32, #tpu.memory_space<vmem>>, vector<512x64xf32>
    tpu.vector_store %arg11[%swap3A_53, %swap3A_54], %div3A_12 {strides = array<i32>} : memref<512x64xf32, #tpu.memory_space<vmem>>, vector<512x64xf32>,
    %swap3A_56 = arith.constant 0 : index
    %swap3A_57 = arith.constant 0 : index
    %swap3A_58 = vector.load %arg12[%swap3A_56, %swap3A_57] : memref<512x64xf32, #tpu.memory_space<vmem>>, vector<512x64xf32>
    tpu.vector_store %arg12[%swap3A_56, %swap3A_57], %add3A_24 {strides = array<i32>} : memref<512x64xf32, #tpu.memory_space<vmem>>, vector<512x64xf32>,
    return
  }
  func.func @transform_0(%arg0: i32) -> (i32, i32) {
    %c0_i32 = arith.constant 0 : i32
    %c0_i32_0 = arith.constant 0 : i32
    return %arg0, %c0_i32 : i32, i32
  }
  func.func @transform_1(%arg0: i32) -> (i32, i32) {
    %c0_i32 = arith.constant 0 : i32
    %c0_i32_0 = arith.constant 0 : i32
    return %arg0, %c0_i32 : i32, i32
  }
  func.func @transform_2(%arg0: i32) -> (i32, i32) {
    %c0_i32 = arith.constant 0 : i32
    %c0_i32_0 = arith.constant 0 : i32
    %c0_i32_1 = arith.constant 0 : i32
    return %c0_i32, %c0_i32_0 : i32, i32
  }
  func.func @transform_3(%arg0: i32) -> (i32, i32) {
    %c0_i32 = arith.constant 0 : i32
    %c0_i32_0 = arith.constant 0 : i32
    %c0_i32_1 = arith.constant 0 : i32
    return %c0_i32, %c0_i32_0 : i32, i32
  }
  func.func @transform_4(%arg0: i32) -> (i32, i32) {
    %c0_i32 = arith.constant 0 : i32
    %c0_i32_0 = arith.constant 0 : i32
    %c0_i32_1 = arith.constant 0 : i32
    return %c0_i32, %c0_i32_0 : i32, i32
  }
  func.func @transform_5(%arg0: i32) -> (i32, i32) {
    %c0_i32 = arith.constant 0 : i32
    %c0_i32_0 = arith.constant 0 : i32
    %c0_i32_1 = arith.constant 0 : i32
    return %c0_i32, %c0_i32_0 : i32, i32
  }
  func.func @transform_6(%arg0: i32) -> (i32, i32) {
    %c0_i32 = arith.constant 0 : i32
    %c0_i32_0 = arith.constant 0 : i32
    %c0_i32_1 = arith.constant 0 : i32
    return %c0_i32, %c0_i32_0 : i32, i32
  }
  func.func @transform_7(%arg0: i32) -> (i32, i32) {
    %c0_i32 = arith.constant 0 : i32
    %c0_i32_0 = arith.constant 0 : i32
    %c0_i32_1 = arith.constant 0 : i32
    return %c0_i32, %c0_i32_0 : i32, i32
  }
  func.func @transform_8(%arg0: i32) -> (i32, i32) {
    %c0_i32 = arith.constant 0 : i32
    %c0_i32_0 = arith.constant 0 : i32
    %c0_i32_1 = arith.constant 0 : i32
    return %c0_i32, %c0_i32_0 : i32, i32
  }
  func.func @transform_9(%arg0: i32) -> (i32, i32) {
    %c0_i32 = arith.constant 0 : i32
    %c0_i32_0 = arith.constant 0 : i32
    return %arg0, %c0_i32 : i32, i32
  }
  func.func @transform_10(%arg0: i32) -> (i32, i32) {
    %c0_i32 = arith.constant 0 : i32
    %c0_i32_0 = arith.constant 0 : i32
    return %arg0, %c0_i32 : i32, i32
  }
  func.func @transform_11(%arg0: i32) -> (i32, i32) {
    %c0_i32 = arith.constant 0 : i32
    %c0_i32_0 = arith.constant 0 : i32
    return %arg0, %c0_i32 : i32, i32
  }
}

module attributes {stable_mosaic.version = 14 : i64} {
  func.func @_tc_b(%arg0: i32, %arg1: memref<512x64xf32, #tpu.memory_space<vmem>>, %arg2: memref<512x128xf32, #tpu.memory_space<vmem>>, %arg3: memref<512x64xf32, #tpu.memory_space<vmem>>, %arg4: memref<512x64xf32, #tpu.memory_space<vmem>>, %arg5: memref<64x128xf32, #tpu.memory_space<vmem>>, %arg6: memref<3x128xf32, #tpu.memory_space<vmem>>, %arg7: memref<128x1xf32, #tpu.memory_space<vmem>>, %arg8: memref<1x1xf32, #tpu.memory_space<vmem>>, %arg9: memref<512x128xf32, #tpu.memory_space<vmem>>, %arg10: memref<512x1xf32, #tpu.memory_space<vmem>>) attributes {dimension_semantics = [#tpu.dimension_semantics<arbitrary>], iteration_bounds = array<i64: 32>, scalar_prefetch = 0 : i64, scratch_operands = 0 : i64, tpu.core_type = #tpu.core_type<tc>, window_params = [{transform_indices = @transform_0, window_bounds = array<i64: 512, 64>}, {transform_indices = @transform_1, window_bounds = array<i64: 512, 128>}, {transform_indices = @transform_2, window_bounds = array<i64: 512, 64>}, {transform_indices = @transform_3, window_bounds = array<i64: 512, 64>}, {pipeline_mode = #tpu.pipeline_mode<synchronous>, transform_indices = @transform_4, window_bounds = array<i64: 64, 128>}, {pipeline_mode = #tpu.pipeline_mode<synchronous>, transform_indices = @transform_5, window_bounds = array<i64: 3, 128>}, {pipeline_mode = #tpu.pipeline_mode<synchronous>, transform_indices = @transform_6, window_bounds = array<i64: 128, 1>}, {pipeline_mode = #tpu.pipeline_mode<synchronous>, transform_indices = @transform_7, window_bounds = array<i64: 1, 1>}, {transform_indices = @transform_8, window_bounds = array<i64: 512, 128>}, {transform_indices = @transform_9, window_bounds = array<i64: 512, 1>}]} {
    %get3A = arith.constant 0 : index
    %get3A_0 = arith.constant 0 : index
    %get3A_1 = vector.load %arg1[%get3A, %get3A_0] : memref<512x64xf32, #tpu.memory_space<vmem>>, vector<512x64xf32>
    %get3A_2 = arith.constant 0 : index
    %get3A_3 = arith.constant 0 : index
    %get3A_4 = vector.load %arg3[%get3A_2, %get3A_3] : memref<512x64xf32, #tpu.memory_space<vmem>>, vector<512x64xf32>
    %get3A_5 = arith.constant 0 : index
    %get3A_6 = arith.constant 0 : index
    %get3A_7 = vector.load %arg4[%get3A_5, %get3A_6] : memref<512x64xf32, #tpu.memory_space<vmem>>, vector<512x64xf32>
    %mul3A = arith.mulf %get3A_1, %get3A_4 : vector<512x64xf32>
    %reduce_sum3A = arith.constant dense<0.000000e+00> : vector<512xf32>
    %reduce_sum3A_8 = vector.multi_reduction <add>, %mul3A, %reduce_sum3A [1] : vector<512x64xf32> to vector<512xf32>
    %broadcast_in_dim3A = vector.shape_cast %reduce_sum3A_8 : vector<512xf32> to vector<512x1xf32>
    %mul3A_9 = arith.mulf %get3A_1, %get3A_7 : vector<512x64xf32>
    %reduce_sum3A_10 = arith.constant dense<0.000000e+00> : vector<512xf32>
    %reduce_sum3A_11 = vector.multi_reduction <add>, %mul3A_9, %reduce_sum3A_10 [1] : vector<512x64xf32> to vector<512xf32>
    %broadcast_in_dim3A_12 = vector.shape_cast %reduce_sum3A_11 : vector<512xf32> to vector<512x1xf32>
    %get3A_13 = arith.constant 0 : index
    %get3A_14 = arith.constant 0 : index
    %get3A_15 = vector.load %arg2[%get3A_13, %get3A_14] : memref<512x128xf32, #tpu.memory_space<vmem>>, vector<512x128xf32>
    %get3A_16 = arith.constant 0 : index
    %get3A_17 = arith.constant 0 : index
    %get3A_18 = vector.load %arg5[%get3A_16, %get3A_17] : memref<64x128xf32, #tpu.memory_space<vmem>>, vector<64x128xf32>
    %dot_general3A = arith.constant dense<0.000000e+00> : vector<512x128xf32>
    %dot_general3A_19 = tpu.matmul %get3A_1, %get3A_18, %dot_general3A {dimension_numbers = #tpu.dot_dimension_numbers<[1], [0], [0], [1], [0, 0, 1, 1], [], []>, transpose_lhs_hint = false} : vector<512x64xf32>, vector<64x128xf32>, vector<512x128xf32> -> vector<512x128xf32>
    %add3A = arith.addf %get3A_15, %dot_general3A_19 : vector<512x128xf32>
    %get3A_20 = arith.constant 0 : index
    %get3A_21 = arith.constant 0 : index
    %get3A_22 = vector.load %arg6[%get3A_20, %get3A_21] : memref<3x128xf32, #tpu.memory_space<vmem>>, vector<1x128xf32>
    %mul3A_23 = vector.broadcast %broadcast_in_dim3A : vector<512x1xf32> to vector<512x128xf32>
    %mul3A_24 = vector.broadcast %get3A_22 : vector<1x128xf32> to vector<512x128xf32>
    %mul3A_25 = arith.mulf %mul3A_23, %mul3A_24 : vector<512x128xf32>
    %add3A_26 = arith.addf %add3A, %mul3A_25 : vector<512x128xf32>
    %get3A_27 = arith.constant 1 : index
    %get3A_28 = arith.constant 0 : index
    %get3A_29 = vector.load %arg6[%get3A_27, %get3A_28] : memref<3x128xf32, #tpu.memory_space<vmem>>, vector<1x128xf32>
    %mul3A_30 = vector.broadcast %broadcast_in_dim3A_12 : vector<512x1xf32> to vector<512x128xf32>
    %mul3A_31 = vector.broadcast %get3A_29 : vector<1x128xf32> to vector<512x128xf32>
    %mul3A_32 = arith.mulf %mul3A_30, %mul3A_31 : vector<512x128xf32>
    %add3A_33 = arith.addf %add3A_26, %mul3A_32 : vector<512x128xf32>
    %max3A = arith.constant 0.000000e+00 : f32
    %max3A_34 = vector.broadcast %max3A : f32 to vector<512x128xf32>
    %max3A_35 = arith.maximumf %add3A_33, %max3A_34 : vector<512x128xf32>
    %swap3A = arith.constant 0 : index
    %swap3A_36 = arith.constant 0 : index
    %swap3A_37 = vector.load %arg9[%swap3A, %swap3A_36] : memref<512x128xf32, #tpu.memory_space<vmem>>, vector<512x128xf32>
    tpu.vector_store %arg9[%swap3A, %swap3A_36], %max3A_35 {strides = array<i32>} : memref<512x128xf32, #tpu.memory_space<vmem>>, vector<512x128xf32>,
    %get3A_38 = arith.constant 0 : index
    %get3A_39 = arith.constant 0 : index
    %get3A_40 = vector.load %arg7[%get3A_38, %get3A_39] : memref<128x1xf32, #tpu.memory_space<vmem>>, vector<128x1xf32>
    %dot_general3A_41 = arith.constant dense<0.000000e+00> : vector<512x1xf32>
    %dot_general3A_42 = tpu.matmul %max3A_35, %get3A_40, %dot_general3A_41 {dimension_numbers = #tpu.dot_dimension_numbers<[1], [0], [0], [1], [0, 0, 1, 1], [], []>, transpose_lhs_hint = false} : vector<512x128xf32>, vector<128x1xf32>, vector<512x1xf32> -> vector<512x1xf32>
    %get3A_43 = arith.constant 0 : index
    %get3A_44 = arith.constant 0 : index
    %get3A_45 = vector.load %arg8[%get3A_43, %get3A_44] : memref<1x1xf32, #tpu.memory_space<vmem>>, vector<1x1xf32>
    %add3A_46 = vector.broadcast %get3A_45 : vector<1x1xf32> to vector<512x1xf32>
    %add3A_47 = arith.addf %dot_general3A_42, %add3A_46 : vector<512x1xf32>
    %swap3A_48 = arith.constant 0 : index
    %swap3A_49 = arith.constant 0 : index
    %swap3A_50 = vector.load %arg10[%swap3A_48, %swap3A_49] : memref<512x1xf32, #tpu.memory_space<vmem>>, vector<512x1xf32>
    tpu.vector_store %arg10[%swap3A_48, %swap3A_49], %add3A_47 {strides = array<i32>} : memref<512x1xf32, #tpu.memory_space<vmem>>, vector<512x1xf32>,
    return
  }
  func.func @transform_0(%arg0: i32) -> (i32, i32) {
    %c0_i32 = arith.constant 0 : i32
    %c0_i32_0 = arith.constant 0 : i32
    return %arg0, %c0_i32 : i32, i32
  }
  func.func @transform_1(%arg0: i32) -> (i32, i32) {
    %c0_i32 = arith.constant 0 : i32
    %c0_i32_0 = arith.constant 0 : i32
    return %arg0, %c0_i32 : i32, i32
  }
  func.func @transform_2(%arg0: i32) -> (i32, i32) {
    %c0_i32 = arith.constant 0 : i32
    %c0_i32_0 = arith.constant 0 : i32
    return %arg0, %c0_i32 : i32, i32
  }
  func.func @transform_3(%arg0: i32) -> (i32, i32) {
    %c0_i32 = arith.constant 0 : i32
    %c0_i32_0 = arith.constant 0 : i32
    return %arg0, %c0_i32 : i32, i32
  }
  func.func @transform_4(%arg0: i32) -> (i32, i32) {
    %c0_i32 = arith.constant 0 : i32
    %c0_i32_0 = arith.constant 0 : i32
    %c0_i32_1 = arith.constant 0 : i32
    return %c0_i32, %c0_i32_0 : i32, i32
  }
  func.func @transform_5(%arg0: i32) -> (i32, i32) {
    %c0_i32 = arith.constant 0 : i32
    %c0_i32_0 = arith.constant 0 : i32
    %c0_i32_1 = arith.constant 0 : i32
    return %c0_i32, %c0_i32_0 : i32, i32
  }
  func.func @transform_6(%arg0: i32) -> (i32, i32) {
    %c0_i32 = arith.constant 0 : i32
    %c0_i32_0 = arith.constant 0 : i32
    %c0_i32_1 = arith.constant 0 : i32
    return %c0_i32, %c0_i32_0 : i32, i32
  }
  func.func @transform_7(%arg0: i32) -> (i32, i32) {
    %c0_i32 = arith.constant 0 : i32
    %c0_i32_0 = arith.constant 0 : i32
    %c0_i32_1 = arith.constant 0 : i32
    return %c0_i32, %c0_i32_0 : i32, i32
  }
  func.func @transform_8(%arg0: i32) -> (i32, i32) {
    %c0_i32 = arith.constant 0 : i32
    %c0_i32_0 = arith.constant 0 : i32
    return %arg0, %c0_i32 : i32, i32
  }
  func.func @transform_9(%arg0: i32) -> (i32, i32) {
    %c0_i32 = arith.constant 0 : i32
    %c0_i32_0 = arith.constant 0 : i32
    return %arg0, %c0_i32 : i32, i32
  }
}

</mosaic_0001>

<sc_bundles>
// kernel: kernel.5.cloned.1.call-start
scs
__scs_entry_jumppad:
0x0: {  	(pc) =	sbr.rel $0x88, $3  }
0x1: {  	(tag) =	ssettag $0x0;
	lr =	simm.s32 $0x1  }
0x2: {  	[smem:$0x3F96] =	sst lr;
	_ =	strace $0xD0000000  }
0x3: {  	_ = 	snop  }
0x4: {  	_ = 	snop  }
0x5: {  	_ = 	snop  }
0x6: {  	_ = 	snop  }
0x7: {  	_ = 	snop  }
__scs_overlays_trampoline_lowered:
0x8: {  	[smem:$0x3FA5] =	sst s0  }
0x9: {  	[smem:$0x3FA6] =	sst s1  }
0xa: {  	[smem:$0x3FA7] =	sst s2  }
0xb: {  	[smem:$0x3FA8] =	sst s3  }
0xc: {  	[smem:$0x3FA9] =	sst s4  }
0xd: {  	[smem:$0x3FAA] =	sst s5  }
0xe: {  	[smem:$0x3FAB] =	sst s6  }
0xf: {  	[smem:$0x3FAC] =	sst s7  }
0x10: {  	[smem:$0x3FAD] =	sst s8  }
0x11: {  	[smem:$0x3FAE] =	sst s9;
	s0 =	simm.s32 @!p0 $0x0  }
0x12: {  	s1 =	sld [smem:$0x3F94];
	s0 =	simm.s32 @p0 $0x1  }
0x13: {  	[smem:$0x3FAF] =	sst s0;
	s0 =	simm.s32 @!p1 $0x0  }
0x14: {  	s2 =	sld [smem:$0x3F93];
	s0 =	simm.s32 @p1 $0x1  }
0x15: {  	[smem:$0x3FB0] =	sst s0;
	s0 =	simm.s32 @!p2 $0x0  }
0x16: {  	s3 =	sld [smem:$0x3FDB];
	s0 =	simm.s32 @p2 $0x1  }
0x17: {  	s4 =	simm.s32 $0x1BF5;
	[smem:$0x3FB2] =	sst s0  }
0x18: {  	s0 =	sld [smem:$0x3F95];
	_ =	swait.ge [sflag:s4], $0x0  }
0x19: {  	s7 =	sld [smem:$0x3F96]  }
0x1a: {  	s8 =	sadd.s32 $0xFFFFE003, lr  }
0x1b: {  	s9 =	sadd.s32 $0xFFFFFEF7, lr;
	s5 =	simm.s32 $0xFFFFFFFF;
	p2 =	slt.u32 s8, $0xFFFFF086  }
0x1c: {  	p1 =	slt.u32 s9, $0xF7A;
	s5 =	simm.s32 @!p2 $0x0  }
0x1d: {  	s5 =	simm.s32 @p1 $0x1;
	p0 =	seq.s32 s7, s2  }
0x1e: {  	s7 =	smul.u32 @!p0 $0xF7A, s2;
	p2 =	seq.s32 @!p0 s5, $0x0  }
0x1f: {  	s9 =	smul.u32 $0xF7A, s1;
	s8 =	simm.s32 @!p0 $0x1BF5;
	p2 =	por !p2, p0  }
0x20: {  	[sflag:s8] =	ssyncset.s32 @!p0 $0xFFFFF086;
	s6 =	sadd.s32 @!p0 s3, s7;
	s7 =	simm.s32 @!p0 $0x108  }
0x21: {  	s3 =	sadd.s32 s3, s9;
	s6 =	sadd.s32 @!p0 $0x88, s6;
	s7 =	simm.s32 @p2 $0x1082  }
0x22: {  	[simem:s7], [sflag:s8] =	dma.local @!p0 [hbm:s6], $0xF7A  }
0x23: {  	s9 =	sor.u32 $0xD0000000, s2;
	s6 =	simm.s32 $0x108;
	_ =	swait.ge @!p0 [sflag:s8], $0x0  }
0x24: {  	s3 =	sadd.s32 $0x88, s3;
	s6 =	simm.s32 @!p1 $0x1082;
	[sflag:s4] =	ssyncset.s32 $0xFFFFF086  }
0x25: {  	[simem:s6], [sflag:s4] =	dma.local [hbm:s3], $0xF7A  }
0x26: {  	[smem:$0x3F96] =	sst s1;
	(tag) =	ssettag s2;
	_ =	strace s9  }
0x27: {  	s1 =	sld [smem:$0x3FA6]  }
0x28: {  	s2 =	sld [smem:$0x3FA7]  }
0x29: {  	s4 =	sld [smem:$0x3FA9]  }
0x2a: {  	p0 =	seq.s32 s5, $0x0;
	s5 =	sld [smem:$0x3FAA]  }
0x2b: {  	s6 =	sld [smem:$0x3FAB]  }
0x2c: {  	s7 =	sld [smem:$0x3FAC]  }
0x2d: {  	s3 =	simm.s32 $0x108;
	s8 =	sld [smem:$0x3FAD]  }
0x2e: {  	s3 =	simm.s32 @!p0 $0x1082;
	s9 =	sld [smem:$0x3FAE]  }
0x2f: {  	lr =	sadd.s32 s0, s3;
	s0 =	sld [smem:$0x3FA5]  }
0x30: {  	s3 =	sld [smem:$0x3FA8]  }
0x31: {  	[smem:$0x3FB1] =	sst s10  }
0x32: {  	s10 =	sld [smem:$0x3FAF];
	_ =	sdelay $0x3  }
0x33: {  	p0 =	seq.s32 s10, $0x1;
	s10 =	sld [smem:$0x3FB1];
	_ =	sdelay $0x3  }
0x34: {  	[smem:$0x3FB1] =	sst s10  }
0x35: {  	s10 =	sld [smem:$0x3FB0];
	_ =	sdelay $0x3  }
0x36: {  	p1 =	seq.s32 s10, $0x1;
	s10 =	sld [smem:$0x3FB1];
	_ =	sdelay $0x3  }
0x37: {  	[smem:$0x3FB1] =	sst s10  }
0x38: {  	s10 =	sld [smem:$0x3FB2]  }
0x39: {  	_ = 	snop;
	(pc) =	sbr.ind lr, $3  }
0x3a: {  	_ = 	snop  }
0x3b: {  	_ = 	snop  }
0x3c: {  	p2 =	seq.s32 s10, $0x1;
	s10 =	sld [smem:$0x3FB1]  }
0x3d: {  	_ =	shalt  }
0x3e: {  	_ =	shalt  }
0x3f: {  	_ =	shalt  }
0x40: {  	_ =	shalt  }
0x41: {  	_ =	shalt  }
0x42: {  	_ =	shalt  }
0x43: {  	_ =	shalt  }
0x44: {  	_ =	shalt  }
0x45: {  	_ =	shalt  }
0x46: {  	_ =	shalt  }
0x47: {  	_ =	shalt  }
0x48: {  	_ =	shalt  }
0x49: {  	_ =	shalt  }
0x4a: {  	_ =	shalt  }
0x4b: {  	_ =	shalt  }
0x4c: {  	_ =	shalt  }
0x4d: {  	_ =	shalt  }
0x4e: {  	_ =	shalt  }
0x4f: {  	_ =	shalt  }
0x50: {  	_ =	shalt  }
0x51: {  	_ =	shalt  }
0x52: {  	_ =	shalt  }
0x53: {  	_ =	shalt  }
0x54: {  	_ =	shalt  }
0x55: {  	_ =	shalt  }
0x56: {  	_ =	shalt  }
0x57: {  	_ =	shalt  }
0x58: {  	_ =	shalt  }
0x59: {  	_ =	shalt  }
0x5a: {  	_ =	shalt  }
0x5b: {  	_ =	shalt  }
0x5c: {  	_ =	shalt  }
0x5d: {  	_ =	shalt  }
0x5e: {  	_ =	shalt  }
0x5f: {  	_ =	shalt  }
0x60: {  	_ =	shalt  }
0x61: {  	_ =	shalt  }
0x62: {  	_ =	shalt  }
0x63: {  	_ =	shalt  }
0x64: {  	_ =	shalt  }
0x65: {  	_ =	shalt  }
0x66: {  	_ =	shalt  }
0x67: {  	_ =	shalt  }
0x68: {  	_ =	shalt  }
0x69: {  	_ =	shalt  }
0x6a: {  	_ =	shalt  }
0x6b: {  	_ =	shalt  }
0x6c: {  	_ =	shalt  }
0x6d: {  	_ =	shalt  }
0x6e: {  	_ =	shalt  }
0x6f: {  	_ =	shalt  }
0x70: {  	_ =	shalt  }
0x71: {  	_ =	shalt  }
0x72: {  	_ =	shalt  }
0x73: {  	_ =	shalt  }
0x74: {  	_ =	shalt  }
0x75: {  	_ =	shalt  }
0x76: {  	_ =	shalt  }
0x77: {  	_ =	shalt  }
0x78: {  	_ =	shalt  }
0x79: {  	_ =	shalt  }
0x7a: {  	_ =	shalt  }
0x7b: {  	_ =	shalt  }
0x7c: {  	_ =	shalt  }
0x7d: {  	_ =	shalt  }
0x7e: {  	_ =	shalt  }
0x7f: {  	_ =	shalt  }
0x80: {  	_ =	shalt  }
0x81: {  	_ =	shalt  }
0x82: {  	_ =	shalt  }
0x83: {  	_ =	shalt  }
0x84: {  	_ =	shalt  }
0x85: {  	_ =	shalt  }
0x86: {  	_ =	shalt  }
0x87: {  	_ =	shalt  }
.Lfunc_end0:
.L_simem_size_0:
called_computation_lowered:
.L_overlay_start_0:
0x88: {  	s2 =	sld [smem:$0x3FD9]  }
0x89: {  	s3 =	sld [smem:$0x3FFE];
	_ =	sdelay $0x1  }
0x8a: {  	s1 =	srdreg.scid  }
0x8b: {  	s0 =	sand.u32 $0x1, s1  }
0x8c: {  	s17 =	sshll.u32 s0, $0xA;
	s2 =	sadd.s32 s3, s2  }
0x8d: {  	s2 =	sadd.s32 s2, s17  }
0x8e: {  	[smem:$0x3FBD] =	sst s2  }
0x8f: {  	_ = 	snop  }
0x90: {  	s2 =	sld [smem:$0x3FC9]  }
0x91: {  	s18 =	sld [smem:$0x3FC6];
	(tm) =	ssettm $0x1  }
0x92: {  	s4 =	sld [smem:$0x3FFB];
	_ =	sdelay $0x3  }
0x93: {  	_ =	strace s4  }
0x94: {  	s4 =	sld [smem:$0x3FFC];
	_ =	sdelay $0x3  }
0x95: {  	_ =	strace s4  }
0x96: {  	s4 =	sld [smem:$0x3FFD];
	_ =	sdelay $0x3  }
0x97: {  	_ =	strace s4  }
0x98: {  	_ =	strace $0x8FFFFFFF  }
0x99: {  	s19 =	sld [smem:$0x3FDB];
	_ =	sdelay $0x1  }
0x9a: {  	s5 =	simm.s32 $_scs_section_size  }
0x9b: {  	s6 =	simm.s32 $_size__tile_overlayer_lowered;
	s7 =	simm.s32 $_tile_overlayer_lowered  }
0x9c: {  	s22 =	simm.s32 $0x1BFF;
	s21 =	sshll.u32 s7, $0x1;
	s4 =	sadd.s32 s5, s19  }
0x9d: {  	s8 =	simm.s32 $0x0;
	s20 =	sshll.u32 s6, $0x1;
	s6 =	sadd.s32 s21, s4  }
0x9e: {  	[timem:s8], [sflag:s22] =	dma.local [hbm:s6], s20  }
0x9f: {  	_ =	swait.ge [sflag:s22], s20  }
0xa0: {  	s5 =	ssub.s32 $0x0, s20;
	[sflag:s22] =	ssyncset.done $0x0  }
0xa1: {  	[sflag:s22] =	ssyncadd.s32 s5;
	_ =	sdelay $0x1  }
0xa2: {  	s23 =	simm.s32 $0x1B8B  }
0xa3: {  	_ =	swait.ge [sflag:s23], $0x1  }
0xa4: {  	[sflag:s23] =	ssyncset.done $0x0  }
0xa5: {  	s25 =	simm.s32 $0x1B8E;
	s24 =	sld [smem:$0x3FFE];
	[sflag:s23] =	ssyncadd.s32 $0xFFFFFFFF  }
0xa6: {  	s26 =	simm.s32 $execute0_lowered;
	[smem:$0x3FD2] =	sst s25  }
0xa7: {  	s6 =	sshll.u32 s26, $0x1;
	_ =	strace $0x80000046;
	[dreg:$0x1] =	wrdreg $0xFFFFFFFF  }
0xa8: {  	s28 =	simm.s32 $_size_execute0_lowered;
	s4 =	sadd.s32 s4, s6;
	[dreg:$0x0] =	wrdreg $0x0  }
0xa9: {  	s6 =	sshll.u32 s28, $0x1;
	[dreg:$0x2] =	wrdreg s4  }
0xaa: {  	[dreg:$0x3] =	wrdreg s6  }
0xab: {  	[dreg:$0x4] =	wrdreg $0xC0  }
0xac: {  	_ =	task [dreg:s8], $0x5FFFF  }
0xad: {  	[dreg:$0x1] =	wrdreg $0xFFFFFFFF  }
0xae: {  	[dreg:$0x0] =	wrdreg $0x60  }
0xaf: {  	[dreg:$0x2] =	wrdreg s18  }
0xb0: {  	[dreg:$0x3] =	wrdreg s24  }
0xb1: {  	[dreg:$0x4] =	wrdreg s2  }
0xb2: {  	[dreg:$0x5] =	wrdreg $0x9  }
0xb3: {  	_ =	task.clear_ibuf [dreg:s8], $0x6FFFF;
	_ =	strace $0x90000046  }
0xb4: {  	s29 =	simm.s32 $0x9;
	_ =	strace $0x80000048  }
0xb5: {  	_ =	swait.ge [sflag:s29], $0x1  }
0xb6: {  	[sflag:s29] =	ssyncadd.s32 $0xFFFFFFFF  }
0xb7: {  	_ =	strace $0x90000048  }
0xb8: {  	_ =	sfence  }
0xb9: {  	s30 =	sld [smem:$0x0];
	_ =	sdelay $0x2  }
0xba: {  	s31 =	sshll.u32 s1, $0xD;
	s1 =	sshrl.u32 s1, $0x2  }
0xbb: {  	s3 =	sand.u32 $0x4000, s31;
	s1 =	sadd.s32 s1, s30  }
0xbc: {  	s0 =	sor.u32 s3, s0;
	s1 =	sshll.u32 s1, $0x11  }
0xbd: {  	s0 =	sor.u32 s1, s0  }
0xbe: {  	s0 =	sadd.s32 $0x8F2B, s0  }
0xbf: {  	[sflag:s0] =	ssyncadd.remote.s32 $0x1  }
0xc0: {  	_ =	sfence.sel $0xFFFF  }
0xc1: {  	[dreg:$0x0] =	wrdreg $0xFFFFFFFF;
	(pc) =	sbr.abs _section_cstart, $3  }
0xc2: {  	[dreg:$0x1] =	wrdreg $0xFFFFFFFF  }
0xc3: {  	_ =	task.clear_ibuf [dreg:s8], $0x2FFFF;
	_ =	strace $0x9FFFFFFF  }
0xc4: {  	(tm) =	ssettm $0x7FFFFFFF  }
0xc5: {  	_ =	shalt  }
tec
execute0_lowered:
.L_overlay_start_1:
0x0: {  	(tag) =	ssettag $0x1  }
0x1: {  	s0 =	srdreg.scid;
	s1 =	stileid.u32  }
0x2: {  	v0 =	vlaneseq.u32;
	s0 =	sand.u32 $0x1, s0;
	s1 =	sshll.u32 s1, $0x1  }
0x3: {  	v1 =	vmul.u32 $0x80, v0;
	s1 =	sor.u32 s0, s1  }
0x4: {  	v2 =	vmov s1  }
0x5: {  	v3 =	vor.u32 $0x1, v1;
	v9 =	vor.u32 $0x7, v1;
	v10 =	vor.u32 $0x8, v1  }
0x6: {  	v11 =	vor.u32 $0x9, v1;
	v12 =	vor.u32 $0xA, v1;
	v13 =	vor.u32 $0xB, v1  }
0x7: {  	v14 =	vor.u32 $0xC, v1;
	v15 =	vor.u32 $0xD, v1;
	v16 =	vor.u32 $0xE, v1  }
0x8: {  	v17 =	vor.u32 $0xF, v1;
	v18 =	vor.u32 $0x10, v1;
	v19 =	vor.u32 $0x11, v1  }
0x9: {  	v20 =	vor.u32 $0x12, v1;
	v21 =	vor.u32 $0x13, v1;
	v22 =	vor.u32 $0x14, v1  }
0xa: {  	v23 =	vor.u32 $0x15, v1;
	v24 =	vor.u32 $0x16, v1;
	v25 =	vor.u32 $0x17, v1  }
0xb: {  	v26 =	vor.u32 $0x18, v1;
	v27 =	vor.u32 $0x19, v1;
	v28 =	vor.u32 $0x1A, v1  }
0xc: {  	v29 =	vor.u32 $0x1B, v1;
	v30 =	vor.u32 $0x1C, v1;
	v31 =	vor.u32 $0x1D, v1  }
0xd: {  	v32 =	vor.u32 $0x1E, v1;
	v33 =	vor.u32 $0x1F, v1;
	v34 =	vor.u32 $0x20, v1  }
0xe: {  	s2 =	rddreg [dreg:$0x0];
	v35 =	vor.u32 $0x21, v1;
	v36 =	vor.u32 $0x22, v1;
	v37 =	vor.u32 $0x23, v1  }
0xf: {  	s3 =	rddreg [dreg:$0x1];
	v38 =	vor.u32 $0x24, v1;
	v39 =	vor.u32 $0x25, v1;
	v40 =	vor.u32 $0x26, v1  }
0x10: {  	s5 =	simm.s32 $0x0;
	s8 =	simm.s32 $0x1F;
	s17 =	simm.s32 $0x3;
	v41 =	vor.u32 $0x27, v1;
	v42 =	vor.u32 $0x28, v1;
	v43 =	vor.u32 $0x29, v1  }
0x11: {  	s18 =	simm.s32 $0x4900;
	s19 =	simm.s32 $0x14900;
	s20 =	simm.s32 $0x2;
	v44 =	vor.u32 $0x2A, v1;
	v45 =	vor.u32 $0x2B, v1;
	v46 =	vor.u32 $0x2C, v1  }
0x12: {  	s21 =	simm.s32 $0x14E80;
	s22 =	simm.s32 $0x0;
	[smem:$0x7FF] =	sst s5;
	v47 =	vor.u32 $0x2D, v1;
	v48 =	vor.u32 $0x2E, v1;
	[tilespmem:$0x1FFA0] =	vst v3;
	v3 =	vor.u32 $0x2, v1  }
0x13: {  	s6 =	sadd.s32 $0x1C00, s3;
	s7 =	sadd.s32 $0x3000, s3;
	s10 =	sadd.s32 $0x1E80, s3;
	v49 =	vor.u32 $0x2F, v1;
	v50 =	vor.u32 $0x30, v1;
	[tilespmem:$0x1FFB0] =	vst v3;
	v3 =	vor.u32 $0x3, v1  }
.Ltmp0:
0x14: {  	s11 =	sadd.s32 $0x2100, s3;
	s0 =	ssub.s32 $0x2, s0;
	v51 =	vor.u32 $0x31, v1;
	v52 =	vor.u32 $0x32, v1;
	[tilespmem:$0x1FFC0] =	vst v3;
	v3 =	vor.u32 $0x4, v1;
	(pc) =	sbr.rel .LBB2_1-.Ltmp0, $4  }
0x15: {  	s12 =	sadd.s32 $0x2380, s3;
	s13 =	sadd.s32 $0x2600, s3;
	s4 =	sshrl.u32 s0, $0x1;
	v53 =	vor.u32 $0x33, v1;
	v54 =	vor.u32 $0x34, v1;
	[tilespmem:$0x1FFD0] =	vst v3;
	v3 =	vor.u32 $0x5, v1  }
0x16: {  	s14 =	sadd.s32 $0x2880, s3;
	s15 =	sadd.s32 $0x2B00, s3;
	v55 =	vor.u32 $0x35, v1;
	v56 =	vor.u32 $0x36, v1;
	s0 =	ssub.s32 s0, s4;
	[tilespmem:$0x1FFE0] =	vst v3;
	v3 =	vor.u32 $0x6, v1  }
0x17: {  	s16 =	sadd.s32 $0x2D80, s3;
	p0 =	slt.u32 s1, $0x11;
	v57 =	vor.u32 $0x37, v1;
	v58 =	vor.u32 $0x38, v1;
	v59 =	vor.u32 $0x39, v1;
	s0 =	smax.u32 s0, $0x1;
	[tilespmem:$0x1FFF0] =	vst v3  }
0x18: {  	v60 =	vor.u32 $0x3A, v1;
	v61 =	vor.u32 $0x3B, v1;
	v62 =	vor.u32 $0x3C, v1;
	s8 =	simm.s32 @!p0 $0x1E;
	_ =	strace $0x80000047;
	[dreg:$0x4] =	wrdreg s0  }
.LBB2_21:
0x19: {  	s22 =	sadd.s32 $0x1, s22;
	s0 =	rddreg [dreg:$0x4]  }
0x1a: {  	p0 =	sne.s32 s22, s0  }
.Ltmp1:
0x1b: {  	_ = 	snop;
	(pc) =	sbr.rel @!p0 .LBB2_22-.Ltmp1, $1  }
0x1c: {  	_ =	sdelay $0x3  }
.LBB2_1:
0x1d: {  	s0 =	rddreg [dreg:$0x2]  }
0x1e: {  	[tilespmem:s5], [sflag:$0x3] =	stream.linear.gather [hbm4b:s0+s5], $0x4000, $0x38;
	[tilespmem:$0x15100] =	vst v63  }
0x1f: {  	_ =	swait.ge [sflag:s17], $0x4000  }
0x20: {  	[sflag:s17] =	ssyncset.done $0x0  }
0x21: {  	[sflag:s17] =	ssyncadd.s32 $0xFFFFC000  }
0x22: {  	v3 =	vld [tilespmem:s5+$0x0];
	_ =	sdelay $0x4  }
0x23: {  	v4 =	vshrl.u32 v3, $0xA  }
0x24: {  	v4 =	vand.u32 $0x1F, v4  }
0x25: {  	vm0 =	veq.s32 v4, v2  }
0x26: {  	v4 =	vmpcnt.ones.xlane vm0;
	_ =	sdelay $0x1  }
0x27: {  	(v2sf) =	vpush v4, $0x0;
	_ =	sdelay $0x3  }
0x28: {  	[tilespmem:s5+$0x4000] =	vst.msk vm0, v3;
	v3 =	vor.u32 s5, v0  }
0x29: {  	s23 =	simm.s32 $0x10;
	[tilespmem:s5+$0x4400] =	vst.msk vm0, v3  }
0x2a: {  	s3 =	simm.s32 $0x20;
	s4 =	simm.s32 $0x10;
	s0 =	simm.s32 $0x0;
	v3 =	vld [tilespmem:s23+$0x0]  }
.LBB2_2:
0x2b: {  	p0 =	sne.s32 s3, $0x3FF0;
	_ =	sdelay $0x3  }
0x2c: {  	v4 =	vshrl.u32 v3, $0xA  }
0x2d: {  	v4 =	vand.u32 $0x1F, v4  }
0x2e: {  	vm0 =	veq.s32 v4, v2  }
0x2f: {  	v4 =	vmpcnt.ones.xlane vm0  }
0x30: {  	s24 =	spop (v2sf)  }
0x31: {  	(v2sf) =	vpush v4, $0x0;
	s0 =	sadd.s32 s0, s24  }
0x32: {  	[tilespmem:s0+$0x4000] =	vst.msk vm0, v3;
	v3 =	vor.u32 s23, v0;
	s23 =	smov.u32 s3  }
.Ltmp2:
0x33: {  	[tilespmem:s0+$0x4400] =	vst.msk vm0, v3;
	(pc) =	sbr.rel @p0 .LBB2_2-.Ltmp2, $3  }
0x34: {  	_ =	sdelay $0x1  }
0x35: {  	s4 =	sadd.s32 $0x10, s4  }
0x36: {  	s3 =	sadd.s32 $0x10, s3;
	v3 =	vld [tilespmem:s4+$0x0]  }
0x37: {  	_ =	sdelay $0x3  }
0x38: {  	v4 =	vshrl.u32 v3, $0xA  }
0x39: {  	v4 =	vand.u32 $0x1F, v4  }
0x3a: {  	vm0 =	veq.s32 v4, v2  }
0x3b: {  	v4 =	vmpcnt.ones.xlane vm0;
	_ =	sdelay $0x1  }
0x3c: {  	(v2sf) =	vpush v4, $0x0;
	_ =	sdelay $0xd  }
0x3d: {  	s3 =	spop (v2sf)  }
0x3e: {  	s0 =	sadd.s32 s0, s3;
	s30 =	spop (v2sf)  }
0x3f: {  	s3 =	sadd.s32 s0, s30  }
.Ltmp3:
0x40: {  	s4 =	sadd.s32 $0xF, s3;
	(pc) =	sbr.rel .LBB2_4-.Ltmp3, $4  }
0x41: {  	s24 =	sshra.s32 s4, $0x1F  }
0x42: {  	s24 =	sshrl.u32 s24, $0x1C  }
0x43: {  	v63 =	vor.u32 s23, v0;
	[tilespmem:s0+$0x4000] =	vst.msk vm0, v3;
	s31 =	sadd.s32 s24, s4  }
0x44: {  	[tilespmem:s0+$0x4400] =	vst.msk vm0, v63;
	v63 =	vmov s3;
	p0 =	slt.s32 s4, $0x10;
	s24 =	simm.s32 $0x0;
	s23 =	sshra.s32 s31, $0x4  }
.LBB2_20:
0x45: {  	s24 =	sadd.s32 $0x1, s24  }
0x46: {  	p1 =	sne.s32 s24, s8  }
.Ltmp4:
0x47: {  	_ = 	snop;
	(pc) =	sbr.rel @!p1 .LBB2_21-.Ltmp4, $1  }
0x48: {  	_ =	sdelay $0x3  }
.LBB2_4:
0x49: {  	s0 =	sshll.u32 s24, $0x5  }
0x4a: {  	s26 =	sor.u32 s1, s0  }
0x4b: {  	p1 =	sne.s32 s26, $0x3D0  }
0x4c: {  	s28 =	sshll.u32 @p1 s26, $0xA;
	s3 =	simm.s32 @p1 $0x2000  }
0x4d: {  	s4 =	simm.s32 @p1 $0x7A1400;
	s25 =	simm.s32 @p1 $0x4900;
	s0 =	sadd.s32 @p1 s2, s28  }
0x4e: {  	[tilespmem:s25], [sflag:$0x1] =	stream.strided.gather @p1 [hbm4b:s0+s3], $0x10000, s4, s3, $0x38;
	[tilespmem:$0x15100] =	vst v63  }
0x4f: {  	s0 =	simm.s32 @!p1 $0x0;
	s3 =	simm.s32 @!p1 $0x4900  }
0x50: {  	[tilespmem:s3], [sflag:$0x1] =	stream.linear.gather @!p1 [hbm4b:s6+s0], $0x1400, $0x38;
	[tilespmem:$0x15100] =	vst v63  }
0x51: {  	s3 =	simm.s32 @!p1 $0x6900  }
0x52: {  	[tilespmem:s3], [sflag:$0x1] =	stream.linear.gather @!p1 [hbm4b:s10+s0], $0x1400, $0x38;
	[tilespmem:$0x15100] =	vst v63  }
0x53: {  	s3 =	simm.s32 @!p1 $0x8900  }
0x54: {  	[tilespmem:s3], [sflag:$0x1] =	stream.linear.gather @!p1 [hbm4b:s11+s0], $0x1400, $0x38;
	[tilespmem:$0x15100] =	vst v63  }
0x55: {  	s3 =	simm.s32 @!p1 $0xA900  }
0x56: {  	[tilespmem:s3], [sflag:$0x1] =	stream.linear.gather @!p1 [hbm4b:s12+s0], $0x1400, $0x38;
	[tilespmem:$0x15100] =	vst v63  }
0x57: {  	s3 =	simm.s32 @!p1 $0xC900  }
0x58: {  	[tilespmem:s3], [sflag:$0x1] =	stream.linear.gather @!p1 [hbm4b:s13+s0], $0x1400, $0x38;
	[tilespmem:$0x15100] =	vst v63  }
0x59: {  	s3 =	simm.s32 @!p1 $0xE900  }
0x5a: {  	[tilespmem:s3], [sflag:$0x1] =	stream.linear.gather @!p1 [hbm4b:s14+s0], $0x1400, $0x38;
	[tilespmem:$0x15100] =	vst v63  }
.Ltmp5:
0x5b: {  	_ = 	snop;
	(pc) =	sbr.rel @p0 .LBB2_11-.Ltmp5, $4  }
0x5c: {  	s3 =	simm.s32 @!p1 $0x10900  }
0x5d: {  	[tilespmem:s3], [sflag:$0x1] =	stream.linear.gather @!p1 [hbm4b:s15+s0], $0x1400, $0x38;
	[tilespmem:$0x15100] =	vst v63  }
0x5e: {  	s25 =	simm.s32 $0x0;
	s3 =	simm.s32 @!p1 $0x12900  }
0x5f: {  	[tilespmem:s3], [sflag:$0x1] =	stream.linear.gather @!p1 [hbm4b:s16+s0], $0x1400, $0x38;
	[tilespmem:$0x15100] =	vst v63  }
0x60: {  	p3 =	sne.s32 s23, $0x1  }
.Ltmp6:
0x61: {  	_ = 	snop;
	(pc) =	sbr.rel @!p3 .LBB2_6-.Ltmp6, $3  }
0x62: {  	_ =	sdelay $0x1  }
0x63: {  	s0 =	simm.s32 $0x4000;
	s29 =	simm.s32 $0x4400  }
0x64: {  	v3 =	vmov s26;
	s25 =	simm.s32 $0x0;
	s3 =	sadd.s32 $0xFFFFFFFF, s23;
	p2 =	por $0x0, $0x0;
	v4 =	vld [tilespmem:s0+$0x0]  }
0x65: {  	_ =	sdelay $0x3  }
0x66: {  	v7 =	vor.u32 s25, v0;
	v6 =	vshra.s32 v4, $0xA  }
0x67: {  	vm1 =	vlt.s32 v7, v63;
	vm0 =	veq.s32 v6, v3  }
0x68: {  	vm0 =	vmand vm1, vm0  }
0x69: {  	v6 =	vmpcnt.ones.xlane vm0;
	_ =	sdelay $0x1  }
0x6a: {  	v5 =	vld [tilespmem:s29+$0x0];
	(v2sf) =	vpush v6, $0x0  }
0x6b: {  	p3 =	sne.s32 s3, $0x1  }
.Ltmp7:
0x6c: {  	_ = 	snop;
	(pc) =	sbr.rel @!p3 .LBB2_8-.Ltmp7, $4  }
0x6d: {  	_ = 	snop  }
0x6e: {  	[tilespmem:s25+$0x4800] =	vst.msk vm0, v4  }
0x6f: {  	s0 =	simm.s32 $0x4010;
	s4 =	sadd.s32 $0xFFFFFFFF, s3;
	p2 =	por $0x1, $0x1;
	[tilespmem:s25+$0x4880] =	vst.msk vm0, v5  }
0x70: {  	s3 =	simm.s32 $0x0;
	s30 =	simm.s32 $0x4400;
	s31 =	simm.s32 $0x0;
	v4 =	vld [tilespmem:s0+$0x0]  }
.LBB2_9:
0x71: {  	p3 =	sne.s32 s4, $0x1;
	_ =	sdelay $0x2  }
0x72: {  	s3 =	sadd.s32 $0x10, s3  }
0x73: {  	v6 =	vor.u32 s3, v0;
	v5 =	vshra.s32 v4, $0xA  }
0x74: {  	s30 =	sadd.s32 $0x10, s30;
	vm1 =	vlt.s32 v6, v63;
	vm0 =	veq.s32 v5, v3  }
0x75: {  	v5 =	vld [tilespmem:s30+$0x0];
	vm0 =	vmand vm1, vm0  }
0x76: {  	v6 =	vmpcnt.ones.xlane vm0  }
0x77: {  	s9 =	spop (v2sf)  }
0x78: {  	(v2sf) =	vpush v6, $0x0;
	s31 =	sadd.s32 s31, s9  }
0x79: {  	[tilespmem:s31+$0x4800] =	vst.msk vm0, v4  }
.Ltmp8:
0x7a: {  	[tilespmem:s31+$0x4880] =	vst.msk vm0, v5;
	(pc) =	sbr.rel @p3 .LBB2_9-.Ltmp8, $3  }
0x7b: {  	_ =	sdelay $0x1  }
0x7c: {  	s0 =	sadd.s32 $0x10, s0  }
0x7d: {  	s4 =	sadd.s32 $0xFFFFFFFF, s4;
	v4 =	vld [tilespmem:s0+$0x0]  }
.LBB2_10:
0x7e: {  	_ =	sdelay $0x1  }
0x7f: {  	s0 =	sadd.s32 @p2 $0x10, s3;
	s3 =	simm.s32 $0x0  }
0x80: {  	s3 =	smov.u32 @p2 s0  }
0x81: {  	v6 =	vor.u32 s3, v0;
	v5 =	vshra.s32 v4, $0xA  }
0x82: {  	vm1 =	vlt.s32 v6, v63;
	vm0 =	veq.s32 v5, v3  }
0x83: {  	vm0 =	vmand vm1, vm0  }
0x84: {  	v3 =	vmpcnt.ones.xlane vm0;
	_ =	sdelay $0x1  }
0x85: {  	(v2sf) =	vpush v3, $0x0;
	_ =	sdelay $0x8  }
0x86: {  	s0 =	sadd.s32 @p2 $0x10, s30  }
0x87: {  	s29 =	smov.u32 @p2 s0  }
0x88: {  	v3 =	vld [tilespmem:s29+$0x0]  }
0x89: {  	s0 =	spop @p2 (v2sf)  }
0x8a: {  	s0 =	sadd.s32 @p2 s31, s0  }
0x8b: {  	s25 =	smov.u32 @p2 s0  }
0x8c: {  	[tilespmem:s25+$0x4800] =	vst.msk vm0, v4;
	s31 =	spop (v2sf)  }
0x8d: {  	[tilespmem:s25+$0x4880] =	vst.msk vm0, v3;
	s25 =	sadd.s32 s25, s31  }
.LBB2_11:
0x8e: {  	p2 =	seq.s32 s26, $0x3D0  }
0x8f: {  	s3 =	sadd.s32 $0xF, s25;
	s0 =	simm.s32 @p2 $0x1  }
0x90: {  	s4 =	sand.u32 $0xF, s3;
	s30 =	sshra.s32 s3, $0x1F;
	_ =	swait.ge @p2 [sflag:s0], $0xA000  }
0x91: {  	p4 =	slt.s32 s3, $0x1;
	p3 =	sne.s32 s4, $0x0;
	[sflag:s0] =	ssyncset.done @p2 $0x0  }
0x92: {  	s31 =	sshrl.u32 s30, $0x1C;
	p3 =	por !p4, !p3;
	[sflag:s0] =	ssyncadd.s32 @p2 $0xFFFF6000  }
0x93: {  	s0 =	sadd.s32 s31, s3;
	p3 =	por !p3, !p3;
	s3 =	simm.s32 $0x1  }
0x94: {  	s0 =	sshra.s32 s0, $0x4;
	s3 =	simm.s32 @!p3 $0x0  }
0x95: {  	s26 =	ssub.s32 s0, s3  }
0x96: {  	p3 =	slt.s32 s26, $0x1  }
.Ltmp9:
0x97: {  	_ = 	snop;
	(pc) =	sbr.rel @p3 .LBB2_20-.Ltmp9, $4  }
0x98: {  	s4 =	simm.s32 @!p2 $0x1  }
0x99: {  	_ =	swait.ge @!p2 [sflag:s4], $0x10000  }
0x9a: {  	[sflag:s4] =	ssyncset.done @!p2 $0x0  }
0x9b: {  	[sflag:s4] =	ssyncadd.s32 @!p2 $0xFFFF0000  }
.Ltmp10:
0x9c: {  	(pc) =	sbr.rel .LBB2_13-.Ltmp10, $3  }
0x9d: {  	_ =	sdelay $0x1  }
0x9e: {  	s28 =	simm.s32 @!p1 $0xF3FC0  }
0x9f: {  	s29 =	smov.u32 s25;
	v3 =	vmov s28;
	s28 =	simm.s32 $0x0  }
.LBB2_18:
0xa0: {  	[sflag:s20] =	ssyncadd.s32 $0xFFFFFFC0  }
.LBB2_19:
0xa1: {  	s28 =	sadd.s32 $0x1, s28  }
0xa2: {  	p1 =	sne.s32 s28, s26  }
.Ltmp11:
0xa3: {  	_ = 	snop;
	(pc) =	sbr.rel @!p1 .LBB2_20-.Ltmp11, $2  }
0xa4: {  	_ =	sdelay $0x2  }
0xa5: {  	s29 =	sadd.s32 $0xFFFFFFF0, s29  }
.LBB2_13:
0xa6: {  	s30 =	sshll.u32 s28, $0x4  }
0xa7: {  	v4 =	vld [tilespmem:s30+$0x4800];
	_ =	sdelay $0x4  }
0xa8: {  	v4 =	vsub.s32 v4, v3  }
0xa9: {  	v5 =	vshll.u32 v4, $0x3  }
0xaa: {  	v4 =	vand.u32 $0x7F, v4;
	v5 =	vand.u32 $0x1C00, v5  }
0xab: {  	v5 =	vor.u32 v4, v5;
	_ =	sdelay $0x4  }
0xac: {  	v6 =	vld.idx.msk [tilespmem:v5+s18+$0x0], $0xffff  }
0xad: {  	v7 =	vor.u32 $0x80, v5;
	_ =	sdelay $0x1  }
0xae: {  	v8 =	vld [tilespmem:$0x1FFA0];
	_ =	sdelay $0x1  }
0xaf: {  	v4 =	vld [tilespmem:s30+$0x4880];
	[tilespmem:v1+s19+$0x0] =	vst.idx.msk $0xffff, v6  }
0xb0: {  	v6 =	vld.idx.msk [tilespmem:v7+s18+$0x0], $0xffff;
	_ =	sdelay $0x2  }
0xb1: {  	v7 =	vor.u32 $0x100, v5;
	_ =	sdelay $0x1  }
0xb2: {  	[tilespmem:v8+s19+$0x0] =	vst.idx.msk $0xffff, v6;
	v8 =	vld [tilespmem:$0x1FFB0];
	_ =	sdelay $0x2  }
0xb3: {  	v6 =	vld.idx.msk [tilespmem:v7+s18+$0x0], $0xffff;
	_ =	sdelay $0x2  }
0xb4: {  	v7 =	vor.u32 $0x180, v5;
	_ =	sdelay $0x1  }
0xb5: {  	[tilespmem:v8+s19+$0x0] =	vst.idx.msk $0xffff, v6;
	v8 =	vld [tilespmem:$0x1FFC0];
	_ =	sdelay $0x2  }
0xb6: {  	v6 =	vld.idx.msk [tilespmem:v7+s18+$0x0], $0xffff;
	_ =	sdelay $0x2  }
0xb7: {  	v7 =	vor.u32 $0x200, v5;
	_ =	sdelay $0x1  }
0xb8: {  	[tilespmem:v8+s19+$0x0] =	vst.idx.msk $0xffff, v6;
	v8 =	vld [tilespmem:$0x1FFD0];
	_ =	sdelay $0x2  }
0xb9: {  	v6 =	vld.idx.msk [tilespmem:v7+s18+$0x0], $0xffff;
	_ =	sdelay $0x2  }
0xba: {  	v7 =	vor.u32 $0x280, v5;
	_ =	sdelay $0x1  }
0xbb: {  	[tilespmem:v8+s19+$0x0] =	vst.idx.msk $0xffff, v6;
	v8 =	vld [tilespmem:$0x1FFE0];
	_ =	sdelay $0x2  }
0xbc: {  	v6 =	vld.idx.msk [tilespmem:v7+s18+$0x0], $0xffff;
	_ =	sdelay $0x2  }
0xbd: {  	v7 =	vor.u32 $0x300, v5;
	_ =	sdelay $0x1  }
0xbe: {  	[tilespmem:v8+s19+$0x0] =	vst.idx.msk $0xffff, v6;
	v8 =	vld [tilespmem:$0x1FFF0];
	_ =	sdelay $0x2  }
0xbf: {  	v6 =	vld.idx.msk [tilespmem:v7+s18+$0x0], $0xffff  }
0xc0: {  	v7 =	vor.u32 $0x380, v5;
	_ =	sdelay $0x3  }
0xc1: {  	[tilespmem:v8+s19+$0x0] =	vst.idx.msk $0xffff, v6  }
0xc2: {  	v6 =	vld.idx.msk [tilespmem:v7+s18+$0x0], $0xffff  }
0xc3: {  	v7 =	vor.u32 $0x2000, v5;
	_ =	sdelay $0x3  }
0xc4: {  	[tilespmem:v9+s19+$0x0] =	vst.idx.msk $0xffff, v6  }
0xc5: {  	v6 =	vld.idx.msk [tilespmem:v7+s18+$0x0], $0xffff  }
0xc6: {  	v7 =	vor.u32 $0x2080, v5;
	_ =	sdelay $0x3  }
0xc7: {  	[tilespmem:v10+s19+$0x0] =	vst.idx.msk $0xffff, v6  }
0xc8: {  	v6 =	vld.idx.msk [tilespmem:v7+s18+$0x0], $0xffff  }
0xc9: {  	v7 =	vor.u32 $0x2100, v5;
	_ =	sdelay $0x3  }
0xca: {  	[tilespmem:v11+s19+$0x0] =	vst.idx.msk $0xffff, v6  }
0xcb: {  	v6 =	vld.idx.msk [tilespmem:v7+s18+$0x0], $0xffff  }
0xcc: {  	v7 =	vor.u32 $0x2180, v5;
	_ =	sdelay $0x3  }
0xcd: {  	[tilespmem:v12+s19+$0x0] =	vst.idx.msk $0xffff, v6  }
0xce: {  	v6 =	vld.idx.msk [tilespmem:v7+s18+$0x0], $0xffff  }
0xcf: {  	v7 =	vor.u32 $0x2200, v5;
	_ =	sdelay $0x3  }
0xd0: {  	[tilespmem:v13+s19+$0x0] =	vst.idx.msk $0xffff, v6  }
0xd1: {  	v6 =	vld.idx.msk [tilespmem:v7+s18+$0x0], $0xffff  }
0xd2: {  	v7 =	vor.u32 $0x2280, v5;
	_ =	sdelay $0x3  }
0xd3: {  	[tilespmem:v14+s19+$0x0] =	vst.idx.msk $0xffff, v6  }
0xd4: {  	v6 =	vld.idx.msk [tilespmem:v7+s18+$0x0], $0xffff  }
0xd5: {  	v7 =	vor.u32 $0x2300, v5;
	_ =	sdelay $0x3  }
0xd6: {  	[tilespmem:v15+s19+$0x0] =	vst.idx.msk $0xffff, v6  }
0xd7: {  	v6 =	vld.idx.msk [tilespmem:v7+s18+$0x0], $0xffff  }
0xd8: {  	v7 =	vor.u32 $0x2380, v5;
	_ =	sdelay $0x3  }
0xd9: {  	[tilespmem:v16+s19+$0x0] =	vst.idx.msk $0xffff, v6  }
0xda: {  	v6 =	vld.idx.msk [tilespmem:v7+s18+$0x0], $0xffff  }
0xdb: {  	v7 =	vor.u32 $0x4000, v5;
	_ =	sdelay $0x3  }
0xdc: {  	[tilespmem:v17+s19+$0x0] =	vst.idx.msk $0xffff, v6  }
0xdd: {  	v6 =	vld.idx.msk [tilespmem:v7+s18+$0x0], $0xffff  }
0xde: {  	v7 =	vor.u32 $0x4080, v5;
	_ =	sdelay $0x3  }
0xdf: {  	[tilespmem:v18+s19+$0x0] =	vst.idx.msk $0xffff, v6  }
0xe0: {  	v6 =	vld.idx.msk [tilespmem:v7+s18+$0x0], $0xffff  }
0xe1: {  	v7 =	vor.u32 $0x4100, v5;
	_ =	sdelay $0x3  }
0xe2: {  	[tilespmem:v19+s19+$0x0] =	vst.idx.msk $0xffff, v6  }
0xe3: {  	v6 =	vld.idx.msk [tilespmem:v7+s18+$0x0], $0xffff  }
0xe4: {  	v7 =	vor.u32 $0x4180, v5;
	_ =	sdelay $0x3  }
0xe5: {  	[tilespmem:v20+s19+$0x0] =	vst.idx.msk $0xffff, v6  }
0xe6: {  	v6 =	vld.idx.msk [tilespmem:v7+s18+$0x0], $0xffff  }
0xe7: {  	v7 =	vor.u32 $0x4200, v5;
	_ =	sdelay $0x3  }
0xe8: {  	[tilespmem:v21+s19+$0x0] =	vst.idx.msk $0xffff, v6  }
0xe9: {  	v6 =	vld.idx.msk [tilespmem:v7+s18+$0x0], $0xffff  }
0xea: {  	v7 =	vor.u32 $0x4280, v5;
	_ =	sdelay $0x3  }
0xeb: {  	[tilespmem:v22+s19+$0x0] =	vst.idx.msk $0xffff, v6  }
0xec: {  	v6 =	vld.idx.msk [tilespmem:v7+s18+$0x0], $0xffff  }
0xed: {  	v7 =	vor.u32 $0x4300, v5;
	_ =	sdelay $0x3  }
0xee: {  	[tilespmem:v23+s19+$0x0] =	vst.idx.msk $0xffff, v6  }
0xef: {  	v6 =	vld.idx.msk [tilespmem:v7+s18+$0x0], $0xffff  }
0xf0: {  	v7 =	vor.u32 $0x4380, v5;
	_ =	sdelay $0x3  }
0xf1: {  	[tilespmem:v24+s19+$0x0] =	vst.idx.msk $0xffff, v6  }
0xf2: {  	v6 =	vld.idx.msk [tilespmem:v7+s18+$0x0], $0xffff  }
0xf3: {  	v7 =	vor.u32 $0x6000, v5;
	_ =	sdelay $0x3  }
0xf4: {  	[tilespmem:v25+s19+$0x0] =	vst.idx.msk $0xffff, v6  }
0xf5: {  	v6 =	vld.idx.msk [tilespmem:v7+s18+$0x0], $0xffff  }
0xf6: {  	v7 =	vor.u32 $0x6080, v5;
	_ =	sdelay $0x3  }
0xf7: {  	[tilespmem:v26+s19+$0x0] =	vst.idx.msk $0xffff, v6  }
0xf8: {  	v6 =	vld.idx.msk [tilespmem:v7+s18+$0x0], $0xffff  }
0xf9: {  	v7 =	vor.u32 $0x6100, v5;
	_ =	sdelay $0x3  }
0xfa: {  	[tilespmem:v27+s19+$0x0] =	vst.idx.msk $0xffff, v6  }
0xfb: {  	v6 =	vld.idx.msk [tilespmem:v7+s18+$0x0], $0xffff  }
0xfc: {  	v7 =	vor.u32 $0x6180, v5;
	_ =	sdelay $0x3  }
0xfd: {  	[tilespmem:v28+s19+$0x0] =	vst.idx.msk $0xffff, v6  }
0xfe: {  	v6 =	vld.idx.msk [tilespmem:v7+s18+$0x0], $0xffff  }
0xff: {  	v7 =	vor.u32 $0x6200, v5;
	_ =	sdelay $0x3  }
0x100: {  	[tilespmem:v29+s19+$0x0] =	vst.idx.msk $0xffff, v6  }
0x101: {  	v6 =	vld.idx.msk [tilespmem:v7+s18+$0x0], $0xffff  }
0x102: {  	v7 =	vor.u32 $0x6280, v5;
	_ =	sdelay $0x3  }
0x103: {  	[tilespmem:v30+s19+$0x0] =	vst.idx.msk $0xffff, v6  }
0x104: {  	v6 =	vld.idx.msk [tilespmem:v7+s18+$0x0], $0xffff  }
0x105: {  	v7 =	vor.u32 $0x6300, v5;
	_ =	sdelay $0x3  }
0x106: {  	[tilespmem:v31+s19+$0x0] =	vst.idx.msk $0xffff, v6  }
0x107: {  	v6 =	vld.idx.msk [tilespmem:v7+s18+$0x0], $0xffff  }
0x108: {  	v7 =	vor.u32 $0x6380, v5;
	_ =	sdelay $0x3  }
0x109: {  	[tilespmem:v32+s19+$0x0] =	vst.idx.msk $0xffff, v6  }
0x10a: {  	v6 =	vld.idx.msk [tilespmem:v7+s18+$0x0], $0xffff  }
0x10b: {  	v7 =	vor.u32 $0x8000, v5;
	_ =	sdelay $0x3  }
0x10c: {  	[tilespmem:v33+s19+$0x0] =	vst.idx.msk $0xffff, v6  }
0x10d: {  	v6 =	vld.idx.msk [tilespmem:v7+s18+$0x0], $0xffff  }
0x10e: {  	v7 =	vor.u32 $0x8080, v5;
	_ =	sdelay $0x3  }
0x10f: {  	[tilespmem:v34+s19+$0x0] =	vst.idx.msk $0xffff, v6  }
0x110: {  	v6 =	vld.idx.msk [tilespmem:v7+s18+$0x0], $0xffff  }
0x111: {  	v7 =	vor.u32 $0x8100, v5;
	_ =	sdelay $0x3  }
0x112: {  	[tilespmem:v35+s19+$0x0] =	vst.idx.msk $0xffff, v6  }
0x113: {  	v6 =	vld.idx.msk [tilespmem:v7+s18+$0x0], $0xffff  }
0x114: {  	v7 =	vor.u32 $0x8180, v5;
	_ =	sdelay $0x3  }
0x115: {  	[tilespmem:v36+s19+$0x0] =	vst.idx.msk $0xffff, v6  }
0x116: {  	v6 =	vld.idx.msk [tilespmem:v7+s18+$0x0], $0xffff  }
0x117: {  	v7 =	vor.u32 $0x8200, v5;
	_ =	sdelay $0x3  }
0x118: {  	[tilespmem:v37+s19+$0x0] =	vst.idx.msk $0xffff, v6  }
0x119: {  	v6 =	vld.idx.msk [tilespmem:v7+s18+$0x0], $0xffff  }
0x11a: {  	v7 =	vor.u32 $0x8280, v5;
	_ =	sdelay $0x3  }
0x11b: {  	[tilespmem:v38+s19+$0x0] =	vst.idx.msk $0xffff, v6  }
0x11c: {  	v6 =	vld.idx.msk [tilespmem:v7+s18+$0x0], $0xffff  }
0x11d: {  	v7 =	vor.u32 $0x8300, v5;
	_ =	sdelay $0x3  }
0x11e: {  	[tilespmem:v39+s19+$0x0] =	vst.idx.msk $0xffff, v6  }
0x11f: {  	v6 =	vld.idx.msk [tilespmem:v7+s18+$0x0], $0xffff  }
0x120: {  	v7 =	vor.u32 $0x8380, v5;
	_ =	sdelay $0x3  }
0x121: {  	[tilespmem:v40+s19+$0x0] =	vst.idx.msk $0xffff, v6  }
0x122: {  	v6 =	vld.idx.msk [tilespmem:v7+s18+$0x0], $0xffff  }
0x123: {  	v7 =	vor.u32 $0xA000, v5;
	_ =	sdelay $0x3  }
0x124: {  	[tilespmem:v41+s19+$0x0] =	vst.idx.msk $0xffff, v6  }
0x125: {  	v6 =	vld.idx.msk [tilespmem:v7+s18+$0x0], $0xffff  }
0x126: {  	v7 =	vor.u32 $0xA080, v5;
	_ =	sdelay $0x3  }
0x127: {  	[tilespmem:v42+s19+$0x0] =	vst.idx.msk $0xffff, v6  }
0x128: {  	v6 =	vld.idx.msk [tilespmem:v7+s18+$0x0], $0xffff  }
0x129: {  	v7 =	vor.u32 $0xA100, v5;
	_ =	sdelay $0x3  }
0x12a: {  	[tilespmem:v43+s19+$0x0] =	vst.idx.msk $0xffff, v6  }
0x12b: {  	v6 =	vld.idx.msk [tilespmem:v7+s18+$0x0], $0xffff  }
0x12c: {  	v7 =	vor.u32 $0xA180, v5;
	_ =	sdelay $0x3  }
0x12d: {  	[tilespmem:v44+s19+$0x0] =	vst.idx.msk $0xffff, v6  }
0x12e: {  	v6 =	vld.idx.msk [tilespmem:v7+s18+$0x0], $0xffff  }
0x12f: {  	v7 =	vor.u32 $0xA200, v5;
	_ =	sdelay $0x3  }
0x130: {  	[tilespmem:v45+s19+$0x0] =	vst.idx.msk $0xffff, v6  }
0x131: {  	v6 =	vld.idx.msk [tilespmem:v7+s18+$0x0], $0xffff  }
0x132: {  	v7 =	vor.u32 $0xA280, v5;
	_ =	sdelay $0x3  }
0x133: {  	[tilespmem:v46+s19+$0x0] =	vst.idx.msk $0xffff, v6  }
0x134: {  	v6 =	vld.idx.msk [tilespmem:v7+s18+$0x0], $0xffff  }
0x135: {  	v7 =	vor.u32 $0xA300, v5;
	_ =	sdelay $0x3  }
0x136: {  	[tilespmem:v47+s19+$0x0] =	vst.idx.msk $0xffff, v6  }
0x137: {  	v6 =	vld.idx.msk [tilespmem:v7+s18+$0x0], $0xffff  }
0x138: {  	v7 =	vor.u32 $0xA380, v5;
	_ =	sdelay $0x3  }
0x139: {  	[tilespmem:v48+s19+$0x0] =	vst.idx.msk $0xffff, v6  }
0x13a: {  	v6 =	vld.idx.msk [tilespmem:v7+s18+$0x0], $0xffff  }
0x13b: {  	v7 =	vor.u32 $0xC000, v5;
	_ =	sdelay $0x3  }
0x13c: {  	[tilespmem:v49+s19+$0x0] =	vst.idx.msk $0xffff, v6  }
0x13d: {  	v6 =	vld.idx.msk [tilespmem:v7+s18+$0x0], $0xffff  }
0x13e: {  	v7 =	vor.u32 $0xC080, v5;
	_ =	sdelay $0x3  }
0x13f: {  	[tilespmem:v50+s19+$0x0] =	vst.idx.msk $0xffff, v6  }
0x140: {  	v6 =	vld.idx.msk [tilespmem:v7+s18+$0x0], $0xffff  }
0x141: {  	v7 =	vor.u32 $0xC100, v5;
	_ =	sdelay $0x3  }
0x142: {  	[tilespmem:v51+s19+$0x0] =	vst.idx.msk $0xffff, v6  }
0x143: {  	v6 =	vld.idx.msk [tilespmem:v7+s18+$0x0], $0xffff  }
0x144: {  	v7 =	vor.u32 $0xC180, v5;
	_ =	sdelay $0x3  }
0x145: {  	[tilespmem:v52+s19+$0x0] =	vst.idx.msk $0xffff, v6  }
0x146: {  	v6 =	vld.idx.msk [tilespmem:v7+s18+$0x0], $0xffff  }
0x147: {  	v7 =	vor.u32 $0xC200, v5;
	_ =	sdelay $0x3  }
0x148: {  	[tilespmem:v53+s19+$0x0] =	vst.idx.msk $0xffff, v6  }
0x149: {  	v6 =	vld.idx.msk [tilespmem:v7+s18+$0x0], $0xffff  }
0x14a: {  	v7 =	vor.u32 $0xC280, v5;
	_ =	sdelay $0x3  }
0x14b: {  	[tilespmem:v54+s19+$0x0] =	vst.idx.msk $0xffff, v6  }
0x14c: {  	v6 =	vld.idx.msk [tilespmem:v7+s18+$0x0], $0xffff  }
0x14d: {  	v7 =	vor.u32 $0xC300, v5;
	_ =	sdelay $0x3  }
0x14e: {  	[tilespmem:v55+s19+$0x0] =	vst.idx.msk $0xffff, v6  }
0x14f: {  	v6 =	vld.idx.msk [tilespmem:v7+s18+$0x0], $0xffff  }
0x150: {  	v7 =	vor.u32 $0xC380, v5;
	_ =	sdelay $0x3  }
0x151: {  	[tilespmem:v56+s19+$0x0] =	vst.idx.msk $0xffff, v6  }
0x152: {  	v6 =	vld.idx.msk [tilespmem:v7+s18+$0x0], $0xffff  }
0x153: {  	v7 =	vor.u32 $0xE000, v5;
	_ =	sdelay $0x3  }
0x154: {  	[tilespmem:v57+s19+$0x0] =	vst.idx.msk $0xffff, v6  }
0x155: {  	v6 =	vld.idx.msk [tilespmem:v7+s18+$0x0], $0xffff  }
0x156: {  	v7 =	vor.u32 $0xE080, v5;
	_ =	sdelay $0x3  }
0x157: {  	[tilespmem:v58+s19+$0x0] =	vst.idx.msk $0xffff, v6  }
0x158: {  	v6 =	vld.idx.msk [tilespmem:v7+s18+$0x0], $0xffff  }
0x159: {  	v7 =	vor.u32 $0xE100, v5;
	_ =	sdelay $0x3  }
0x15a: {  	[tilespmem:v59+s19+$0x0] =	vst.idx.msk $0xffff, v6  }
0x15b: {  	v6 =	vld.idx.msk [tilespmem:v7+s18+$0x0], $0xffff  }
0x15c: {  	v7 =	vor.u32 $0xE180, v5;
	_ =	sdelay $0x3  }
0x15d: {  	[tilespmem:v60+s19+$0x0] =	vst.idx.msk $0xffff, v6  }
0x15e: {  	v6 =	vld.idx.msk [tilespmem:v7+s18+$0x0], $0xffff  }
0x15f: {  	v7 =	vor.u32 $0xE200, v5;
	_ =	sdelay $0x3  }
0x160: {  	[tilespmem:v61+s19+$0x0] =	vst.idx.msk $0xffff, v6  }
0x161: {  	v6 =	vld.idx.msk [tilespmem:v7+s18+$0x0], $0xffff  }
0x162: {  	v7 =	vor.u32 $0xE280, v5;
	_ =	sdelay $0x3  }
0x163: {  	[tilespmem:v62+s19+$0x0] =	vst.idx.msk $0xffff, v6  }
0x164: {  	v6 =	vld.idx.msk [tilespmem:v7+s18+$0x0], $0xffff;
	v7 =	vor.u32 $0x3D, v1  }
0x165: {  	v8 =	vor.u32 $0xE300, v5;
	_ =	sdelay $0x3  }
0x166: {  	[tilespmem:v7+s19+$0x0] =	vst.idx.msk $0xffff, v6  }
0x167: {  	v7 =	vor.u32 $0x3E, v1;
	v6 =	vld.idx.msk [tilespmem:v8+s18+$0x0], $0xffff  }
0x168: {  	v5 =	vor.u32 $0xE380, v5;
	_ =	sdelay $0x3  }
0x169: {  	s30 =	ssub.s32 s25, s30;
	[tilespmem:v7+s19+$0x0] =	vst.idx.msk $0xffff, v6  }
0x16a: {  	p1 =	slt.s32 s30, $0x1;
	v6 =	vor.u32 $0x3F, v1;
	v5 =	vld.idx.msk [tilespmem:v5+s18+$0x0], $0xffff  }
.Ltmp12:
0x16b: {  	_ = 	snop;
	(pc) =	sbr.rel @p1 .LBB2_19-.Ltmp12, $2  }
0x16c: {  	_ =	sdelay $0x2  }
0x16d: {  	[tilespmem:v6+s19+$0x0] =	vst.idx.msk $0xffff, v5  }
0x16e: {  	(v2sf) =	vpush v4, $0x0;
	_ =	sdelay $0x3  }
0x16f: {  	p3 =	seq.s32 s30, $0x1  }
0x170: {  	(v2sf) =	vpush @!p3 v4, $0x1;
	_ =	sdelay $0x2  }
0x171: {  	p1 =	slt.u32 @!p3 s30, $0x3  }
0x172: {  	p1 =	por p3, p1  }
0x173: {  	(v2sf) =	vpush @!p1 v4, $0x2;
	_ =	sdelay $0x4  }
0x174: {  	p2 =	seq.s32 @!p1 s30, $0x3;
	s0 =	spop (v2sf)  }
0x175: {  	p4 =	por p1, p2;
	s0 =	sshll.u32 s0, $0x3  }
0x176: {  	(v2sf) =	vpush @!p4 v4, $0x3;
	s0 =	sand.u32 $0x1FFFFFF8, s0  }
0x177: {  	s0 =	sadd.s32 s7, s0  }
0x178: {  	[hbm4b:s0+s5] =	stream.linear.scatter [tilespmem:s19], [sflag:$0x2], $0x40, $0x38;
	[tilespmem:$0x15100] =	vst v63  }
0x179: {  	p2 =	slt.u32 @!p4 s30, $0x5;
	s0 =	spop @!p3 (v2sf)  }
0x17a: {  	p2 =	por p4, p2;
	s0 =	sshll.u32 @!p3 s0, $0x3  }
0x17b: {  	(v2sf) =	vpush @!p2 v4, $0x4;
	s0 =	sand.u32 @!p3 $0x1FFFFFF8, s0  }
0x17c: {  	s3 =	simm.s32 @!p3 $0x0;
	s4 =	simm.s32 @!p3 $0x14980;
	s0 =	sadd.s32 @!p3 s7, s0  }
0x17d: {  	[hbm4b:s0+s3] =	stream.linear.scatter @!p3 [tilespmem:s4], [sflag:$0x2], $0x40, $0x38;
	[tilespmem:$0x15100] =	vst v63  }
0x17e: {  	s0 =	spop @!p1 (v2sf);
	p3 =	seq.s32 @!p2 s30, $0x5  }
0x17f: {  	s0 =	sshll.u32 @!p1 s0, $0x3;
	p3 =	por p2, p3  }
0x180: {  	s0 =	sand.u32 @!p1 $0x1FFFFFF8, s0;
	(v2sf) =	vpush @!p3 v4, $0x5  }
0x181: {  	s3 =	simm.s32 @!p1 $0x0;
	s4 =	simm.s32 @!p1 $0x14A00;
	s0 =	sadd.s32 @!p1 s7, s0  }
0x182: {  	[hbm4b:s0+s3] =	stream.linear.scatter @!p1 [tilespmem:s4], [sflag:$0x2], $0x40, $0x38;
	[tilespmem:$0x15100] =	vst v63  }
0x183: {  	p1 =	slt.u32 @!p3 s30, $0x7  }
0x184: {  	p1 =	por p3, p1  }
0x185: {  	s0 =	spop @!p4 (v2sf);
	(v2sf) =	vpush @!p1 v4, $0x6  }
0x186: {  	s0 =	sshll.u32 @!p4 s0, $0x3  }
0x187: {  	s0 =	sand.u32 @!p4 $0x1FFFFFF8, s0  }
0x188: {  	s3 =	simm.s32 @!p4 $0x0;
	s4 =	simm.s32 @!p4 $0x14A80;
	s0 =	sadd.s32 @!p4 s7, s0  }
0x189: {  	[hbm4b:s0+s3] =	stream.linear.scatter @!p4 [tilespmem:s4], [sflag:$0x2], $0x40, $0x38;
	[tilespmem:$0x15100] =	vst v63  }
0x18a: {  	s0 =	spop @!p2 (v2sf);
	p4 =	seq.s32 @!p1 s30, $0x7  }
0x18b: {  	s0 =	sshll.u32 @!p2 s0, $0x3;
	p4 =	por p1, p4  }
0x18c: {  	s0 =	sand.u32 @!p2 $0x1FFFFFF8, s0;
	(v2sf) =	vpush @!p4 v4, $0x7  }
0x18d: {  	s3 =	simm.s32 @!p2 $0x0;
	s4 =	simm.s32 @!p2 $0x14B00;
	s0 =	sadd.s32 @!p2 s7, s0  }
0x18e: {  	[hbm4b:s0+s3] =	stream.linear.scatter @!p2 [tilespmem:s4], [sflag:$0x2], $0x40, $0x38;
	[tilespmem:$0x15100] =	vst v63  }
0x18f: {  	p2 =	slt.u32 @!p4 s30, $0x9;
	s0 =	spop @!p3 (v2sf)  }
0x190: {  	p2 =	por p4, p2;
	s0 =	sshll.u32 @!p3 s0, $0x3  }
0x191: {  	(v2sf) =	vpush @!p2 v4, $0x8;
	s0 =	sand.u32 @!p3 $0x1FFFFFF8, s0  }
0x192: {  	s3 =	simm.s32 @!p3 $0x0;
	s4 =	simm.s32 @!p3 $0x14B80;
	s0 =	sadd.s32 @!p3 s7, s0  }
0x193: {  	[hbm4b:s0+s3] =	stream.linear.scatter @!p3 [tilespmem:s4], [sflag:$0x2], $0x40, $0x38;
	[tilespmem:$0x15100] =	vst v63  }
0x194: {  	p3 =	seq.s32 @!p2 s30, $0x9;
	s0 =	spop @!p1 (v2sf)  }
0x195: {  	p3 =	por p2, p3;
	s0 =	sshll.u32 @!p1 s0, $0x3  }
0x196: {  	(v2sf) =	vpush @!p3 v4, $0x9;
	s0 =	sand.u32 @!p1 $0x1FFFFFF8, s0  }
0x197: {  	s3 =	simm.s32 @!p1 $0x0;
	s4 =	simm.s32 @!p1 $0x14C00;
	s0 =	sadd.s32 @!p1 s7, s0  }
0x198: {  	[hbm4b:s0+s3] =	stream.linear.scatter @!p1 [tilespmem:s4], [sflag:$0x2], $0x40, $0x38;
	[tilespmem:$0x15100] =	vst v63  }
0x199: {  	p1 =	slt.u32 @!p3 s30, $0xB  }
0x19a: {  	p1 =	por p3, p1  }
0x19b: {  	s0 =	spop @!p4 (v2sf);
	(v2sf) =	vpush @!p1 v4, $0xA  }
0x19c: {  	s0 =	sshll.u32 @!p4 s0, $0x3  }
0x19d: {  	s0 =	sand.u32 @!p4 $0x1FFFFFF8, s0  }
0x19e: {  	s3 =	simm.s32 @!p4 $0x0;
	s4 =	simm.s32 @!p4 $0x14C80;
	s0 =	sadd.s32 @!p4 s7, s0  }
0x19f: {  	[hbm4b:s0+s3] =	stream.linear.scatter @!p4 [tilespmem:s4], [sflag:$0x2], $0x40, $0x38;
	[tilespmem:$0x15100] =	vst v63  }
0x1a0: {  	s0 =	spop @!p2 (v2sf)  }
0x1a1: {  	s0 =	sshll.u32 @!p2 s0, $0x3  }
0x1a2: {  	s0 =	sand.u32 @!p2 $0x1FFFFFF8, s0  }
0x1a3: {  	s3 =	simm.s32 @!p2 $0x0;
	s4 =	simm.s32 @!p2 $0x14D00;
	s0 =	sadd.s32 @!p2 s7, s0  }
0x1a4: {  	[hbm4b:s0+s3] =	stream.linear.scatter @!p2 [tilespmem:s4], [sflag:$0x2], $0x40, $0x38;
	[tilespmem:$0x15100] =	vst v63  }
0x1a5: {  	s0 =	spop @!p3 (v2sf)  }
0x1a6: {  	s0 =	sshll.u32 @!p3 s0, $0x3  }
0x1a7: {  	s0 =	sand.u32 @!p3 $0x1FFFFFF8, s0  }
0x1a8: {  	s3 =	simm.s32 @!p3 $0x0;
	s4 =	simm.s32 @!p3 $0x14D80;
	s0 =	sadd.s32 @!p3 s7, s0  }
0x1a9: {  	[hbm4b:s0+s3] =	stream.linear.scatter @!p3 [tilespmem:s4], [sflag:$0x2], $0x40, $0x38;
	[tilespmem:$0x15100] =	vst v63  }
0x1aa: {  	s0 =	spop @!p1 (v2sf)  }
0x1ab: {  	s0 =	sshll.u32 @!p1 s0, $0x3  }
0x1ac: {  	p2 =	seq.s32 @!p1 s30, $0xB;
	s0 =	sand.u32 @!p1 $0x1FFFFFF8, s0  }
0x1ad: {  	s3 =	simm.s32 @!p1 $0x0;
	s4 =	simm.s32 @!p1 $0x14E00;
	s0 =	sadd.s32 @!p1 s7, s0  }
0x1ae: {  	[hbm4b:s0+s3] =	stream.linear.scatter @!p1 [tilespmem:s4], [sflag:$0x2], $0x40, $0x38;
	[tilespmem:$0x15100] =	vst v63  }
0x1af: {  	p1 =	por p1, p2  }
.Ltmp13:
0x1b0: {  	_ = 	snop;
	(pc) =	sbr.rel @p1 .LBB2_16-.Ltmp13, $1  }
0x1b1: {  	_ =	sdelay $0x3  }
0x1b2: {  	(v2sf) =	vpush v4, $0xB;
	_ =	sdelay $0x1  }
0x1b3: {  	p4 =	slt.u32 s30, $0xD  }
0x1b4: {  	(v2sf) =	vpush @!p4 v4, $0xC;
	_ =	sdelay $0x1  }
0x1b5: {  	p2 =	seq.s32 @!p4 s30, $0xD  }
0x1b6: {  	p3 =	por p2, p4  }
0x1b7: {  	(v2sf) =	vpush @!p3 v4, $0xD;
	p5 =	slt.u32 @!p3 s30, $0xF  }
0x1b8: {  	p1 =	por @!p4 p5, p2  }
0x1b9: {  	p1 =	por p1, p4  }
0x1ba: {  	(v2sf) =	vpush @!p1 v4, $0xE;
	_ =	sdelay $0x2  }
0x1bb: {  	p6 =	seq.s32 @!p1 s30, $0xF  }
0x1bc: {  	p5 =	por @!p3 p6, p5  }
0x1bd: {  	p2 =	por @!p4 p5, p2;
	s0 =	spop (v2sf)  }
0x1be: {  	p2 =	por p2, p4;
	s0 =	sshll.u32 s0, $0x3  }
0x1bf: {  	(v2sf) =	vpush @!p2 v4, $0xF;
	s0 =	sand.u32 $0x1FFFFFF8, s0  }
0x1c0: {  	s3 =	spop @!p4 (v2sf);
	s0 =	sadd.s32 s7, s0  }
0x1c1: {  	[hbm4b:s0+s5] =	stream.linear.scatter [tilespmem:s21], [sflag:$0x2], $0x40, $0x38;
	[tilespmem:$0x15100] =	vst v63  }
0x1c2: {  	s0 =	sshll.u32 @!p4 s3, $0x3  }
0x1c3: {  	s4 =	simm.s32 @!p4 $0x0;
	s0 =	sand.u32 @!p4 $0x1FFFFFF8, s0  }
0x1c4: {  	s9 =	simm.s32 @!p4 $0x14F00;
	s3 =	spop @!p3 (v2sf);
	s0 =	sadd.s32 @!p4 s7, s0  }
0x1c5: {  	[hbm4b:s0+s4] =	stream.linear.scatter @!p4 [tilespmem:s9], [sflag:$0x2], $0x40, $0x38;
	[tilespmem:$0x15100] =	vst v63  }
0x1c6: {  	s0 =	sshll.u32 @!p3 s3, $0x3  }
0x1c7: {  	s3 =	spop @!p1 (v2sf);
	s0 =	sand.u32 @!p3 $0x1FFFFFF8, s0  }
0x1c8: {  	s4 =	simm.s32 @!p3 $0x0;
	s9 =	simm.s32 @!p3 $0x14F80;
	s0 =	sadd.s32 @!p3 s7, s0  }
0x1c9: {  	[hbm4b:s0+s4] =	stream.linear.scatter @!p3 [tilespmem:s9], [sflag:$0x2], $0x40, $0x38;
	[tilespmem:$0x15100] =	vst v63  }
0x1ca: {  	s0 =	sshll.u32 @!p1 s3, $0x3  }
0x1cb: {  	s0 =	sand.u32 @!p1 $0x1FFFFFF8, s0  }
0x1cc: {  	s3 =	simm.s32 @!p1 $0x0;
	s4 =	simm.s32 @!p1 $0x15000;
	s0 =	sadd.s32 @!p1 s7, s0  }
0x1cd: {  	[hbm4b:s0+s3] =	stream.linear.scatter @!p1 [tilespmem:s4], [sflag:$0x2], $0x40, $0x38;
	[tilespmem:$0x15100] =	vst v63  }
0x1ce: {  	s0 =	spop @!p2 (v2sf)  }
0x1cf: {  	s0 =	sshll.u32 @!p2 s0, $0x3  }
0x1d0: {  	s0 =	sand.u32 @!p2 $0x1FFFFFF8, s0  }
0x1d1: {  	s3 =	simm.s32 @!p2 $0x0;
	s4 =	simm.s32 @!p2 $0x15080;
	s0 =	sadd.s32 @!p2 s7, s0  }
0x1d2: {  	[hbm4b:s0+s3] =	stream.linear.scatter @!p2 [tilespmem:s4], [sflag:$0x2], $0x40, $0x38;
	[tilespmem:$0x15100] =	vst v63  }
.LBB2_16:
0x1d3: {  	p1 =	sgt.s32 s29, $0x1;
	s0 =	smov.u32 s29  }
0x1d4: {  	s0 =	simm.s32 @!p1 $0x1  }
0x1d5: {  	s0 =	smin.u32 s0, $0x10  }
0x1d6: {  	p1 =	sne.s32 s0, $0x1  }
.Ltmp14:
0x1d7: {  	_ = 	snop;
	(pc) =	sbr.rel @!p1 .LBB2_18-.Ltmp14, $3  }
0x1d8: {  	_ =	sdelay $0x1  }
0x1d9: {  	_ =	swait.ge [sflag:s20], $0x40  }
0x1da: {  	[sflag:s20] =	ssyncset.done $0x0;
	s0 =	sadd.s32 $0xFFFFFFFF, s0  }
.LBB2_17:
0x1db: {  	p1 =	sne.s32 s0, $0x1;
	s0 =	sadd.s32 $0xFFFFFFFF, s0;
	[sflag:s20] =	ssyncadd.s32 $0xFFFFFFC0  }
.Ltmp15:
0x1dc: {  	(pc) =	sbr.rel @p1 .LBB2_17-.Ltmp15, $3  }
0x1dd: {  	_ =	sdelay $0x1  }
0x1de: {  	_ =	swait.ge [sflag:s20], $0x40  }
0x1df: {  	[sflag:s20] =	ssyncset.done $0x0  }
.Ltmp16:
0x1e0: {  	_ = 	snop;
	(pc) =	sbr.rel .LBB2_18-.Ltmp16, $1  }
0x1e1: {  	_ =	sdelay $0x3  }
.LBB2_6:
.Ltmp17:
0x1e2: {  	(pc) =	sbr.rel .LBB2_10-.Ltmp17, $2  }
0x1e3: {  	_ =	sdelay $0x2  }
0x1e4: {  	s3 =	simm.s32 $0x0;
	s30 =	simm.s32 $0x4400;
	s31 =	simm.s32 $0x0  }
.LBB2_8:
.Ltmp18:
0x1e5: {  	(pc) =	sbr.rel .LBB2_10-.Ltmp18, $2  }
0x1e6: {  	_ =	sdelay $0x2  }
0x1e7: {  	s3 =	simm.s32 $0x0;
	s30 =	simm.s32 $0x4400;
	s31 =	simm.s32 $0x0  }
.LBB2_22:
0x1e8: {  	_ =	sfence.sel $0x180000  }
0x1e9: {  	[bflag:$0x0] =	sbarrier.arrive $0xFFFF  }
0x1ea: {  	_ =	strace $0x90000047  }
0x1eb: {  	s0 =	stileid.u32;
	[bflag:$0x2] =	sbarrier.arrive $0xFFFF  }
0x1ec: {  	p0 =	sne.s32 s0, $0x0;
	s0 =	rddreg [dreg:$0x3]  }
0x1ed: {  	s0 =	sadd.s32 @!p0 $0x100000, s0  }
0x1ee: {  	[sflag:s0] =	ssyncadd.tile.s32 @!p0 $0x1;
	_ =	shalt  }
.Lfunc_end2:
_tile_overlayer_lowered:
.L_overlay_start_2:
0x1ef: {  	(tag) =	ssettag $0x2  }
0x1f0: {  	s0 =	rddreg [dreg:$0x0];
	s2 =	stileid.u32  }
0x1f1: {  	s1 =	rddreg [dreg:$0x1];
	p0 =	sne.s32 s2, $0x0  }
0x1f2: {  	s3 =	rddreg [dreg:$0x2];
	[bflag:$0x3] =	sbarrier.arrive $0xFFFF;
	s2 =	simm.s32 @!p0 $0x1C03  }
0x1f3: {  	[timem:s3], [sflag:s2] =	dma.local @!p0 [hbm:s0], s1  }
0x1f4: {  	s0 =	simm.s32 @!p0 $0x3  }
0x1f5: {  	_ =	swait.ge @!p0 [sflag:s0], s1  }
0x1f6: {  	s1 =	ssub.s32 @!p0 $0x0, s1;
	[sflag:s0] =	ssyncset.done @!p0 $0x0  }
0x1f7: {  	[sflag:s0] =	ssyncadd.s32 @!p0 s1  }
0x1f8: {  	[bflag:$0x3] =	sbarrier.arrive $0xFFFF  }
0x1f9: {  	_ =	shalt  }

</sc_bundles>
